<compile_context>
chip_gen: v7x
topology: tpu7x:2x2x1
jax: 0.10.2.dev20260603
libtpu: 0.0.44.dev20260713+nightly
codegen_flags: <defaults>
</compile_context>

<pallas_src>
import functools

import jax
import jax.numpy as jnp
from jax import lax
from jax.experimental import pallas as pl
from jax.experimental.pallas import tpu as pltpu
from jax.experimental.pallas import tpu_sc as plsc

B = 16384
HIST = 200
D = 64
OUT = 50
VOCAB = 100000

NC = 2
NS = 16
NW = NC * NS
LANES = 16

S_BLK = 8
ROWS = S_BLK * HIST
PER_W = B // NW
NBLK = PER_W // S_BLK
C16 = D // LANES


def _sc_body(sent_hbm, table_hbm, out_hbm,
             idx0, idx1, rows0, rows1, outv0, outv1,
             gsem0, gsem1, isem0, isem1, osem0, osem1):
    cid = lax.axis_index("c")
    sid = lax.axis_index("s")
    wid = sid * NC + cid
    out_base = wid * PER_W

    idx_bufs = (idx0, idx1)
    rows_bufs = (rows0, rows1)
    out_bufs = (outv0, outv1)
    gsems = (gsem0, gsem1)
    isems = (isem0, isem1)
    osems = (osem0, osem1)

    def idx_copy(blk, b):
        pltpu.async_copy(
            sent_hbm.at[pl.ds(out_base + blk * S_BLK, S_BLK), :],
            idx_bufs[b], isems[b])

    def idx_wait(b):
        pltpu.make_async_copy(sent_hbm.at[pl.ds(out_base, S_BLK), :],
                              idx_bufs[b], isems[b]).wait()

    def gather(b):
        for s in range(S_BLK):
            pltpu.async_copy(table_hbm.at[idx_bufs[b].at[s]],
                             rows_bufs[b].at[s], gsems[b])

    def gather_wait(b, s):
        pltpu.make_async_copy(table_hbm.at[idx_bufs[b].at[s]],
                              rows_bufs[b].at[s], gsems[b]).wait()

    idx_copy(0, 0)
    idx_wait(0)
    gather(0)
    idx_copy(1, 1)

    def outer(g, carry):
        for b in range(2):
            blk = g * 2 + b

            @pl.when(blk + 1 < NBLK)
            def _():
                idx_wait(1 - b)
                gather(1 - b)

            @pl.when(blk >= 2)
            def _():
                pltpu.make_async_copy(
                    out_bufs[b],
                    out_hbm.at[pl.ds(out_base, S_BLK)], osems[b]).wait()

            rows = rows_bufs[b]
            outv = out_bufs[b]
            for s in range(S_BLK):
                gather_wait(b, s)

                def racc(p, accs, s=s, rows=rows):
                    row = 2 * p
                    new = list(accs)
                    for h in range(D // 32):
                        x0 = rows[s, row, pl.ds(h * 32, 32)]
                        x1 = rows[s, row + 1, pl.ds(h * 32, 32)]
                        lo, hi = plsc.unpack(
                            x0 + x1, format=plsc.PackFormat.INTERLEAVED)
                        new[2 * h] = new[2 * h] + lo
                        new[2 * h + 1] = new[2 * h + 1] + hi
                    return tuple(new)

                accs = lax.fori_loop(
                    0, HIST // 2, racc,
                    tuple(jnp.zeros((LANES,), jnp.float32) for _ in range(C16)),
                    unroll=4)
                for c in range(C16):
                    outv[s, pl.ds(c * LANES, LANES)] = accs[c]

                if s == S_BLK - 1:
                    @pl.when(blk + 2 < NBLK)
                    def _():
                        idx_copy(blk + 2, b)

            pltpu.async_copy(outv,
                             out_hbm.at[pl.ds(out_base + blk * S_BLK, S_BLK)],
                             osems[b])
        return carry

    lax.fori_loop(0, NBLK // 2, outer, 0)

    for b in range(2):
        pltpu.make_async_copy(out_bufs[b],
                              out_hbm.at[pl.ds(out_base, S_BLK)],
                              osems[b]).wait()


_sc_gather_sum = functools.partial(
    pl.kernel,
    out_type=jax.ShapeDtypeStruct((B, D), jnp.float32),
    mesh=plsc.VectorSubcoreMesh(core_axis_name="c", subcore_axis_name="s"),
    compiler_params=pltpu.CompilerParams(use_tc_tiling_on_sc=False,
                                         needs_layout_passes=False),
    scratch_types=[
        pltpu.VMEM((S_BLK, HIST), jnp.int32),
        pltpu.VMEM((S_BLK, HIST), jnp.int32),
        pltpu.VMEM((S_BLK, HIST, D), jnp.bfloat16),
        pltpu.VMEM((S_BLK, HIST, D), jnp.bfloat16),
        pltpu.VMEM((S_BLK, D), jnp.float32),
        pltpu.VMEM((S_BLK, D), jnp.float32),
        pltpu.SemaphoreType.DMA,
        pltpu.SemaphoreType.DMA,
        pltpu.SemaphoreType.DMA,
        pltpu.SemaphoreType.DMA,
        pltpu.SemaphoreType.DMA,
        pltpu.SemaphoreType.DMA,
    ],
)(_sc_body)


def _mm_body(x_ref, w_ref, b_ref, o_ref):
    o_ref[...] = (jnp.dot(x_ref[...], w_ref[...],
                          preferred_element_type=jnp.float32)
                  * (1.0 / HIST) + b_ref[...])


MM_BLK = 4096


def _mean_matmul(sums, W, b2):
    return pl.pallas_call(
        _mm_body,
        grid=(B // MM_BLK,),
        in_specs=[
            pl.BlockSpec((MM_BLK, D), lambda i: (i, 0)),
            pl.BlockSpec((D, OUT), lambda i: (0, 0)),
            pl.BlockSpec((1, OUT), lambda i: (0, 0)),
        ],
        out_specs=pl.BlockSpec((MM_BLK, OUT), lambda i: (i, 0)),
        out_shape=jax.ShapeDtypeStruct((B, OUT), jnp.float32),
    )(sums, W, b2)


_PERM = [32 * (k // 2) + 2 * l + (k % 2) for k in range(4) for l in range(16)]


def kernel(sentence, table, W, b):
    sums = _sc_gather_sum(sentence.astype(jnp.int32),
                          table.astype(jnp.bfloat16))
    W2 = W[jnp.array(_PERM, dtype=jnp.int32), :]
    return _mean_matmul(sums, W2, b.reshape(1, OUT))

# --- scband reference (transcript-rebuilt; emitter-appended) ---
"""Pipeline reference for scband-bow-classifier-51290499449309 (READ-ONLY COPY).

The authoritative reference and input builder live on the scoring server;
editing this copy changes nothing except your own understanding.
"""

import jax, jax.numpy as jnp
import numpy as np

VOCAB = 100000
EMBED_DIM = 64
BATCH = 16384
HIST = 200
OUT = 50

def setup_inputs(seed: int = 0) -> dict:
    key = jax.random.key(seed)
    k1, k2, k3, k4 = jax.random.split(key, 4)
    sentence = jax.random.randint(k1, (BATCH, HIST), 0, VOCAB, dtype=jnp.int64 if jax.config.jax_enable_x64 else jnp.int32)
    table = jax.random.normal(k2, (VOCAB, EMBED_DIM), dtype=jnp.float32)
    W = jax.random.normal(k3, (EMBED_DIM, OUT), dtype=jnp.float32) * (1.0 / np.sqrt(EMBED_DIM))
    b = jax.random.normal(k4, (OUT,), dtype=jnp.float32) * 0.01
    return {"sentence": sentence, "table": table, "W": W, "b": b}

def reference(sentence, table, W, b):
    # embedding lookup: gather rows from table
    x = jnp.take(table, sentence, axis=0)          # [B, L, D]
    x = jnp.mean(x, axis=1)                        # [B, D]
    x = x @ W + b                                  # [B, 50]
    return x

if __name__ == "__main__":
    import jax
    _d = setup_inputs()
    print(jax.jit(kernel)(*tuple(_d.values())))

</pallas_src>

<mosaic_0001>
#map = affine_map<(d0, d1) -> (0, 0)>
module attributes {stable_mosaic.version = 14 : i64} {
  func.func @_sc_body(%arg0: i32, %arg1: i32, %arg2: memref<16384x200xi32, #tpu.memory_space<hbm>>, %arg3: memref<100000x64xbf16, #tpu.memory_space<hbm>>, %arg4: memref<16384x64xf32, #tpu.memory_space<hbm>>, %arg5: memref<8x200xi32, #tpu.memory_space<vmem>>, %arg6: memref<8x200xi32, #tpu.memory_space<vmem>>, %arg7: memref<8x200x64xbf16, #tpu.memory_space<vmem>>, %arg8: memref<8x200x64xbf16, #tpu.memory_space<vmem>>, %arg9: memref<8x64xf32, #tpu.memory_space<vmem>>, %arg10: memref<8x64xf32, #tpu.memory_space<vmem>>, %arg11: memref<!tpu.dma_semaphore, #tpu.memory_space<semaphore_mem>>, %arg12: memref<!tpu.dma_semaphore, #tpu.memory_space<semaphore_mem>>, %arg13: memref<!tpu.dma_semaphore, #tpu.memory_space<semaphore_mem>>, %arg14: memref<!tpu.dma_semaphore, #tpu.memory_space<semaphore_mem>>, %arg15: memref<!tpu.dma_semaphore, #tpu.memory_space<semaphore_mem>>, %arg16: memref<!tpu.dma_semaphore, #tpu.memory_space<semaphore_mem>>) attributes {dimension_semantics = [#tpu.dimension_semantics<core_parallel>, #tpu.dimension_semantics<subcore_parallel>], iteration_bounds = array<i64: 2, 16>, scalar_prefetch = 0 : i64, scratch_operands = 12 : i64, tpu.core_type = #tpu.core_type<sc_vector_subcore>, window_params = [{transform_indices = #map}, {transform_indices = #map}, {transform_indices = #map}]} {
    %mul3A = arith.constant 2 : i32
    %mul3A_0 = arith.muli %arg1, %mul3A : i32
    %add3A = arith.addi %mul3A_0, %arg0 : i32
    %mul3A_1 = arith.constant 512 : i32
    %mul3A_2 = arith.muli %add3A, %mul3A_1 : i32
    %add3A_3 = arith.constant 0 : i32
    %add3A_4 = arith.addi %mul3A_2, %add3A_3 : i32
    %dma_start3A = arith.constant 0 : i32
    %dma_start3A_5 = tpu.memref_slice %arg2[%add3A_4, %dma_start3A] : memref<16384x200xi32, #tpu.memory_space<hbm>> -> memref<8x200xi32, #tpu.memory_space<hbm>>
    %dma_start3A_6 = arith.constant 0 : i32
    %dma_start3A_7 = tpu.memref_slice %arg2[%add3A_4, %dma_start3A_6] : memref<16384x200xi32, #tpu.memory_space<hbm>> -> memref<8x200xi32, #tpu.memory_space<hbm>>
    tpu.enqueue_dma source(%dma_start3A_7 : memref<8x200xi32, #tpu.memory_space<hbm>>) target(%arg5 : memref<8x200xi32, #tpu.memory_space<vmem>>) target_semaphore(%arg13 : memref<!tpu.dma_semaphore, #tpu.memory_space<semaphore_mem>>)
    %dma_wait3A = arith.constant 0 : i32
    %dma_wait3A_8 = tpu.memref_slice %arg2[%mul3A_2, %dma_wait3A] : memref<16384x200xi32, #tpu.memory_space<hbm>> -> memref<8x200xi32, #tpu.memory_space<hbm>>
    %dma_wait3A_9 = arith.constant 0 : i32
    %dma_wait3A_10 = tpu.memref_slice %arg2[%mul3A_2, %dma_wait3A_9] : memref<16384x200xi32, #tpu.memory_space<hbm>> -> memref<8x200xi32, #tpu.memory_space<hbm>>
    tpu.wait_dma2 semaphore(%arg13 : memref<!tpu.dma_semaphore, #tpu.memory_space<semaphore_mem>>) src(%dma_wait3A_10 : memref<8x200xi32, #tpu.memory_space<hbm>>) dst(%arg5 : memref<8x200xi32, #tpu.memory_space<vmem>>)
    %dma_start3A_11 = arith.constant 0 : i32
    %dma_start3A_12 = arith.constant 0 : i32
    %dma_start3A_13 = arith.constant 0 : i32
    %dma_start3A_14 = arith.constant 0 : i32
    %dma_start3A_15 = tpu.memref_slice %arg7[%dma_start3A_12, %dma_start3A_13, %dma_start3A_14] : memref<8x200x64xbf16, #tpu.memory_space<vmem>> -> memref<1x200x64xbf16, #tpu.memory_space<vmem>>
    %dma_start3A_16 = tpu.memref_squeeze %dma_start3A_15 : memref<1x200x64xbf16, #tpu.memory_space<vmem>> -> memref<200x64xbf16, #tpu.memory_space<vmem>>
    %dma_start3A_17 = arith.constant 0 : i32
    %dma_start3A_18 = tpu.memref_slice %arg5[%dma_start3A_11, %dma_start3A_17] : memref<8x200xi32, #tpu.memory_space<vmem>> -> memref<1x200xi32, #tpu.memory_space<vmem>>
    %dma_start3A_19 = tpu.memref_squeeze %dma_start3A_18 : memref<1x200xi32, #tpu.memory_space<vmem>> -> memref<200xi32, #tpu.memory_space<vmem>>
    %dma_start3A_20 = arith.constant 0 : i32
    %dma_start3A_21 = arith.constant 0 : i32
    %dma_start3A_22 = tpu.memref_slice %arg3[%dma_start3A_20, %dma_start3A_21] : memref<100000x64xbf16, #tpu.memory_space<hbm>> -> memref<100000x64xbf16, #tpu.memory_space<hbm>>
    tpu.enqueue_indirect_dma source(%dma_start3A_22 : memref<100000x64xbf16, #tpu.memory_space<hbm>>) target(%dma_start3A_16 : memref<200x64xbf16, #tpu.memory_space<vmem>>) offsets(%dma_start3A_19 : memref<200xi32, #tpu.memory_space<vmem>>) semaphore(%arg11 : memref<!tpu.dma_semaphore, #tpu.memory_space<semaphore_mem>>)
    %dma_start3A_23 = arith.constant 1 : i32
    %dma_start3A_24 = arith.constant 1 : i32
    %dma_start3A_25 = arith.constant 0 : i32
    %dma_start3A_26 = arith.constant 0 : i32
    %dma_start3A_27 = tpu.memref_slice %arg7[%dma_start3A_24, %dma_start3A_25, %dma_start3A_26] : memref<8x200x64xbf16, #tpu.memory_space<vmem>> -> memref<1x200x64xbf16, #tpu.memory_space<vmem>>
    %dma_start3A_28 = tpu.memref_squeeze %dma_start3A_27 : memref<1x200x64xbf16, #tpu.memory_space<vmem>> -> memref<200x64xbf16, #tpu.memory_space<vmem>>
    %dma_start3A_29 = arith.constant 0 : i32
    %dma_start3A_30 = tpu.memref_slice %arg5[%dma_start3A_23, %dma_start3A_29] : memref<8x200xi32, #tpu.memory_space<vmem>> -> memref<1x200xi32, #tpu.memory_space<vmem>>
    %dma_start3A_31 = tpu.memref_squeeze %dma_start3A_30 : memref<1x200xi32, #tpu.memory_space<vmem>> -> memref<200xi32, #tpu.memory_space<vmem>>
    %dma_start3A_32 = arith.constant 0 : i32
    %dma_start3A_33 = arith.constant 0 : i32
    %dma_start3A_34 = tpu.memref_slice %arg3[%dma_start3A_32, %dma_start3A_33] : memref<100000x64xbf16, #tpu.memory_space<hbm>> -> memref<100000x64xbf16, #tpu.memory_space<hbm>>
    tpu.enqueue_indirect_dma source(%dma_start3A_34 : memref<100000x64xbf16, #tpu.memory_space<hbm>>) target(%dma_start3A_28 : memref<200x64xbf16, #tpu.memory_space<vmem>>) offsets(%dma_start3A_31 : memref<200xi32, #tpu.memory_space<vmem>>) semaphore(%arg11 : memref<!tpu.dma_semaphore, #tpu.memory_space<semaphore_mem>>)
    %dma_start3A_35 = arith.constant 2 : i32
    %dma_start3A_36 = arith.constant 2 : i32
    %dma_start3A_37 = arith.constant 0 : i32
    %dma_start3A_38 = arith.constant 0 : i32
    %dma_start3A_39 = tpu.memref_slice %arg7[%dma_start3A_36, %dma_start3A_37, %dma_start3A_38] : memref<8x200x64xbf16, #tpu.memory_space<vmem>> -> memref<1x200x64xbf16, #tpu.memory_space<vmem>>
    %dma_start3A_40 = tpu.memref_squeeze %dma_start3A_39 : memref<1x200x64xbf16, #tpu.memory_space<vmem>> -> memref<200x64xbf16, #tpu.memory_space<vmem>>
    %dma_start3A_41 = arith.constant 0 : i32
    %dma_start3A_42 = tpu.memref_slice %arg5[%dma_start3A_35, %dma_start3A_41] : memref<8x200xi32, #tpu.memory_space<vmem>> -> memref<1x200xi32, #tpu.memory_space<vmem>>
    %dma_start3A_43 = tpu.memref_squeeze %dma_start3A_42 : memref<1x200xi32, #tpu.memory_space<vmem>> -> memref<200xi32, #tpu.memory_space<vmem>>
    %dma_start3A_44 = arith.constant 0 : i32
    %dma_start3A_45 = arith.constant 0 : i32
    %dma_start3A_46 = tpu.memref_slice %arg3[%dma_start3A_44, %dma_start3A_45] : memref<100000x64xbf16, #tpu.memory_space<hbm>> -> memref<100000x64xbf16, #tpu.memory_space<hbm>>
    tpu.enqueue_indirect_dma source(%dma_start3A_46 : memref<100000x64xbf16, #tpu.memory_space<hbm>>) target(%dma_start3A_40 : memref<200x64xbf16, #tpu.memory_space<vmem>>) offsets(%dma_start3A_43 : memref<200xi32, #tpu.memory_space<vmem>>) semaphore(%arg11 : memref<!tpu.dma_semaphore, #tpu.memory_space<semaphore_mem>>)
    %dma_start3A_47 = arith.constant 3 : i32
    %dma_start3A_48 = arith.constant 3 : i32
    %dma_start3A_49 = arith.constant 0 : i32
    %dma_start3A_50 = arith.constant 0 : i32
    %dma_start3A_51 = tpu.memref_slice %arg7[%dma_start3A_48, %dma_start3A_49, %dma_start3A_50] : memref<8x200x64xbf16, #tpu.memory_space<vmem>> -> memref<1x200x64xbf16, #tpu.memory_space<vmem>>
    %dma_start3A_52 = tpu.memref_squeeze %dma_start3A_51 : memref<1x200x64xbf16, #tpu.memory_space<vmem>> -> memref<200x64xbf16, #tpu.memory_space<vmem>>
    %dma_start3A_53 = arith.constant 0 : i32
    %dma_start3A_54 = tpu.memref_slice %arg5[%dma_start3A_47, %dma_start3A_53] : memref<8x200xi32, #tpu.memory_space<vmem>> -> memref<1x200xi32, #tpu.memory_space<vmem>>
    %dma_start3A_55 = tpu.memref_squeeze %dma_start3A_54 : memref<1x200xi32, #tpu.memory_space<vmem>> -> memref<200xi32, #tpu.memory_space<vmem>>
    %dma_start3A_56 = arith.constant 0 : i32
    %dma_start3A_57 = arith.constant 0 : i32
    %dma_start3A_58 = tpu.memref_slice %arg3[%dma_start3A_56, %dma_start3A_57] : memref<100000x64xbf16, #tpu.memory_space<hbm>> -> memref<100000x64xbf16, #tpu.memory_space<hbm>>
    tpu.enqueue_indirect_dma source(%dma_start3A_58 : memref<100000x64xbf16, #tpu.memory_space<hbm>>) target(%dma_start3A_52 : memref<200x64xbf16, #tpu.memory_space<vmem>>) offsets(%dma_start3A_55 : memref<200xi32, #tpu.memory_space<vmem>>) semaphore(%arg11 : memref<!tpu.dma_semaphore, #tpu.memory_space<semaphore_mem>>)
    %dma_start3A_59 = arith.constant 4 : i32
    %dma_start3A_60 = arith.constant 4 : i32
    %dma_start3A_61 = arith.constant 0 : i32
    %dma_start3A_62 = arith.constant 0 : i32
    %dma_start3A_63 = tpu.memref_slice %arg7[%dma_start3A_60, %dma_start3A_61, %dma_start3A_62] : memref<8x200x64xbf16, #tpu.memory_space<vmem>> -> memref<1x200x64xbf16, #tpu.memory_space<vmem>>
    %dma_start3A_64 = tpu.memref_squeeze %dma_start3A_63 : memref<1x200x64xbf16, #tpu.memory_space<vmem>> -> memref<200x64xbf16, #tpu.memory_space<vmem>>
    %dma_start3A_65 = arith.constant 0 : i32
    %dma_start3A_66 = tpu.memref_slice %arg5[%dma_start3A_59, %dma_start3A_65] : memref<8x200xi32, #tpu.memory_space<vmem>> -> memref<1x200xi32, #tpu.memory_space<vmem>>
    %dma_start3A_67 = tpu.memref_squeeze %dma_start3A_66 : memref<1x200xi32, #tpu.memory_space<vmem>> -> memref<200xi32, #tpu.memory_space<vmem>>
    %dma_start3A_68 = arith.constant 0 : i32
    %dma_start3A_69 = arith.constant 0 : i32
    %dma_start3A_70 = tpu.memref_slice %arg3[%dma_start3A_68, %dma_start3A_69] : memref<100000x64xbf16, #tpu.memory_space<hbm>> -> memref<100000x64xbf16, #tpu.memory_space<hbm>>
    tpu.enqueue_indirect_dma source(%dma_start3A_70 : memref<100000x64xbf16, #tpu.memory_space<hbm>>) target(%dma_start3A_64 : memref<200x64xbf16, #tpu.memory_space<vmem>>) offsets(%dma_start3A_67 : memref<200xi32, #tpu.memory_space<vmem>>) semaphore(%arg11 : memref<!tpu.dma_semaphore, #tpu.memory_space<semaphore_mem>>)
    %dma_start3A_71 = arith.constant 5 : i32
    %dma_start3A_72 = arith.constant 5 : i32
    %dma_start3A_73 = arith.constant 0 : i32
    %dma_start3A_74 = arith.constant 0 : i32
    %dma_start3A_75 = tpu.memref_slice %arg7[%dma_start3A_72, %dma_start3A_73, %dma_start3A_74] : memref<8x200x64xbf16, #tpu.memory_space<vmem>> -> memref<1x200x64xbf16, #tpu.memory_space<vmem>>
    %dma_start3A_76 = tpu.memref_squeeze %dma_start3A_75 : memref<1x200x64xbf16, #tpu.memory_space<vmem>> -> memref<200x64xbf16, #tpu.memory_space<vmem>>
    %dma_start3A_77 = arith.constant 0 : i32
    %dma_start3A_78 = tpu.memref_slice %arg5[%dma_start3A_71, %dma_start3A_77] : memref<8x200xi32, #tpu.memory_space<vmem>> -> memref<1x200xi32, #tpu.memory_space<vmem>>
    %dma_start3A_79 = tpu.memref_squeeze %dma_start3A_78 : memref<1x200xi32, #tpu.memory_space<vmem>> -> memref<200xi32, #tpu.memory_space<vmem>>
    %dma_start3A_80 = arith.constant 0 : i32
    %dma_start3A_81 = arith.constant 0 : i32
    %dma_start3A_82 = tpu.memref_slice %arg3[%dma_start3A_80, %dma_start3A_81] : memref<100000x64xbf16, #tpu.memory_space<hbm>> -> memref<100000x64xbf16, #tpu.memory_space<hbm>>
    tpu.enqueue_indirect_dma source(%dma_start3A_82 : memref<100000x64xbf16, #tpu.memory_space<hbm>>) target(%dma_start3A_76 : memref<200x64xbf16, #tpu.memory_space<vmem>>) offsets(%dma_start3A_79 : memref<200xi32, #tpu.memory_space<vmem>>) semaphore(%arg11 : memref<!tpu.dma_semaphore, #tpu.memory_space<semaphore_mem>>)
    %dma_start3A_83 = arith.constant 6 : i32
    %dma_start3A_84 = arith.constant 6 : i32
    %dma_start3A_85 = arith.constant 0 : i32
    %dma_start3A_86 = arith.constant 0 : i32
    %dma_start3A_87 = tpu.memref_slice %arg7[%dma_start3A_84, %dma_start3A_85, %dma_start3A_86] : memref<8x200x64xbf16, #tpu.memory_space<vmem>> -> memref<1x200x64xbf16, #tpu.memory_space<vmem>>
    %dma_start3A_88 = tpu.memref_squeeze %dma_start3A_87 : memref<1x200x64xbf16, #tpu.memory_space<vmem>> -> memref<200x64xbf16, #tpu.memory_space<vmem>>
    %dma_start3A_89 = arith.constant 0 : i32
    %dma_start3A_90 = tpu.memref_slice %arg5[%dma_start3A_83, %dma_start3A_89] : memref<8x200xi32, #tpu.memory_space<vmem>> -> memref<1x200xi32, #tpu.memory_space<vmem>>
    %dma_start3A_91 = tpu.memref_squeeze %dma_start3A_90 : memref<1x200xi32, #tpu.memory_space<vmem>> -> memref<200xi32, #tpu.memory_space<vmem>>
    %dma_start3A_92 = arith.constant 0 : i32
    %dma_start3A_93 = arith.constant 0 : i32
    %dma_start3A_94 = tpu.memref_slice %arg3[%dma_start3A_92, %dma_start3A_93] : memref<100000x64xbf16, #tpu.memory_space<hbm>> -> memref<100000x64xbf16, #tpu.memory_space<hbm>>
    tpu.enqueue_indirect_dma source(%dma_start3A_94 : memref<100000x64xbf16, #tpu.memory_space<hbm>>) target(%dma_start3A_88 : memref<200x64xbf16, #tpu.memory_space<vmem>>) offsets(%dma_start3A_91 : memref<200xi32, #tpu.memory_space<vmem>>) semaphore(%arg11 : memref<!tpu.dma_semaphore, #tpu.memory_space<semaphore_mem>>)
    %dma_start3A_95 = arith.constant 7 : i32
    %dma_start3A_96 = arith.constant 7 : i32
    %dma_start3A_97 = arith.constant 0 : i32
    %dma_start3A_98 = arith.constant 0 : i32
    %dma_start3A_99 = tpu.memref_slice %arg7[%dma_start3A_96, %dma_start3A_97, %dma_start3A_98] : memref<8x200x64xbf16, #tpu.memory_space<vmem>> -> memref<1x200x64xbf16, #tpu.memory_space<vmem>>
    %dma_start3A_100 = tpu.memref_squeeze %dma_start3A_99 : memref<1x200x64xbf16, #tpu.memory_space<vmem>> -> memref<200x64xbf16, #tpu.memory_space<vmem>>
    %dma_start3A_101 = arith.constant 0 : i32
    %dma_start3A_102 = tpu.memref_slice %arg5[%dma_start3A_95, %dma_start3A_101] : memref<8x200xi32, #tpu.memory_space<vmem>> -> memref<1x200xi32, #tpu.memory_space<vmem>>
    %dma_start3A_103 = tpu.memref_squeeze %dma_start3A_102 : memref<1x200xi32, #tpu.memory_space<vmem>> -> memref<200xi32, #tpu.memory_space<vmem>>
    %dma_start3A_104 = arith.constant 0 : i32
    %dma_start3A_105 = arith.constant 0 : i32
    %dma_start3A_106 = tpu.memref_slice %arg3[%dma_start3A_104, %dma_start3A_105] : memref<100000x64xbf16, #tpu.memory_space<hbm>> -> memref<100000x64xbf16, #tpu.memory_space<hbm>>
    tpu.enqueue_indirect_dma source(%dma_start3A_106 : memref<100000x64xbf16, #tpu.memory_space<hbm>>) target(%dma_start3A_100 : memref<200x64xbf16, #tpu.memory_space<vmem>>) offsets(%dma_start3A_103 : memref<200xi32, #tpu.memory_space<vmem>>) semaphore(%arg11 : memref<!tpu.dma_semaphore, #tpu.memory_space<semaphore_mem>>)
    %add3A_107 = arith.constant 8 : i32
    %add3A_108 = arith.addi %mul3A_2, %add3A_107 : i32
    %dma_start3A_109 = arith.constant 0 : i32
    %dma_start3A_110 = tpu.memref_slice %arg2[%add3A_108, %dma_start3A_109] : memref<16384x200xi32, #tpu.memory_space<hbm>> -> memref<8x200xi32, #tpu.memory_space<hbm>>
    %dma_start3A_111 = arith.constant 0 : i32
    %dma_start3A_112 = tpu.memref_slice %arg2[%add3A_108, %dma_start3A_111] : memref<16384x200xi32, #tpu.memory_space<hbm>> -> memref<8x200xi32, #tpu.memory_space<hbm>>
    tpu.enqueue_dma source(%dma_start3A_112 : memref<8x200xi32, #tpu.memory_space<hbm>>) target(%arg6 : memref<8x200xi32, #tpu.memory_space<vmem>>) target_semaphore(%arg14 : memref<!tpu.dma_semaphore, #tpu.memory_space<semaphore_mem>>)
    %scan3A = arith.constant 0 : i32
    %scan3A_113 = arith.constant 0 : i32
    %scan3A_114 = arith.constant 32 : i32
    %scan3A_115 = arith.addi %scan3A_113, %scan3A_114 : i32
    %scan3A_116 = arith.constant 1 : i32
    scf.for %scan3A_126 = %scan3A_113 to %scan3A_115 step %scan3A_116  : i32 {
      %mul3A_127 = arith.constant 2 : i32
      %mul3A_128 = arith.muli %scan3A_126, %mul3A_127 : i32
      %add3A_129 = arith.constant 0 : i32
      %add3A_130 = arith.addi %mul3A_128, %add3A_129 : i32
      %add3A_131 = arith.constant 1 : i32
      %add3A_132 = arith.addi %add3A_130, %add3A_131 : i32
      %lt3A = arith.constant 64 : i32
      %lt3A_133 = arith.cmpi slt, %add3A_132, %lt3A : i32
      %convert_element_type3A = arith.extui %lt3A_133 : i1 to i32
      %cond3A = arith.constant 0 : i32
      %cond3A_134 = arith.cmpi ne, %convert_element_type3A, %cond3A : i32
      scf.if %cond3A_134 {
        %dma_wait3A_853 = arith.constant 0 : i32
        %dma_wait3A_854 = tpu.memref_slice %arg2[%mul3A_2, %dma_wait3A_853] : memref<16384x200xi32, #tpu.memory_space<hbm>> -> memref<8x200xi32, #tpu.memory_space<hbm>>
        %dma_wait3A_855 = arith.constant 0 : i32
        %dma_wait3A_856 = tpu.memref_slice %arg2[%mul3A_2, %dma_wait3A_855] : memref<16384x200xi32, #tpu.memory_space<hbm>> -> memref<8x200xi32, #tpu.memory_space<hbm>>
        tpu.wait_dma2 semaphore(%arg14 : memref<!tpu.dma_semaphore, #tpu.memory_space<semaphore_mem>>) src(%dma_wait3A_856 : memref<8x200xi32, #tpu.memory_space<hbm>>) dst(%arg6 : memref<8x200xi32, #tpu.memory_space<vmem>>)
        %dma_start3A_857 = arith.constant 0 : i32
        %dma_start3A_858 = arith.constant 0 : i32
        %dma_start3A_859 = arith.constant 0 : i32
        %dma_start3A_860 = arith.constant 0 : i32
        %dma_start3A_861 = tpu.memref_slice %arg8[%dma_start3A_858, %dma_start3A_859, %dma_start3A_860] : memref<8x200x64xbf16, #tpu.memory_space<vmem>> -> memref<1x200x64xbf16, #tpu.memory_space<vmem>>
        %dma_start3A_862 = tpu.memref_squeeze %dma_start3A_861 : memref<1x200x64xbf16, #tpu.memory_space<vmem>> -> memref<200x64xbf16, #tpu.memory_space<vmem>>
        %dma_start3A_863 = arith.constant 0 : i32
        %dma_start3A_864 = tpu.memref_slice %arg6[%dma_start3A_857, %dma_start3A_863] : memref<8x200xi32, #tpu.memory_space<vmem>> -> memref<1x200xi32, #tpu.memory_space<vmem>>
        %dma_start3A_865 = tpu.memref_squeeze %dma_start3A_864 : memref<1x200xi32, #tpu.memory_space<vmem>> -> memref<200xi32, #tpu.memory_space<vmem>>
        %dma_start3A_866 = arith.constant 0 : i32
        %dma_start3A_867 = arith.constant 0 : i32
        %dma_start3A_868 = tpu.memref_slice %arg3[%dma_start3A_866, %dma_start3A_867] : memref<100000x64xbf16, #tpu.memory_space<hbm>> -> memref<100000x64xbf16, #tpu.memory_space<hbm>>
        tpu.enqueue_indirect_dma source(%dma_start3A_868 : memref<100000x64xbf16, #tpu.memory_space<hbm>>) target(%dma_start3A_862 : memref<200x64xbf16, #tpu.memory_space<vmem>>) offsets(%dma_start3A_865 : memref<200xi32, #tpu.memory_space<vmem>>) semaphore(%arg12 : memref<!tpu.dma_semaphore, #tpu.memory_space<semaphore_mem>>)
        %dma_start3A_869 = arith.constant 1 : i32
        %dma_start3A_870 = arith.constant 1 : i32
        %dma_start3A_871 = arith.constant 0 : i32
        %dma_start3A_872 = arith.constant 0 : i32
        %dma_start3A_873 = tpu.memref_slice %arg8[%dma_start3A_870, %dma_start3A_871, %dma_start3A_872] : memref<8x200x64xbf16, #tpu.memory_space<vmem>> -> memref<1x200x64xbf16, #tpu.memory_space<vmem>>
        %dma_start3A_874 = tpu.memref_squeeze %dma_start3A_873 : memref<1x200x64xbf16, #tpu.memory_space<vmem>> -> memref<200x64xbf16, #tpu.memory_space<vmem>>
        %dma_start3A_875 = arith.constant 0 : i32
        %dma_start3A_876 = tpu.memref_slice %arg6[%dma_start3A_869, %dma_start3A_875] : memref<8x200xi32, #tpu.memory_space<vmem>> -> memref<1x200xi32, #tpu.memory_space<vmem>>
        %dma_start3A_877 = tpu.memref_squeeze %dma_start3A_876 : memref<1x200xi32, #tpu.memory_space<vmem>> -> memref<200xi32, #tpu.memory_space<vmem>>
        %dma_start3A_878 = arith.constant 0 : i32
        %dma_start3A_879 = arith.constant 0 : i32
        %dma_start3A_880 = tpu.memref_slice %arg3[%dma_start3A_878, %dma_start3A_879] : memref<100000x64xbf16, #tpu.memory_space<hbm>> -> memref<100000x64xbf16, #tpu.memory_space<hbm>>
        tpu.enqueue_indirect_dma source(%dma_start3A_880 : memref<100000x64xbf16, #tpu.memory_space<hbm>>) target(%dma_start3A_874 : memref<200x64xbf16, #tpu.memory_space<vmem>>) offsets(%dma_start3A_877 : memref<200xi32, #tpu.memory_space<vmem>>) semaphore(%arg12 : memref<!tpu.dma_semaphore, #tpu.memory_space<semaphore_mem>>)
        %dma_start3A_881 = arith.constant 2 : i32
        %dma_start3A_882 = arith.constant 2 : i32
        %dma_start3A_883 = arith.constant 0 : i32
        %dma_start3A_884 = arith.constant 0 : i32
        %dma_start3A_885 = tpu.memref_slice %arg8[%dma_start3A_882, %dma_start3A_883, %dma_start3A_884] : memref<8x200x64xbf16, #tpu.memory_space<vmem>> -> memref<1x200x64xbf16, #tpu.memory_space<vmem>>
        %dma_start3A_886 = tpu.memref_squeeze %dma_start3A_885 : memref<1x200x64xbf16, #tpu.memory_space<vmem>> -> memref<200x64xbf16, #tpu.memory_space<vmem>>
        %dma_start3A_887 = arith.constant 0 : i32
        %dma_start3A_888 = tpu.memref_slice %arg6[%dma_start3A_881, %dma_start3A_887] : memref<8x200xi32, #tpu.memory_space<vmem>> -> memref<1x200xi32, #tpu.memory_space<vmem>>
        %dma_start3A_889 = tpu.memref_squeeze %dma_start3A_888 : memref<1x200xi32, #tpu.memory_space<vmem>> -> memref<200xi32, #tpu.memory_space<vmem>>
        %dma_start3A_890 = arith.constant 0 : i32
        %dma_start3A_891 = arith.constant 0 : i32
        %dma_start3A_892 = tpu.memref_slice %arg3[%dma_start3A_890, %dma_start3A_891] : memref<100000x64xbf16, #tpu.memory_space<hbm>> -> memref<100000x64xbf16, #tpu.memory_space<hbm>>
        tpu.enqueue_indirect_dma source(%dma_start3A_892 : memref<100000x64xbf16, #tpu.memory_space<hbm>>) target(%dma_start3A_886 : memref<200x64xbf16, #tpu.memory_space<vmem>>) offsets(%dma_start3A_889 : memref<200xi32, #tpu.memory_space<vmem>>) semaphore(%arg12 : memref<!tpu.dma_semaphore, #tpu.memory_space<semaphore_mem>>)
        %dma_start3A_893 = arith.constant 3 : i32
        %dma_start3A_894 = arith.constant 3 : i32
        %dma_start3A_895 = arith.constant 0 : i32
        %dma_start3A_896 = arith.constant 0 : i32
        %dma_start3A_897 = tpu.memref_slice %arg8[%dma_start3A_894, %dma_start3A_895, %dma_start3A_896] : memref<8x200x64xbf16, #tpu.memory_space<vmem>> -> memref<1x200x64xbf16, #tpu.memory_space<vmem>>
        %dma_start3A_898 = tpu.memref_squeeze %dma_start3A_897 : memref<1x200x64xbf16, #tpu.memory_space<vmem>> -> memref<200x64xbf16, #tpu.memory_space<vmem>>
        %dma_start3A_899 = arith.constant 0 : i32
        %dma_start3A_900 = tpu.memref_slice %arg6[%dma_start3A_893, %dma_start3A_899] : memref<8x200xi32, #tpu.memory_space<vmem>> -> memref<1x200xi32, #tpu.memory_space<vmem>>
        %dma_start3A_901 = tpu.memref_squeeze %dma_start3A_900 : memref<1x200xi32, #tpu.memory_space<vmem>> -> memref<200xi32, #tpu.memory_space<vmem>>
        %dma_start3A_902 = arith.constant 0 : i32
        %dma_start3A_903 = arith.constant 0 : i32
        %dma_start3A_904 = tpu.memref_slice %arg3[%dma_start3A_902, %dma_start3A_903] : memref<100000x64xbf16, #tpu.memory_space<hbm>> -> memref<100000x64xbf16, #tpu.memory_space<hbm>>
        tpu.enqueue_indirect_dma source(%dma_start3A_904 : memref<100000x64xbf16, #tpu.memory_space<hbm>>) target(%dma_start3A_898 : memref<200x64xbf16, #tpu.memory_space<vmem>>) offsets(%dma_start3A_901 : memref<200xi32, #tpu.memory_space<vmem>>) semaphore(%arg12 : memref<!tpu.dma_semaphore, #tpu.memory_space<semaphore_mem>>)
        %dma_start3A_905 = arith.constant 4 : i32
        %dma_start3A_906 = arith.constant 4 : i32
        %dma_start3A_907 = arith.constant 0 : i32
        %dma_start3A_908 = arith.constant 0 : i32
        %dma_start3A_909 = tpu.memref_slice %arg8[%dma_start3A_906, %dma_start3A_907, %dma_start3A_908] : memref<8x200x64xbf16, #tpu.memory_space<vmem>> -> memref<1x200x64xbf16, #tpu.memory_space<vmem>>
        %dma_start3A_910 = tpu.memref_squeeze %dma_start3A_909 : memref<1x200x64xbf16, #tpu.memory_space<vmem>> -> memref<200x64xbf16, #tpu.memory_space<vmem>>
        %dma_start3A_911 = arith.constant 0 : i32
        %dma_start3A_912 = tpu.memref_slice %arg6[%dma_start3A_905, %dma_start3A_911] : memref<8x200xi32, #tpu.memory_space<vmem>> -> memref<1x200xi32, #tpu.memory_space<vmem>>
        %dma_start3A_913 = tpu.memref_squeeze %dma_start3A_912 : memref<1x200xi32, #tpu.memory_space<vmem>> -> memref<200xi32, #tpu.memory_space<vmem>>
        %dma_start3A_914 = arith.constant 0 : i32
        %dma_start3A_915 = arith.constant 0 : i32
        %dma_start3A_916 = tpu.memref_slice %arg3[%dma_start3A_914, %dma_start3A_915] : memref<100000x64xbf16, #tpu.memory_space<hbm>> -> memref<100000x64xbf16, #tpu.memory_space<hbm>>
        tpu.enqueue_indirect_dma source(%dma_start3A_916 : memref<100000x64xbf16, #tpu.memory_space<hbm>>) target(%dma_start3A_910 : memref<200x64xbf16, #tpu.memory_space<vmem>>) offsets(%dma_start3A_913 : memref<200xi32, #tpu.memory_space<vmem>>) semaphore(%arg12 : memref<!tpu.dma_semaphore, #tpu.memory_space<semaphore_mem>>)
        %dma_start3A_917 = arith.constant 5 : i32
        %dma_start3A_918 = arith.constant 5 : i32
        %dma_start3A_919 = arith.constant 0 : i32
        %dma_start3A_920 = arith.constant 0 : i32
        %dma_start3A_921 = tpu.memref_slice %arg8[%dma_start3A_918, %dma_start3A_919, %dma_start3A_920] : memref<8x200x64xbf16, #tpu.memory_space<vmem>> -> memref<1x200x64xbf16, #tpu.memory_space<vmem>>
        %dma_start3A_922 = tpu.memref_squeeze %dma_start3A_921 : memref<1x200x64xbf16, #tpu.memory_space<vmem>> -> memref<200x64xbf16, #tpu.memory_space<vmem>>
        %dma_start3A_923 = arith.constant 0 : i32
        %dma_start3A_924 = tpu.memref_slice %arg6[%dma_start3A_917, %dma_start3A_923] : memref<8x200xi32, #tpu.memory_space<vmem>> -> memref<1x200xi32, #tpu.memory_space<vmem>>
        %dma_start3A_925 = tpu.memref_squeeze %dma_start3A_924 : memref<1x200xi32, #tpu.memory_space<vmem>> -> memref<200xi32, #tpu.memory_space<vmem>>
        %dma_start3A_926 = arith.constant 0 : i32
        %dma_start3A_927 = arith.constant 0 : i32
        %dma_start3A_928 = tpu.memref_slice %arg3[%dma_start3A_926, %dma_start3A_927] : memref<100000x64xbf16, #tpu.memory_space<hbm>> -> memref<100000x64xbf16, #tpu.memory_space<hbm>>
        tpu.enqueue_indirect_dma source(%dma_start3A_928 : memref<100000x64xbf16, #tpu.memory_space<hbm>>) target(%dma_start3A_922 : memref<200x64xbf16, #tpu.memory_space<vmem>>) offsets(%dma_start3A_925 : memref<200xi32, #tpu.memory_space<vmem>>) semaphore(%arg12 : memref<!tpu.dma_semaphore, #tpu.memory_space<semaphore_mem>>)
        %dma_start3A_929 = arith.constant 6 : i32
        %dma_start3A_930 = arith.constant 6 : i32
        %dma_start3A_931 = arith.constant 0 : i32
        %dma_start3A_932 = arith.constant 0 : i32
        %dma_start3A_933 = tpu.memref_slice %arg8[%dma_start3A_930, %dma_start3A_931, %dma_start3A_932] : memref<8x200x64xbf16, #tpu.memory_space<vmem>> -> memref<1x200x64xbf16, #tpu.memory_space<vmem>>
        %dma_start3A_934 = tpu.memref_squeeze %dma_start3A_933 : memref<1x200x64xbf16, #tpu.memory_space<vmem>> -> memref<200x64xbf16, #tpu.memory_space<vmem>>
        %dma_start3A_935 = arith.constant 0 : i32
        %dma_start3A_936 = tpu.memref_slice %arg6[%dma_start3A_929, %dma_start3A_935] : memref<8x200xi32, #tpu.memory_space<vmem>> -> memref<1x200xi32, #tpu.memory_space<vmem>>
        %dma_start3A_937 = tpu.memref_squeeze %dma_start3A_936 : memref<1x200xi32, #tpu.memory_space<vmem>> -> memref<200xi32, #tpu.memory_space<vmem>>
        %dma_start3A_938 = arith.constant 0 : i32
        %dma_start3A_939 = arith.constant 0 : i32
        %dma_start3A_940 = tpu.memref_slice %arg3[%dma_start3A_938, %dma_start3A_939] : memref<100000x64xbf16, #tpu.memory_space<hbm>> -> memref<100000x64xbf16, #tpu.memory_space<hbm>>
        tpu.enqueue_indirect_dma source(%dma_start3A_940 : memref<100000x64xbf16, #tpu.memory_space<hbm>>) target(%dma_start3A_934 : memref<200x64xbf16, #tpu.memory_space<vmem>>) offsets(%dma_start3A_937 : memref<200xi32, #tpu.memory_space<vmem>>) semaphore(%arg12 : memref<!tpu.dma_semaphore, #tpu.memory_space<semaphore_mem>>)
        %dma_start3A_941 = arith.constant 7 : i32
        %dma_start3A_942 = arith.constant 7 : i32
        %dma_start3A_943 = arith.constant 0 : i32
        %dma_start3A_944 = arith.constant 0 : i32
        %dma_start3A_945 = tpu.memref_slice %arg8[%dma_start3A_942, %dma_start3A_943, %dma_start3A_944] : memref<8x200x64xbf16, #tpu.memory_space<vmem>> -> memref<1x200x64xbf16, #tpu.memory_space<vmem>>
        %dma_start3A_946 = tpu.memref_squeeze %dma_start3A_945 : memref<1x200x64xbf16, #tpu.memory_space<vmem>> -> memref<200x64xbf16, #tpu.memory_space<vmem>>
        %dma_start3A_947 = arith.constant 0 : i32
        %dma_start3A_948 = tpu.memref_slice %arg6[%dma_start3A_941, %dma_start3A_947] : memref<8x200xi32, #tpu.memory_space<vmem>> -> memref<1x200xi32, #tpu.memory_space<vmem>>
        %dma_start3A_949 = tpu.memref_squeeze %dma_start3A_948 : memref<1x200xi32, #tpu.memory_space<vmem>> -> memref<200xi32, #tpu.memory_space<vmem>>
        %dma_start3A_950 = arith.constant 0 : i32
        %dma_start3A_951 = arith.constant 0 : i32
        %dma_start3A_952 = tpu.memref_slice %arg3[%dma_start3A_950, %dma_start3A_951] : memref<100000x64xbf16, #tpu.memory_space<hbm>> -> memref<100000x64xbf16, #tpu.memory_space<hbm>>
        tpu.enqueue_indirect_dma source(%dma_start3A_952 : memref<100000x64xbf16, #tpu.memory_space<hbm>>) target(%dma_start3A_946 : memref<200x64xbf16, #tpu.memory_space<vmem>>) offsets(%dma_start3A_949 : memref<200xi32, #tpu.memory_space<vmem>>) semaphore(%arg12 : memref<!tpu.dma_semaphore, #tpu.memory_space<semaphore_mem>>)
      } else {
      }
      %ge3A = arith.constant 2 : i32
      %ge3A_135 = arith.cmpi sge, %add3A_130, %ge3A : i32
      %convert_element_type3A_136 = arith.extui %ge3A_135 : i1 to i32
      %cond3A_137 = arith.constant 0 : i32
      %cond3A_138 = arith.cmpi ne, %convert_element_type3A_136, %cond3A_137 : i32
      scf.if %cond3A_138 {
        %dma_wait3A_853 = arith.constant 0 : i32
        %dma_wait3A_854 = tpu.memref_slice %arg4[%mul3A_2, %dma_wait3A_853] : memref<16384x64xf32, #tpu.memory_space<hbm>> -> memref<8x64xf32, #tpu.memory_space<hbm>>
        %dma_wait3A_855 = arith.constant 0 : i32
        %dma_wait3A_856 = tpu.memref_slice %arg4[%mul3A_2, %dma_wait3A_855] : memref<16384x64xf32, #tpu.memory_space<hbm>> -> memref<8x64xf32, #tpu.memory_space<hbm>>
        tpu.wait_dma2 semaphore(%arg15 : memref<!tpu.dma_semaphore, #tpu.memory_space<semaphore_mem>>) src(%arg9 : memref<8x64xf32, #tpu.memory_space<vmem>>) dst(%dma_wait3A_856 : memref<8x64xf32, #tpu.memory_space<hbm>>)
      } else {
      }
      %dma_wait3A_139 = arith.constant 0 : i32
      %dma_wait3A_140 = arith.constant 0 : i32
      %dma_wait3A_141 = arith.constant 0 : i32
      %dma_wait3A_142 = arith.constant 0 : i32
      %dma_wait3A_143 = tpu.memref_slice %arg7[%dma_wait3A_140, %dma_wait3A_141, %dma_wait3A_142] : memref<8x200x64xbf16, #tpu.memory_space<vmem>> -> memref<1x200x64xbf16, #tpu.memory_space<vmem>>
      %dma_wait3A_144 = tpu.memref_squeeze %dma_wait3A_143 : memref<1x200x64xbf16, #tpu.memory_space<vmem>> -> memref<200x64xbf16, #tpu.memory_space<vmem>>
      %dma_wait3A_145 = arith.constant 0 : i32
      %dma_wait3A_146 = tpu.memref_slice %arg5[%dma_wait3A_139, %dma_wait3A_145] : memref<8x200xi32, #tpu.memory_space<vmem>> -> memref<1x200xi32, #tpu.memory_space<vmem>>
      %dma_wait3A_147 = tpu.memref_squeeze %dma_wait3A_146 : memref<1x200xi32, #tpu.memory_space<vmem>> -> memref<200xi32, #tpu.memory_space<vmem>>
      %dma_wait3A_148 = arith.constant 0 : i32
      %dma_wait3A_149 = arith.constant 0 : i32
      %dma_wait3A_150 = tpu.memref_slice %arg3[%dma_wait3A_148, %dma_wait3A_149] : memref<100000x64xbf16, #tpu.memory_space<hbm>> -> memref<100000x64xbf16, #tpu.memory_space<hbm>>
      tpu.wait_indirect_dma semaphore(%arg11 : memref<!tpu.dma_semaphore, #tpu.memory_space<semaphore_mem>>) src(%dma_wait3A_150 : memref<100000x64xbf16, #tpu.memory_space<hbm>>) dst(%dma_wait3A_144 : memref<200x64xbf16, #tpu.memory_space<vmem>>)
      %broadcast_in_dim3A = arith.constant 0.000000e+00 : f32
      %broadcast_in_dim3A_151 = vector.broadcast %broadcast_in_dim3A : f32 to vector<16xf32>
      %broadcast_in_dim3A_152 = arith.constant 0.000000e+00 : f32
      %broadcast_in_dim3A_153 = vector.broadcast %broadcast_in_dim3A_152 : f32 to vector<16xf32>
      %broadcast_in_dim3A_154 = arith.constant 0.000000e+00 : f32
      %broadcast_in_dim3A_155 = vector.broadcast %broadcast_in_dim3A_154 : f32 to vector<16xf32>
      %broadcast_in_dim3A_156 = arith.constant 0.000000e+00 : f32
      %broadcast_in_dim3A_157 = vector.broadcast %broadcast_in_dim3A_156 : f32 to vector<16xf32>
      %scan3A_158 = arith.constant 0 : i32
      %scan3A_159 = arith.constant 100 : i32
      %scan3A_160 = arith.addi %scan3A_158, %scan3A_159 : i32
      %scan3A_161 = arith.constant 4 : i32
      %scan3A_162:4 = scf.for %scan3A_853 = %scan3A_158 to %scan3A_160 step %scan3A_161 iter_args(%scan3A_854 = %broadcast_in_dim3A_151, %scan3A_855 = %broadcast_in_dim3A_153, %scan3A_856 = %broadcast_in_dim3A_155, %scan3A_857 = %broadcast_in_dim3A_157) -> (vector<16xf32>, vector<16xf32>, vector<16xf32>, vector<16xf32>)  : i32 {
        %mul3A_858 = arith.constant 2 : i32
        %mul3A_859 = arith.muli %mul3A_858, %scan3A_853 : i32
        %get3A = arith.constant 0 : i32
        %get3A_860 = arith.index_cast %get3A : i32 to index
        %get3A_861 = arith.index_cast %mul3A_859 : i32 to index
        %get3A_862 = arith.constant 0 : index
        %get3A_863 = tpu.vector_load %arg7[%get3A_860, %get3A_861, %get3A_862] {strides = array<i32>} : memref<8x200x64xbf16, #tpu.memory_space<vmem>>, vector<32xbf16>,
        %add3A_864 = arith.constant 1 : i32
        %add3A_865 = arith.addi %mul3A_859, %add3A_864 : i32
        %get3A_866 = arith.constant 0 : i32
        %get3A_867 = arith.index_cast %get3A_866 : i32 to index
        %get3A_868 = arith.index_cast %add3A_865 : i32 to index
        %get3A_869 = arith.constant 0 : index
        %get3A_870 = tpu.vector_load %arg7[%get3A_867, %get3A_868, %get3A_869] {strides = array<i32>} : memref<8x200x64xbf16, #tpu.memory_space<vmem>>, vector<32xbf16>,
        %add3A_871 = arith.addf %get3A_863, %get3A_870 : vector<32xbf16>
        %unpack3A = tpu.unpack_subelements %add3A_871, 0 {pack_format = #tpu.pack_format<interleaved>} : vector<32xbf16> -> vector<16xf32>
        %unpack3A_872 = tpu.unpack_subelements %add3A_871, 1 {pack_format = #tpu.pack_format<interleaved>} : vector<32xbf16> -> vector<16xf32>
        %add3A_873 = arith.addf %scan3A_854, %unpack3A : vector<16xf32>
        %add3A_874 = arith.addf %scan3A_855, %unpack3A_872 : vector<16xf32>
        %get3A_875 = arith.constant 0 : i32
        %get3A_876 = arith.index_cast %get3A_875 : i32 to index
        %get3A_877 = arith.index_cast %mul3A_859 : i32 to index
        %get3A_878 = arith.constant 32 : index
        %get3A_879 = tpu.vector_load %arg7[%get3A_876, %get3A_877, %get3A_878] {strides = array<i32>} : memref<8x200x64xbf16, #tpu.memory_space<vmem>>, vector<32xbf16>,
        %add3A_880 = arith.constant 1 : i32
        %add3A_881 = arith.addi %mul3A_859, %add3A_880 : i32
        %get3A_882 = arith.constant 0 : i32
        %get3A_883 = arith.index_cast %get3A_882 : i32 to index
        %get3A_884 = arith.index_cast %add3A_881 : i32 to index
        %get3A_885 = arith.constant 32 : index
        %get3A_886 = tpu.vector_load %arg7[%get3A_883, %get3A_884, %get3A_885] {strides = array<i32>} : memref<8x200x64xbf16, #tpu.memory_space<vmem>>, vector<32xbf16>,
        %add3A_887 = arith.addf %get3A_879, %get3A_886 : vector<32xbf16>
        %unpack3A_888 = tpu.unpack_subelements %add3A_887, 0 {pack_format = #tpu.pack_format<interleaved>} : vector<32xbf16> -> vector<16xf32>
        %unpack3A_889 = tpu.unpack_subelements %add3A_887, 1 {pack_format = #tpu.pack_format<interleaved>} : vector<32xbf16> -> vector<16xf32>
        %add3A_890 = arith.addf %scan3A_856, %unpack3A_888 : vector<16xf32>
        %add3A_891 = arith.addf %scan3A_857, %unpack3A_889 : vector<16xf32>
        %scan3A_892 = arith.constant 1 : i32
        %scan3A_893 = arith.addi %scan3A_853, %scan3A_892 : i32
        %mul3A_894 = arith.constant 2 : i32
        %mul3A_895 = arith.muli %mul3A_894, %scan3A_893 : i32
        %get3A_896 = arith.constant 0 : i32
        %get3A_897 = arith.index_cast %get3A_896 : i32 to index
        %get3A_898 = arith.index_cast %mul3A_895 : i32 to index
        %get3A_899 = arith.constant 0 : index
        %get3A_900 = tpu.vector_load %arg7[%get3A_897, %get3A_898, %get3A_899] {strides = array<i32>} : memref<8x200x64xbf16, #tpu.memory_space<vmem>>, vector<32xbf16>,
        %add3A_901 = arith.constant 1 : i32
        %add3A_902 = arith.addi %mul3A_895, %add3A_901 : i32
        %get3A_903 = arith.constant 0 : i32
        %get3A_904 = arith.index_cast %get3A_903 : i32 to index
        %get3A_905 = arith.index_cast %add3A_902 : i32 to index
        %get3A_906 = arith.constant 0 : index
        %get3A_907 = tpu.vector_load %arg7[%get3A_904, %get3A_905, %get3A_906] {strides = array<i32>} : memref<8x200x64xbf16, #tpu.memory_space<vmem>>, vector<32xbf16>,
        %add3A_908 = arith.addf %get3A_900, %get3A_907 : vector<32xbf16>
        %unpack3A_909 = tpu.unpack_subelements %add3A_908, 0 {pack_format = #tpu.pack_format<interleaved>} : vector<32xbf16> -> vector<16xf32>
        %unpack3A_910 = tpu.unpack_subelements %add3A_908, 1 {pack_format = #tpu.pack_format<interleaved>} : vector<32xbf16> -> vector<16xf32>
        %add3A_911 = arith.addf %add3A_873, %unpack3A_909 : vector<16xf32>
        %add3A_912 = arith.addf %add3A_874, %unpack3A_910 : vector<16xf32>
        %get3A_913 = arith.constant 0 : i32
        %get3A_914 = arith.index_cast %get3A_913 : i32 to index
        %get3A_915 = arith.index_cast %mul3A_895 : i32 to index
        %get3A_916 = arith.constant 32 : index
        %get3A_917 = tpu.vector_load %arg7[%get3A_914, %get3A_915, %get3A_916] {strides = array<i32>} : memref<8x200x64xbf16, #tpu.memory_space<vmem>>, vector<32xbf16>,
        %add3A_918 = arith.constant 1 : i32
        %add3A_919 = arith.addi %mul3A_895, %add3A_918 : i32
        %get3A_920 = arith.constant 0 : i32
        %get3A_921 = arith.index_cast %get3A_920 : i32 to index
        %get3A_922 = arith.index_cast %add3A_919 : i32 to index
        %get3A_923 = arith.constant 32 : index
        %get3A_924 = tpu.vector_load %arg7[%get3A_921, %get3A_922, %get3A_923] {strides = array<i32>} : memref<8x200x64xbf16, #tpu.memory_space<vmem>>, vector<32xbf16>,
        %add3A_925 = arith.addf %get3A_917, %get3A_924 : vector<32xbf16>
        %unpack3A_926 = tpu.unpack_subelements %add3A_925, 0 {pack_format = #tpu.pack_format<interleaved>} : vector<32xbf16> -> vector<16xf32>
        %unpack3A_927 = tpu.unpack_subelements %add3A_925, 1 {pack_format = #tpu.pack_format<interleaved>} : vector<32xbf16> -> vector<16xf32>
        %add3A_928 = arith.addf %add3A_890, %unpack3A_926 : vector<16xf32>
        %add3A_929 = arith.addf %add3A_891, %unpack3A_927 : vector<16xf32>
        %scan3A_930 = arith.constant 2 : i32
        %scan3A_931 = arith.addi %scan3A_853, %scan3A_930 : i32
        %mul3A_932 = arith.constant 2 : i32
        %mul3A_933 = arith.muli %mul3A_932, %scan3A_931 : i32
        %get3A_934 = arith.constant 0 : i32
        %get3A_935 = arith.index_cast %get3A_934 : i32 to index
        %get3A_936 = arith.index_cast %mul3A_933 : i32 to index
        %get3A_937 = arith.constant 0 : index
        %get3A_938 = tpu.vector_load %arg7[%get3A_935, %get3A_936, %get3A_937] {strides = array<i32>} : memref<8x200x64xbf16, #tpu.memory_space<vmem>>, vector<32xbf16>,
        %add3A_939 = arith.constant 1 : i32
        %add3A_940 = arith.addi %mul3A_933, %add3A_939 : i32
        %get3A_941 = arith.constant 0 : i32
        %get3A_942 = arith.index_cast %get3A_941 : i32 to index
        %get3A_943 = arith.index_cast %add3A_940 : i32 to index
        %get3A_944 = arith.constant 0 : index
        %get3A_945 = tpu.vector_load %arg7[%get3A_942, %get3A_943, %get3A_944] {strides = array<i32>} : memref<8x200x64xbf16, #tpu.memory_space<vmem>>, vector<32xbf16>,
        %add3A_946 = arith.addf %get3A_938, %get3A_945 : vector<32xbf16>
        %unpack3A_947 = tpu.unpack_subelements %add3A_946, 0 {pack_format = #tpu.pack_format<interleaved>} : vector<32xbf16> -> vector<16xf32>
        %unpack3A_948 = tpu.unpack_subelements %add3A_946, 1 {pack_format = #tpu.pack_format<interleaved>} : vector<32xbf16> -> vector<16xf32>
        %add3A_949 = arith.addf %add3A_911, %unpack3A_947 : vector<16xf32>
        %add3A_950 = arith.addf %add3A_912, %unpack3A_948 : vector<16xf32>
        %get3A_951 = arith.constant 0 : i32
        %get3A_952 = arith.index_cast %get3A_951 : i32 to index
        %get3A_953 = arith.index_cast %mul3A_933 : i32 to index
        %get3A_954 = arith.constant 32 : index
        %get3A_955 = tpu.vector_load %arg7[%get3A_952, %get3A_953, %get3A_954] {strides = array<i32>} : memref<8x200x64xbf16, #tpu.memory_space<vmem>>, vector<32xbf16>,
        %add3A_956 = arith.constant 1 : i32
        %add3A_957 = arith.addi %mul3A_933, %add3A_956 : i32
        %get3A_958 = arith.constant 0 : i32
        %get3A_959 = arith.index_cast %get3A_958 : i32 to index
        %get3A_960 = arith.index_cast %add3A_957 : i32 to index
        %get3A_961 = arith.constant 32 : index
        %get3A_962 = tpu.vector_load %arg7[%get3A_959, %get3A_960, %get3A_961] {strides = array<i32>} : memref<8x200x64xbf16, #tpu.memory_space<vmem>>, vector<32xbf16>,
        %add3A_963 = arith.addf %get3A_955, %get3A_962 : vector<32xbf16>
        %unpack3A_964 = tpu.unpack_subelements %add3A_963, 0 {pack_format = #tpu.pack_format<interleaved>} : vector<32xbf16> -> vector<16xf32>
        %unpack3A_965 = tpu.unpack_subelements %add3A_963, 1 {pack_format = #tpu.pack_format<interleaved>} : vector<32xbf16> -> vector<16xf32>
        %add3A_966 = arith.addf %add3A_928, %unpack3A_964 : vector<16xf32>
        %add3A_967 = arith.addf %add3A_929, %unpack3A_965 : vector<16xf32>
        %scan3A_968 = arith.constant 3 : i32
        %scan3A_969 = arith.addi %scan3A_853, %scan3A_968 : i32
        %mul3A_970 = arith.constant 2 : i32
        %mul3A_971 = arith.muli %mul3A_970, %scan3A_969 : i32
        %get3A_972 = arith.constant 0 : i32
        %get3A_973 = arith.index_cast %get3A_972 : i32 to index
        %get3A_974 = arith.index_cast %mul3A_971 : i32 to index
        %get3A_975 = arith.constant 0 : index
        %get3A_976 = tpu.vector_load %arg7[%get3A_973, %get3A_974, %get3A_975] {strides = array<i32>} : memref<8x200x64xbf16, #tpu.memory_space<vmem>>, vector<32xbf16>,
        %add3A_977 = arith.constant 1 : i32
        %add3A_978 = arith.addi %mul3A_971, %add3A_977 : i32
        %get3A_979 = arith.constant 0 : i32
        %get3A_980 = arith.index_cast %get3A_979 : i32 to index
        %get3A_981 = arith.index_cast %add3A_978 : i32 to index
        %get3A_982 = arith.constant 0 : index
        %get3A_983 = tpu.vector_load %arg7[%get3A_980, %get3A_981, %get3A_982] {strides = array<i32>} : memref<8x200x64xbf16, #tpu.memory_space<vmem>>, vector<32xbf16>,
        %add3A_984 = arith.addf %get3A_976, %get3A_983 : vector<32xbf16>
        %unpack3A_985 = tpu.unpack_subelements %add3A_984, 0 {pack_format = #tpu.pack_format<interleaved>} : vector<32xbf16> -> vector<16xf32>
        %unpack3A_986 = tpu.unpack_subelements %add3A_984, 1 {pack_format = #tpu.pack_format<interleaved>} : vector<32xbf16> -> vector<16xf32>
        %add3A_987 = arith.addf %add3A_949, %unpack3A_985 : vector<16xf32>
        %add3A_988 = arith.addf %add3A_950, %unpack3A_986 : vector<16xf32>
        %get3A_989 = arith.constant 0 : i32
        %get3A_990 = arith.index_cast %get3A_989 : i32 to index
        %get3A_991 = arith.index_cast %mul3A_971 : i32 to index
        %get3A_992 = arith.constant 32 : index
        %get3A_993 = tpu.vector_load %arg7[%get3A_990, %get3A_991, %get3A_992] {strides = array<i32>} : memref<8x200x64xbf16, #tpu.memory_space<vmem>>, vector<32xbf16>,
        %add3A_994 = arith.constant 1 : i32
        %add3A_995 = arith.addi %mul3A_971, %add3A_994 : i32
        %get3A_996 = arith.constant 0 : i32
        %get3A_997 = arith.index_cast %get3A_996 : i32 to index
        %get3A_998 = arith.index_cast %add3A_995 : i32 to index
        %get3A_999 = arith.constant 32 : index
        %get3A_1000 = tpu.vector_load %arg7[%get3A_997, %get3A_998, %get3A_999] {strides = array<i32>} : memref<8x200x64xbf16, #tpu.memory_space<vmem>>, vector<32xbf16>,
        %add3A_1001 = arith.addf %get3A_993, %get3A_1000 : vector<32xbf16>
        %unpack3A_1002 = tpu.unpack_subelements %add3A_1001, 0 {pack_format = #tpu.pack_format<interleaved>} : vector<32xbf16> -> vector<16xf32>
        %unpack3A_1003 = tpu.unpack_subelements %add3A_1001, 1 {pack_format = #tpu.pack_format<interleaved>} : vector<32xbf16> -> vector<16xf32>
        %add3A_1004 = arith.addf %add3A_966, %unpack3A_1002 : vector<16xf32>
        %add3A_1005 = arith.addf %add3A_967, %unpack3A_1003 : vector<16xf32>
        scf.yield %add3A_987, %add3A_988, %add3A_1004, %add3A_1005 : vector<16xf32>, vector<16xf32>, vector<16xf32>, vector<16xf32>
      }
      %scan3A_163 = arith.constant 100 : i32
      %swap3A = arith.constant 0 : i32
      %swap3A_164 = arith.index_cast %swap3A : i32 to index
      %swap3A_165 = arith.constant 0 : index
      %swap3A_166 = tpu.vector_load %arg9[%swap3A_164, %swap3A_165] {strides = array<i32>} : memref<8x64xf32, #tpu.memory_space<vmem>>, vector<16xf32>,
      tpu.vector_store %arg9[%swap3A_164, %swap3A_165], %scan3A_162#0 {strides = array<i32>} : memref<8x64xf32, #tpu.memory_space<vmem>>, vector<16xf32>,
      %swap3A_167 = arith.constant 0 : i32
      %swap3A_168 = arith.index_cast %swap3A_167 : i32 to index
      %swap3A_169 = arith.constant 16 : index
      %swap3A_170 = tpu.vector_load %arg9[%swap3A_168, %swap3A_169] {strides = array<i32>} : memref<8x64xf32, #tpu.memory_space<vmem>>, vector<16xf32>,
      tpu.vector_store %arg9[%swap3A_168, %swap3A_169], %scan3A_162#1 {strides = array<i32>} : memref<8x64xf32, #tpu.memory_space<vmem>>, vector<16xf32>,
      %swap3A_171 = arith.constant 0 : i32
      %swap3A_172 = arith.index_cast %swap3A_171 : i32 to index
      %swap3A_173 = arith.constant 32 : index
      %swap3A_174 = tpu.vector_load %arg9[%swap3A_172, %swap3A_173] {strides = array<i32>} : memref<8x64xf32, #tpu.memory_space<vmem>>, vector<16xf32>,
      tpu.vector_store %arg9[%swap3A_172, %swap3A_173], %scan3A_162#2 {strides = array<i32>} : memref<8x64xf32, #tpu.memory_space<vmem>>, vector<16xf32>,
      %swap3A_175 = arith.constant 0 : i32
      %swap3A_176 = arith.index_cast %swap3A_175 : i32 to index
      %swap3A_177 = arith.constant 48 : index
      %swap3A_178 = tpu.vector_load %arg9[%swap3A_176, %swap3A_177] {strides = array<i32>} : memref<8x64xf32, #tpu.memory_space<vmem>>, vector<16xf32>,
      tpu.vector_store %arg9[%swap3A_176, %swap3A_177], %scan3A_162#3 {strides = array<i32>} : memref<8x64xf32, #tpu.memory_space<vmem>>, vector<16xf32>,
      %dma_wait3A_179 = arith.constant 1 : i32
      %dma_wait3A_180 = arith.constant 1 : i32
      %dma_wait3A_181 = arith.constant 0 : i32
      %dma_wait3A_182 = arith.constant 0 : i32
      %dma_wait3A_183 = tpu.memref_slice %arg7[%dma_wait3A_180, %dma_wait3A_181, %dma_wait3A_182] : memref<8x200x64xbf16, #tpu.memory_space<vmem>> -> memref<1x200x64xbf16, #tpu.memory_space<vmem>>
      %dma_wait3A_184 = tpu.memref_squeeze %dma_wait3A_183 : memref<1x200x64xbf16, #tpu.memory_space<vmem>> -> memref<200x64xbf16, #tpu.memory_space<vmem>>
      %dma_wait3A_185 = arith.constant 0 : i32
      %dma_wait3A_186 = tpu.memref_slice %arg5[%dma_wait3A_179, %dma_wait3A_185] : memref<8x200xi32, #tpu.memory_space<vmem>> -> memref<1x200xi32, #tpu.memory_space<vmem>>
      %dma_wait3A_187 = tpu.memref_squeeze %dma_wait3A_186 : memref<1x200xi32, #tpu.memory_space<vmem>> -> memref<200xi32, #tpu.memory_space<vmem>>
      %dma_wait3A_188 = arith.constant 0 : i32
      %dma_wait3A_189 = arith.constant 0 : i32
      %dma_wait3A_190 = tpu.memref_slice %arg3[%dma_wait3A_188, %dma_wait3A_189] : memref<100000x64xbf16, #tpu.memory_space<hbm>> -> memref<100000x64xbf16, #tpu.memory_space<hbm>>
      tpu.wait_indirect_dma semaphore(%arg11 : memref<!tpu.dma_semaphore, #tpu.memory_space<semaphore_mem>>) src(%dma_wait3A_190 : memref<100000x64xbf16, #tpu.memory_space<hbm>>) dst(%dma_wait3A_184 : memref<200x64xbf16, #tpu.memory_space<vmem>>)
      %broadcast_in_dim3A_191 = arith.constant 0.000000e+00 : f32
      %broadcast_in_dim3A_192 = vector.broadcast %broadcast_in_dim3A_191 : f32 to vector<16xf32>
      %broadcast_in_dim3A_193 = arith.constant 0.000000e+00 : f32
      %broadcast_in_dim3A_194 = vector.broadcast %broadcast_in_dim3A_193 : f32 to vector<16xf32>
      %broadcast_in_dim3A_195 = arith.constant 0.000000e+00 : f32
      %broadcast_in_dim3A_196 = vector.broadcast %broadcast_in_dim3A_195 : f32 to vector<16xf32>
      %broadcast_in_dim3A_197 = arith.constant 0.000000e+00 : f32
      %broadcast_in_dim3A_198 = vector.broadcast %broadcast_in_dim3A_197 : f32 to vector<16xf32>
      %scan3A_199 = arith.constant 0 : i32
      %scan3A_200 = arith.constant 100 : i32
      %scan3A_201 = arith.addi %scan3A_199, %scan3A_200 : i32
      %scan3A_202 = arith.constant 4 : i32
      %scan3A_203:4 = scf.for %scan3A_853 = %scan3A_199 to %scan3A_201 step %scan3A_202 iter_args(%scan3A_854 = %broadcast_in_dim3A_192, %scan3A_855 = %broadcast_in_dim3A_194, %scan3A_856 = %broadcast_in_dim3A_196, %scan3A_857 = %broadcast_in_dim3A_198) -> (vector<16xf32>, vector<16xf32>, vector<16xf32>, vector<16xf32>)  : i32 {
        %mul3A_858 = arith.constant 2 : i32
        %mul3A_859 = arith.muli %mul3A_858, %scan3A_853 : i32
        %get3A = arith.constant 1 : i32
        %get3A_860 = arith.index_cast %get3A : i32 to index
        %get3A_861 = arith.index_cast %mul3A_859 : i32 to index
        %get3A_862 = arith.constant 0 : index
        %get3A_863 = tpu.vector_load %arg7[%get3A_860, %get3A_861, %get3A_862] {strides = array<i32>} : memref<8x200x64xbf16, #tpu.memory_space<vmem>>, vector<32xbf16>,
        %add3A_864 = arith.constant 1 : i32
        %add3A_865 = arith.addi %mul3A_859, %add3A_864 : i32
        %get3A_866 = arith.constant 1 : i32
        %get3A_867 = arith.index_cast %get3A_866 : i32 to index
        %get3A_868 = arith.index_cast %add3A_865 : i32 to index
        %get3A_869 = arith.constant 0 : index
        %get3A_870 = tpu.vector_load %arg7[%get3A_867, %get3A_868, %get3A_869] {strides = array<i32>} : memref<8x200x64xbf16, #tpu.memory_space<vmem>>, vector<32xbf16>,
        %add3A_871 = arith.addf %get3A_863, %get3A_870 : vector<32xbf16>
        %unpack3A = tpu.unpack_subelements %add3A_871, 0 {pack_format = #tpu.pack_format<interleaved>} : vector<32xbf16> -> vector<16xf32>
        %unpack3A_872 = tpu.unpack_subelements %add3A_871, 1 {pack_format = #tpu.pack_format<interleaved>} : vector<32xbf16> -> vector<16xf32>
        %add3A_873 = arith.addf %scan3A_854, %unpack3A : vector<16xf32>
        %add3A_874 = arith.addf %scan3A_855, %unpack3A_872 : vector<16xf32>
        %get3A_875 = arith.constant 1 : i32
        %get3A_876 = arith.index_cast %get3A_875 : i32 to index
        %get3A_877 = arith.index_cast %mul3A_859 : i32 to index
        %get3A_878 = arith.constant 32 : index
        %get3A_879 = tpu.vector_load %arg7[%get3A_876, %get3A_877, %get3A_878] {strides = array<i32>} : memref<8x200x64xbf16, #tpu.memory_space<vmem>>, vector<32xbf16>,
        %add3A_880 = arith.constant 1 : i32
        %add3A_881 = arith.addi %mul3A_859, %add3A_880 : i32
        %get3A_882 = arith.constant 1 : i32
        %get3A_883 = arith.index_cast %get3A_882 : i32 to index
        %get3A_884 = arith.index_cast %add3A_881 : i32 to index
        %get3A_885 = arith.constant 32 : index
        %get3A_886 = tpu.vector_load %arg7[%get3A_883, %get3A_884, %get3A_885] {strides = array<i32>} : memref<8x200x64xbf16, #tpu.memory_space<vmem>>, vector<32xbf16>,
        %add3A_887 = arith.addf %get3A_879, %get3A_886 : vector<32xbf16>
        %unpack3A_888 = tpu.unpack_subelements %add3A_887, 0 {pack_format = #tpu.pack_format<interleaved>} : vector<32xbf16> -> vector<16xf32>
        %unpack3A_889 = tpu.unpack_subelements %add3A_887, 1 {pack_format = #tpu.pack_format<interleaved>} : vector<32xbf16> -> vector<16xf32>
        %add3A_890 = arith.addf %scan3A_856, %unpack3A_888 : vector<16xf32>
        %add3A_891 = arith.addf %scan3A_857, %unpack3A_889 : vector<16xf32>
        %scan3A_892 = arith.constant 1 : i32
        %scan3A_893 = arith.addi %scan3A_853, %scan3A_892 : i32
        %mul3A_894 = arith.constant 2 : i32
        %mul3A_895 = arith.muli %mul3A_894, %scan3A_893 : i32
        %get3A_896 = arith.constant 1 : i32
        %get3A_897 = arith.index_cast %get3A_896 : i32 to index
        %get3A_898 = arith.index_cast %mul3A_895 : i32 to index
        %get3A_899 = arith.constant 0 : index
        %get3A_900 = tpu.vector_load %arg7[%get3A_897, %get3A_898, %get3A_899] {strides = array<i32>} : memref<8x200x64xbf16, #tpu.memory_space<vmem>>, vector<32xbf16>,
        %add3A_901 = arith.constant 1 : i32
        %add3A_902 = arith.addi %mul3A_895, %add3A_901 : i32
        %get3A_903 = arith.constant 1 : i32
        %get3A_904 = arith.index_cast %get3A_903 : i32 to index
        %get3A_905 = arith.index_cast %add3A_902 : i32 to index
        %get3A_906 = arith.constant 0 : index
        %get3A_907 = tpu.vector_load %arg7[%get3A_904, %get3A_905, %get3A_906] {strides = array<i32>} : memref<8x200x64xbf16, #tpu.memory_space<vmem>>, vector<32xbf16>,
        %add3A_908 = arith.addf %get3A_900, %get3A_907 : vector<32xbf16>
        %unpack3A_909 = tpu.unpack_subelements %add3A_908, 0 {pack_format = #tpu.pack_format<interleaved>} : vector<32xbf16> -> vector<16xf32>
        %unpack3A_910 = tpu.unpack_subelements %add3A_908, 1 {pack_format = #tpu.pack_format<interleaved>} : vector<32xbf16> -> vector<16xf32>
        %add3A_911 = arith.addf %add3A_873, %unpack3A_909 : vector<16xf32>
        %add3A_912 = arith.addf %add3A_874, %unpack3A_910 : vector<16xf32>
        %get3A_913 = arith.constant 1 : i32
        %get3A_914 = arith.index_cast %get3A_913 : i32 to index
        %get3A_915 = arith.index_cast %mul3A_895 : i32 to index
        %get3A_916 = arith.constant 32 : index
        %get3A_917 = tpu.vector_load %arg7[%get3A_914, %get3A_915, %get3A_916] {strides = array<i32>} : memref<8x200x64xbf16, #tpu.memory_space<vmem>>, vector<32xbf16>,
        %add3A_918 = arith.constant 1 : i32
        %add3A_919 = arith.addi %mul3A_895, %add3A_918 : i32
        %get3A_920 = arith.constant 1 : i32
        %get3A_921 = arith.index_cast %get3A_920 : i32 to index
        %get3A_922 = arith.index_cast %add3A_919 : i32 to index
        %get3A_923 = arith.constant 32 : index
        %get3A_924 = tpu.vector_load %arg7[%get3A_921, %get3A_922, %get3A_923] {strides = array<i32>} : memref<8x200x64xbf16, #tpu.memory_space<vmem>>, vector<32xbf16>,
        %add3A_925 = arith.addf %get3A_917, %get3A_924 : vector<32xbf16>
        %unpack3A_926 = tpu.unpack_subelements %add3A_925, 0 {pack_format = #tpu.pack_format<interleaved>} : vector<32xbf16> -> vector<16xf32>
        %unpack3A_927 = tpu.unpack_subelements %add3A_925, 1 {pack_format = #tpu.pack_format<interleaved>} : vector<32xbf16> -> vector<16xf32>
        %add3A_928 = arith.addf %add3A_890, %unpack3A_926 : vector<16xf32>
        %add3A_929 = arith.addf %add3A_891, %unpack3A_927 : vector<16xf32>
        %scan3A_930 = arith.constant 2 : i32
        %scan3A_931 = arith.addi %scan3A_853, %scan3A_930 : i32
        %mul3A_932 = arith.constant 2 : i32
        %mul3A_933 = arith.muli %mul3A_932, %scan3A_931 : i32
        %get3A_934 = arith.constant 1 : i32
        %get3A_935 = arith.index_cast %get3A_934 : i32 to index
        %get3A_936 = arith.index_cast %mul3A_933 : i32 to index
        %get3A_937 = arith.constant 0 : index
        %get3A_938 = tpu.vector_load %arg7[%get3A_935, %get3A_936, %get3A_937] {strides = array<i32>} : memref<8x200x64xbf16, #tpu.memory_space<vmem>>, vector<32xbf16>,
        %add3A_939 = arith.constant 1 : i32
        %add3A_940 = arith.addi %mul3A_933, %add3A_939 : i32
        %get3A_941 = arith.constant 1 : i32
        %get3A_942 = arith.index_cast %get3A_941 : i32 to index
        %get3A_943 = arith.index_cast %add3A_940 : i32 to index
        %get3A_944 = arith.constant 0 : index
        %get3A_945 = tpu.vector_load %arg7[%get3A_942, %get3A_943, %get3A_944] {strides = array<i32>} : memref<8x200x64xbf16, #tpu.memory_space<vmem>>, vector<32xbf16>,
        %add3A_946 = arith.addf %get3A_938, %get3A_945 : vector<32xbf16>
        %unpack3A_947 = tpu.unpack_subelements %add3A_946, 0 {pack_format = #tpu.pack_format<interleaved>} : vector<32xbf16> -> vector<16xf32>
        %unpack3A_948 = tpu.unpack_subelements %add3A_946, 1 {pack_format = #tpu.pack_format<interleaved>} : vector<32xbf16> -> vector<16xf32>
        %add3A_949 = arith.addf %add3A_911, %unpack3A_947 : vector<16xf32>
        %add3A_950 = arith.addf %add3A_912, %unpack3A_948 : vector<16xf32>
        %get3A_951 = arith.constant 1 : i32
        %get3A_952 = arith.index_cast %get3A_951 : i32 to index
        %get3A_953 = arith.index_cast %mul3A_933 : i32 to index
        %get3A_954 = arith.constant 32 : index
        %get3A_955 = tpu.vector_load %arg7[%get3A_952, %get3A_953, %get3A_954] {strides = array<i32>} : memref<8x200x64xbf16, #tpu.memory_space<vmem>>, vector<32xbf16>,
        %add3A_956 = arith.constant 1 : i32
        %add3A_957 = arith.addi %mul3A_933, %add3A_956 : i32
        %get3A_958 = arith.constant 1 : i32
        %get3A_959 = arith.index_cast %get3A_958 : i32 to index
        %get3A_960 = arith.index_cast %add3A_957 : i32 to index
        %get3A_961 = arith.constant 32 : index
        %get3A_962 = tpu.vector_load %arg7[%get3A_959, %get3A_960, %get3A_961] {strides = array<i32>} : memref<8x200x64xbf16, #tpu.memory_space<vmem>>, vector<32xbf16>,
        %add3A_963 = arith.addf %get3A_955, %get3A_962 : vector<32xbf16>
        %unpack3A_964 = tpu.unpack_subelements %add3A_963, 0 {pack_format = #tpu.pack_format<interleaved>} : vector<32xbf16> -> vector<16xf32>
        %unpack3A_965 = tpu.unpack_subelements %add3A_963, 1 {pack_format = #tpu.pack_format<interleaved>} : vector<32xbf16> -> vector<16xf32>
        %add3A_966 = arith.addf %add3A_928, %unpack3A_964 : vector<16xf32>
        %add3A_967 = arith.addf %add3A_929, %unpack3A_965 : vector<16xf32>
        %scan3A_968 = arith.constant 3 : i32
        %scan3A_969 = arith.addi %scan3A_853, %scan3A_968 : i32
        %mul3A_970 = arith.constant 2 : i32
        %mul3A_971 = arith.muli %mul3A_970, %scan3A_969 : i32
        %get3A_972 = arith.constant 1 : i32
        %get3A_973 = arith.index_cast %get3A_972 : i32 to index
        %get3A_974 = arith.index_cast %mul3A_971 : i32 to index
        %get3A_975 = arith.constant 0 : index
        %get3A_976 = tpu.vector_load %arg7[%get3A_973, %get3A_974, %get3A_975] {strides = array<i32>} : memref<8x200x64xbf16, #tpu.memory_space<vmem>>, vector<32xbf16>,
        %add3A_977 = arith.constant 1 : i32
        %add3A_978 = arith.addi %mul3A_971, %add3A_977 : i32
        %get3A_979 = arith.constant 1 : i32
        %get3A_980 = arith.index_cast %get3A_979 : i32 to index
        %get3A_981 = arith.index_cast %add3A_978 : i32 to index
        %get3A_982 = arith.constant 0 : index
        %get3A_983 = tpu.vector_load %arg7[%get3A_980, %get3A_981, %get3A_982] {strides = array<i32>} : memref<8x200x64xbf16, #tpu.memory_space<vmem>>, vector<32xbf16>,
        %add3A_984 = arith.addf %get3A_976, %get3A_983 : vector<32xbf16>
        %unpack3A_985 = tpu.unpack_subelements %add3A_984, 0 {pack_format = #tpu.pack_format<interleaved>} : vector<32xbf16> -> vector<16xf32>
        %unpack3A_986 = tpu.unpack_subelements %add3A_984, 1 {pack_format = #tpu.pack_format<interleaved>} : vector<32xbf16> -> vector<16xf32>
        %add3A_987 = arith.addf %add3A_949, %unpack3A_985 : vector<16xf32>
        %add3A_988 = arith.addf %add3A_950, %unpack3A_986 : vector<16xf32>
        %get3A_989 = arith.constant 1 : i32
        %get3A_990 = arith.index_cast %get3A_989 : i32 to index
        %get3A_991 = arith.index_cast %mul3A_971 : i32 to index
        %get3A_992 = arith.constant 32 : index
        %get3A_993 = tpu.vector_load %arg7[%get3A_990, %get3A_991, %get3A_992] {strides = array<i32>} : memref<8x200x64xbf16, #tpu.memory_space<vmem>>, vector<32xbf16>,
        %add3A_994 = arith.constant 1 : i32
        %add3A_995 = arith.addi %mul3A_971, %add3A_994 : i32
        %get3A_996 = arith.constant 1 : i32
        %get3A_997 = arith.index_cast %get3A_996 : i32 to index
        %get3A_998 = arith.index_cast %add3A_995 : i32 to index
        %get3A_999 = arith.constant 32 : index
        %get3A_1000 = tpu.vector_load %arg7[%get3A_997, %get3A_998, %get3A_999] {strides = array<i32>} : memref<8x200x64xbf16, #tpu.memory_space<vmem>>, vector<32xbf16>,
        %add3A_1001 = arith.addf %get3A_993, %get3A_1000 : vector<32xbf16>
        %unpack3A_1002 = tpu.unpack_subelements %add3A_1001, 0 {pack_format = #tpu.pack_format<interleaved>} : vector<32xbf16> -> vector<16xf32>
        %unpack3A_1003 = tpu.unpack_subelements %add3A_1001, 1 {pack_format = #tpu.pack_format<interleaved>} : vector<32xbf16> -> vector<16xf32>
        %add3A_1004 = arith.addf %add3A_966, %unpack3A_1002 : vector<16xf32>
        %add3A_1005 = arith.addf %add3A_967, %unpack3A_1003 : vector<16xf32>
        scf.yield %add3A_987, %add3A_988, %add3A_1004, %add3A_1005 : vector<16xf32>, vector<16xf32>, vector<16xf32>, vector<16xf32>
      }
      %scan3A_204 = arith.constant 100 : i32
      %swap3A_205 = arith.constant 1 : i32
      %swap3A_206 = arith.index_cast %swap3A_205 : i32 to index
      %swap3A_207 = arith.constant 0 : index
      %swap3A_208 = tpu.vector_load %arg9[%swap3A_206, %swap3A_207] {strides = array<i32>} : memref<8x64xf32, #tpu.memory_space<vmem>>, vector<16xf32>,
      tpu.vector_store %arg9[%swap3A_206, %swap3A_207], %scan3A_203#0 {strides = array<i32>} : memref<8x64xf32, #tpu.memory_space<vmem>>, vector<16xf32>,
      %swap3A_209 = arith.constant 1 : i32
      %swap3A_210 = arith.index_cast %swap3A_209 : i32 to index
      %swap3A_211 = arith.constant 16 : index
      %swap3A_212 = tpu.vector_load %arg9[%swap3A_210, %swap3A_211] {strides = array<i32>} : memref<8x64xf32, #tpu.memory_space<vmem>>, vector<16xf32>,
      tpu.vector_store %arg9[%swap3A_210, %swap3A_211], %scan3A_203#1 {strides = array<i32>} : memref<8x64xf32, #tpu.memory_space<vmem>>, vector<16xf32>,
      %swap3A_213 = arith.constant 1 : i32
      %swap3A_214 = arith.index_cast %swap3A_213 : i32 to index
      %swap3A_215 = arith.constant 32 : index
      %swap3A_216 = tpu.vector_load %arg9[%swap3A_214, %swap3A_215] {strides = array<i32>} : memref<8x64xf32, #tpu.memory_space<vmem>>, vector<16xf32>,
      tpu.vector_store %arg9[%swap3A_214, %swap3A_215], %scan3A_203#2 {strides = array<i32>} : memref<8x64xf32, #tpu.memory_space<vmem>>, vector<16xf32>,
      %swap3A_217 = arith.constant 1 : i32
      %swap3A_218 = arith.index_cast %swap3A_217 : i32 to index
      %swap3A_219 = arith.constant 48 : index
      %swap3A_220 = tpu.vector_load %arg9[%swap3A_218, %swap3A_219] {strides = array<i32>} : memref<8x64xf32, #tpu.memory_space<vmem>>, vector<16xf32>,
      tpu.vector_store %arg9[%swap3A_218, %swap3A_219], %scan3A_203#3 {strides = array<i32>} : memref<8x64xf32, #tpu.memory_space<vmem>>, vector<16xf32>,
      %dma_wait3A_221 = arith.constant 2 : i32
      %dma_wait3A_222 = arith.constant 2 : i32
      %dma_wait3A_223 = arith.constant 0 : i32
      %dma_wait3A_224 = arith.constant 0 : i32
      %dma_wait3A_225 = tpu.memref_slice %arg7[%dma_wait3A_222, %dma_wait3A_223, %dma_wait3A_224] : memref<8x200x64xbf16, #tpu.memory_space<vmem>> -> memref<1x200x64xbf16, #tpu.memory_space<vmem>>
      %dma_wait3A_226 = tpu.memref_squeeze %dma_wait3A_225 : memref<1x200x64xbf16, #tpu.memory_space<vmem>> -> memref<200x64xbf16, #tpu.memory_space<vmem>>
      %dma_wait3A_227 = arith.constant 0 : i32
      %dma_wait3A_228 = tpu.memref_slice %arg5[%dma_wait3A_221, %dma_wait3A_227] : memref<8x200xi32, #tpu.memory_space<vmem>> -> memref<1x200xi32, #tpu.memory_space<vmem>>
      %dma_wait3A_229 = tpu.memref_squeeze %dma_wait3A_228 : memref<1x200xi32, #tpu.memory_space<vmem>> -> memref<200xi32, #tpu.memory_space<vmem>>
      %dma_wait3A_230 = arith.constant 0 : i32
      %dma_wait3A_231 = arith.constant 0 : i32
      %dma_wait3A_232 = tpu.memref_slice %arg3[%dma_wait3A_230, %dma_wait3A_231] : memref<100000x64xbf16, #tpu.memory_space<hbm>> -> memref<100000x64xbf16, #tpu.memory_space<hbm>>
      tpu.wait_indirect_dma semaphore(%arg11 : memref<!tpu.dma_semaphore, #tpu.memory_space<semaphore_mem>>) src(%dma_wait3A_232 : memref<100000x64xbf16, #tpu.memory_space<hbm>>) dst(%dma_wait3A_226 : memref<200x64xbf16, #tpu.memory_space<vmem>>)
      %broadcast_in_dim3A_233 = arith.constant 0.000000e+00 : f32
      %broadcast_in_dim3A_234 = vector.broadcast %broadcast_in_dim3A_233 : f32 to vector<16xf32>
      %broadcast_in_dim3A_235 = arith.constant 0.000000e+00 : f32
      %broadcast_in_dim3A_236 = vector.broadcast %broadcast_in_dim3A_235 : f32 to vector<16xf32>
      %broadcast_in_dim3A_237 = arith.constant 0.000000e+00 : f32
      %broadcast_in_dim3A_238 = vector.broadcast %broadcast_in_dim3A_237 : f32 to vector<16xf32>
      %broadcast_in_dim3A_239 = arith.constant 0.000000e+00 : f32
      %broadcast_in_dim3A_240 = vector.broadcast %broadcast_in_dim3A_239 : f32 to vector<16xf32>
      %scan3A_241 = arith.constant 0 : i32
      %scan3A_242 = arith.constant 100 : i32
      %scan3A_243 = arith.addi %scan3A_241, %scan3A_242 : i32
      %scan3A_244 = arith.constant 4 : i32
      %scan3A_245:4 = scf.for %scan3A_853 = %scan3A_241 to %scan3A_243 step %scan3A_244 iter_args(%scan3A_854 = %broadcast_in_dim3A_234, %scan3A_855 = %broadcast_in_dim3A_236, %scan3A_856 = %broadcast_in_dim3A_238, %scan3A_857 = %broadcast_in_dim3A_240) -> (vector<16xf32>, vector<16xf32>, vector<16xf32>, vector<16xf32>)  : i32 {
        %mul3A_858 = arith.constant 2 : i32
        %mul3A_859 = arith.muli %mul3A_858, %scan3A_853 : i32
        %get3A = arith.constant 2 : i32
        %get3A_860 = arith.index_cast %get3A : i32 to index
        %get3A_861 = arith.index_cast %mul3A_859 : i32 to index
        %get3A_862 = arith.constant 0 : index
        %get3A_863 = tpu.vector_load %arg7[%get3A_860, %get3A_861, %get3A_862] {strides = array<i32>} : memref<8x200x64xbf16, #tpu.memory_space<vmem>>, vector<32xbf16>,
        %add3A_864 = arith.constant 1 : i32
        %add3A_865 = arith.addi %mul3A_859, %add3A_864 : i32
        %get3A_866 = arith.constant 2 : i32
        %get3A_867 = arith.index_cast %get3A_866 : i32 to index
        %get3A_868 = arith.index_cast %add3A_865 : i32 to index
        %get3A_869 = arith.constant 0 : index
        %get3A_870 = tpu.vector_load %arg7[%get3A_867, %get3A_868, %get3A_869] {strides = array<i32>} : memref<8x200x64xbf16, #tpu.memory_space<vmem>>, vector<32xbf16>,
        %add3A_871 = arith.addf %get3A_863, %get3A_870 : vector<32xbf16>
        %unpack3A = tpu.unpack_subelements %add3A_871, 0 {pack_format = #tpu.pack_format<interleaved>} : vector<32xbf16> -> vector<16xf32>
        %unpack3A_872 = tpu.unpack_subelements %add3A_871, 1 {pack_format = #tpu.pack_format<interleaved>} : vector<32xbf16> -> vector<16xf32>
        %add3A_873 = arith.addf %scan3A_854, %unpack3A : vector<16xf32>
        %add3A_874 = arith.addf %scan3A_855, %unpack3A_872 : vector<16xf32>
        %get3A_875 = arith.constant 2 : i32
        %get3A_876 = arith.index_cast %get3A_875 : i32 to index
        %get3A_877 = arith.index_cast %mul3A_859 : i32 to index
        %get3A_878 = arith.constant 32 : index
        %get3A_879 = tpu.vector_load %arg7[%get3A_876, %get3A_877, %get3A_878] {strides = array<i32>} : memref<8x200x64xbf16, #tpu.memory_space<vmem>>, vector<32xbf16>,
        %add3A_880 = arith.constant 1 : i32
        %add3A_881 = arith.addi %mul3A_859, %add3A_880 : i32
        %get3A_882 = arith.constant 2 : i32
        %get3A_883 = arith.index_cast %get3A_882 : i32 to index
        %get3A_884 = arith.index_cast %add3A_881 : i32 to index
        %get3A_885 = arith.constant 32 : index
        %get3A_886 = tpu.vector_load %arg7[%get3A_883, %get3A_884, %get3A_885] {strides = array<i32>} : memref<8x200x64xbf16, #tpu.memory_space<vmem>>, vector<32xbf16>,
        %add3A_887 = arith.addf %get3A_879, %get3A_886 : vector<32xbf16>
        %unpack3A_888 = tpu.unpack_subelements %add3A_887, 0 {pack_format = #tpu.pack_format<interleaved>} : vector<32xbf16> -> vector<16xf32>
        %unpack3A_889 = tpu.unpack_subelements %add3A_887, 1 {pack_format = #tpu.pack_format<interleaved>} : vector<32xbf16> -> vector<16xf32>
        %add3A_890 = arith.addf %scan3A_856, %unpack3A_888 : vector<16xf32>
        %add3A_891 = arith.addf %scan3A_857, %unpack3A_889 : vector<16xf32>
        %scan3A_892 = arith.constant 1 : i32
        %scan3A_893 = arith.addi %scan3A_853, %scan3A_892 : i32
        %mul3A_894 = arith.constant 2 : i32
        %mul3A_895 = arith.muli %mul3A_894, %scan3A_893 : i32
        %get3A_896 = arith.constant 2 : i32
        %get3A_897 = arith.index_cast %get3A_896 : i32 to index
        %get3A_898 = arith.index_cast %mul3A_895 : i32 to index
        %get3A_899 = arith.constant 0 : index
        %get3A_900 = tpu.vector_load %arg7[%get3A_897, %get3A_898, %get3A_899] {strides = array<i32>} : memref<8x200x64xbf16, #tpu.memory_space<vmem>>, vector<32xbf16>,
        %add3A_901 = arith.constant 1 : i32
        %add3A_902 = arith.addi %mul3A_895, %add3A_901 : i32
        %get3A_903 = arith.constant 2 : i32
        %get3A_904 = arith.index_cast %get3A_903 : i32 to index
        %get3A_905 = arith.index_cast %add3A_902 : i32 to index
        %get3A_906 = arith.constant 0 : index
        %get3A_907 = tpu.vector_load %arg7[%get3A_904, %get3A_905, %get3A_906] {strides = array<i32>} : memref<8x200x64xbf16, #tpu.memory_space<vmem>>, vector<32xbf16>,
        %add3A_908 = arith.addf %get3A_900, %get3A_907 : vector<32xbf16>
        %unpack3A_909 = tpu.unpack_subelements %add3A_908, 0 {pack_format = #tpu.pack_format<interleaved>} : vector<32xbf16> -> vector<16xf32>
        %unpack3A_910 = tpu.unpack_subelements %add3A_908, 1 {pack_format = #tpu.pack_format<interleaved>} : vector<32xbf16> -> vector<16xf32>
        %add3A_911 = arith.addf %add3A_873, %unpack3A_909 : vector<16xf32>
        %add3A_912 = arith.addf %add3A_874, %unpack3A_910 : vector<16xf32>
        %get3A_913 = arith.constant 2 : i32
        %get3A_914 = arith.index_cast %get3A_913 : i32 to index
        %get3A_915 = arith.index_cast %mul3A_895 : i32 to index
        %get3A_916 = arith.constant 32 : index
        %get3A_917 = tpu.vector_load %arg7[%get3A_914, %get3A_915, %get3A_916] {strides = array<i32>} : memref<8x200x64xbf16, #tpu.memory_space<vmem>>, vector<32xbf16>,
        %add3A_918 = arith.constant 1 : i32
        %add3A_919 = arith.addi %mul3A_895, %add3A_918 : i32
        %get3A_920 = arith.constant 2 : i32
        %get3A_921 = arith.index_cast %get3A_920 : i32 to index
        %get3A_922 = arith.index_cast %add3A_919 : i32 to index
        %get3A_923 = arith.constant 32 : index
        %get3A_924 = tpu.vector_load %arg7[%get3A_921, %get3A_922, %get3A_923] {strides = array<i32>} : memref<8x200x64xbf16, #tpu.memory_space<vmem>>, vector<32xbf16>,
        %add3A_925 = arith.addf %get3A_917, %get3A_924 : vector<32xbf16>
        %unpack3A_926 = tpu.unpack_subelements %add3A_925, 0 {pack_format = #tpu.pack_format<interleaved>} : vector<32xbf16> -> vector<16xf32>
        %unpack3A_927 = tpu.unpack_subelements %add3A_925, 1 {pack_format = #tpu.pack_format<interleaved>} : vector<32xbf16> -> vector<16xf32>
        %add3A_928 = arith.addf %add3A_890, %unpack3A_926 : vector<16xf32>
        %add3A_929 = arith.addf %add3A_891, %unpack3A_927 : vector<16xf32>
        %scan3A_930 = arith.constant 2 : i32
        %scan3A_931 = arith.addi %scan3A_853, %scan3A_930 : i32
        %mul3A_932 = arith.constant 2 : i32
        %mul3A_933 = arith.muli %mul3A_932, %scan3A_931 : i32
        %get3A_934 = arith.constant 2 : i32
        %get3A_935 = arith.index_cast %get3A_934 : i32 to index
        %get3A_936 = arith.index_cast %mul3A_933 : i32 to index
        %get3A_937 = arith.constant 0 : index
        %get3A_938 = tpu.vector_load %arg7[%get3A_935, %get3A_936, %get3A_937] {strides = array<i32>} : memref<8x200x64xbf16, #tpu.memory_space<vmem>>, vector<32xbf16>,
        %add3A_939 = arith.constant 1 : i32
        %add3A_940 = arith.addi %mul3A_933, %add3A_939 : i32
        %get3A_941 = arith.constant 2 : i32
        %get3A_942 = arith.index_cast %get3A_941 : i32 to index
        %get3A_943 = arith.index_cast %add3A_940 : i32 to index
        %get3A_944 = arith.constant 0 : index
        %get3A_945 = tpu.vector_load %arg7[%get3A_942, %get3A_943, %get3A_944] {strides = array<i32>} : memref<8x200x64xbf16, #tpu.memory_space<vmem>>, vector<32xbf16>,
        %add3A_946 = arith.addf %get3A_938, %get3A_945 : vector<32xbf16>
        %unpack3A_947 = tpu.unpack_subelements %add3A_946, 0 {pack_format = #tpu.pack_format<interleaved>} : vector<32xbf16> -> vector<16xf32>
        %unpack3A_948 = tpu.unpack_subelements %add3A_946, 1 {pack_format = #tpu.pack_format<interleaved>} : vector<32xbf16> -> vector<16xf32>
        %add3A_949 = arith.addf %add3A_911, %unpack3A_947 : vector<16xf32>
        %add3A_950 = arith.addf %add3A_912, %unpack3A_948 : vector<16xf32>
        %get3A_951 = arith.constant 2 : i32
        %get3A_952 = arith.index_cast %get3A_951 : i32 to index
        %get3A_953 = arith.index_cast %mul3A_933 : i32 to index
        %get3A_954 = arith.constant 32 : index
        %get3A_955 = tpu.vector_load %arg7[%get3A_952, %get3A_953, %get3A_954] {strides = array<i32>} : memref<8x200x64xbf16, #tpu.memory_space<vmem>>, vector<32xbf16>,
        %add3A_956 = arith.constant 1 : i32
        %add3A_957 = arith.addi %mul3A_933, %add3A_956 : i32
        %get3A_958 = arith.constant 2 : i32
        %get3A_959 = arith.index_cast %get3A_958 : i32 to index
        %get3A_960 = arith.index_cast %add3A_957 : i32 to index
        %get3A_961 = arith.constant 32 : index
        %get3A_962 = tpu.vector_load %arg7[%get3A_959, %get3A_960, %get3A_961] {strides = array<i32>} : memref<8x200x64xbf16, #tpu.memory_space<vmem>>, vector<32xbf16>,
        %add3A_963 = arith.addf %get3A_955, %get3A_962 : vector<32xbf16>
        %unpack3A_964 = tpu.unpack_subelements %add3A_963, 0 {pack_format = #tpu.pack_format<interleaved>} : vector<32xbf16> -> vector<16xf32>
        %unpack3A_965 = tpu.unpack_subelements %add3A_963, 1 {pack_format = #tpu.pack_format<interleaved>} : vector<32xbf16> -> vector<16xf32>
        %add3A_966 = arith.addf %add3A_928, %unpack3A_964 : vector<16xf32>
        %add3A_967 = arith.addf %add3A_929, %unpack3A_965 : vector<16xf32>
        %scan3A_968 = arith.constant 3 : i32
        %scan3A_969 = arith.addi %scan3A_853, %scan3A_968 : i32
        %mul3A_970 = arith.constant 2 : i32
        %mul3A_971 = arith.muli %mul3A_970, %scan3A_969 : i32
        %get3A_972 = arith.constant 2 : i32
        %get3A_973 = arith.index_cast %get3A_972 : i32 to index
        %get3A_974 = arith.index_cast %mul3A_971 : i32 to index
        %get3A_975 = arith.constant 0 : index
        %get3A_976 = tpu.vector_load %arg7[%get3A_973, %get3A_974, %get3A_975] {strides = array<i32>} : memref<8x200x64xbf16, #tpu.memory_space<vmem>>, vector<32xbf16>,
        %add3A_977 = arith.constant 1 : i32
        %add3A_978 = arith.addi %mul3A_971, %add3A_977 : i32
        %get3A_979 = arith.constant 2 : i32
        %get3A_980 = arith.index_cast %get3A_979 : i32 to index
        %get3A_981 = arith.index_cast %add3A_978 : i32 to index
        %get3A_982 = arith.constant 0 : index
        %get3A_983 = tpu.vector_load %arg7[%get3A_980, %get3A_981, %get3A_982] {strides = array<i32>} : memref<8x200x64xbf16, #tpu.memory_space<vmem>>, vector<32xbf16>,
        %add3A_984 = arith.addf %get3A_976, %get3A_983 : vector<32xbf16>
        %unpack3A_985 = tpu.unpack_subelements %add3A_984, 0 {pack_format = #tpu.pack_format<interleaved>} : vector<32xbf16> -> vector<16xf32>
        %unpack3A_986 = tpu.unpack_subelements %add3A_984, 1 {pack_format = #tpu.pack_format<interleaved>} : vector<32xbf16> -> vector<16xf32>
        %add3A_987 = arith.addf %add3A_949, %unpack3A_985 : vector<16xf32>
        %add3A_988 = arith.addf %add3A_950, %unpack3A_986 : vector<16xf32>
        %get3A_989 = arith.constant 2 : i32
        %get3A_990 = arith.index_cast %get3A_989 : i32 to index
        %get3A_991 = arith.index_cast %mul3A_971 : i32 to index
        %get3A_992 = arith.constant 32 : index
        %get3A_993 = tpu.vector_load %arg7[%get3A_990, %get3A_991, %get3A_992] {strides = array<i32>} : memref<8x200x64xbf16, #tpu.memory_space<vmem>>, vector<32xbf16>,
        %add3A_994 = arith.constant 1 : i32
        %add3A_995 = arith.addi %mul3A_971, %add3A_994 : i32
        %get3A_996 = arith.constant 2 : i32
        %get3A_997 = arith.index_cast %get3A_996 : i32 to index
        %get3A_998 = arith.index_cast %add3A_995 : i32 to index
        %get3A_999 = arith.constant 32 : index
        %get3A_1000 = tpu.vector_load %arg7[%get3A_997, %get3A_998, %get3A_999] {strides = array<i32>} : memref<8x200x64xbf16, #tpu.memory_space<vmem>>, vector<32xbf16>,
        %add3A_1001 = arith.addf %get3A_993, %get3A_1000 : vector<32xbf16>
        %unpack3A_1002 = tpu.unpack_subelements %add3A_1001, 0 {pack_format = #tpu.pack_format<interleaved>} : vector<32xbf16> -> vector<16xf32>
        %unpack3A_1003 = tpu.unpack_subelements %add3A_1001, 1 {pack_format = #tpu.pack_format<interleaved>} : vector<32xbf16> -> vector<16xf32>
        %add3A_1004 = arith.addf %add3A_966, %unpack3A_1002 : vector<16xf32>
        %add3A_1005 = arith.addf %add3A_967, %unpack3A_1003 : vector<16xf32>
        scf.yield %add3A_987, %add3A_988, %add3A_1004, %add3A_1005 : vector<16xf32>, vector<16xf32>, vector<16xf32>, vector<16xf32>
      }
      %scan3A_246 = arith.constant 100 : i32
      %swap3A_247 = arith.constant 2 : i32
      %swap3A_248 = arith.index_cast %swap3A_247 : i32 to index
      %swap3A_249 = arith.constant 0 : index
      %swap3A_250 = tpu.vector_load %arg9[%swap3A_248, %swap3A_249] {strides = array<i32>} : memref<8x64xf32, #tpu.memory_space<vmem>>, vector<16xf32>,
      tpu.vector_store %arg9[%swap3A_248, %swap3A_249], %scan3A_245#0 {strides = array<i32>} : memref<8x64xf32, #tpu.memory_space<vmem>>, vector<16xf32>,
      %swap3A_251 = arith.constant 2 : i32
      %swap3A_252 = arith.index_cast %swap3A_251 : i32 to index
      %swap3A_253 = arith.constant 16 : index
      %swap3A_254 = tpu.vector_load %arg9[%swap3A_252, %swap3A_253] {strides = array<i32>} : memref<8x64xf32, #tpu.memory_space<vmem>>, vector<16xf32>,
      tpu.vector_store %arg9[%swap3A_252, %swap3A_253], %scan3A_245#1 {strides = array<i32>} : memref<8x64xf32, #tpu.memory_space<vmem>>, vector<16xf32>,
      %swap3A_255 = arith.constant 2 : i32
      %swap3A_256 = arith.index_cast %swap3A_255 : i32 to index
      %swap3A_257 = arith.constant 32 : index
      %swap3A_258 = tpu.vector_load %arg9[%swap3A_256, %swap3A_257] {strides = array<i32>} : memref<8x64xf32, #tpu.memory_space<vmem>>, vector<16xf32>,
      tpu.vector_store %arg9[%swap3A_256, %swap3A_257], %scan3A_245#2 {strides = array<i32>} : memref<8x64xf32, #tpu.memory_space<vmem>>, vector<16xf32>,
      %swap3A_259 = arith.constant 2 : i32
      %swap3A_260 = arith.index_cast %swap3A_259 : i32 to index
      %swap3A_261 = arith.constant 48 : index
      %swap3A_262 = tpu.vector_load %arg9[%swap3A_260, %swap3A_261] {strides = array<i32>} : memref<8x64xf32, #tpu.memory_space<vmem>>, vector<16xf32>,
      tpu.vector_store %arg9[%swap3A_260, %swap3A_261], %scan3A_245#3 {strides = array<i32>} : memref<8x64xf32, #tpu.memory_space<vmem>>, vector<16xf32>,
      %dma_wait3A_263 = arith.constant 3 : i32
      %dma_wait3A_264 = arith.constant 3 : i32
      %dma_wait3A_265 = arith.constant 0 : i32
      %dma_wait3A_266 = arith.constant 0 : i32
      %dma_wait3A_267 = tpu.memref_slice %arg7[%dma_wait3A_264, %dma_wait3A_265, %dma_wait3A_266] : memref<8x200x64xbf16, #tpu.memory_space<vmem>> -> memref<1x200x64xbf16, #tpu.memory_space<vmem>>
      %dma_wait3A_268 = tpu.memref_squeeze %dma_wait3A_267 : memref<1x200x64xbf16, #tpu.memory_space<vmem>> -> memref<200x64xbf16, #tpu.memory_space<vmem>>
      %dma_wait3A_269 = arith.constant 0 : i32
      %dma_wait3A_270 = tpu.memref_slice %arg5[%dma_wait3A_263, %dma_wait3A_269] : memref<8x200xi32, #tpu.memory_space<vmem>> -> memref<1x200xi32, #tpu.memory_space<vmem>>
      %dma_wait3A_271 = tpu.memref_squeeze %dma_wait3A_270 : memref<1x200xi32, #tpu.memory_space<vmem>> -> memref<200xi32, #tpu.memory_space<vmem>>
      %dma_wait3A_272 = arith.constant 0 : i32
      %dma_wait3A_273 = arith.constant 0 : i32
      %dma_wait3A_274 = tpu.memref_slice %arg3[%dma_wait3A_272, %dma_wait3A_273] : memref<100000x64xbf16, #tpu.memory_space<hbm>> -> memref<100000x64xbf16, #tpu.memory_space<hbm>>
      tpu.wait_indirect_dma semaphore(%arg11 : memref<!tpu.dma_semaphore, #tpu.memory_space<semaphore_mem>>) src(%dma_wait3A_274 : memref<100000x64xbf16, #tpu.memory_space<hbm>>) dst(%dma_wait3A_268 : memref<200x64xbf16, #tpu.memory_space<vmem>>)
      %broadcast_in_dim3A_275 = arith.constant 0.000000e+00 : f32
      %broadcast_in_dim3A_276 = vector.broadcast %broadcast_in_dim3A_275 : f32 to vector<16xf32>
      %broadcast_in_dim3A_277 = arith.constant 0.000000e+00 : f32
      %broadcast_in_dim3A_278 = vector.broadcast %broadcast_in_dim3A_277 : f32 to vector<16xf32>
      %broadcast_in_dim3A_279 = arith.constant 0.000000e+00 : f32
      %broadcast_in_dim3A_280 = vector.broadcast %broadcast_in_dim3A_279 : f32 to vector<16xf32>
      %broadcast_in_dim3A_281 = arith.constant 0.000000e+00 : f32
      %broadcast_in_dim3A_282 = vector.broadcast %broadcast_in_dim3A_281 : f32 to vector<16xf32>
      %scan3A_283 = arith.constant 0 : i32
      %scan3A_284 = arith.constant 100 : i32
      %scan3A_285 = arith.addi %scan3A_283, %scan3A_284 : i32
      %scan3A_286 = arith.constant 4 : i32
      %scan3A_287:4 = scf.for %scan3A_853 = %scan3A_283 to %scan3A_285 step %scan3A_286 iter_args(%scan3A_854 = %broadcast_in_dim3A_276, %scan3A_855 = %broadcast_in_dim3A_278, %scan3A_856 = %broadcast_in_dim3A_280, %scan3A_857 = %broadcast_in_dim3A_282) -> (vector<16xf32>, vector<16xf32>, vector<16xf32>, vector<16xf32>)  : i32 {
        %mul3A_858 = arith.constant 2 : i32
        %mul3A_859 = arith.muli %mul3A_858, %scan3A_853 : i32
        %get3A = arith.constant 3 : i32
        %get3A_860 = arith.index_cast %get3A : i32 to index
        %get3A_861 = arith.index_cast %mul3A_859 : i32 to index
        %get3A_862 = arith.constant 0 : index
        %get3A_863 = tpu.vector_load %arg7[%get3A_860, %get3A_861, %get3A_862] {strides = array<i32>} : memref<8x200x64xbf16, #tpu.memory_space<vmem>>, vector<32xbf16>,
        %add3A_864 = arith.constant 1 : i32
        %add3A_865 = arith.addi %mul3A_859, %add3A_864 : i32
        %get3A_866 = arith.constant 3 : i32
        %get3A_867 = arith.index_cast %get3A_866 : i32 to index
        %get3A_868 = arith.index_cast %add3A_865 : i32 to index
        %get3A_869 = arith.constant 0 : index
        %get3A_870 = tpu.vector_load %arg7[%get3A_867, %get3A_868, %get3A_869] {strides = array<i32>} : memref<8x200x64xbf16, #tpu.memory_space<vmem>>, vector<32xbf16>,
        %add3A_871 = arith.addf %get3A_863, %get3A_870 : vector<32xbf16>
        %unpack3A = tpu.unpack_subelements %add3A_871, 0 {pack_format = #tpu.pack_format<interleaved>} : vector<32xbf16> -> vector<16xf32>
        %unpack3A_872 = tpu.unpack_subelements %add3A_871, 1 {pack_format = #tpu.pack_format<interleaved>} : vector<32xbf16> -> vector<16xf32>
        %add3A_873 = arith.addf %scan3A_854, %unpack3A : vector<16xf32>
        %add3A_874 = arith.addf %scan3A_855, %unpack3A_872 : vector<16xf32>
        %get3A_875 = arith.constant 3 : i32
        %get3A_876 = arith.index_cast %get3A_875 : i32 to index
        %get3A_877 = arith.index_cast %mul3A_859 : i32 to index
        %get3A_878 = arith.constant 32 : index
        %get3A_879 = tpu.vector_load %arg7[%get3A_876, %get3A_877, %get3A_878] {strides = array<i32>} : memref<8x200x64xbf16, #tpu.memory_space<vmem>>, vector<32xbf16>,
        %add3A_880 = arith.constant 1 : i32
        %add3A_881 = arith.addi %mul3A_859, %add3A_880 : i32
        %get3A_882 = arith.constant 3 : i32
        %get3A_883 = arith.index_cast %get3A_882 : i32 to index
        %get3A_884 = arith.index_cast %add3A_881 : i32 to index
        %get3A_885 = arith.constant 32 : index
        %get3A_886 = tpu.vector_load %arg7[%get3A_883, %get3A_884, %get3A_885] {strides = array<i32>} : memref<8x200x64xbf16, #tpu.memory_space<vmem>>, vector<32xbf16>,
        %add3A_887 = arith.addf %get3A_879, %get3A_886 : vector<32xbf16>
        %unpack3A_888 = tpu.unpack_subelements %add3A_887, 0 {pack_format = #tpu.pack_format<interleaved>} : vector<32xbf16> -> vector<16xf32>
        %unpack3A_889 = tpu.unpack_subelements %add3A_887, 1 {pack_format = #tpu.pack_format<interleaved>} : vector<32xbf16> -> vector<16xf32>
        %add3A_890 = arith.addf %scan3A_856, %unpack3A_888 : vector<16xf32>
        %add3A_891 = arith.addf %scan3A_857, %unpack3A_889 : vector<16xf32>
        %scan3A_892 = arith.constant 1 : i32
        %scan3A_893 = arith.addi %scan3A_853, %scan3A_892 : i32
        %mul3A_894 = arith.constant 2 : i32
        %mul3A_895 = arith.muli %mul3A_894, %scan3A_893 : i32
        %get3A_896 = arith.constant 3 : i32
        %get3A_897 = arith.index_cast %get3A_896 : i32 to index
        %get3A_898 = arith.index_cast %mul3A_895 : i32 to index
        %get3A_899 = arith.constant 0 : index
        %get3A_900 = tpu.vector_load %arg7[%get3A_897, %get3A_898, %get3A_899] {strides = array<i32>} : memref<8x200x64xbf16, #tpu.memory_space<vmem>>, vector<32xbf16>,
        %add3A_901 = arith.constant 1 : i32
        %add3A_902 = arith.addi %mul3A_895, %add3A_901 : i32
        %get3A_903 = arith.constant 3 : i32
        %get3A_904 = arith.index_cast %get3A_903 : i32 to index
        %get3A_905 = arith.index_cast %add3A_902 : i32 to index
        %get3A_906 = arith.constant 0 : index
        %get3A_907 = tpu.vector_load %arg7[%get3A_904, %get3A_905, %get3A_906] {strides = array<i32>} : memref<8x200x64xbf16, #tpu.memory_space<vmem>>, vector<32xbf16>,
        %add3A_908 = arith.addf %get3A_900, %get3A_907 : vector<32xbf16>
        %unpack3A_909 = tpu.unpack_subelements %add3A_908, 0 {pack_format = #tpu.pack_format<interleaved>} : vector<32xbf16> -> vector<16xf32>
        %unpack3A_910 = tpu.unpack_subelements %add3A_908, 1 {pack_format = #tpu.pack_format<interleaved>} : vector<32xbf16> -> vector<16xf32>
        %add3A_911 = arith.addf %add3A_873, %unpack3A_909 : vector<16xf32>
        %add3A_912 = arith.addf %add3A_874, %unpack3A_910 : vector<16xf32>
        %get3A_913 = arith.constant 3 : i32
        %get3A_914 = arith.index_cast %get3A_913 : i32 to index
        %get3A_915 = arith.index_cast %mul3A_895 : i32 to index
        %get3A_916 = arith.constant 32 : index
        %get3A_917 = tpu.vector_load %arg7[%get3A_914, %get3A_915, %get3A_916] {strides = array<i32>} : memref<8x200x64xbf16, #tpu.memory_space<vmem>>, vector<32xbf16>,
        %add3A_918 = arith.constant 1 : i32
        %add3A_919 = arith.addi %mul3A_895, %add3A_918 : i32
        %get3A_920 = arith.constant 3 : i32
        %get3A_921 = arith.index_cast %get3A_920 : i32 to index
        %get3A_922 = arith.index_cast %add3A_919 : i32 to index
        %get3A_923 = arith.constant 32 : index
        %get3A_924 = tpu.vector_load %arg7[%get3A_921, %get3A_922, %get3A_923] {strides = array<i32>} : memref<8x200x64xbf16, #tpu.memory_space<vmem>>, vector<32xbf16>,
        %add3A_925 = arith.addf %get3A_917, %get3A_924 : vector<32xbf16>
        %unpack3A_926 = tpu.unpack_subelements %add3A_925, 0 {pack_format = #tpu.pack_format<interleaved>} : vector<32xbf16> -> vector<16xf32>
        %unpack3A_927 = tpu.unpack_subelements %add3A_925, 1 {pack_format = #tpu.pack_format<interleaved>} : vector<32xbf16> -> vector<16xf32>
        %add3A_928 = arith.addf %add3A_890, %unpack3A_926 : vector<16xf32>
        %add3A_929 = arith.addf %add3A_891, %unpack3A_927 : vector<16xf32>
        %scan3A_930 = arith.constant 2 : i32
        %scan3A_931 = arith.addi %scan3A_853, %scan3A_930 : i32
        %mul3A_932 = arith.constant 2 : i32
        %mul3A_933 = arith.muli %mul3A_932, %scan3A_931 : i32
        %get3A_934 = arith.constant 3 : i32
        %get3A_935 = arith.index_cast %get3A_934 : i32 to index
        %get3A_936 = arith.index_cast %mul3A_933 : i32 to index
        %get3A_937 = arith.constant 0 : index
        %get3A_938 = tpu.vector_load %arg7[%get3A_935, %get3A_936, %get3A_937] {strides = array<i32>} : memref<8x200x64xbf16, #tpu.memory_space<vmem>>, vector<32xbf16>,
        %add3A_939 = arith.constant 1 : i32
        %add3A_940 = arith.addi %mul3A_933, %add3A_939 : i32
        %get3A_941 = arith.constant 3 : i32
        %get3A_942 = arith.index_cast %get3A_941 : i32 to index
        %get3A_943 = arith.index_cast %add3A_940 : i32 to index
        %get3A_944 = arith.constant 0 : index
        %get3A_945 = tpu.vector_load %arg7[%get3A_942, %get3A_943, %get3A_944] {strides = array<i32>} : memref<8x200x64xbf16, #tpu.memory_space<vmem>>, vector<32xbf16>,
        %add3A_946 = arith.addf %get3A_938, %get3A_945 : vector<32xbf16>
        %unpack3A_947 = tpu.unpack_subelements %add3A_946, 0 {pack_format = #tpu.pack_format<interleaved>} : vector<32xbf16> -> vector<16xf32>
        %unpack3A_948 = tpu.unpack_subelements %add3A_946, 1 {pack_format = #tpu.pack_format<interleaved>} : vector<32xbf16> -> vector<16xf32>
        %add3A_949 = arith.addf %add3A_911, %unpack3A_947 : vector<16xf32>
        %add3A_950 = arith.addf %add3A_912, %unpack3A_948 : vector<16xf32>
        %get3A_951 = arith.constant 3 : i32
        %get3A_952 = arith.index_cast %get3A_951 : i32 to index
        %get3A_953 = arith.index_cast %mul3A_933 : i32 to index
        %get3A_954 = arith.constant 32 : index
        %get3A_955 = tpu.vector_load %arg7[%get3A_952, %get3A_953, %get3A_954] {strides = array<i32>} : memref<8x200x64xbf16, #tpu.memory_space<vmem>>, vector<32xbf16>,
        %add3A_956 = arith.constant 1 : i32
        %add3A_957 = arith.addi %mul3A_933, %add3A_956 : i32
        %get3A_958 = arith.constant 3 : i32
        %get3A_959 = arith.index_cast %get3A_958 : i32 to index
        %get3A_960 = arith.index_cast %add3A_957 : i32 to index
        %get3A_961 = arith.constant 32 : index
        %get3A_962 = tpu.vector_load %arg7[%get3A_959, %get3A_960, %get3A_961] {strides = array<i32>} : memref<8x200x64xbf16, #tpu.memory_space<vmem>>, vector<32xbf16>,
        %add3A_963 = arith.addf %get3A_955, %get3A_962 : vector<32xbf16>
        %unpack3A_964 = tpu.unpack_subelements %add3A_963, 0 {pack_format = #tpu.pack_format<interleaved>} : vector<32xbf16> -> vector<16xf32>
        %unpack3A_965 = tpu.unpack_subelements %add3A_963, 1 {pack_format = #tpu.pack_format<interleaved>} : vector<32xbf16> -> vector<16xf32>
        %add3A_966 = arith.addf %add3A_928, %unpack3A_964 : vector<16xf32>
        %add3A_967 = arith.addf %add3A_929, %unpack3A_965 : vector<16xf32>
        %scan3A_968 = arith.constant 3 : i32
        %scan3A_969 = arith.addi %scan3A_853, %scan3A_968 : i32
        %mul3A_970 = arith.constant 2 : i32
        %mul3A_971 = arith.muli %mul3A_970, %scan3A_969 : i32
        %get3A_972 = arith.constant 3 : i32
        %get3A_973 = arith.index_cast %get3A_972 : i32 to index
        %get3A_974 = arith.index_cast %mul3A_971 : i32 to index
        %get3A_975 = arith.constant 0 : index
        %get3A_976 = tpu.vector_load %arg7[%get3A_973, %get3A_974, %get3A_975] {strides = array<i32>} : memref<8x200x64xbf16, #tpu.memory_space<vmem>>, vector<32xbf16>,
        %add3A_977 = arith.constant 1 : i32
        %add3A_978 = arith.addi %mul3A_971, %add3A_977 : i32
        %get3A_979 = arith.constant 3 : i32
        %get3A_980 = arith.index_cast %get3A_979 : i32 to index
        %get3A_981 = arith.index_cast %add3A_978 : i32 to index
        %get3A_982 = arith.constant 0 : index
        %get3A_983 = tpu.vector_load %arg7[%get3A_980, %get3A_981, %get3A_982] {strides = array<i32>} : memref<8x200x64xbf16, #tpu.memory_space<vmem>>, vector<32xbf16>,
        %add3A_984 = arith.addf %get3A_976, %get3A_983 : vector<32xbf16>
        %unpack3A_985 = tpu.unpack_subelements %add3A_984, 0 {pack_format = #tpu.pack_format<interleaved>} : vector<32xbf16> -> vector<16xf32>
        %unpack3A_986 = tpu.unpack_subelements %add3A_984, 1 {pack_format = #tpu.pack_format<interleaved>} : vector<32xbf16> -> vector<16xf32>
        %add3A_987 = arith.addf %add3A_949, %unpack3A_985 : vector<16xf32>
        %add3A_988 = arith.addf %add3A_950, %unpack3A_986 : vector<16xf32>
        %get3A_989 = arith.constant 3 : i32
        %get3A_990 = arith.index_cast %get3A_989 : i32 to index
        %get3A_991 = arith.index_cast %mul3A_971 : i32 to index
        %get3A_992 = arith.constant 32 : index
        %get3A_993 = tpu.vector_load %arg7[%get3A_990, %get3A_991, %get3A_992] {strides = array<i32>} : memref<8x200x64xbf16, #tpu.memory_space<vmem>>, vector<32xbf16>,
        %add3A_994 = arith.constant 1 : i32
        %add3A_995 = arith.addi %mul3A_971, %add3A_994 : i32
        %get3A_996 = arith.constant 3 : i32
        %get3A_997 = arith.index_cast %get3A_996 : i32 to index
        %get3A_998 = arith.index_cast %add3A_995 : i32 to index
        %get3A_999 = arith.constant 32 : index
        %get3A_1000 = tpu.vector_load %arg7[%get3A_997, %get3A_998, %get3A_999] {strides = array<i32>} : memref<8x200x64xbf16, #tpu.memory_space<vmem>>, vector<32xbf16>,
        %add3A_1001 = arith.addf %get3A_993, %get3A_1000 : vector<32xbf16>
        %unpack3A_1002 = tpu.unpack_subelements %add3A_1001, 0 {pack_format = #tpu.pack_format<interleaved>} : vector<32xbf16> -> vector<16xf32>
        %unpack3A_1003 = tpu.unpack_subelements %add3A_1001, 1 {pack_format = #tpu.pack_format<interleaved>} : vector<32xbf16> -> vector<16xf32>
        %add3A_1004 = arith.addf %add3A_966, %unpack3A_1002 : vector<16xf32>
        %add3A_1005 = arith.addf %add3A_967, %unpack3A_1003 : vector<16xf32>
        scf.yield %add3A_987, %add3A_988, %add3A_1004, %add3A_1005 : vector<16xf32>, vector<16xf32>, vector<16xf32>, vector<16xf32>
      }
      %scan3A_288 = arith.constant 100 : i32
      %swap3A_289 = arith.constant 3 : i32
      %swap3A_290 = arith.index_cast %swap3A_289 : i32 to index
      %swap3A_291 = arith.constant 0 : index
      %swap3A_292 = tpu.vector_load %arg9[%swap3A_290, %swap3A_291] {strides = array<i32>} : memref<8x64xf32, #tpu.memory_space<vmem>>, vector<16xf32>,
      tpu.vector_store %arg9[%swap3A_290, %swap3A_291], %scan3A_287#0 {strides = array<i32>} : memref<8x64xf32, #tpu.memory_space<vmem>>, vector<16xf32>,
      %swap3A_293 = arith.constant 3 : i32
      %swap3A_294 = arith.index_cast %swap3A_293 : i32 to index
      %swap3A_295 = arith.constant 16 : index
      %swap3A_296 = tpu.vector_load %arg9[%swap3A_294, %swap3A_295] {strides = array<i32>} : memref<8x64xf32, #tpu.memory_space<vmem>>, vector<16xf32>,
      tpu.vector_store %arg9[%swap3A_294, %swap3A_295], %scan3A_287#1 {strides = array<i32>} : memref<8x64xf32, #tpu.memory_space<vmem>>, vector<16xf32>,
      %swap3A_297 = arith.constant 3 : i32
      %swap3A_298 = arith.index_cast %swap3A_297 : i32 to index
      %swap3A_299 = arith.constant 32 : index
      %swap3A_300 = tpu.vector_load %arg9[%swap3A_298, %swap3A_299] {strides = array<i32>} : memref<8x64xf32, #tpu.memory_space<vmem>>, vector<16xf32>,
      tpu.vector_store %arg9[%swap3A_298, %swap3A_299], %scan3A_287#2 {strides = array<i32>} : memref<8x64xf32, #tpu.memory_space<vmem>>, vector<16xf32>,
      %swap3A_301 = arith.constant 3 : i32
      %swap3A_302 = arith.index_cast %swap3A_301 : i32 to index
      %swap3A_303 = arith.constant 48 : index
      %swap3A_304 = tpu.vector_load %arg9[%swap3A_302, %swap3A_303] {strides = array<i32>} : memref<8x64xf32, #tpu.memory_space<vmem>>, vector<16xf32>,
      tpu.vector_store %arg9[%swap3A_302, %swap3A_303], %scan3A_287#3 {strides = array<i32>} : memref<8x64xf32, #tpu.memory_space<vmem>>, vector<16xf32>,
      %dma_wait3A_305 = arith.constant 4 : i32
      %dma_wait3A_306 = arith.constant 4 : i32
      %dma_wait3A_307 = arith.constant 0 : i32
      %dma_wait3A_308 = arith.constant 0 : i32
      %dma_wait3A_309 = tpu.memref_slice %arg7[%dma_wait3A_306, %dma_wait3A_307, %dma_wait3A_308] : memref<8x200x64xbf16, #tpu.memory_space<vmem>> -> memref<1x200x64xbf16, #tpu.memory_space<vmem>>
      %dma_wait3A_310 = tpu.memref_squeeze %dma_wait3A_309 : memref<1x200x64xbf16, #tpu.memory_space<vmem>> -> memref<200x64xbf16, #tpu.memory_space<vmem>>
      %dma_wait3A_311 = arith.constant 0 : i32
      %dma_wait3A_312 = tpu.memref_slice %arg5[%dma_wait3A_305, %dma_wait3A_311] : memref<8x200xi32, #tpu.memory_space<vmem>> -> memref<1x200xi32, #tpu.memory_space<vmem>>
      %dma_wait3A_313 = tpu.memref_squeeze %dma_wait3A_312 : memref<1x200xi32, #tpu.memory_space<vmem>> -> memref<200xi32, #tpu.memory_space<vmem>>
      %dma_wait3A_314 = arith.constant 0 : i32
      %dma_wait3A_315 = arith.constant 0 : i32
      %dma_wait3A_316 = tpu.memref_slice %arg3[%dma_wait3A_314, %dma_wait3A_315] : memref<100000x64xbf16, #tpu.memory_space<hbm>> -> memref<100000x64xbf16, #tpu.memory_space<hbm>>
      tpu.wait_indirect_dma semaphore(%arg11 : memref<!tpu.dma_semaphore, #tpu.memory_space<semaphore_mem>>) src(%dma_wait3A_316 : memref<100000x64xbf16, #tpu.memory_space<hbm>>) dst(%dma_wait3A_310 : memref<200x64xbf16, #tpu.memory_space<vmem>>)
      %broadcast_in_dim3A_317 = arith.constant 0.000000e+00 : f32
      %broadcast_in_dim3A_318 = vector.broadcast %broadcast_in_dim3A_317 : f32 to vector<16xf32>
      %broadcast_in_dim3A_319 = arith.constant 0.000000e+00 : f32
      %broadcast_in_dim3A_320 = vector.broadcast %broadcast_in_dim3A_319 : f32 to vector<16xf32>
      %broadcast_in_dim3A_321 = arith.constant 0.000000e+00 : f32
      %broadcast_in_dim3A_322 = vector.broadcast %broadcast_in_dim3A_321 : f32 to vector<16xf32>
      %broadcast_in_dim3A_323 = arith.constant 0.000000e+00 : f32
      %broadcast_in_dim3A_324 = vector.broadcast %broadcast_in_dim3A_323 : f32 to vector<16xf32>
      %scan3A_325 = arith.constant 0 : i32
      %scan3A_326 = arith.constant 100 : i32
      %scan3A_327 = arith.addi %scan3A_325, %scan3A_326 : i32
      %scan3A_328 = arith.constant 4 : i32
      %scan3A_329:4 = scf.for %scan3A_853 = %scan3A_325 to %scan3A_327 step %scan3A_328 iter_args(%scan3A_854 = %broadcast_in_dim3A_318, %scan3A_855 = %broadcast_in_dim3A_320, %scan3A_856 = %broadcast_in_dim3A_322, %scan3A_857 = %broadcast_in_dim3A_324) -> (vector<16xf32>, vector<16xf32>, vector<16xf32>, vector<16xf32>)  : i32 {
        %mul3A_858 = arith.constant 2 : i32
        %mul3A_859 = arith.muli %mul3A_858, %scan3A_853 : i32
        %get3A = arith.constant 4 : i32
        %get3A_860 = arith.index_cast %get3A : i32 to index
        %get3A_861 = arith.index_cast %mul3A_859 : i32 to index
        %get3A_862 = arith.constant 0 : index
        %get3A_863 = tpu.vector_load %arg7[%get3A_860, %get3A_861, %get3A_862] {strides = array<i32>} : memref<8x200x64xbf16, #tpu.memory_space<vmem>>, vector<32xbf16>,
        %add3A_864 = arith.constant 1 : i32
        %add3A_865 = arith.addi %mul3A_859, %add3A_864 : i32
        %get3A_866 = arith.constant 4 : i32
        %get3A_867 = arith.index_cast %get3A_866 : i32 to index
        %get3A_868 = arith.index_cast %add3A_865 : i32 to index
        %get3A_869 = arith.constant 0 : index
        %get3A_870 = tpu.vector_load %arg7[%get3A_867, %get3A_868, %get3A_869] {strides = array<i32>} : memref<8x200x64xbf16, #tpu.memory_space<vmem>>, vector<32xbf16>,
        %add3A_871 = arith.addf %get3A_863, %get3A_870 : vector<32xbf16>
        %unpack3A = tpu.unpack_subelements %add3A_871, 0 {pack_format = #tpu.pack_format<interleaved>} : vector<32xbf16> -> vector<16xf32>
        %unpack3A_872 = tpu.unpack_subelements %add3A_871, 1 {pack_format = #tpu.pack_format<interleaved>} : vector<32xbf16> -> vector<16xf32>
        %add3A_873 = arith.addf %scan3A_854, %unpack3A : vector<16xf32>
        %add3A_874 = arith.addf %scan3A_855, %unpack3A_872 : vector<16xf32>
        %get3A_875 = arith.constant 4 : i32
        %get3A_876 = arith.index_cast %get3A_875 : i32 to index
        %get3A_877 = arith.index_cast %mul3A_859 : i32 to index
        %get3A_878 = arith.constant 32 : index
        %get3A_879 = tpu.vector_load %arg7[%get3A_876, %get3A_877, %get3A_878] {strides = array<i32>} : memref<8x200x64xbf16, #tpu.memory_space<vmem>>, vector<32xbf16>,
        %add3A_880 = arith.constant 1 : i32
        %add3A_881 = arith.addi %mul3A_859, %add3A_880 : i32
        %get3A_882 = arith.constant 4 : i32
        %get3A_883 = arith.index_cast %get3A_882 : i32 to index
        %get3A_884 = arith.index_cast %add3A_881 : i32 to index
        %get3A_885 = arith.constant 32 : index
        %get3A_886 = tpu.vector_load %arg7[%get3A_883, %get3A_884, %get3A_885] {strides = array<i32>} : memref<8x200x64xbf16, #tpu.memory_space<vmem>>, vector<32xbf16>,
        %add3A_887 = arith.addf %get3A_879, %get3A_886 : vector<32xbf16>
        %unpack3A_888 = tpu.unpack_subelements %add3A_887, 0 {pack_format = #tpu.pack_format<interleaved>} : vector<32xbf16> -> vector<16xf32>
        %unpack3A_889 = tpu.unpack_subelements %add3A_887, 1 {pack_format = #tpu.pack_format<interleaved>} : vector<32xbf16> -> vector<16xf32>
        %add3A_890 = arith.addf %scan3A_856, %unpack3A_888 : vector<16xf32>
        %add3A_891 = arith.addf %scan3A_857, %unpack3A_889 : vector<16xf32>
        %scan3A_892 = arith.constant 1 : i32
        %scan3A_893 = arith.addi %scan3A_853, %scan3A_892 : i32
        %mul3A_894 = arith.constant 2 : i32
        %mul3A_895 = arith.muli %mul3A_894, %scan3A_893 : i32
        %get3A_896 = arith.constant 4 : i32
        %get3A_897 = arith.index_cast %get3A_896 : i32 to index
        %get3A_898 = arith.index_cast %mul3A_895 : i32 to index
        %get3A_899 = arith.constant 0 : index
        %get3A_900 = tpu.vector_load %arg7[%get3A_897, %get3A_898, %get3A_899] {strides = array<i32>} : memref<8x200x64xbf16, #tpu.memory_space<vmem>>, vector<32xbf16>,
        %add3A_901 = arith.constant 1 : i32
        %add3A_902 = arith.addi %mul3A_895, %add3A_901 : i32
        %get3A_903 = arith.constant 4 : i32
        %get3A_904 = arith.index_cast %get3A_903 : i32 to index
        %get3A_905 = arith.index_cast %add3A_902 : i32 to index
        %get3A_906 = arith.constant 0 : index
        %get3A_907 = tpu.vector_load %arg7[%get3A_904, %get3A_905, %get3A_906] {strides = array<i32>} : memref<8x200x64xbf16, #tpu.memory_space<vmem>>, vector<32xbf16>,
        %add3A_908 = arith.addf %get3A_900, %get3A_907 : vector<32xbf16>
        %unpack3A_909 = tpu.unpack_subelements %add3A_908, 0 {pack_format = #tpu.pack_format<interleaved>} : vector<32xbf16> -> vector<16xf32>
        %unpack3A_910 = tpu.unpack_subelements %add3A_908, 1 {pack_format = #tpu.pack_format<interleaved>} : vector<32xbf16> -> vector<16xf32>
        %add3A_911 = arith.addf %add3A_873, %unpack3A_909 : vector<16xf32>
        %add3A_912 = arith.addf %add3A_874, %unpack3A_910 : vector<16xf32>
        %get3A_913 = arith.constant 4 : i32
        %get3A_914 = arith.index_cast %get3A_913 : i32 to index
        %get3A_915 = arith.index_cast %mul3A_895 : i32 to index
        %get3A_916 = arith.constant 32 : index
        %get3A_917 = tpu.vector_load %arg7[%get3A_914, %get3A_915, %get3A_916] {strides = array<i32>} : memref<8x200x64xbf16, #tpu.memory_space<vmem>>, vector<32xbf16>,
        %add3A_918 = arith.constant 1 : i32
        %add3A_919 = arith.addi %mul3A_895, %add3A_918 : i32
        %get3A_920 = arith.constant 4 : i32
        %get3A_921 = arith.index_cast %get3A_920 : i32 to index
        %get3A_922 = arith.index_cast %add3A_919 : i32 to index
        %get3A_923 = arith.constant 32 : index
        %get3A_924 = tpu.vector_load %arg7[%get3A_921, %get3A_922, %get3A_923] {strides = array<i32>} : memref<8x200x64xbf16, #tpu.memory_space<vmem>>, vector<32xbf16>,
        %add3A_925 = arith.addf %get3A_917, %get3A_924 : vector<32xbf16>
        %unpack3A_926 = tpu.unpack_subelements %add3A_925, 0 {pack_format = #tpu.pack_format<interleaved>} : vector<32xbf16> -> vector<16xf32>
        %unpack3A_927 = tpu.unpack_subelements %add3A_925, 1 {pack_format = #tpu.pack_format<interleaved>} : vector<32xbf16> -> vector<16xf32>
        %add3A_928 = arith.addf %add3A_890, %unpack3A_926 : vector<16xf32>
        %add3A_929 = arith.addf %add3A_891, %unpack3A_927 : vector<16xf32>
        %scan3A_930 = arith.constant 2 : i32
        %scan3A_931 = arith.addi %scan3A_853, %scan3A_930 : i32
        %mul3A_932 = arith.constant 2 : i32
        %mul3A_933 = arith.muli %mul3A_932, %scan3A_931 : i32
        %get3A_934 = arith.constant 4 : i32
        %get3A_935 = arith.index_cast %get3A_934 : i32 to index
        %get3A_936 = arith.index_cast %mul3A_933 : i32 to index
        %get3A_937 = arith.constant 0 : index
        %get3A_938 = tpu.vector_load %arg7[%get3A_935, %get3A_936, %get3A_937] {strides = array<i32>} : memref<8x200x64xbf16, #tpu.memory_space<vmem>>, vector<32xbf16>,
        %add3A_939 = arith.constant 1 : i32
        %add3A_940 = arith.addi %mul3A_933, %add3A_939 : i32
        %get3A_941 = arith.constant 4 : i32
        %get3A_942 = arith.index_cast %get3A_941 : i32 to index
        %get3A_943 = arith.index_cast %add3A_940 : i32 to index
        %get3A_944 = arith.constant 0 : index
        %get3A_945 = tpu.vector_load %arg7[%get3A_942, %get3A_943, %get3A_944] {strides = array<i32>} : memref<8x200x64xbf16, #tpu.memory_space<vmem>>, vector<32xbf16>,
        %add3A_946 = arith.addf %get3A_938, %get3A_945 : vector<32xbf16>
        %unpack3A_947 = tpu.unpack_subelements %add3A_946, 0 {pack_format = #tpu.pack_format<interleaved>} : vector<32xbf16> -> vector<16xf32>
        %unpack3A_948 = tpu.unpack_subelements %add3A_946, 1 {pack_format = #tpu.pack_format<interleaved>} : vector<32xbf16> -> vector<16xf32>
        %add3A_949 = arith.addf %add3A_911, %unpack3A_947 : vector<16xf32>
        %add3A_950 = arith.addf %add3A_912, %unpack3A_948 : vector<16xf32>
        %get3A_951 = arith.constant 4 : i32
        %get3A_952 = arith.index_cast %get3A_951 : i32 to index
        %get3A_953 = arith.index_cast %mul3A_933 : i32 to index
        %get3A_954 = arith.constant 32 : index
        %get3A_955 = tpu.vector_load %arg7[%get3A_952, %get3A_953, %get3A_954] {strides = array<i32>} : memref<8x200x64xbf16, #tpu.memory_space<vmem>>, vector<32xbf16>,
        %add3A_956 = arith.constant 1 : i32
        %add3A_957 = arith.addi %mul3A_933, %add3A_956 : i32
        %get3A_958 = arith.constant 4 : i32
        %get3A_959 = arith.index_cast %get3A_958 : i32 to index
        %get3A_960 = arith.index_cast %add3A_957 : i32 to index
        %get3A_961 = arith.constant 32 : index
        %get3A_962 = tpu.vector_load %arg7[%get3A_959, %get3A_960, %get3A_961] {strides = array<i32>} : memref<8x200x64xbf16, #tpu.memory_space<vmem>>, vector<32xbf16>,
        %add3A_963 = arith.addf %get3A_955, %get3A_962 : vector<32xbf16>
        %unpack3A_964 = tpu.unpack_subelements %add3A_963, 0 {pack_format = #tpu.pack_format<interleaved>} : vector<32xbf16> -> vector<16xf32>
        %unpack3A_965 = tpu.unpack_subelements %add3A_963, 1 {pack_format = #tpu.pack_format<interleaved>} : vector<32xbf16> -> vector<16xf32>
        %add3A_966 = arith.addf %add3A_928, %unpack3A_964 : vector<16xf32>
        %add3A_967 = arith.addf %add3A_929, %unpack3A_965 : vector<16xf32>
        %scan3A_968 = arith.constant 3 : i32
        %scan3A_969 = arith.addi %scan3A_853, %scan3A_968 : i32
        %mul3A_970 = arith.constant 2 : i32
        %mul3A_971 = arith.muli %mul3A_970, %scan3A_969 : i32
        %get3A_972 = arith.constant 4 : i32
        %get3A_973 = arith.index_cast %get3A_972 : i32 to index
        %get3A_974 = arith.index_cast %mul3A_971 : i32 to index
        %get3A_975 = arith.constant 0 : index
        %get3A_976 = tpu.vector_load %arg7[%get3A_973, %get3A_974, %get3A_975] {strides = array<i32>} : memref<8x200x64xbf16, #tpu.memory_space<vmem>>, vector<32xbf16>,
        %add3A_977 = arith.constant 1 : i32
        %add3A_978 = arith.addi %mul3A_971, %add3A_977 : i32
        %get3A_979 = arith.constant 4 : i32
        %get3A_980 = arith.index_cast %get3A_979 : i32 to index
        %get3A_981 = arith.index_cast %add3A_978 : i32 to index
        %get3A_982 = arith.constant 0 : index
        %get3A_983 = tpu.vector_load %arg7[%get3A_980, %get3A_981, %get3A_982] {strides = array<i32>} : memref<8x200x64xbf16, #tpu.memory_space<vmem>>, vector<32xbf16>,
        %add3A_984 = arith.addf %get3A_976, %get3A_983 : vector<32xbf16>
        %unpack3A_985 = tpu.unpack_subelements %add3A_984, 0 {pack_format = #tpu.pack_format<interleaved>} : vector<32xbf16> -> vector<16xf32>
        %unpack3A_986 = tpu.unpack_subelements %add3A_984, 1 {pack_format = #tpu.pack_format<interleaved>} : vector<32xbf16> -> vector<16xf32>
        %add3A_987 = arith.addf %add3A_949, %unpack3A_985 : vector<16xf32>
        %add3A_988 = arith.addf %add3A_950, %unpack3A_986 : vector<16xf32>
        %get3A_989 = arith.constant 4 : i32
        %get3A_990 = arith.index_cast %get3A_989 : i32 to index
        %get3A_991 = arith.index_cast %mul3A_971 : i32 to index
        %get3A_992 = arith.constant 32 : index
        %get3A_993 = tpu.vector_load %arg7[%get3A_990, %get3A_991, %get3A_992] {strides = array<i32>} : memref<8x200x64xbf16, #tpu.memory_space<vmem>>, vector<32xbf16>,
        %add3A_994 = arith.constant 1 : i32
        %add3A_995 = arith.addi %mul3A_971, %add3A_994 : i32
        %get3A_996 = arith.constant 4 : i32
        %get3A_997 = arith.index_cast %get3A_996 : i32 to index
        %get3A_998 = arith.index_cast %add3A_995 : i32 to index
        %get3A_999 = arith.constant 32 : index
        %get3A_1000 = tpu.vector_load %arg7[%get3A_997, %get3A_998, %get3A_999] {strides = array<i32>} : memref<8x200x64xbf16, #tpu.memory_space<vmem>>, vector<32xbf16>,
        %add3A_1001 = arith.addf %get3A_993, %get3A_1000 : vector<32xbf16>
        %unpack3A_1002 = tpu.unpack_subelements %add3A_1001, 0 {pack_format = #tpu.pack_format<interleaved>} : vector<32xbf16> -> vector<16xf32>
        %unpack3A_1003 = tpu.unpack_subelements %add3A_1001, 1 {pack_format = #tpu.pack_format<interleaved>} : vector<32xbf16> -> vector<16xf32>
        %add3A_1004 = arith.addf %add3A_966, %unpack3A_1002 : vector<16xf32>
        %add3A_1005 = arith.addf %add3A_967, %unpack3A_1003 : vector<16xf32>
        scf.yield %add3A_987, %add3A_988, %add3A_1004, %add3A_1005 : vector<16xf32>, vector<16xf32>, vector<16xf32>, vector<16xf32>
      }
      %scan3A_330 = arith.constant 100 : i32
      %swap3A_331 = arith.constant 4 : i32
      %swap3A_332 = arith.index_cast %swap3A_331 : i32 to index
      %swap3A_333 = arith.constant 0 : index
      %swap3A_334 = tpu.vector_load %arg9[%swap3A_332, %swap3A_333] {strides = array<i32>} : memref<8x64xf32, #tpu.memory_space<vmem>>, vector<16xf32>,
      tpu.vector_store %arg9[%swap3A_332, %swap3A_333], %scan3A_329#0 {strides = array<i32>} : memref<8x64xf32, #tpu.memory_space<vmem>>, vector<16xf32>,
      %swap3A_335 = arith.constant 4 : i32
      %swap3A_336 = arith.index_cast %swap3A_335 : i32 to index
      %swap3A_337 = arith.constant 16 : index
      %swap3A_338 = tpu.vector_load %arg9[%swap3A_336, %swap3A_337] {strides = array<i32>} : memref<8x64xf32, #tpu.memory_space<vmem>>, vector<16xf32>,
      tpu.vector_store %arg9[%swap3A_336, %swap3A_337], %scan3A_329#1 {strides = array<i32>} : memref<8x64xf32, #tpu.memory_space<vmem>>, vector<16xf32>,
      %swap3A_339 = arith.constant 4 : i32
      %swap3A_340 = arith.index_cast %swap3A_339 : i32 to index
      %swap3A_341 = arith.constant 32 : index
      %swap3A_342 = tpu.vector_load %arg9[%swap3A_340, %swap3A_341] {strides = array<i32>} : memref<8x64xf32, #tpu.memory_space<vmem>>, vector<16xf32>,
      tpu.vector_store %arg9[%swap3A_340, %swap3A_341], %scan3A_329#2 {strides = array<i32>} : memref<8x64xf32, #tpu.memory_space<vmem>>, vector<16xf32>,
      %swap3A_343 = arith.constant 4 : i32
      %swap3A_344 = arith.index_cast %swap3A_343 : i32 to index
      %swap3A_345 = arith.constant 48 : index
      %swap3A_346 = tpu.vector_load %arg9[%swap3A_344, %swap3A_345] {strides = array<i32>} : memref<8x64xf32, #tpu.memory_space<vmem>>, vector<16xf32>,
      tpu.vector_store %arg9[%swap3A_344, %swap3A_345], %scan3A_329#3 {strides = array<i32>} : memref<8x64xf32, #tpu.memory_space<vmem>>, vector<16xf32>,
      %dma_wait3A_347 = arith.constant 5 : i32
      %dma_wait3A_348 = arith.constant 5 : i32
      %dma_wait3A_349 = arith.constant 0 : i32
      %dma_wait3A_350 = arith.constant 0 : i32
      %dma_wait3A_351 = tpu.memref_slice %arg7[%dma_wait3A_348, %dma_wait3A_349, %dma_wait3A_350] : memref<8x200x64xbf16, #tpu.memory_space<vmem>> -> memref<1x200x64xbf16, #tpu.memory_space<vmem>>
      %dma_wait3A_352 = tpu.memref_squeeze %dma_wait3A_351 : memref<1x200x64xbf16, #tpu.memory_space<vmem>> -> memref<200x64xbf16, #tpu.memory_space<vmem>>
      %dma_wait3A_353 = arith.constant 0 : i32
      %dma_wait3A_354 = tpu.memref_slice %arg5[%dma_wait3A_347, %dma_wait3A_353] : memref<8x200xi32, #tpu.memory_space<vmem>> -> memref<1x200xi32, #tpu.memory_space<vmem>>
      %dma_wait3A_355 = tpu.memref_squeeze %dma_wait3A_354 : memref<1x200xi32, #tpu.memory_space<vmem>> -> memref<200xi32, #tpu.memory_space<vmem>>
      %dma_wait3A_356 = arith.constant 0 : i32
      %dma_wait3A_357 = arith.constant 0 : i32
      %dma_wait3A_358 = tpu.memref_slice %arg3[%dma_wait3A_356, %dma_wait3A_357] : memref<100000x64xbf16, #tpu.memory_space<hbm>> -> memref<100000x64xbf16, #tpu.memory_space<hbm>>
      tpu.wait_indirect_dma semaphore(%arg11 : memref<!tpu.dma_semaphore, #tpu.memory_space<semaphore_mem>>) src(%dma_wait3A_358 : memref<100000x64xbf16, #tpu.memory_space<hbm>>) dst(%dma_wait3A_352 : memref<200x64xbf16, #tpu.memory_space<vmem>>)
      %broadcast_in_dim3A_359 = arith.constant 0.000000e+00 : f32
      %broadcast_in_dim3A_360 = vector.broadcast %broadcast_in_dim3A_359 : f32 to vector<16xf32>
      %broadcast_in_dim3A_361 = arith.constant 0.000000e+00 : f32
      %broadcast_in_dim3A_362 = vector.broadcast %broadcast_in_dim3A_361 : f32 to vector<16xf32>
      %broadcast_in_dim3A_363 = arith.constant 0.000000e+00 : f32
      %broadcast_in_dim3A_364 = vector.broadcast %broadcast_in_dim3A_363 : f32 to vector<16xf32>
      %broadcast_in_dim3A_365 = arith.constant 0.000000e+00 : f32
      %broadcast_in_dim3A_366 = vector.broadcast %broadcast_in_dim3A_365 : f32 to vector<16xf32>
      %scan3A_367 = arith.constant 0 : i32
      %scan3A_368 = arith.constant 100 : i32
      %scan3A_369 = arith.addi %scan3A_367, %scan3A_368 : i32
      %scan3A_370 = arith.constant 4 : i32
      %scan3A_371:4 = scf.for %scan3A_853 = %scan3A_367 to %scan3A_369 step %scan3A_370 iter_args(%scan3A_854 = %broadcast_in_dim3A_360, %scan3A_855 = %broadcast_in_dim3A_362, %scan3A_856 = %broadcast_in_dim3A_364, %scan3A_857 = %broadcast_in_dim3A_366) -> (vector<16xf32>, vector<16xf32>, vector<16xf32>, vector<16xf32>)  : i32 {
        %mul3A_858 = arith.constant 2 : i32
        %mul3A_859 = arith.muli %mul3A_858, %scan3A_853 : i32
        %get3A = arith.constant 5 : i32
        %get3A_860 = arith.index_cast %get3A : i32 to index
        %get3A_861 = arith.index_cast %mul3A_859 : i32 to index
        %get3A_862 = arith.constant 0 : index
        %get3A_863 = tpu.vector_load %arg7[%get3A_860, %get3A_861, %get3A_862] {strides = array<i32>} : memref<8x200x64xbf16, #tpu.memory_space<vmem>>, vector<32xbf16>,
        %add3A_864 = arith.constant 1 : i32
        %add3A_865 = arith.addi %mul3A_859, %add3A_864 : i32
        %get3A_866 = arith.constant 5 : i32
        %get3A_867 = arith.index_cast %get3A_866 : i32 to index
        %get3A_868 = arith.index_cast %add3A_865 : i32 to index
        %get3A_869 = arith.constant 0 : index
        %get3A_870 = tpu.vector_load %arg7[%get3A_867, %get3A_868, %get3A_869] {strides = array<i32>} : memref<8x200x64xbf16, #tpu.memory_space<vmem>>, vector<32xbf16>,
        %add3A_871 = arith.addf %get3A_863, %get3A_870 : vector<32xbf16>
        %unpack3A = tpu.unpack_subelements %add3A_871, 0 {pack_format = #tpu.pack_format<interleaved>} : vector<32xbf16> -> vector<16xf32>
        %unpack3A_872 = tpu.unpack_subelements %add3A_871, 1 {pack_format = #tpu.pack_format<interleaved>} : vector<32xbf16> -> vector<16xf32>
        %add3A_873 = arith.addf %scan3A_854, %unpack3A : vector<16xf32>
        %add3A_874 = arith.addf %scan3A_855, %unpack3A_872 : vector<16xf32>
        %get3A_875 = arith.constant 5 : i32
        %get3A_876 = arith.index_cast %get3A_875 : i32 to index
        %get3A_877 = arith.index_cast %mul3A_859 : i32 to index
        %get3A_878 = arith.constant 32 : index
        %get3A_879 = tpu.vector_load %arg7[%get3A_876, %get3A_877, %get3A_878] {strides = array<i32>} : memref<8x200x64xbf16, #tpu.memory_space<vmem>>, vector<32xbf16>,
        %add3A_880 = arith.constant 1 : i32
        %add3A_881 = arith.addi %mul3A_859, %add3A_880 : i32
        %get3A_882 = arith.constant 5 : i32
        %get3A_883 = arith.index_cast %get3A_882 : i32 to index
        %get3A_884 = arith.index_cast %add3A_881 : i32 to index
        %get3A_885 = arith.constant 32 : index
        %get3A_886 = tpu.vector_load %arg7[%get3A_883, %get3A_884, %get3A_885] {strides = array<i32>} : memref<8x200x64xbf16, #tpu.memory_space<vmem>>, vector<32xbf16>,
        %add3A_887 = arith.addf %get3A_879, %get3A_886 : vector<32xbf16>
        %unpack3A_888 = tpu.unpack_subelements %add3A_887, 0 {pack_format = #tpu.pack_format<interleaved>} : vector<32xbf16> -> vector<16xf32>
        %unpack3A_889 = tpu.unpack_subelements %add3A_887, 1 {pack_format = #tpu.pack_format<interleaved>} : vector<32xbf16> -> vector<16xf32>
        %add3A_890 = arith.addf %scan3A_856, %unpack3A_888 : vector<16xf32>
        %add3A_891 = arith.addf %scan3A_857, %unpack3A_889 : vector<16xf32>
        %scan3A_892 = arith.constant 1 : i32
        %scan3A_893 = arith.addi %scan3A_853, %scan3A_892 : i32
        %mul3A_894 = arith.constant 2 : i32
        %mul3A_895 = arith.muli %mul3A_894, %scan3A_893 : i32
        %get3A_896 = arith.constant 5 : i32
        %get3A_897 = arith.index_cast %get3A_896 : i32 to index
        %get3A_898 = arith.index_cast %mul3A_895 : i32 to index
        %get3A_899 = arith.constant 0 : index
        %get3A_900 = tpu.vector_load %arg7[%get3A_897, %get3A_898, %get3A_899] {strides = array<i32>} : memref<8x200x64xbf16, #tpu.memory_space<vmem>>, vector<32xbf16>,
        %add3A_901 = arith.constant 1 : i32
        %add3A_902 = arith.addi %mul3A_895, %add3A_901 : i32
        %get3A_903 = arith.constant 5 : i32
        %get3A_904 = arith.index_cast %get3A_903 : i32 to index
        %get3A_905 = arith.index_cast %add3A_902 : i32 to index
        %get3A_906 = arith.constant 0 : index
        %get3A_907 = tpu.vector_load %arg7[%get3A_904, %get3A_905, %get3A_906] {strides = array<i32>} : memref<8x200x64xbf16, #tpu.memory_space<vmem>>, vector<32xbf16>,
        %add3A_908 = arith.addf %get3A_900, %get3A_907 : vector<32xbf16>
        %unpack3A_909 = tpu.unpack_subelements %add3A_908, 0 {pack_format = #tpu.pack_format<interleaved>} : vector<32xbf16> -> vector<16xf32>
        %unpack3A_910 = tpu.unpack_subelements %add3A_908, 1 {pack_format = #tpu.pack_format<interleaved>} : vector<32xbf16> -> vector<16xf32>
        %add3A_911 = arith.addf %add3A_873, %unpack3A_909 : vector<16xf32>
        %add3A_912 = arith.addf %add3A_874, %unpack3A_910 : vector<16xf32>
        %get3A_913 = arith.constant 5 : i32
        %get3A_914 = arith.index_cast %get3A_913 : i32 to index
        %get3A_915 = arith.index_cast %mul3A_895 : i32 to index
        %get3A_916 = arith.constant 32 : index
        %get3A_917 = tpu.vector_load %arg7[%get3A_914, %get3A_915, %get3A_916] {strides = array<i32>} : memref<8x200x64xbf16, #tpu.memory_space<vmem>>, vector<32xbf16>,
        %add3A_918 = arith.constant 1 : i32
        %add3A_919 = arith.addi %mul3A_895, %add3A_918 : i32
        %get3A_920 = arith.constant 5 : i32
        %get3A_921 = arith.index_cast %get3A_920 : i32 to index
        %get3A_922 = arith.index_cast %add3A_919 : i32 to index
        %get3A_923 = arith.constant 32 : index
        %get3A_924 = tpu.vector_load %arg7[%get3A_921, %get3A_922, %get3A_923] {strides = array<i32>} : memref<8x200x64xbf16, #tpu.memory_space<vmem>>, vector<32xbf16>,
        %add3A_925 = arith.addf %get3A_917, %get3A_924 : vector<32xbf16>
        %unpack3A_926 = tpu.unpack_subelements %add3A_925, 0 {pack_format = #tpu.pack_format<interleaved>} : vector<32xbf16> -> vector<16xf32>
        %unpack3A_927 = tpu.unpack_subelements %add3A_925, 1 {pack_format = #tpu.pack_format<interleaved>} : vector<32xbf16> -> vector<16xf32>
        %add3A_928 = arith.addf %add3A_890, %unpack3A_926 : vector<16xf32>
        %add3A_929 = arith.addf %add3A_891, %unpack3A_927 : vector<16xf32>
        %scan3A_930 = arith.constant 2 : i32
        %scan3A_931 = arith.addi %scan3A_853, %scan3A_930 : i32
        %mul3A_932 = arith.constant 2 : i32
        %mul3A_933 = arith.muli %mul3A_932, %scan3A_931 : i32
        %get3A_934 = arith.constant 5 : i32
        %get3A_935 = arith.index_cast %get3A_934 : i32 to index
        %get3A_936 = arith.index_cast %mul3A_933 : i32 to index
        %get3A_937 = arith.constant 0 : index
        %get3A_938 = tpu.vector_load %arg7[%get3A_935, %get3A_936, %get3A_937] {strides = array<i32>} : memref<8x200x64xbf16, #tpu.memory_space<vmem>>, vector<32xbf16>,
        %add3A_939 = arith.constant 1 : i32
        %add3A_940 = arith.addi %mul3A_933, %add3A_939 : i32
        %get3A_941 = arith.constant 5 : i32
        %get3A_942 = arith.index_cast %get3A_941 : i32 to index
        %get3A_943 = arith.index_cast %add3A_940 : i32 to index
        %get3A_944 = arith.constant 0 : index
        %get3A_945 = tpu.vector_load %arg7[%get3A_942, %get3A_943, %get3A_944] {strides = array<i32>} : memref<8x200x64xbf16, #tpu.memory_space<vmem>>, vector<32xbf16>,
        %add3A_946 = arith.addf %get3A_938, %get3A_945 : vector<32xbf16>
        %unpack3A_947 = tpu.unpack_subelements %add3A_946, 0 {pack_format = #tpu.pack_format<interleaved>} : vector<32xbf16> -> vector<16xf32>
        %unpack3A_948 = tpu.unpack_subelements %add3A_946, 1 {pack_format = #tpu.pack_format<interleaved>} : vector<32xbf16> -> vector<16xf32>
        %add3A_949 = arith.addf %add3A_911, %unpack3A_947 : vector<16xf32>
        %add3A_950 = arith.addf %add3A_912, %unpack3A_948 : vector<16xf32>
        %get3A_951 = arith.constant 5 : i32
        %get3A_952 = arith.index_cast %get3A_951 : i32 to index
        %get3A_953 = arith.index_cast %mul3A_933 : i32 to index
        %get3A_954 = arith.constant 32 : index
        %get3A_955 = tpu.vector_load %arg7[%get3A_952, %get3A_953, %get3A_954] {strides = array<i32>} : memref<8x200x64xbf16, #tpu.memory_space<vmem>>, vector<32xbf16>,
        %add3A_956 = arith.constant 1 : i32
        %add3A_957 = arith.addi %mul3A_933, %add3A_956 : i32
        %get3A_958 = arith.constant 5 : i32
        %get3A_959 = arith.index_cast %get3A_958 : i32 to index
        %get3A_960 = arith.index_cast %add3A_957 : i32 to index
        %get3A_961 = arith.constant 32 : index
        %get3A_962 = tpu.vector_load %arg7[%get3A_959, %get3A_960, %get3A_961] {strides = array<i32>} : memref<8x200x64xbf16, #tpu.memory_space<vmem>>, vector<32xbf16>,
        %add3A_963 = arith.addf %get3A_955, %get3A_962 : vector<32xbf16>
        %unpack3A_964 = tpu.unpack_subelements %add3A_963, 0 {pack_format = #tpu.pack_format<interleaved>} : vector<32xbf16> -> vector<16xf32>
        %unpack3A_965 = tpu.unpack_subelements %add3A_963, 1 {pack_format = #tpu.pack_format<interleaved>} : vector<32xbf16> -> vector<16xf32>
        %add3A_966 = arith.addf %add3A_928, %unpack3A_964 : vector<16xf32>
        %add3A_967 = arith.addf %add3A_929, %unpack3A_965 : vector<16xf32>
        %scan3A_968 = arith.constant 3 : i32
        %scan3A_969 = arith.addi %scan3A_853, %scan3A_968 : i32
        %mul3A_970 = arith.constant 2 : i32
        %mul3A_971 = arith.muli %mul3A_970, %scan3A_969 : i32
        %get3A_972 = arith.constant 5 : i32
        %get3A_973 = arith.index_cast %get3A_972 : i32 to index
        %get3A_974 = arith.index_cast %mul3A_971 : i32 to index
        %get3A_975 = arith.constant 0 : index
        %get3A_976 = tpu.vector_load %arg7[%get3A_973, %get3A_974, %get3A_975] {strides = array<i32>} : memref<8x200x64xbf16, #tpu.memory_space<vmem>>, vector<32xbf16>,
        %add3A_977 = arith.constant 1 : i32
        %add3A_978 = arith.addi %mul3A_971, %add3A_977 : i32
        %get3A_979 = arith.constant 5 : i32
        %get3A_980 = arith.index_cast %get3A_979 : i32 to index
        %get3A_981 = arith.index_cast %add3A_978 : i32 to index
        %get3A_982 = arith.constant 0 : index
        %get3A_983 = tpu.vector_load %arg7[%get3A_980, %get3A_981, %get3A_982] {strides = array<i32>} : memref<8x200x64xbf16, #tpu.memory_space<vmem>>, vector<32xbf16>,
        %add3A_984 = arith.addf %get3A_976, %get3A_983 : vector<32xbf16>
        %unpack3A_985 = tpu.unpack_subelements %add3A_984, 0 {pack_format = #tpu.pack_format<interleaved>} : vector<32xbf16> -> vector<16xf32>
        %unpack3A_986 = tpu.unpack_subelements %add3A_984, 1 {pack_format = #tpu.pack_format<interleaved>} : vector<32xbf16> -> vector<16xf32>
        %add3A_987 = arith.addf %add3A_949, %unpack3A_985 : vector<16xf32>
        %add3A_988 = arith.addf %add3A_950, %unpack3A_986 : vector<16xf32>
        %get3A_989 = arith.constant 5 : i32
        %get3A_990 = arith.index_cast %get3A_989 : i32 to index
        %get3A_991 = arith.index_cast %mul3A_971 : i32 to index
        %get3A_992 = arith.constant 32 : index
        %get3A_993 = tpu.vector_load %arg7[%get3A_990, %get3A_991, %get3A_992] {strides = array<i32>} : memref<8x200x64xbf16, #tpu.memory_space<vmem>>, vector<32xbf16>,
        %add3A_994 = arith.constant 1 : i32
        %add3A_995 = arith.addi %mul3A_971, %add3A_994 : i32
        %get3A_996 = arith.constant 5 : i32
        %get3A_997 = arith.index_cast %get3A_996 : i32 to index
        %get3A_998 = arith.index_cast %add3A_995 : i32 to index
        %get3A_999 = arith.constant 32 : index
        %get3A_1000 = tpu.vector_load %arg7[%get3A_997, %get3A_998, %get3A_999] {strides = array<i32>} : memref<8x200x64xbf16, #tpu.memory_space<vmem>>, vector<32xbf16>,
        %add3A_1001 = arith.addf %get3A_993, %get3A_1000 : vector<32xbf16>
        %unpack3A_1002 = tpu.unpack_subelements %add3A_1001, 0 {pack_format = #tpu.pack_format<interleaved>} : vector<32xbf16> -> vector<16xf32>
        %unpack3A_1003 = tpu.unpack_subelements %add3A_1001, 1 {pack_format = #tpu.pack_format<interleaved>} : vector<32xbf16> -> vector<16xf32>
        %add3A_1004 = arith.addf %add3A_966, %unpack3A_1002 : vector<16xf32>
        %add3A_1005 = arith.addf %add3A_967, %unpack3A_1003 : vector<16xf32>
        scf.yield %add3A_987, %add3A_988, %add3A_1004, %add3A_1005 : vector<16xf32>, vector<16xf32>, vector<16xf32>, vector<16xf32>
      }
      %scan3A_372 = arith.constant 100 : i32
      %swap3A_373 = arith.constant 5 : i32
      %swap3A_374 = arith.index_cast %swap3A_373 : i32 to index
      %swap3A_375 = arith.constant 0 : index
      %swap3A_376 = tpu.vector_load %arg9[%swap3A_374, %swap3A_375] {strides = array<i32>} : memref<8x64xf32, #tpu.memory_space<vmem>>, vector<16xf32>,
      tpu.vector_store %arg9[%swap3A_374, %swap3A_375], %scan3A_371#0 {strides = array<i32>} : memref<8x64xf32, #tpu.memory_space<vmem>>, vector<16xf32>,
      %swap3A_377 = arith.constant 5 : i32
      %swap3A_378 = arith.index_cast %swap3A_377 : i32 to index
      %swap3A_379 = arith.constant 16 : index
      %swap3A_380 = tpu.vector_load %arg9[%swap3A_378, %swap3A_379] {strides = array<i32>} : memref<8x64xf32, #tpu.memory_space<vmem>>, vector<16xf32>,
      tpu.vector_store %arg9[%swap3A_378, %swap3A_379], %scan3A_371#1 {strides = array<i32>} : memref<8x64xf32, #tpu.memory_space<vmem>>, vector<16xf32>,
      %swap3A_381 = arith.constant 5 : i32
      %swap3A_382 = arith.index_cast %swap3A_381 : i32 to index
      %swap3A_383 = arith.constant 32 : index
      %swap3A_384 = tpu.vector_load %arg9[%swap3A_382, %swap3A_383] {strides = array<i32>} : memref<8x64xf32, #tpu.memory_space<vmem>>, vector<16xf32>,
      tpu.vector_store %arg9[%swap3A_382, %swap3A_383], %scan3A_371#2 {strides = array<i32>} : memref<8x64xf32, #tpu.memory_space<vmem>>, vector<16xf32>,
      %swap3A_385 = arith.constant 5 : i32
      %swap3A_386 = arith.index_cast %swap3A_385 : i32 to index
      %swap3A_387 = arith.constant 48 : index
      %swap3A_388 = tpu.vector_load %arg9[%swap3A_386, %swap3A_387] {strides = array<i32>} : memref<8x64xf32, #tpu.memory_space<vmem>>, vector<16xf32>,
      tpu.vector_store %arg9[%swap3A_386, %swap3A_387], %scan3A_371#3 {strides = array<i32>} : memref<8x64xf32, #tpu.memory_space<vmem>>, vector<16xf32>,
      %dma_wait3A_389 = arith.constant 6 : i32
      %dma_wait3A_390 = arith.constant 6 : i32
      %dma_wait3A_391 = arith.constant 0 : i32
      %dma_wait3A_392 = arith.constant 0 : i32
      %dma_wait3A_393 = tpu.memref_slice %arg7[%dma_wait3A_390, %dma_wait3A_391, %dma_wait3A_392] : memref<8x200x64xbf16, #tpu.memory_space<vmem>> -> memref<1x200x64xbf16, #tpu.memory_space<vmem>>
      %dma_wait3A_394 = tpu.memref_squeeze %dma_wait3A_393 : memref<1x200x64xbf16, #tpu.memory_space<vmem>> -> memref<200x64xbf16, #tpu.memory_space<vmem>>
      %dma_wait3A_395 = arith.constant 0 : i32
      %dma_wait3A_396 = tpu.memref_slice %arg5[%dma_wait3A_389, %dma_wait3A_395] : memref<8x200xi32, #tpu.memory_space<vmem>> -> memref<1x200xi32, #tpu.memory_space<vmem>>
      %dma_wait3A_397 = tpu.memref_squeeze %dma_wait3A_396 : memref<1x200xi32, #tpu.memory_space<vmem>> -> memref<200xi32, #tpu.memory_space<vmem>>
      %dma_wait3A_398 = arith.constant 0 : i32
      %dma_wait3A_399 = arith.constant 0 : i32
      %dma_wait3A_400 = tpu.memref_slice %arg3[%dma_wait3A_398, %dma_wait3A_399] : memref<100000x64xbf16, #tpu.memory_space<hbm>> -> memref<100000x64xbf16, #tpu.memory_space<hbm>>
      tpu.wait_indirect_dma semaphore(%arg11 : memref<!tpu.dma_semaphore, #tpu.memory_space<semaphore_mem>>) src(%dma_wait3A_400 : memref<100000x64xbf16, #tpu.memory_space<hbm>>) dst(%dma_wait3A_394 : memref<200x64xbf16, #tpu.memory_space<vmem>>)
      %broadcast_in_dim3A_401 = arith.constant 0.000000e+00 : f32
      %broadcast_in_dim3A_402 = vector.broadcast %broadcast_in_dim3A_401 : f32 to vector<16xf32>
      %broadcast_in_dim3A_403 = arith.constant 0.000000e+00 : f32
      %broadcast_in_dim3A_404 = vector.broadcast %broadcast_in_dim3A_403 : f32 to vector<16xf32>
      %broadcast_in_dim3A_405 = arith.constant 0.000000e+00 : f32
      %broadcast_in_dim3A_406 = vector.broadcast %broadcast_in_dim3A_405 : f32 to vector<16xf32>
      %broadcast_in_dim3A_407 = arith.constant 0.000000e+00 : f32
      %broadcast_in_dim3A_408 = vector.broadcast %broadcast_in_dim3A_407 : f32 to vector<16xf32>
      %scan3A_409 = arith.constant 0 : i32
      %scan3A_410 = arith.constant 100 : i32
      %scan3A_411 = arith.addi %scan3A_409, %scan3A_410 : i32
      %scan3A_412 = arith.constant 4 : i32
      %scan3A_413:4 = scf.for %scan3A_853 = %scan3A_409 to %scan3A_411 step %scan3A_412 iter_args(%scan3A_854 = %broadcast_in_dim3A_402, %scan3A_855 = %broadcast_in_dim3A_404, %scan3A_856 = %broadcast_in_dim3A_406, %scan3A_857 = %broadcast_in_dim3A_408) -> (vector<16xf32>, vector<16xf32>, vector<16xf32>, vector<16xf32>)  : i32 {
        %mul3A_858 = arith.constant 2 : i32
        %mul3A_859 = arith.muli %mul3A_858, %scan3A_853 : i32
        %get3A = arith.constant 6 : i32
        %get3A_860 = arith.index_cast %get3A : i32 to index
        %get3A_861 = arith.index_cast %mul3A_859 : i32 to index
        %get3A_862 = arith.constant 0 : index
        %get3A_863 = tpu.vector_load %arg7[%get3A_860, %get3A_861, %get3A_862] {strides = array<i32>} : memref<8x200x64xbf16, #tpu.memory_space<vmem>>, vector<32xbf16>,
        %add3A_864 = arith.constant 1 : i32
        %add3A_865 = arith.addi %mul3A_859, %add3A_864 : i32
        %get3A_866 = arith.constant 6 : i32
        %get3A_867 = arith.index_cast %get3A_866 : i32 to index
        %get3A_868 = arith.index_cast %add3A_865 : i32 to index
        %get3A_869 = arith.constant 0 : index
        %get3A_870 = tpu.vector_load %arg7[%get3A_867, %get3A_868, %get3A_869] {strides = array<i32>} : memref<8x200x64xbf16, #tpu.memory_space<vmem>>, vector<32xbf16>,
        %add3A_871 = arith.addf %get3A_863, %get3A_870 : vector<32xbf16>
        %unpack3A = tpu.unpack_subelements %add3A_871, 0 {pack_format = #tpu.pack_format<interleaved>} : vector<32xbf16> -> vector<16xf32>
        %unpack3A_872 = tpu.unpack_subelements %add3A_871, 1 {pack_format = #tpu.pack_format<interleaved>} : vector<32xbf16> -> vector<16xf32>
        %add3A_873 = arith.addf %scan3A_854, %unpack3A : vector<16xf32>
        %add3A_874 = arith.addf %scan3A_855, %unpack3A_872 : vector<16xf32>
        %get3A_875 = arith.constant 6 : i32
        %get3A_876 = arith.index_cast %get3A_875 : i32 to index
        %get3A_877 = arith.index_cast %mul3A_859 : i32 to index
        %get3A_878 = arith.constant 32 : index
        %get3A_879 = tpu.vector_load %arg7[%get3A_876, %get3A_877, %get3A_878] {strides = array<i32>} : memref<8x200x64xbf16, #tpu.memory_space<vmem>>, vector<32xbf16>,
        %add3A_880 = arith.constant 1 : i32
        %add3A_881 = arith.addi %mul3A_859, %add3A_880 : i32
        %get3A_882 = arith.constant 6 : i32
        %get3A_883 = arith.index_cast %get3A_882 : i32 to index
        %get3A_884 = arith.index_cast %add3A_881 : i32 to index
        %get3A_885 = arith.constant 32 : index
        %get3A_886 = tpu.vector_load %arg7[%get3A_883, %get3A_884, %get3A_885] {strides = array<i32>} : memref<8x200x64xbf16, #tpu.memory_space<vmem>>, vector<32xbf16>,
        %add3A_887 = arith.addf %get3A_879, %get3A_886 : vector<32xbf16>
        %unpack3A_888 = tpu.unpack_subelements %add3A_887, 0 {pack_format = #tpu.pack_format<interleaved>} : vector<32xbf16> -> vector<16xf32>
        %unpack3A_889 = tpu.unpack_subelements %add3A_887, 1 {pack_format = #tpu.pack_format<interleaved>} : vector<32xbf16> -> vector<16xf32>
        %add3A_890 = arith.addf %scan3A_856, %unpack3A_888 : vector<16xf32>
        %add3A_891 = arith.addf %scan3A_857, %unpack3A_889 : vector<16xf32>
        %scan3A_892 = arith.constant 1 : i32
        %scan3A_893 = arith.addi %scan3A_853, %scan3A_892 : i32
        %mul3A_894 = arith.constant 2 : i32
        %mul3A_895 = arith.muli %mul3A_894, %scan3A_893 : i32
        %get3A_896 = arith.constant 6 : i32
        %get3A_897 = arith.index_cast %get3A_896 : i32 to index
        %get3A_898 = arith.index_cast %mul3A_895 : i32 to index
        %get3A_899 = arith.constant 0 : index
        %get3A_900 = tpu.vector_load %arg7[%get3A_897, %get3A_898, %get3A_899] {strides = array<i32>} : memref<8x200x64xbf16, #tpu.memory_space<vmem>>, vector<32xbf16>,
        %add3A_901 = arith.constant 1 : i32
        %add3A_902 = arith.addi %mul3A_895, %add3A_901 : i32
        %get3A_903 = arith.constant 6 : i32
        %get3A_904 = arith.index_cast %get3A_903 : i32 to index
        %get3A_905 = arith.index_cast %add3A_902 : i32 to index
        %get3A_906 = arith.constant 0 : index
        %get3A_907 = tpu.vector_load %arg7[%get3A_904, %get3A_905, %get3A_906] {strides = array<i32>} : memref<8x200x64xbf16, #tpu.memory_space<vmem>>, vector<32xbf16>,
        %add3A_908 = arith.addf %get3A_900, %get3A_907 : vector<32xbf16>
        %unpack3A_909 = tpu.unpack_subelements %add3A_908, 0 {pack_format = #tpu.pack_format<interleaved>} : vector<32xbf16> -> vector<16xf32>
        %unpack3A_910 = tpu.unpack_subelements %add3A_908, 1 {pack_format = #tpu.pack_format<interleaved>} : vector<32xbf16> -> vector<16xf32>
        %add3A_911 = arith.addf %add3A_873, %unpack3A_909 : vector<16xf32>
        %add3A_912 = arith.addf %add3A_874, %unpack3A_910 : vector<16xf32>
        %get3A_913 = arith.constant 6 : i32
        %get3A_914 = arith.index_cast %get3A_913 : i32 to index
        %get3A_915 = arith.index_cast %mul3A_895 : i32 to index
        %get3A_916 = arith.constant 32 : index
        %get3A_917 = tpu.vector_load %arg7[%get3A_914, %get3A_915, %get3A_916] {strides = array<i32>} : memref<8x200x64xbf16, #tpu.memory_space<vmem>>, vector<32xbf16>,
        %add3A_918 = arith.constant 1 : i32
        %add3A_919 = arith.addi %mul3A_895, %add3A_918 : i32
        %get3A_920 = arith.constant 6 : i32
        %get3A_921 = arith.index_cast %get3A_920 : i32 to index
        %get3A_922 = arith.index_cast %add3A_919 : i32 to index
        %get3A_923 = arith.constant 32 : index
        %get3A_924 = tpu.vector_load %arg7[%get3A_921, %get3A_922, %get3A_923] {strides = array<i32>} : memref<8x200x64xbf16, #tpu.memory_space<vmem>>, vector<32xbf16>,
        %add3A_925 = arith.addf %get3A_917, %get3A_924 : vector<32xbf16>
        %unpack3A_926 = tpu.unpack_subelements %add3A_925, 0 {pack_format = #tpu.pack_format<interleaved>} : vector<32xbf16> -> vector<16xf32>
        %unpack3A_927 = tpu.unpack_subelements %add3A_925, 1 {pack_format = #tpu.pack_format<interleaved>} : vector<32xbf16> -> vector<16xf32>
        %add3A_928 = arith.addf %add3A_890, %unpack3A_926 : vector<16xf32>
        %add3A_929 = arith.addf %add3A_891, %unpack3A_927 : vector<16xf32>
        %scan3A_930 = arith.constant 2 : i32
        %scan3A_931 = arith.addi %scan3A_853, %scan3A_930 : i32
        %mul3A_932 = arith.constant 2 : i32
        %mul3A_933 = arith.muli %mul3A_932, %scan3A_931 : i32
        %get3A_934 = arith.constant 6 : i32
        %get3A_935 = arith.index_cast %get3A_934 : i32 to index
        %get3A_936 = arith.index_cast %mul3A_933 : i32 to index
        %get3A_937 = arith.constant 0 : index
        %get3A_938 = tpu.vector_load %arg7[%get3A_935, %get3A_936, %get3A_937] {strides = array<i32>} : memref<8x200x64xbf16, #tpu.memory_space<vmem>>, vector<32xbf16>,
        %add3A_939 = arith.constant 1 : i32
        %add3A_940 = arith.addi %mul3A_933, %add3A_939 : i32
        %get3A_941 = arith.constant 6 : i32
        %get3A_942 = arith.index_cast %get3A_941 : i32 to index
        %get3A_943 = arith.index_cast %add3A_940 : i32 to index
        %get3A_944 = arith.constant 0 : index
        %get3A_945 = tpu.vector_load %arg7[%get3A_942, %get3A_943, %get3A_944] {strides = array<i32>} : memref<8x200x64xbf16, #tpu.memory_space<vmem>>, vector<32xbf16>,
        %add3A_946 = arith.addf %get3A_938, %get3A_945 : vector<32xbf16>
        %unpack3A_947 = tpu.unpack_subelements %add3A_946, 0 {pack_format = #tpu.pack_format<interleaved>} : vector<32xbf16> -> vector<16xf32>
        %unpack3A_948 = tpu.unpack_subelements %add3A_946, 1 {pack_format = #tpu.pack_format<interleaved>} : vector<32xbf16> -> vector<16xf32>
        %add3A_949 = arith.addf %add3A_911, %unpack3A_947 : vector<16xf32>
        %add3A_950 = arith.addf %add3A_912, %unpack3A_948 : vector<16xf32>
        %get3A_951 = arith.constant 6 : i32
        %get3A_952 = arith.index_cast %get3A_951 : i32 to index
        %get3A_953 = arith.index_cast %mul3A_933 : i32 to index
        %get3A_954 = arith.constant 32 : index
        %get3A_955 = tpu.vector_load %arg7[%get3A_952, %get3A_953, %get3A_954] {strides = array<i32>} : memref<8x200x64xbf16, #tpu.memory_space<vmem>>, vector<32xbf16>,
        %add3A_956 = arith.constant 1 : i32
        %add3A_957 = arith.addi %mul3A_933, %add3A_956 : i32
        %get3A_958 = arith.constant 6 : i32
        %get3A_959 = arith.index_cast %get3A_958 : i32 to index
        %get3A_960 = arith.index_cast %add3A_957 : i32 to index
        %get3A_961 = arith.constant 32 : index
        %get3A_962 = tpu.vector_load %arg7[%get3A_959, %get3A_960, %get3A_961] {strides = array<i32>} : memref<8x200x64xbf16, #tpu.memory_space<vmem>>, vector<32xbf16>,
        %add3A_963 = arith.addf %get3A_955, %get3A_962 : vector<32xbf16>
        %unpack3A_964 = tpu.unpack_subelements %add3A_963, 0 {pack_format = #tpu.pack_format<interleaved>} : vector<32xbf16> -> vector<16xf32>
        %unpack3A_965 = tpu.unpack_subelements %add3A_963, 1 {pack_format = #tpu.pack_format<interleaved>} : vector<32xbf16> -> vector<16xf32>
        %add3A_966 = arith.addf %add3A_928, %unpack3A_964 : vector<16xf32>
        %add3A_967 = arith.addf %add3A_929, %unpack3A_965 : vector<16xf32>
        %scan3A_968 = arith.constant 3 : i32
        %scan3A_969 = arith.addi %scan3A_853, %scan3A_968 : i32
        %mul3A_970 = arith.constant 2 : i32
        %mul3A_971 = arith.muli %mul3A_970, %scan3A_969 : i32
        %get3A_972 = arith.constant 6 : i32
        %get3A_973 = arith.index_cast %get3A_972 : i32 to index
        %get3A_974 = arith.index_cast %mul3A_971 : i32 to index
        %get3A_975 = arith.constant 0 : index
        %get3A_976 = tpu.vector_load %arg7[%get3A_973, %get3A_974, %get3A_975] {strides = array<i32>} : memref<8x200x64xbf16, #tpu.memory_space<vmem>>, vector<32xbf16>,
        %add3A_977 = arith.constant 1 : i32
        %add3A_978 = arith.addi %mul3A_971, %add3A_977 : i32
        %get3A_979 = arith.constant 6 : i32
        %get3A_980 = arith.index_cast %get3A_979 : i32 to index
        %get3A_981 = arith.index_cast %add3A_978 : i32 to index
        %get3A_982 = arith.constant 0 : index
        %get3A_983 = tpu.vector_load %arg7[%get3A_980, %get3A_981, %get3A_982] {strides = array<i32>} : memref<8x200x64xbf16, #tpu.memory_space<vmem>>, vector<32xbf16>,
        %add3A_984 = arith.addf %get3A_976, %get3A_983 : vector<32xbf16>
        %unpack3A_985 = tpu.unpack_subelements %add3A_984, 0 {pack_format = #tpu.pack_format<interleaved>} : vector<32xbf16> -> vector<16xf32>
        %unpack3A_986 = tpu.unpack_subelements %add3A_984, 1 {pack_format = #tpu.pack_format<interleaved>} : vector<32xbf16> -> vector<16xf32>
        %add3A_987 = arith.addf %add3A_949, %unpack3A_985 : vector<16xf32>
        %add3A_988 = arith.addf %add3A_950, %unpack3A_986 : vector<16xf32>
        %get3A_989 = arith.constant 6 : i32
        %get3A_990 = arith.index_cast %get3A_989 : i32 to index
        %get3A_991 = arith.index_cast %mul3A_971 : i32 to index
        %get3A_992 = arith.constant 32 : index
        %get3A_993 = tpu.vector_load %arg7[%get3A_990, %get3A_991, %get3A_992] {strides = array<i32>} : memref<8x200x64xbf16, #tpu.memory_space<vmem>>, vector<32xbf16>,
        %add3A_994 = arith.constant 1 : i32
        %add3A_995 = arith.addi %mul3A_971, %add3A_994 : i32
        %get3A_996 = arith.constant 6 : i32
        %get3A_997 = arith.index_cast %get3A_996 : i32 to index
        %get3A_998 = arith.index_cast %add3A_995 : i32 to index
        %get3A_999 = arith.constant 32 : index
        %get3A_1000 = tpu.vector_load %arg7[%get3A_997, %get3A_998, %get3A_999] {strides = array<i32>} : memref<8x200x64xbf16, #tpu.memory_space<vmem>>, vector<32xbf16>,
        %add3A_1001 = arith.addf %get3A_993, %get3A_1000 : vector<32xbf16>
        %unpack3A_1002 = tpu.unpack_subelements %add3A_1001, 0 {pack_format = #tpu.pack_format<interleaved>} : vector<32xbf16> -> vector<16xf32>
        %unpack3A_1003 = tpu.unpack_subelements %add3A_1001, 1 {pack_format = #tpu.pack_format<interleaved>} : vector<32xbf16> -> vector<16xf32>
        %add3A_1004 = arith.addf %add3A_966, %unpack3A_1002 : vector<16xf32>
        %add3A_1005 = arith.addf %add3A_967, %unpack3A_1003 : vector<16xf32>
        scf.yield %add3A_987, %add3A_988, %add3A_1004, %add3A_1005 : vector<16xf32>, vector<16xf32>, vector<16xf32>, vector<16xf32>
      }
      %scan3A_414 = arith.constant 100 : i32
      %swap3A_415 = arith.constant 6 : i32
      %swap3A_416 = arith.index_cast %swap3A_415 : i32 to index
      %swap3A_417 = arith.constant 0 : index
      %swap3A_418 = tpu.vector_load %arg9[%swap3A_416, %swap3A_417] {strides = array<i32>} : memref<8x64xf32, #tpu.memory_space<vmem>>, vector<16xf32>,
      tpu.vector_store %arg9[%swap3A_416, %swap3A_417], %scan3A_413#0 {strides = array<i32>} : memref<8x64xf32, #tpu.memory_space<vmem>>, vector<16xf32>,
      %swap3A_419 = arith.constant 6 : i32
      %swap3A_420 = arith.index_cast %swap3A_419 : i32 to index
      %swap3A_421 = arith.constant 16 : index
      %swap3A_422 = tpu.vector_load %arg9[%swap3A_420, %swap3A_421] {strides = array<i32>} : memref<8x64xf32, #tpu.memory_space<vmem>>, vector<16xf32>,
      tpu.vector_store %arg9[%swap3A_420, %swap3A_421], %scan3A_413#1 {strides = array<i32>} : memref<8x64xf32, #tpu.memory_space<vmem>>, vector<16xf32>,
      %swap3A_423 = arith.constant 6 : i32
      %swap3A_424 = arith.index_cast %swap3A_423 : i32 to index
      %swap3A_425 = arith.constant 32 : index
      %swap3A_426 = tpu.vector_load %arg9[%swap3A_424, %swap3A_425] {strides = array<i32>} : memref<8x64xf32, #tpu.memory_space<vmem>>, vector<16xf32>,
      tpu.vector_store %arg9[%swap3A_424, %swap3A_425], %scan3A_413#2 {strides = array<i32>} : memref<8x64xf32, #tpu.memory_space<vmem>>, vector<16xf32>,
      %swap3A_427 = arith.constant 6 : i32
      %swap3A_428 = arith.index_cast %swap3A_427 : i32 to index
      %swap3A_429 = arith.constant 48 : index
      %swap3A_430 = tpu.vector_load %arg9[%swap3A_428, %swap3A_429] {strides = array<i32>} : memref<8x64xf32, #tpu.memory_space<vmem>>, vector<16xf32>,
      tpu.vector_store %arg9[%swap3A_428, %swap3A_429], %scan3A_413#3 {strides = array<i32>} : memref<8x64xf32, #tpu.memory_space<vmem>>, vector<16xf32>,
      %dma_wait3A_431 = arith.constant 7 : i32
      %dma_wait3A_432 = arith.constant 7 : i32
      %dma_wait3A_433 = arith.constant 0 : i32
      %dma_wait3A_434 = arith.constant 0 : i32
      %dma_wait3A_435 = tpu.memref_slice %arg7[%dma_wait3A_432, %dma_wait3A_433, %dma_wait3A_434] : memref<8x200x64xbf16, #tpu.memory_space<vmem>> -> memref<1x200x64xbf16, #tpu.memory_space<vmem>>
      %dma_wait3A_436 = tpu.memref_squeeze %dma_wait3A_435 : memref<1x200x64xbf16, #tpu.memory_space<vmem>> -> memref<200x64xbf16, #tpu.memory_space<vmem>>
      %dma_wait3A_437 = arith.constant 0 : i32
      %dma_wait3A_438 = tpu.memref_slice %arg5[%dma_wait3A_431, %dma_wait3A_437] : memref<8x200xi32, #tpu.memory_space<vmem>> -> memref<1x200xi32, #tpu.memory_space<vmem>>
      %dma_wait3A_439 = tpu.memref_squeeze %dma_wait3A_438 : memref<1x200xi32, #tpu.memory_space<vmem>> -> memref<200xi32, #tpu.memory_space<vmem>>
      %dma_wait3A_440 = arith.constant 0 : i32
      %dma_wait3A_441 = arith.constant 0 : i32
      %dma_wait3A_442 = tpu.memref_slice %arg3[%dma_wait3A_440, %dma_wait3A_441] : memref<100000x64xbf16, #tpu.memory_space<hbm>> -> memref<100000x64xbf16, #tpu.memory_space<hbm>>
      tpu.wait_indirect_dma semaphore(%arg11 : memref<!tpu.dma_semaphore, #tpu.memory_space<semaphore_mem>>) src(%dma_wait3A_442 : memref<100000x64xbf16, #tpu.memory_space<hbm>>) dst(%dma_wait3A_436 : memref<200x64xbf16, #tpu.memory_space<vmem>>)
      %broadcast_in_dim3A_443 = arith.constant 0.000000e+00 : f32
      %broadcast_in_dim3A_444 = vector.broadcast %broadcast_in_dim3A_443 : f32 to vector<16xf32>
      %broadcast_in_dim3A_445 = arith.constant 0.000000e+00 : f32
      %broadcast_in_dim3A_446 = vector.broadcast %broadcast_in_dim3A_445 : f32 to vector<16xf32>
      %broadcast_in_dim3A_447 = arith.constant 0.000000e+00 : f32
      %broadcast_in_dim3A_448 = vector.broadcast %broadcast_in_dim3A_447 : f32 to vector<16xf32>
      %broadcast_in_dim3A_449 = arith.constant 0.000000e+00 : f32
      %broadcast_in_dim3A_450 = vector.broadcast %broadcast_in_dim3A_449 : f32 to vector<16xf32>
      %scan3A_451 = arith.constant 0 : i32
      %scan3A_452 = arith.constant 100 : i32
      %scan3A_453 = arith.addi %scan3A_451, %scan3A_452 : i32
      %scan3A_454 = arith.constant 4 : i32
      %scan3A_455:4 = scf.for %scan3A_853 = %scan3A_451 to %scan3A_453 step %scan3A_454 iter_args(%scan3A_854 = %broadcast_in_dim3A_444, %scan3A_855 = %broadcast_in_dim3A_446, %scan3A_856 = %broadcast_in_dim3A_448, %scan3A_857 = %broadcast_in_dim3A_450) -> (vector<16xf32>, vector<16xf32>, vector<16xf32>, vector<16xf32>)  : i32 {
        %mul3A_858 = arith.constant 2 : i32
        %mul3A_859 = arith.muli %mul3A_858, %scan3A_853 : i32
        %get3A = arith.constant 7 : i32
        %get3A_860 = arith.index_cast %get3A : i32 to index
        %get3A_861 = arith.index_cast %mul3A_859 : i32 to index
        %get3A_862 = arith.constant 0 : index
        %get3A_863 = tpu.vector_load %arg7[%get3A_860, %get3A_861, %get3A_862] {strides = array<i32>} : memref<8x200x64xbf16, #tpu.memory_space<vmem>>, vector<32xbf16>,
        %add3A_864 = arith.constant 1 : i32
        %add3A_865 = arith.addi %mul3A_859, %add3A_864 : i32
        %get3A_866 = arith.constant 7 : i32
        %get3A_867 = arith.index_cast %get3A_866 : i32 to index
        %get3A_868 = arith.index_cast %add3A_865 : i32 to index
        %get3A_869 = arith.constant 0 : index
        %get3A_870 = tpu.vector_load %arg7[%get3A_867, %get3A_868, %get3A_869] {strides = array<i32>} : memref<8x200x64xbf16, #tpu.memory_space<vmem>>, vector<32xbf16>,
        %add3A_871 = arith.addf %get3A_863, %get3A_870 : vector<32xbf16>
        %unpack3A = tpu.unpack_subelements %add3A_871, 0 {pack_format = #tpu.pack_format<interleaved>} : vector<32xbf16> -> vector<16xf32>
        %unpack3A_872 = tpu.unpack_subelements %add3A_871, 1 {pack_format = #tpu.pack_format<interleaved>} : vector<32xbf16> -> vector<16xf32>
        %add3A_873 = arith.addf %scan3A_854, %unpack3A : vector<16xf32>
        %add3A_874 = arith.addf %scan3A_855, %unpack3A_872 : vector<16xf32>
        %get3A_875 = arith.constant 7 : i32
        %get3A_876 = arith.index_cast %get3A_875 : i32 to index
        %get3A_877 = arith.index_cast %mul3A_859 : i32 to index
        %get3A_878 = arith.constant 32 : index
        %get3A_879 = tpu.vector_load %arg7[%get3A_876, %get3A_877, %get3A_878] {strides = array<i32>} : memref<8x200x64xbf16, #tpu.memory_space<vmem>>, vector<32xbf16>,
        %add3A_880 = arith.constant 1 : i32
        %add3A_881 = arith.addi %mul3A_859, %add3A_880 : i32
        %get3A_882 = arith.constant 7 : i32
        %get3A_883 = arith.index_cast %get3A_882 : i32 to index
        %get3A_884 = arith.index_cast %add3A_881 : i32 to index
        %get3A_885 = arith.constant 32 : index
        %get3A_886 = tpu.vector_load %arg7[%get3A_883, %get3A_884, %get3A_885] {strides = array<i32>} : memref<8x200x64xbf16, #tpu.memory_space<vmem>>, vector<32xbf16>,
        %add3A_887 = arith.addf %get3A_879, %get3A_886 : vector<32xbf16>
        %unpack3A_888 = tpu.unpack_subelements %add3A_887, 0 {pack_format = #tpu.pack_format<interleaved>} : vector<32xbf16> -> vector<16xf32>
        %unpack3A_889 = tpu.unpack_subelements %add3A_887, 1 {pack_format = #tpu.pack_format<interleaved>} : vector<32xbf16> -> vector<16xf32>
        %add3A_890 = arith.addf %scan3A_856, %unpack3A_888 : vector<16xf32>
        %add3A_891 = arith.addf %scan3A_857, %unpack3A_889 : vector<16xf32>
        %scan3A_892 = arith.constant 1 : i32
        %scan3A_893 = arith.addi %scan3A_853, %scan3A_892 : i32
        %mul3A_894 = arith.constant 2 : i32
        %mul3A_895 = arith.muli %mul3A_894, %scan3A_893 : i32
        %get3A_896 = arith.constant 7 : i32
        %get3A_897 = arith.index_cast %get3A_896 : i32 to index
        %get3A_898 = arith.index_cast %mul3A_895 : i32 to index
        %get3A_899 = arith.constant 0 : index
        %get3A_900 = tpu.vector_load %arg7[%get3A_897, %get3A_898, %get3A_899] {strides = array<i32>} : memref<8x200x64xbf16, #tpu.memory_space<vmem>>, vector<32xbf16>,
        %add3A_901 = arith.constant 1 : i32
        %add3A_902 = arith.addi %mul3A_895, %add3A_901 : i32
        %get3A_903 = arith.constant 7 : i32
        %get3A_904 = arith.index_cast %get3A_903 : i32 to index
        %get3A_905 = arith.index_cast %add3A_902 : i32 to index
        %get3A_906 = arith.constant 0 : index
        %get3A_907 = tpu.vector_load %arg7[%get3A_904, %get3A_905, %get3A_906] {strides = array<i32>} : memref<8x200x64xbf16, #tpu.memory_space<vmem>>, vector<32xbf16>,
        %add3A_908 = arith.addf %get3A_900, %get3A_907 : vector<32xbf16>
        %unpack3A_909 = tpu.unpack_subelements %add3A_908, 0 {pack_format = #tpu.pack_format<interleaved>} : vector<32xbf16> -> vector<16xf32>
        %unpack3A_910 = tpu.unpack_subelements %add3A_908, 1 {pack_format = #tpu.pack_format<interleaved>} : vector<32xbf16> -> vector<16xf32>
        %add3A_911 = arith.addf %add3A_873, %unpack3A_909 : vector<16xf32>
        %add3A_912 = arith.addf %add3A_874, %unpack3A_910 : vector<16xf32>
        %get3A_913 = arith.constant 7 : i32
        %get3A_914 = arith.index_cast %get3A_913 : i32 to index
        %get3A_915 = arith.index_cast %mul3A_895 : i32 to index
        %get3A_916 = arith.constant 32 : index
        %get3A_917 = tpu.vector_load %arg7[%get3A_914, %get3A_915, %get3A_916] {strides = array<i32>} : memref<8x200x64xbf16, #tpu.memory_space<vmem>>, vector<32xbf16>,
        %add3A_918 = arith.constant 1 : i32
        %add3A_919 = arith.addi %mul3A_895, %add3A_918 : i32
        %get3A_920 = arith.constant 7 : i32
        %get3A_921 = arith.index_cast %get3A_920 : i32 to index
        %get3A_922 = arith.index_cast %add3A_919 : i32 to index
        %get3A_923 = arith.constant 32 : index
        %get3A_924 = tpu.vector_load %arg7[%get3A_921, %get3A_922, %get3A_923] {strides = array<i32>} : memref<8x200x64xbf16, #tpu.memory_space<vmem>>, vector<32xbf16>,
        %add3A_925 = arith.addf %get3A_917, %get3A_924 : vector<32xbf16>
        %unpack3A_926 = tpu.unpack_subelements %add3A_925, 0 {pack_format = #tpu.pack_format<interleaved>} : vector<32xbf16> -> vector<16xf32>
        %unpack3A_927 = tpu.unpack_subelements %add3A_925, 1 {pack_format = #tpu.pack_format<interleaved>} : vector<32xbf16> -> vector<16xf32>
        %add3A_928 = arith.addf %add3A_890, %unpack3A_926 : vector<16xf32>
        %add3A_929 = arith.addf %add3A_891, %unpack3A_927 : vector<16xf32>
        %scan3A_930 = arith.constant 2 : i32
        %scan3A_931 = arith.addi %scan3A_853, %scan3A_930 : i32
        %mul3A_932 = arith.constant 2 : i32
        %mul3A_933 = arith.muli %mul3A_932, %scan3A_931 : i32
        %get3A_934 = arith.constant 7 : i32
        %get3A_935 = arith.index_cast %get3A_934 : i32 to index
        %get3A_936 = arith.index_cast %mul3A_933 : i32 to index
        %get3A_937 = arith.constant 0 : index
        %get3A_938 = tpu.vector_load %arg7[%get3A_935, %get3A_936, %get3A_937] {strides = array<i32>} : memref<8x200x64xbf16, #tpu.memory_space<vmem>>, vector<32xbf16>,
        %add3A_939 = arith.constant 1 : i32
        %add3A_940 = arith.addi %mul3A_933, %add3A_939 : i32
        %get3A_941 = arith.constant 7 : i32
        %get3A_942 = arith.index_cast %get3A_941 : i32 to index
        %get3A_943 = arith.index_cast %add3A_940 : i32 to index
        %get3A_944 = arith.constant 0 : index
        %get3A_945 = tpu.vector_load %arg7[%get3A_942, %get3A_943, %get3A_944] {strides = array<i32>} : memref<8x200x64xbf16, #tpu.memory_space<vmem>>, vector<32xbf16>,
        %add3A_946 = arith.addf %get3A_938, %get3A_945 : vector<32xbf16>
        %unpack3A_947 = tpu.unpack_subelements %add3A_946, 0 {pack_format = #tpu.pack_format<interleaved>} : vector<32xbf16> -> vector<16xf32>
        %unpack3A_948 = tpu.unpack_subelements %add3A_946, 1 {pack_format = #tpu.pack_format<interleaved>} : vector<32xbf16> -> vector<16xf32>
        %add3A_949 = arith.addf %add3A_911, %unpack3A_947 : vector<16xf32>
        %add3A_950 = arith.addf %add3A_912, %unpack3A_948 : vector<16xf32>
        %get3A_951 = arith.constant 7 : i32
        %get3A_952 = arith.index_cast %get3A_951 : i32 to index
        %get3A_953 = arith.index_cast %mul3A_933 : i32 to index
        %get3A_954 = arith.constant 32 : index
        %get3A_955 = tpu.vector_load %arg7[%get3A_952, %get3A_953, %get3A_954] {strides = array<i32>} : memref<8x200x64xbf16, #tpu.memory_space<vmem>>, vector<32xbf16>,
        %add3A_956 = arith.constant 1 : i32
        %add3A_957 = arith.addi %mul3A_933, %add3A_956 : i32
        %get3A_958 = arith.constant 7 : i32
        %get3A_959 = arith.index_cast %get3A_958 : i32 to index
        %get3A_960 = arith.index_cast %add3A_957 : i32 to index
        %get3A_961 = arith.constant 32 : index
        %get3A_962 = tpu.vector_load %arg7[%get3A_959, %get3A_960, %get3A_961] {strides = array<i32>} : memref<8x200x64xbf16, #tpu.memory_space<vmem>>, vector<32xbf16>,
        %add3A_963 = arith.addf %get3A_955, %get3A_962 : vector<32xbf16>
        %unpack3A_964 = tpu.unpack_subelements %add3A_963, 0 {pack_format = #tpu.pack_format<interleaved>} : vector<32xbf16> -> vector<16xf32>
        %unpack3A_965 = tpu.unpack_subelements %add3A_963, 1 {pack_format = #tpu.pack_format<interleaved>} : vector<32xbf16> -> vector<16xf32>
        %add3A_966 = arith.addf %add3A_928, %unpack3A_964 : vector<16xf32>
        %add3A_967 = arith.addf %add3A_929, %unpack3A_965 : vector<16xf32>
        %scan3A_968 = arith.constant 3 : i32
        %scan3A_969 = arith.addi %scan3A_853, %scan3A_968 : i32
        %mul3A_970 = arith.constant 2 : i32
        %mul3A_971 = arith.muli %mul3A_970, %scan3A_969 : i32
        %get3A_972 = arith.constant 7 : i32
        %get3A_973 = arith.index_cast %get3A_972 : i32 to index
        %get3A_974 = arith.index_cast %mul3A_971 : i32 to index
        %get3A_975 = arith.constant 0 : index
        %get3A_976 = tpu.vector_load %arg7[%get3A_973, %get3A_974, %get3A_975] {strides = array<i32>} : memref<8x200x64xbf16, #tpu.memory_space<vmem>>, vector<32xbf16>,
        %add3A_977 = arith.constant 1 : i32
        %add3A_978 = arith.addi %mul3A_971, %add3A_977 : i32
        %get3A_979 = arith.constant 7 : i32
        %get3A_980 = arith.index_cast %get3A_979 : i32 to index
        %get3A_981 = arith.index_cast %add3A_978 : i32 to index
        %get3A_982 = arith.constant 0 : index
        %get3A_983 = tpu.vector_load %arg7[%get3A_980, %get3A_981, %get3A_982] {strides = array<i32>} : memref<8x200x64xbf16, #tpu.memory_space<vmem>>, vector<32xbf16>,
        %add3A_984 = arith.addf %get3A_976, %get3A_983 : vector<32xbf16>
        %unpack3A_985 = tpu.unpack_subelements %add3A_984, 0 {pack_format = #tpu.pack_format<interleaved>} : vector<32xbf16> -> vector<16xf32>
        %unpack3A_986 = tpu.unpack_subelements %add3A_984, 1 {pack_format = #tpu.pack_format<interleaved>} : vector<32xbf16> -> vector<16xf32>
        %add3A_987 = arith.addf %add3A_949, %unpack3A_985 : vector<16xf32>
        %add3A_988 = arith.addf %add3A_950, %unpack3A_986 : vector<16xf32>
        %get3A_989 = arith.constant 7 : i32
        %get3A_990 = arith.index_cast %get3A_989 : i32 to index
        %get3A_991 = arith.index_cast %mul3A_971 : i32 to index
        %get3A_992 = arith.constant 32 : index
        %get3A_993 = tpu.vector_load %arg7[%get3A_990, %get3A_991, %get3A_992] {strides = array<i32>} : memref<8x200x64xbf16, #tpu.memory_space<vmem>>, vector<32xbf16>,
        %add3A_994 = arith.constant 1 : i32
        %add3A_995 = arith.addi %mul3A_971, %add3A_994 : i32
        %get3A_996 = arith.constant 7 : i32
        %get3A_997 = arith.index_cast %get3A_996 : i32 to index
        %get3A_998 = arith.index_cast %add3A_995 : i32 to index
        %get3A_999 = arith.constant 32 : index
        %get3A_1000 = tpu.vector_load %arg7[%get3A_997, %get3A_998, %get3A_999] {strides = array<i32>} : memref<8x200x64xbf16, #tpu.memory_space<vmem>>, vector<32xbf16>,
        %add3A_1001 = arith.addf %get3A_993, %get3A_1000 : vector<32xbf16>
        %unpack3A_1002 = tpu.unpack_subelements %add3A_1001, 0 {pack_format = #tpu.pack_format<interleaved>} : vector<32xbf16> -> vector<16xf32>
        %unpack3A_1003 = tpu.unpack_subelements %add3A_1001, 1 {pack_format = #tpu.pack_format<interleaved>} : vector<32xbf16> -> vector<16xf32>
        %add3A_1004 = arith.addf %add3A_966, %unpack3A_1002 : vector<16xf32>
        %add3A_1005 = arith.addf %add3A_967, %unpack3A_1003 : vector<16xf32>
        scf.yield %add3A_987, %add3A_988, %add3A_1004, %add3A_1005 : vector<16xf32>, vector<16xf32>, vector<16xf32>, vector<16xf32>
      }
      %scan3A_456 = arith.constant 100 : i32
      %swap3A_457 = arith.constant 7 : i32
      %swap3A_458 = arith.index_cast %swap3A_457 : i32 to index
      %swap3A_459 = arith.constant 0 : index
      %swap3A_460 = tpu.vector_load %arg9[%swap3A_458, %swap3A_459] {strides = array<i32>} : memref<8x64xf32, #tpu.memory_space<vmem>>, vector<16xf32>,
      tpu.vector_store %arg9[%swap3A_458, %swap3A_459], %scan3A_455#0 {strides = array<i32>} : memref<8x64xf32, #tpu.memory_space<vmem>>, vector<16xf32>,
      %swap3A_461 = arith.constant 7 : i32
      %swap3A_462 = arith.index_cast %swap3A_461 : i32 to index
      %swap3A_463 = arith.constant 16 : index
      %swap3A_464 = tpu.vector_load %arg9[%swap3A_462, %swap3A_463] {strides = array<i32>} : memref<8x64xf32, #tpu.memory_space<vmem>>, vector<16xf32>,
      tpu.vector_store %arg9[%swap3A_462, %swap3A_463], %scan3A_455#1 {strides = array<i32>} : memref<8x64xf32, #tpu.memory_space<vmem>>, vector<16xf32>,
      %swap3A_465 = arith.constant 7 : i32
      %swap3A_466 = arith.index_cast %swap3A_465 : i32 to index
      %swap3A_467 = arith.constant 32 : index
      %swap3A_468 = tpu.vector_load %arg9[%swap3A_466, %swap3A_467] {strides = array<i32>} : memref<8x64xf32, #tpu.memory_space<vmem>>, vector<16xf32>,
      tpu.vector_store %arg9[%swap3A_466, %swap3A_467], %scan3A_455#2 {strides = array<i32>} : memref<8x64xf32, #tpu.memory_space<vmem>>, vector<16xf32>,
      %swap3A_469 = arith.constant 7 : i32
      %swap3A_470 = arith.index_cast %swap3A_469 : i32 to index
      %swap3A_471 = arith.constant 48 : index
      %swap3A_472 = tpu.vector_load %arg9[%swap3A_470, %swap3A_471] {strides = array<i32>} : memref<8x64xf32, #tpu.memory_space<vmem>>, vector<16xf32>,
      tpu.vector_store %arg9[%swap3A_470, %swap3A_471], %scan3A_455#3 {strides = array<i32>} : memref<8x64xf32, #tpu.memory_space<vmem>>, vector<16xf32>,
      %add3A_473 = arith.constant 2 : i32
      %add3A_474 = arith.addi %add3A_130, %add3A_473 : i32
      %lt3A_475 = arith.constant 64 : i32
      %lt3A_476 = arith.cmpi slt, %add3A_474, %lt3A_475 : i32
      %convert_element_type3A_477 = arith.extui %lt3A_476 : i1 to i32
      %cond3A_478 = arith.constant 0 : i32
      %cond3A_479 = arith.cmpi ne, %convert_element_type3A_477, %cond3A_478 : i32
      scf.if %cond3A_479 {
        %add3A_853 = arith.constant 2 : i32
        %add3A_854 = arith.addi %add3A_130, %add3A_853 : i32
        %mul3A_855 = arith.constant 8 : i32
        %mul3A_856 = arith.muli %add3A_854, %mul3A_855 : i32
        %add3A_857 = arith.addi %mul3A_2, %mul3A_856 : i32
        %dma_start3A_858 = arith.constant 0 : i32
        %dma_start3A_859 = tpu.memref_slice %arg2[%add3A_857, %dma_start3A_858] : memref<16384x200xi32, #tpu.memory_space<hbm>> -> memref<8x200xi32, #tpu.memory_space<hbm>>
        %dma_start3A_860 = arith.constant 0 : i32
        %dma_start3A_861 = tpu.memref_slice %arg2[%add3A_857, %dma_start3A_860] : memref<16384x200xi32, #tpu.memory_space<hbm>> -> memref<8x200xi32, #tpu.memory_space<hbm>>
        tpu.enqueue_dma source(%dma_start3A_861 : memref<8x200xi32, #tpu.memory_space<hbm>>) target(%arg5 : memref<8x200xi32, #tpu.memory_space<vmem>>) target_semaphore(%arg13 : memref<!tpu.dma_semaphore, #tpu.memory_space<semaphore_mem>>)
      } else {
      }
      %mul3A_480 = arith.constant 8 : i32
      %mul3A_481 = arith.muli %add3A_130, %mul3A_480 : i32
      %add3A_482 = arith.addi %mul3A_2, %mul3A_481 : i32
      %dma_start3A_483 = arith.constant 0 : i32
      %dma_start3A_484 = tpu.memref_slice %arg4[%add3A_482, %dma_start3A_483] : memref<16384x64xf32, #tpu.memory_space<hbm>> -> memref<8x64xf32, #tpu.memory_space<hbm>>
      %dma_start3A_485 = arith.constant 0 : i32
      %dma_start3A_486 = tpu.memref_slice %arg4[%add3A_482, %dma_start3A_485] : memref<16384x64xf32, #tpu.memory_space<hbm>> -> memref<8x64xf32, #tpu.memory_space<hbm>>
      tpu.enqueue_dma source(%arg9 : memref<8x64xf32, #tpu.memory_space<vmem>>) target(%dma_start3A_486 : memref<8x64xf32, #tpu.memory_space<hbm>>) target_semaphore(%arg15 : memref<!tpu.dma_semaphore, #tpu.memory_space<semaphore_mem>>)
      %mul3A_487 = arith.constant 2 : i32
      %mul3A_488 = arith.muli %scan3A_126, %mul3A_487 : i32
      %add3A_489 = arith.constant 1 : i32
      %add3A_490 = arith.addi %mul3A_488, %add3A_489 : i32
      %add3A_491 = arith.constant 1 : i32
      %add3A_492 = arith.addi %add3A_490, %add3A_491 : i32
      %lt3A_493 = arith.constant 64 : i32
      %lt3A_494 = arith.cmpi slt, %add3A_492, %lt3A_493 : i32
      %convert_element_type3A_495 = arith.extui %lt3A_494 : i1 to i32
      %cond3A_496 = arith.constant 0 : i32
      %cond3A_497 = arith.cmpi ne, %convert_element_type3A_495, %cond3A_496 : i32
      scf.if %cond3A_497 {
        %dma_wait3A_853 = arith.constant 0 : i32
        %dma_wait3A_854 = tpu.memref_slice %arg2[%mul3A_2, %dma_wait3A_853] : memref<16384x200xi32, #tpu.memory_space<hbm>> -> memref<8x200xi32, #tpu.memory_space<hbm>>
        %dma_wait3A_855 = arith.constant 0 : i32
        %dma_wait3A_856 = tpu.memref_slice %arg2[%mul3A_2, %dma_wait3A_855] : memref<16384x200xi32, #tpu.memory_space<hbm>> -> memref<8x200xi32, #tpu.memory_space<hbm>>
        tpu.wait_dma2 semaphore(%arg13 : memref<!tpu.dma_semaphore, #tpu.memory_space<semaphore_mem>>) src(%dma_wait3A_856 : memref<8x200xi32, #tpu.memory_space<hbm>>) dst(%arg5 : memref<8x200xi32, #tpu.memory_space<vmem>>)
        %dma_start3A_857 = arith.constant 0 : i32
        %dma_start3A_858 = arith.constant 0 : i32
        %dma_start3A_859 = arith.constant 0 : i32
        %dma_start3A_860 = arith.constant 0 : i32
        %dma_start3A_861 = tpu.memref_slice %arg7[%dma_start3A_858, %dma_start3A_859, %dma_start3A_860] : memref<8x200x64xbf16, #tpu.memory_space<vmem>> -> memref<1x200x64xbf16, #tpu.memory_space<vmem>>
        %dma_start3A_862 = tpu.memref_squeeze %dma_start3A_861 : memref<1x200x64xbf16, #tpu.memory_space<vmem>> -> memref<200x64xbf16, #tpu.memory_space<vmem>>
        %dma_start3A_863 = arith.constant 0 : i32
        %dma_start3A_864 = tpu.memref_slice %arg5[%dma_start3A_857, %dma_start3A_863] : memref<8x200xi32, #tpu.memory_space<vmem>> -> memref<1x200xi32, #tpu.memory_space<vmem>>
        %dma_start3A_865 = tpu.memref_squeeze %dma_start3A_864 : memref<1x200xi32, #tpu.memory_space<vmem>> -> memref<200xi32, #tpu.memory_space<vmem>>
        %dma_start3A_866 = arith.constant 0 : i32
        %dma_start3A_867 = arith.constant 0 : i32
        %dma_start3A_868 = tpu.memref_slice %arg3[%dma_start3A_866, %dma_start3A_867] : memref<100000x64xbf16, #tpu.memory_space<hbm>> -> memref<100000x64xbf16, #tpu.memory_space<hbm>>
        tpu.enqueue_indirect_dma source(%dma_start3A_868 : memref<100000x64xbf16, #tpu.memory_space<hbm>>) target(%dma_start3A_862 : memref<200x64xbf16, #tpu.memory_space<vmem>>) offsets(%dma_start3A_865 : memref<200xi32, #tpu.memory_space<vmem>>) semaphore(%arg11 : memref<!tpu.dma_semaphore, #tpu.memory_space<semaphore_mem>>)
        %dma_start3A_869 = arith.constant 1 : i32
        %dma_start3A_870 = arith.constant 1 : i32
        %dma_start3A_871 = arith.constant 0 : i32
        %dma_start3A_872 = arith.constant 0 : i32
        %dma_start3A_873 = tpu.memref_slice %arg7[%dma_start3A_870, %dma_start3A_871, %dma_start3A_872] : memref<8x200x64xbf16, #tpu.memory_space<vmem>> -> memref<1x200x64xbf16, #tpu.memory_space<vmem>>
        %dma_start3A_874 = tpu.memref_squeeze %dma_start3A_873 : memref<1x200x64xbf16, #tpu.memory_space<vmem>> -> memref<200x64xbf16, #tpu.memory_space<vmem>>
        %dma_start3A_875 = arith.constant 0 : i32
        %dma_start3A_876 = tpu.memref_slice %arg5[%dma_start3A_869, %dma_start3A_875] : memref<8x200xi32, #tpu.memory_space<vmem>> -> memref<1x200xi32, #tpu.memory_space<vmem>>
        %dma_start3A_877 = tpu.memref_squeeze %dma_start3A_876 : memref<1x200xi32, #tpu.memory_space<vmem>> -> memref<200xi32, #tpu.memory_space<vmem>>
        %dma_start3A_878 = arith.constant 0 : i32
        %dma_start3A_879 = arith.constant 0 : i32
        %dma_start3A_880 = tpu.memref_slice %arg3[%dma_start3A_878, %dma_start3A_879] : memref<100000x64xbf16, #tpu.memory_space<hbm>> -> memref<100000x64xbf16, #tpu.memory_space<hbm>>
        tpu.enqueue_indirect_dma source(%dma_start3A_880 : memref<100000x64xbf16, #tpu.memory_space<hbm>>) target(%dma_start3A_874 : memref<200x64xbf16, #tpu.memory_space<vmem>>) offsets(%dma_start3A_877 : memref<200xi32, #tpu.memory_space<vmem>>) semaphore(%arg11 : memref<!tpu.dma_semaphore, #tpu.memory_space<semaphore_mem>>)
        %dma_start3A_881 = arith.constant 2 : i32
        %dma_start3A_882 = arith.constant 2 : i32
        %dma_start3A_883 = arith.constant 0 : i32
        %dma_start3A_884 = arith.constant 0 : i32
        %dma_start3A_885 = tpu.memref_slice %arg7[%dma_start3A_882, %dma_start3A_883, %dma_start3A_884] : memref<8x200x64xbf16, #tpu.memory_space<vmem>> -> memref<1x200x64xbf16, #tpu.memory_space<vmem>>
        %dma_start3A_886 = tpu.memref_squeeze %dma_start3A_885 : memref<1x200x64xbf16, #tpu.memory_space<vmem>> -> memref<200x64xbf16, #tpu.memory_space<vmem>>
        %dma_start3A_887 = arith.constant 0 : i32
        %dma_start3A_888 = tpu.memref_slice %arg5[%dma_start3A_881, %dma_start3A_887] : memref<8x200xi32, #tpu.memory_space<vmem>> -> memref<1x200xi32, #tpu.memory_space<vmem>>
        %dma_start3A_889 = tpu.memref_squeeze %dma_start3A_888 : memref<1x200xi32, #tpu.memory_space<vmem>> -> memref<200xi32, #tpu.memory_space<vmem>>
        %dma_start3A_890 = arith.constant 0 : i32
        %dma_start3A_891 = arith.constant 0 : i32
        %dma_start3A_892 = tpu.memref_slice %arg3[%dma_start3A_890, %dma_start3A_891] : memref<100000x64xbf16, #tpu.memory_space<hbm>> -> memref<100000x64xbf16, #tpu.memory_space<hbm>>
        tpu.enqueue_indirect_dma source(%dma_start3A_892 : memref<100000x64xbf16, #tpu.memory_space<hbm>>) target(%dma_start3A_886 : memref<200x64xbf16, #tpu.memory_space<vmem>>) offsets(%dma_start3A_889 : memref<200xi32, #tpu.memory_space<vmem>>) semaphore(%arg11 : memref<!tpu.dma_semaphore, #tpu.memory_space<semaphore_mem>>)
        %dma_start3A_893 = arith.constant 3 : i32
        %dma_start3A_894 = arith.constant 3 : i32
        %dma_start3A_895 = arith.constant 0 : i32
        %dma_start3A_896 = arith.constant 0 : i32
        %dma_start3A_897 = tpu.memref_slice %arg7[%dma_start3A_894, %dma_start3A_895, %dma_start3A_896] : memref<8x200x64xbf16, #tpu.memory_space<vmem>> -> memref<1x200x64xbf16, #tpu.memory_space<vmem>>
        %dma_start3A_898 = tpu.memref_squeeze %dma_start3A_897 : memref<1x200x64xbf16, #tpu.memory_space<vmem>> -> memref<200x64xbf16, #tpu.memory_space<vmem>>
        %dma_start3A_899 = arith.constant 0 : i32
        %dma_start3A_900 = tpu.memref_slice %arg5[%dma_start3A_893, %dma_start3A_899] : memref<8x200xi32, #tpu.memory_space<vmem>> -> memref<1x200xi32, #tpu.memory_space<vmem>>
        %dma_start3A_901 = tpu.memref_squeeze %dma_start3A_900 : memref<1x200xi32, #tpu.memory_space<vmem>> -> memref<200xi32, #tpu.memory_space<vmem>>
        %dma_start3A_902 = arith.constant 0 : i32
        %dma_start3A_903 = arith.constant 0 : i32
        %dma_start3A_904 = tpu.memref_slice %arg3[%dma_start3A_902, %dma_start3A_903] : memref<100000x64xbf16, #tpu.memory_space<hbm>> -> memref<100000x64xbf16, #tpu.memory_space<hbm>>
        tpu.enqueue_indirect_dma source(%dma_start3A_904 : memref<100000x64xbf16, #tpu.memory_space<hbm>>) target(%dma_start3A_898 : memref<200x64xbf16, #tpu.memory_space<vmem>>) offsets(%dma_start3A_901 : memref<200xi32, #tpu.memory_space<vmem>>) semaphore(%arg11 : memref<!tpu.dma_semaphore, #tpu.memory_space<semaphore_mem>>)
        %dma_start3A_905 = arith.constant 4 : i32
        %dma_start3A_906 = arith.constant 4 : i32
        %dma_start3A_907 = arith.constant 0 : i32
        %dma_start3A_908 = arith.constant 0 : i32
        %dma_start3A_909 = tpu.memref_slice %arg7[%dma_start3A_906, %dma_start3A_907, %dma_start3A_908] : memref<8x200x64xbf16, #tpu.memory_space<vmem>> -> memref<1x200x64xbf16, #tpu.memory_space<vmem>>
        %dma_start3A_910 = tpu.memref_squeeze %dma_start3A_909 : memref<1x200x64xbf16, #tpu.memory_space<vmem>> -> memref<200x64xbf16, #tpu.memory_space<vmem>>
        %dma_start3A_911 = arith.constant 0 : i32
        %dma_start3A_912 = tpu.memref_slice %arg5[%dma_start3A_905, %dma_start3A_911] : memref<8x200xi32, #tpu.memory_space<vmem>> -> memref<1x200xi32, #tpu.memory_space<vmem>>
        %dma_start3A_913 = tpu.memref_squeeze %dma_start3A_912 : memref<1x200xi32, #tpu.memory_space<vmem>> -> memref<200xi32, #tpu.memory_space<vmem>>
        %dma_start3A_914 = arith.constant 0 : i32
        %dma_start3A_915 = arith.constant 0 : i32
        %dma_start3A_916 = tpu.memref_slice %arg3[%dma_start3A_914, %dma_start3A_915] : memref<100000x64xbf16, #tpu.memory_space<hbm>> -> memref<100000x64xbf16, #tpu.memory_space<hbm>>
        tpu.enqueue_indirect_dma source(%dma_start3A_916 : memref<100000x64xbf16, #tpu.memory_space<hbm>>) target(%dma_start3A_910 : memref<200x64xbf16, #tpu.memory_space<vmem>>) offsets(%dma_start3A_913 : memref<200xi32, #tpu.memory_space<vmem>>) semaphore(%arg11 : memref<!tpu.dma_semaphore, #tpu.memory_space<semaphore_mem>>)
        %dma_start3A_917 = arith.constant 5 : i32
        %dma_start3A_918 = arith.constant 5 : i32
        %dma_start3A_919 = arith.constant 0 : i32
        %dma_start3A_920 = arith.constant 0 : i32
        %dma_start3A_921 = tpu.memref_slice %arg7[%dma_start3A_918, %dma_start3A_919, %dma_start3A_920] : memref<8x200x64xbf16, #tpu.memory_space<vmem>> -> memref<1x200x64xbf16, #tpu.memory_space<vmem>>
        %dma_start3A_922 = tpu.memref_squeeze %dma_start3A_921 : memref<1x200x64xbf16, #tpu.memory_space<vmem>> -> memref<200x64xbf16, #tpu.memory_space<vmem>>
        %dma_start3A_923 = arith.constant 0 : i32
        %dma_start3A_924 = tpu.memref_slice %arg5[%dma_start3A_917, %dma_start3A_923] : memref<8x200xi32, #tpu.memory_space<vmem>> -> memref<1x200xi32, #tpu.memory_space<vmem>>
        %dma_start3A_925 = tpu.memref_squeeze %dma_start3A_924 : memref<1x200xi32, #tpu.memory_space<vmem>> -> memref<200xi32, #tpu.memory_space<vmem>>
        %dma_start3A_926 = arith.constant 0 : i32
        %dma_start3A_927 = arith.constant 0 : i32
        %dma_start3A_928 = tpu.memref_slice %arg3[%dma_start3A_926, %dma_start3A_927] : memref<100000x64xbf16, #tpu.memory_space<hbm>> -> memref<100000x64xbf16, #tpu.memory_space<hbm>>
        tpu.enqueue_indirect_dma source(%dma_start3A_928 : memref<100000x64xbf16, #tpu.memory_space<hbm>>) target(%dma_start3A_922 : memref<200x64xbf16, #tpu.memory_space<vmem>>) offsets(%dma_start3A_925 : memref<200xi32, #tpu.memory_space<vmem>>) semaphore(%arg11 : memref<!tpu.dma_semaphore, #tpu.memory_space<semaphore_mem>>)
        %dma_start3A_929 = arith.constant 6 : i32
        %dma_start3A_930 = arith.constant 6 : i32
        %dma_start3A_931 = arith.constant 0 : i32
        %dma_start3A_932 = arith.constant 0 : i32
        %dma_start3A_933 = tpu.memref_slice %arg7[%dma_start3A_930, %dma_start3A_931, %dma_start3A_932] : memref<8x200x64xbf16, #tpu.memory_space<vmem>> -> memref<1x200x64xbf16, #tpu.memory_space<vmem>>
        %dma_start3A_934 = tpu.memref_squeeze %dma_start3A_933 : memref<1x200x64xbf16, #tpu.memory_space<vmem>> -> memref<200x64xbf16, #tpu.memory_space<vmem>>
        %dma_start3A_935 = arith.constant 0 : i32
        %dma_start3A_936 = tpu.memref_slice %arg5[%dma_start3A_929, %dma_start3A_935] : memref<8x200xi32, #tpu.memory_space<vmem>> -> memref<1x200xi32, #tpu.memory_space<vmem>>
        %dma_start3A_937 = tpu.memref_squeeze %dma_start3A_936 : memref<1x200xi32, #tpu.memory_space<vmem>> -> memref<200xi32, #tpu.memory_space<vmem>>
        %dma_start3A_938 = arith.constant 0 : i32
        %dma_start3A_939 = arith.constant 0 : i32
        %dma_start3A_940 = tpu.memref_slice %arg3[%dma_start3A_938, %dma_start3A_939] : memref<100000x64xbf16, #tpu.memory_space<hbm>> -> memref<100000x64xbf16, #tpu.memory_space<hbm>>
        tpu.enqueue_indirect_dma source(%dma_start3A_940 : memref<100000x64xbf16, #tpu.memory_space<hbm>>) target(%dma_start3A_934 : memref<200x64xbf16, #tpu.memory_space<vmem>>) offsets(%dma_start3A_937 : memref<200xi32, #tpu.memory_space<vmem>>) semaphore(%arg11 : memref<!tpu.dma_semaphore, #tpu.memory_space<semaphore_mem>>)
        %dma_start3A_941 = arith.constant 7 : i32
        %dma_start3A_942 = arith.constant 7 : i32
        %dma_start3A_943 = arith.constant 0 : i32
        %dma_start3A_944 = arith.constant 0 : i32
        %dma_start3A_945 = tpu.memref_slice %arg7[%dma_start3A_942, %dma_start3A_943, %dma_start3A_944] : memref<8x200x64xbf16, #tpu.memory_space<vmem>> -> memref<1x200x64xbf16, #tpu.memory_space<vmem>>
        %dma_start3A_946 = tpu.memref_squeeze %dma_start3A_945 : memref<1x200x64xbf16, #tpu.memory_space<vmem>> -> memref<200x64xbf16, #tpu.memory_space<vmem>>
        %dma_start3A_947 = arith.constant 0 : i32
        %dma_start3A_948 = tpu.memref_slice %arg5[%dma_start3A_941, %dma_start3A_947] : memref<8x200xi32, #tpu.memory_space<vmem>> -> memref<1x200xi32, #tpu.memory_space<vmem>>
        %dma_start3A_949 = tpu.memref_squeeze %dma_start3A_948 : memref<1x200xi32, #tpu.memory_space<vmem>> -> memref<200xi32, #tpu.memory_space<vmem>>
        %dma_start3A_950 = arith.constant 0 : i32
        %dma_start3A_951 = arith.constant 0 : i32
        %dma_start3A_952 = tpu.memref_slice %arg3[%dma_start3A_950, %dma_start3A_951] : memref<100000x64xbf16, #tpu.memory_space<hbm>> -> memref<100000x64xbf16, #tpu.memory_space<hbm>>
        tpu.enqueue_indirect_dma source(%dma_start3A_952 : memref<100000x64xbf16, #tpu.memory_space<hbm>>) target(%dma_start3A_946 : memref<200x64xbf16, #tpu.memory_space<vmem>>) offsets(%dma_start3A_949 : memref<200xi32, #tpu.memory_space<vmem>>) semaphore(%arg11 : memref<!tpu.dma_semaphore, #tpu.memory_space<semaphore_mem>>)
      } else {
      }
      %ge3A_498 = arith.constant 2 : i32
      %ge3A_499 = arith.cmpi sge, %add3A_490, %ge3A_498 : i32
      %convert_element_type3A_500 = arith.extui %ge3A_499 : i1 to i32
      %cond3A_501 = arith.constant 0 : i32
      %cond3A_502 = arith.cmpi ne, %convert_element_type3A_500, %cond3A_501 : i32
      scf.if %cond3A_502 {
        %dma_wait3A_853 = arith.constant 0 : i32
        %dma_wait3A_854 = tpu.memref_slice %arg4[%mul3A_2, %dma_wait3A_853] : memref<16384x64xf32, #tpu.memory_space<hbm>> -> memref<8x64xf32, #tpu.memory_space<hbm>>
        %dma_wait3A_855 = arith.constant 0 : i32
        %dma_wait3A_856 = tpu.memref_slice %arg4[%mul3A_2, %dma_wait3A_855] : memref<16384x64xf32, #tpu.memory_space<hbm>> -> memref<8x64xf32, #tpu.memory_space<hbm>>
        tpu.wait_dma2 semaphore(%arg16 : memref<!tpu.dma_semaphore, #tpu.memory_space<semaphore_mem>>) src(%arg10 : memref<8x64xf32, #tpu.memory_space<vmem>>) dst(%dma_wait3A_856 : memref<8x64xf32, #tpu.memory_space<hbm>>)
      } else {
      }
      %dma_wait3A_503 = arith.constant 0 : i32
      %dma_wait3A_504 = arith.constant 0 : i32
      %dma_wait3A_505 = arith.constant 0 : i32
      %dma_wait3A_506 = arith.constant 0 : i32
      %dma_wait3A_507 = tpu.memref_slice %arg8[%dma_wait3A_504, %dma_wait3A_505, %dma_wait3A_506] : memref<8x200x64xbf16, #tpu.memory_space<vmem>> -> memref<1x200x64xbf16, #tpu.memory_space<vmem>>
      %dma_wait3A_508 = tpu.memref_squeeze %dma_wait3A_507 : memref<1x200x64xbf16, #tpu.memory_space<vmem>> -> memref<200x64xbf16, #tpu.memory_space<vmem>>
      %dma_wait3A_509 = arith.constant 0 : i32
      %dma_wait3A_510 = tpu.memref_slice %arg6[%dma_wait3A_503, %dma_wait3A_509] : memref<8x200xi32, #tpu.memory_space<vmem>> -> memref<1x200xi32, #tpu.memory_space<vmem>>
      %dma_wait3A_511 = tpu.memref_squeeze %dma_wait3A_510 : memref<1x200xi32, #tpu.memory_space<vmem>> -> memref<200xi32, #tpu.memory_space<vmem>>
      %dma_wait3A_512 = arith.constant 0 : i32
      %dma_wait3A_513 = arith.constant 0 : i32
      %dma_wait3A_514 = tpu.memref_slice %arg3[%dma_wait3A_512, %dma_wait3A_513] : memref<100000x64xbf16, #tpu.memory_space<hbm>> -> memref<100000x64xbf16, #tpu.memory_space<hbm>>
      tpu.wait_indirect_dma semaphore(%arg12 : memref<!tpu.dma_semaphore, #tpu.memory_space<semaphore_mem>>) src(%dma_wait3A_514 : memref<100000x64xbf16, #tpu.memory_space<hbm>>) dst(%dma_wait3A_508 : memref<200x64xbf16, #tpu.memory_space<vmem>>)
      %broadcast_in_dim3A_515 = arith.constant 0.000000e+00 : f32
      %broadcast_in_dim3A_516 = vector.broadcast %broadcast_in_dim3A_515 : f32 to vector<16xf32>
      %broadcast_in_dim3A_517 = arith.constant 0.000000e+00 : f32
      %broadcast_in_dim3A_518 = vector.broadcast %broadcast_in_dim3A_517 : f32 to vector<16xf32>
      %broadcast_in_dim3A_519 = arith.constant 0.000000e+00 : f32
      %broadcast_in_dim3A_520 = vector.broadcast %broadcast_in_dim3A_519 : f32 to vector<16xf32>
      %broadcast_in_dim3A_521 = arith.constant 0.000000e+00 : f32
      %broadcast_in_dim3A_522 = vector.broadcast %broadcast_in_dim3A_521 : f32 to vector<16xf32>
      %scan3A_523 = arith.constant 0 : i32
      %scan3A_524 = arith.constant 100 : i32
      %scan3A_525 = arith.addi %scan3A_523, %scan3A_524 : i32
      %scan3A_526 = arith.constant 4 : i32
      %scan3A_527:4 = scf.for %scan3A_853 = %scan3A_523 to %scan3A_525 step %scan3A_526 iter_args(%scan3A_854 = %broadcast_in_dim3A_516, %scan3A_855 = %broadcast_in_dim3A_518, %scan3A_856 = %broadcast_in_dim3A_520, %scan3A_857 = %broadcast_in_dim3A_522) -> (vector<16xf32>, vector<16xf32>, vector<16xf32>, vector<16xf32>)  : i32 {
        %mul3A_858 = arith.constant 2 : i32
        %mul3A_859 = arith.muli %mul3A_858, %scan3A_853 : i32
        %get3A = arith.constant 0 : i32
        %get3A_860 = arith.index_cast %get3A : i32 to index
        %get3A_861 = arith.index_cast %mul3A_859 : i32 to index
        %get3A_862 = arith.constant 0 : index
        %get3A_863 = tpu.vector_load %arg8[%get3A_860, %get3A_861, %get3A_862] {strides = array<i32>} : memref<8x200x64xbf16, #tpu.memory_space<vmem>>, vector<32xbf16>,
        %add3A_864 = arith.constant 1 : i32
        %add3A_865 = arith.addi %mul3A_859, %add3A_864 : i32
        %get3A_866 = arith.constant 0 : i32
        %get3A_867 = arith.index_cast %get3A_866 : i32 to index
        %get3A_868 = arith.index_cast %add3A_865 : i32 to index
        %get3A_869 = arith.constant 0 : index
        %get3A_870 = tpu.vector_load %arg8[%get3A_867, %get3A_868, %get3A_869] {strides = array<i32>} : memref<8x200x64xbf16, #tpu.memory_space<vmem>>, vector<32xbf16>,
        %add3A_871 = arith.addf %get3A_863, %get3A_870 : vector<32xbf16>
        %unpack3A = tpu.unpack_subelements %add3A_871, 0 {pack_format = #tpu.pack_format<interleaved>} : vector<32xbf16> -> vector<16xf32>
        %unpack3A_872 = tpu.unpack_subelements %add3A_871, 1 {pack_format = #tpu.pack_format<interleaved>} : vector<32xbf16> -> vector<16xf32>
        %add3A_873 = arith.addf %scan3A_854, %unpack3A : vector<16xf32>
        %add3A_874 = arith.addf %scan3A_855, %unpack3A_872 : vector<16xf32>
        %get3A_875 = arith.constant 0 : i32
        %get3A_876 = arith.index_cast %get3A_875 : i32 to index
        %get3A_877 = arith.index_cast %mul3A_859 : i32 to index
        %get3A_878 = arith.constant 32 : index
        %get3A_879 = tpu.vector_load %arg8[%get3A_876, %get3A_877, %get3A_878] {strides = array<i32>} : memref<8x200x64xbf16, #tpu.memory_space<vmem>>, vector<32xbf16>,
        %add3A_880 = arith.constant 1 : i32
        %add3A_881 = arith.addi %mul3A_859, %add3A_880 : i32
        %get3A_882 = arith.constant 0 : i32
        %get3A_883 = arith.index_cast %get3A_882 : i32 to index
        %get3A_884 = arith.index_cast %add3A_881 : i32 to index
        %get3A_885 = arith.constant 32 : index
        %get3A_886 = tpu.vector_load %arg8[%get3A_883, %get3A_884, %get3A_885] {strides = array<i32>} : memref<8x200x64xbf16, #tpu.memory_space<vmem>>, vector<32xbf16>,
        %add3A_887 = arith.addf %get3A_879, %get3A_886 : vector<32xbf16>
        %unpack3A_888 = tpu.unpack_subelements %add3A_887, 0 {pack_format = #tpu.pack_format<interleaved>} : vector<32xbf16> -> vector<16xf32>
        %unpack3A_889 = tpu.unpack_subelements %add3A_887, 1 {pack_format = #tpu.pack_format<interleaved>} : vector<32xbf16> -> vector<16xf32>
        %add3A_890 = arith.addf %scan3A_856, %unpack3A_888 : vector<16xf32>
        %add3A_891 = arith.addf %scan3A_857, %unpack3A_889 : vector<16xf32>
        %scan3A_892 = arith.constant 1 : i32
        %scan3A_893 = arith.addi %scan3A_853, %scan3A_892 : i32
        %mul3A_894 = arith.constant 2 : i32
        %mul3A_895 = arith.muli %mul3A_894, %scan3A_893 : i32
        %get3A_896 = arith.constant 0 : i32
        %get3A_897 = arith.index_cast %get3A_896 : i32 to index
        %get3A_898 = arith.index_cast %mul3A_895 : i32 to index
        %get3A_899 = arith.constant 0 : index
        %get3A_900 = tpu.vector_load %arg8[%get3A_897, %get3A_898, %get3A_899] {strides = array<i32>} : memref<8x200x64xbf16, #tpu.memory_space<vmem>>, vector<32xbf16>,
        %add3A_901 = arith.constant 1 : i32
        %add3A_902 = arith.addi %mul3A_895, %add3A_901 : i32
        %get3A_903 = arith.constant 0 : i32
        %get3A_904 = arith.index_cast %get3A_903 : i32 to index
        %get3A_905 = arith.index_cast %add3A_902 : i32 to index
        %get3A_906 = arith.constant 0 : index
        %get3A_907 = tpu.vector_load %arg8[%get3A_904, %get3A_905, %get3A_906] {strides = array<i32>} : memref<8x200x64xbf16, #tpu.memory_space<vmem>>, vector<32xbf16>,
        %add3A_908 = arith.addf %get3A_900, %get3A_907 : vector<32xbf16>
        %unpack3A_909 = tpu.unpack_subelements %add3A_908, 0 {pack_format = #tpu.pack_format<interleaved>} : vector<32xbf16> -> vector<16xf32>
        %unpack3A_910 = tpu.unpack_subelements %add3A_908, 1 {pack_format = #tpu.pack_format<interleaved>} : vector<32xbf16> -> vector<16xf32>
        %add3A_911 = arith.addf %add3A_873, %unpack3A_909 : vector<16xf32>
        %add3A_912 = arith.addf %add3A_874, %unpack3A_910 : vector<16xf32>
        %get3A_913 = arith.constant 0 : i32
        %get3A_914 = arith.index_cast %get3A_913 : i32 to index
        %get3A_915 = arith.index_cast %mul3A_895 : i32 to index
        %get3A_916 = arith.constant 32 : index
        %get3A_917 = tpu.vector_load %arg8[%get3A_914, %get3A_915, %get3A_916] {strides = array<i32>} : memref<8x200x64xbf16, #tpu.memory_space<vmem>>, vector<32xbf16>,
        %add3A_918 = arith.constant 1 : i32
        %add3A_919 = arith.addi %mul3A_895, %add3A_918 : i32
        %get3A_920 = arith.constant 0 : i32
        %get3A_921 = arith.index_cast %get3A_920 : i32 to index
        %get3A_922 = arith.index_cast %add3A_919 : i32 to index
        %get3A_923 = arith.constant 32 : index
        %get3A_924 = tpu.vector_load %arg8[%get3A_921, %get3A_922, %get3A_923] {strides = array<i32>} : memref<8x200x64xbf16, #tpu.memory_space<vmem>>, vector<32xbf16>,
        %add3A_925 = arith.addf %get3A_917, %get3A_924 : vector<32xbf16>
        %unpack3A_926 = tpu.unpack_subelements %add3A_925, 0 {pack_format = #tpu.pack_format<interleaved>} : vector<32xbf16> -> vector<16xf32>
        %unpack3A_927 = tpu.unpack_subelements %add3A_925, 1 {pack_format = #tpu.pack_format<interleaved>} : vector<32xbf16> -> vector<16xf32>
        %add3A_928 = arith.addf %add3A_890, %unpack3A_926 : vector<16xf32>
        %add3A_929 = arith.addf %add3A_891, %unpack3A_927 : vector<16xf32>
        %scan3A_930 = arith.constant 2 : i32
        %scan3A_931 = arith.addi %scan3A_853, %scan3A_930 : i32
        %mul3A_932 = arith.constant 2 : i32
        %mul3A_933 = arith.muli %mul3A_932, %scan3A_931 : i32
        %get3A_934 = arith.constant 0 : i32
        %get3A_935 = arith.index_cast %get3A_934 : i32 to index
        %get3A_936 = arith.index_cast %mul3A_933 : i32 to index
        %get3A_937 = arith.constant 0 : index
        %get3A_938 = tpu.vector_load %arg8[%get3A_935, %get3A_936, %get3A_937] {strides = array<i32>} : memref<8x200x64xbf16, #tpu.memory_space<vmem>>, vector<32xbf16>,
        %add3A_939 = arith.constant 1 : i32
        %add3A_940 = arith.addi %mul3A_933, %add3A_939 : i32
        %get3A_941 = arith.constant 0 : i32
        %get3A_942 = arith.index_cast %get3A_941 : i32 to index
        %get3A_943 = arith.index_cast %add3A_940 : i32 to index
        %get3A_944 = arith.constant 0 : index
        %get3A_945 = tpu.vector_load %arg8[%get3A_942, %get3A_943, %get3A_944] {strides = array<i32>} : memref<8x200x64xbf16, #tpu.memory_space<vmem>>, vector<32xbf16>,
        %add3A_946 = arith.addf %get3A_938, %get3A_945 : vector<32xbf16>
        %unpack3A_947 = tpu.unpack_subelements %add3A_946, 0 {pack_format = #tpu.pack_format<interleaved>} : vector<32xbf16> -> vector<16xf32>
        %unpack3A_948 = tpu.unpack_subelements %add3A_946, 1 {pack_format = #tpu.pack_format<interleaved>} : vector<32xbf16> -> vector<16xf32>
        %add3A_949 = arith.addf %add3A_911, %unpack3A_947 : vector<16xf32>
        %add3A_950 = arith.addf %add3A_912, %unpack3A_948 : vector<16xf32>
        %get3A_951 = arith.constant 0 : i32
        %get3A_952 = arith.index_cast %get3A_951 : i32 to index
        %get3A_953 = arith.index_cast %mul3A_933 : i32 to index
        %get3A_954 = arith.constant 32 : index
        %get3A_955 = tpu.vector_load %arg8[%get3A_952, %get3A_953, %get3A_954] {strides = array<i32>} : memref<8x200x64xbf16, #tpu.memory_space<vmem>>, vector<32xbf16>,
        %add3A_956 = arith.constant 1 : i32
        %add3A_957 = arith.addi %mul3A_933, %add3A_956 : i32
        %get3A_958 = arith.constant 0 : i32
        %get3A_959 = arith.index_cast %get3A_958 : i32 to index
        %get3A_960 = arith.index_cast %add3A_957 : i32 to index
        %get3A_961 = arith.constant 32 : index
        %get3A_962 = tpu.vector_load %arg8[%get3A_959, %get3A_960, %get3A_961] {strides = array<i32>} : memref<8x200x64xbf16, #tpu.memory_space<vmem>>, vector<32xbf16>,
        %add3A_963 = arith.addf %get3A_955, %get3A_962 : vector<32xbf16>
        %unpack3A_964 = tpu.unpack_subelements %add3A_963, 0 {pack_format = #tpu.pack_format<interleaved>} : vector<32xbf16> -> vector<16xf32>
        %unpack3A_965 = tpu.unpack_subelements %add3A_963, 1 {pack_format = #tpu.pack_format<interleaved>} : vector<32xbf16> -> vector<16xf32>
        %add3A_966 = arith.addf %add3A_928, %unpack3A_964 : vector<16xf32>
        %add3A_967 = arith.addf %add3A_929, %unpack3A_965 : vector<16xf32>
        %scan3A_968 = arith.constant 3 : i32
        %scan3A_969 = arith.addi %scan3A_853, %scan3A_968 : i32
        %mul3A_970 = arith.constant 2 : i32
        %mul3A_971 = arith.muli %mul3A_970, %scan3A_969 : i32
        %get3A_972 = arith.constant 0 : i32
        %get3A_973 = arith.index_cast %get3A_972 : i32 to index
        %get3A_974 = arith.index_cast %mul3A_971 : i32 to index
        %get3A_975 = arith.constant 0 : index
        %get3A_976 = tpu.vector_load %arg8[%get3A_973, %get3A_974, %get3A_975] {strides = array<i32>} : memref<8x200x64xbf16, #tpu.memory_space<vmem>>, vector<32xbf16>,
        %add3A_977 = arith.constant 1 : i32
        %add3A_978 = arith.addi %mul3A_971, %add3A_977 : i32
        %get3A_979 = arith.constant 0 : i32
        %get3A_980 = arith.index_cast %get3A_979 : i32 to index
        %get3A_981 = arith.index_cast %add3A_978 : i32 to index
        %get3A_982 = arith.constant 0 : index
        %get3A_983 = tpu.vector_load %arg8[%get3A_980, %get3A_981, %get3A_982] {strides = array<i32>} : memref<8x200x64xbf16, #tpu.memory_space<vmem>>, vector<32xbf16>,
        %add3A_984 = arith.addf %get3A_976, %get3A_983 : vector<32xbf16>
        %unpack3A_985 = tpu.unpack_subelements %add3A_984, 0 {pack_format = #tpu.pack_format<interleaved>} : vector<32xbf16> -> vector<16xf32>
        %unpack3A_986 = tpu.unpack_subelements %add3A_984, 1 {pack_format = #tpu.pack_format<interleaved>} : vector<32xbf16> -> vector<16xf32>
        %add3A_987 = arith.addf %add3A_949, %unpack3A_985 : vector<16xf32>
        %add3A_988 = arith.addf %add3A_950, %unpack3A_986 : vector<16xf32>
        %get3A_989 = arith.constant 0 : i32
        %get3A_990 = arith.index_cast %get3A_989 : i32 to index
        %get3A_991 = arith.index_cast %mul3A_971 : i32 to index
        %get3A_992 = arith.constant 32 : index
        %get3A_993 = tpu.vector_load %arg8[%get3A_990, %get3A_991, %get3A_992] {strides = array<i32>} : memref<8x200x64xbf16, #tpu.memory_space<vmem>>, vector<32xbf16>,
        %add3A_994 = arith.constant 1 : i32
        %add3A_995 = arith.addi %mul3A_971, %add3A_994 : i32
        %get3A_996 = arith.constant 0 : i32
        %get3A_997 = arith.index_cast %get3A_996 : i32 to index
        %get3A_998 = arith.index_cast %add3A_995 : i32 to index
        %get3A_999 = arith.constant 32 : index
        %get3A_1000 = tpu.vector_load %arg8[%get3A_997, %get3A_998, %get3A_999] {strides = array<i32>} : memref<8x200x64xbf16, #tpu.memory_space<vmem>>, vector<32xbf16>,
        %add3A_1001 = arith.addf %get3A_993, %get3A_1000 : vector<32xbf16>
        %unpack3A_1002 = tpu.unpack_subelements %add3A_1001, 0 {pack_format = #tpu.pack_format<interleaved>} : vector<32xbf16> -> vector<16xf32>
        %unpack3A_1003 = tpu.unpack_subelements %add3A_1001, 1 {pack_format = #tpu.pack_format<interleaved>} : vector<32xbf16> -> vector<16xf32>
        %add3A_1004 = arith.addf %add3A_966, %unpack3A_1002 : vector<16xf32>
        %add3A_1005 = arith.addf %add3A_967, %unpack3A_1003 : vector<16xf32>
        scf.yield %add3A_987, %add3A_988, %add3A_1004, %add3A_1005 : vector<16xf32>, vector<16xf32>, vector<16xf32>, vector<16xf32>
      }
      %scan3A_528 = arith.constant 100 : i32
      %swap3A_529 = arith.constant 0 : i32
      %swap3A_530 = arith.index_cast %swap3A_529 : i32 to index
      %swap3A_531 = arith.constant 0 : index
      %swap3A_532 = tpu.vector_load %arg10[%swap3A_530, %swap3A_531] {strides = array<i32>} : memref<8x64xf32, #tpu.memory_space<vmem>>, vector<16xf32>,
      tpu.vector_store %arg10[%swap3A_530, %swap3A_531], %scan3A_527#0 {strides = array<i32>} : memref<8x64xf32, #tpu.memory_space<vmem>>, vector<16xf32>,
      %swap3A_533 = arith.constant 0 : i32
      %swap3A_534 = arith.index_cast %swap3A_533 : i32 to index
      %swap3A_535 = arith.constant 16 : index
      %swap3A_536 = tpu.vector_load %arg10[%swap3A_534, %swap3A_535] {strides = array<i32>} : memref<8x64xf32, #tpu.memory_space<vmem>>, vector<16xf32>,
      tpu.vector_store %arg10[%swap3A_534, %swap3A_535], %scan3A_527#1 {strides = array<i32>} : memref<8x64xf32, #tpu.memory_space<vmem>>, vector<16xf32>,
      %swap3A_537 = arith.constant 0 : i32
      %swap3A_538 = arith.index_cast %swap3A_537 : i32 to index
      %swap3A_539 = arith.constant 32 : index
      %swap3A_540 = tpu.vector_load %arg10[%swap3A_538, %swap3A_539] {strides = array<i32>} : memref<8x64xf32, #tpu.memory_space<vmem>>, vector<16xf32>,
      tpu.vector_store %arg10[%swap3A_538, %swap3A_539], %scan3A_527#2 {strides = array<i32>} : memref<8x64xf32, #tpu.memory_space<vmem>>, vector<16xf32>,
      %swap3A_541 = arith.constant 0 : i32
      %swap3A_542 = arith.index_cast %swap3A_541 : i32 to index
      %swap3A_543 = arith.constant 48 : index
      %swap3A_544 = tpu.vector_load %arg10[%swap3A_542, %swap3A_543] {strides = array<i32>} : memref<8x64xf32, #tpu.memory_space<vmem>>, vector<16xf32>,
      tpu.vector_store %arg10[%swap3A_542, %swap3A_543], %scan3A_527#3 {strides = array<i32>} : memref<8x64xf32, #tpu.memory_space<vmem>>, vector<16xf32>,
      %dma_wait3A_545 = arith.constant 1 : i32
      %dma_wait3A_546 = arith.constant 1 : i32
      %dma_wait3A_547 = arith.constant 0 : i32
      %dma_wait3A_548 = arith.constant 0 : i32
      %dma_wait3A_549 = tpu.memref_slice %arg8[%dma_wait3A_546, %dma_wait3A_547, %dma_wait3A_548] : memref<8x200x64xbf16, #tpu.memory_space<vmem>> -> memref<1x200x64xbf16, #tpu.memory_space<vmem>>
      %dma_wait3A_550 = tpu.memref_squeeze %dma_wait3A_549 : memref<1x200x64xbf16, #tpu.memory_space<vmem>> -> memref<200x64xbf16, #tpu.memory_space<vmem>>
      %dma_wait3A_551 = arith.constant 0 : i32
      %dma_wait3A_552 = tpu.memref_slice %arg6[%dma_wait3A_545, %dma_wait3A_551] : memref<8x200xi32, #tpu.memory_space<vmem>> -> memref<1x200xi32, #tpu.memory_space<vmem>>
      %dma_wait3A_553 = tpu.memref_squeeze %dma_wait3A_552 : memref<1x200xi32, #tpu.memory_space<vmem>> -> memref<200xi32, #tpu.memory_space<vmem>>
      %dma_wait3A_554 = arith.constant 0 : i32
      %dma_wait3A_555 = arith.constant 0 : i32
      %dma_wait3A_556 = tpu.memref_slice %arg3[%dma_wait3A_554, %dma_wait3A_555] : memref<100000x64xbf16, #tpu.memory_space<hbm>> -> memref<100000x64xbf16, #tpu.memory_space<hbm>>
      tpu.wait_indirect_dma semaphore(%arg12 : memref<!tpu.dma_semaphore, #tpu.memory_space<semaphore_mem>>) src(%dma_wait3A_556 : memref<100000x64xbf16, #tpu.memory_space<hbm>>) dst(%dma_wait3A_550 : memref<200x64xbf16, #tpu.memory_space<vmem>>)
      %broadcast_in_dim3A_557 = arith.constant 0.000000e+00 : f32
      %broadcast_in_dim3A_558 = vector.broadcast %broadcast_in_dim3A_557 : f32 to vector<16xf32>
      %broadcast_in_dim3A_559 = arith.constant 0.000000e+00 : f32
      %broadcast_in_dim3A_560 = vector.broadcast %broadcast_in_dim3A_559 : f32 to vector<16xf32>
      %broadcast_in_dim3A_561 = arith.constant 0.000000e+00 : f32
      %broadcast_in_dim3A_562 = vector.broadcast %broadcast_in_dim3A_561 : f32 to vector<16xf32>
      %broadcast_in_dim3A_563 = arith.constant 0.000000e+00 : f32
      %broadcast_in_dim3A_564 = vector.broadcast %broadcast_in_dim3A_563 : f32 to vector<16xf32>
      %scan3A_565 = arith.constant 0 : i32
      %scan3A_566 = arith.constant 100 : i32
      %scan3A_567 = arith.addi %scan3A_565, %scan3A_566 : i32
      %scan3A_568 = arith.constant 4 : i32
      %scan3A_569:4 = scf.for %scan3A_853 = %scan3A_565 to %scan3A_567 step %scan3A_568 iter_args(%scan3A_854 = %broadcast_in_dim3A_558, %scan3A_855 = %broadcast_in_dim3A_560, %scan3A_856 = %broadcast_in_dim3A_562, %scan3A_857 = %broadcast_in_dim3A_564) -> (vector<16xf32>, vector<16xf32>, vector<16xf32>, vector<16xf32>)  : i32 {
        %mul3A_858 = arith.constant 2 : i32
        %mul3A_859 = arith.muli %mul3A_858, %scan3A_853 : i32
        %get3A = arith.constant 1 : i32
        %get3A_860 = arith.index_cast %get3A : i32 to index
        %get3A_861 = arith.index_cast %mul3A_859 : i32 to index
        %get3A_862 = arith.constant 0 : index
        %get3A_863 = tpu.vector_load %arg8[%get3A_860, %get3A_861, %get3A_862] {strides = array<i32>} : memref<8x200x64xbf16, #tpu.memory_space<vmem>>, vector<32xbf16>,
        %add3A_864 = arith.constant 1 : i32
        %add3A_865 = arith.addi %mul3A_859, %add3A_864 : i32
        %get3A_866 = arith.constant 1 : i32
        %get3A_867 = arith.index_cast %get3A_866 : i32 to index
        %get3A_868 = arith.index_cast %add3A_865 : i32 to index
        %get3A_869 = arith.constant 0 : index
        %get3A_870 = tpu.vector_load %arg8[%get3A_867, %get3A_868, %get3A_869] {strides = array<i32>} : memref<8x200x64xbf16, #tpu.memory_space<vmem>>, vector<32xbf16>,
        %add3A_871 = arith.addf %get3A_863, %get3A_870 : vector<32xbf16>
        %unpack3A = tpu.unpack_subelements %add3A_871, 0 {pack_format = #tpu.pack_format<interleaved>} : vector<32xbf16> -> vector<16xf32>
        %unpack3A_872 = tpu.unpack_subelements %add3A_871, 1 {pack_format = #tpu.pack_format<interleaved>} : vector<32xbf16> -> vector<16xf32>
        %add3A_873 = arith.addf %scan3A_854, %unpack3A : vector<16xf32>
        %add3A_874 = arith.addf %scan3A_855, %unpack3A_872 : vector<16xf32>
        %get3A_875 = arith.constant 1 : i32
        %get3A_876 = arith.index_cast %get3A_875 : i32 to index
        %get3A_877 = arith.index_cast %mul3A_859 : i32 to index
        %get3A_878 = arith.constant 32 : index
        %get3A_879 = tpu.vector_load %arg8[%get3A_876, %get3A_877, %get3A_878] {strides = array<i32>} : memref<8x200x64xbf16, #tpu.memory_space<vmem>>, vector<32xbf16>,
        %add3A_880 = arith.constant 1 : i32
        %add3A_881 = arith.addi %mul3A_859, %add3A_880 : i32
        %get3A_882 = arith.constant 1 : i32
        %get3A_883 = arith.index_cast %get3A_882 : i32 to index
        %get3A_884 = arith.index_cast %add3A_881 : i32 to index
        %get3A_885 = arith.constant 32 : index
        %get3A_886 = tpu.vector_load %arg8[%get3A_883, %get3A_884, %get3A_885] {strides = array<i32>} : memref<8x200x64xbf16, #tpu.memory_space<vmem>>, vector<32xbf16>,
        %add3A_887 = arith.addf %get3A_879, %get3A_886 : vector<32xbf16>
        %unpack3A_888 = tpu.unpack_subelements %add3A_887, 0 {pack_format = #tpu.pack_format<interleaved>} : vector<32xbf16> -> vector<16xf32>
        %unpack3A_889 = tpu.unpack_subelements %add3A_887, 1 {pack_format = #tpu.pack_format<interleaved>} : vector<32xbf16> -> vector<16xf32>
        %add3A_890 = arith.addf %scan3A_856, %unpack3A_888 : vector<16xf32>
        %add3A_891 = arith.addf %scan3A_857, %unpack3A_889 : vector<16xf32>
        %scan3A_892 = arith.constant 1 : i32
        %scan3A_893 = arith.addi %scan3A_853, %scan3A_892 : i32
        %mul3A_894 = arith.constant 2 : i32
        %mul3A_895 = arith.muli %mul3A_894, %scan3A_893 : i32
        %get3A_896 = arith.constant 1 : i32
        %get3A_897 = arith.index_cast %get3A_896 : i32 to index
        %get3A_898 = arith.index_cast %mul3A_895 : i32 to index
        %get3A_899 = arith.constant 0 : index
        %get3A_900 = tpu.vector_load %arg8[%get3A_897, %get3A_898, %get3A_899] {strides = array<i32>} : memref<8x200x64xbf16, #tpu.memory_space<vmem>>, vector<32xbf16>,
        %add3A_901 = arith.constant 1 : i32
        %add3A_902 = arith.addi %mul3A_895, %add3A_901 : i32
        %get3A_903 = arith.constant 1 : i32
        %get3A_904 = arith.index_cast %get3A_903 : i32 to index
        %get3A_905 = arith.index_cast %add3A_902 : i32 to index
        %get3A_906 = arith.constant 0 : index
        %get3A_907 = tpu.vector_load %arg8[%get3A_904, %get3A_905, %get3A_906] {strides = array<i32>} : memref<8x200x64xbf16, #tpu.memory_space<vmem>>, vector<32xbf16>,
        %add3A_908 = arith.addf %get3A_900, %get3A_907 : vector<32xbf16>
        %unpack3A_909 = tpu.unpack_subelements %add3A_908, 0 {pack_format = #tpu.pack_format<interleaved>} : vector<32xbf16> -> vector<16xf32>
        %unpack3A_910 = tpu.unpack_subelements %add3A_908, 1 {pack_format = #tpu.pack_format<interleaved>} : vector<32xbf16> -> vector<16xf32>
        %add3A_911 = arith.addf %add3A_873, %unpack3A_909 : vector<16xf32>
        %add3A_912 = arith.addf %add3A_874, %unpack3A_910 : vector<16xf32>
        %get3A_913 = arith.constant 1 : i32
        %get3A_914 = arith.index_cast %get3A_913 : i32 to index
        %get3A_915 = arith.index_cast %mul3A_895 : i32 to index
        %get3A_916 = arith.constant 32 : index
        %get3A_917 = tpu.vector_load %arg8[%get3A_914, %get3A_915, %get3A_916] {strides = array<i32>} : memref<8x200x64xbf16, #tpu.memory_space<vmem>>, vector<32xbf16>,
        %add3A_918 = arith.constant 1 : i32
        %add3A_919 = arith.addi %mul3A_895, %add3A_918 : i32
        %get3A_920 = arith.constant 1 : i32
        %get3A_921 = arith.index_cast %get3A_920 : i32 to index
        %get3A_922 = arith.index_cast %add3A_919 : i32 to index
        %get3A_923 = arith.constant 32 : index
        %get3A_924 = tpu.vector_load %arg8[%get3A_921, %get3A_922, %get3A_923] {strides = array<i32>} : memref<8x200x64xbf16, #tpu.memory_space<vmem>>, vector<32xbf16>,
        %add3A_925 = arith.addf %get3A_917, %get3A_924 : vector<32xbf16>
        %unpack3A_926 = tpu.unpack_subelements %add3A_925, 0 {pack_format = #tpu.pack_format<interleaved>} : vector<32xbf16> -> vector<16xf32>
        %unpack3A_927 = tpu.unpack_subelements %add3A_925, 1 {pack_format = #tpu.pack_format<interleaved>} : vector<32xbf16> -> vector<16xf32>
        %add3A_928 = arith.addf %add3A_890, %unpack3A_926 : vector<16xf32>
        %add3A_929 = arith.addf %add3A_891, %unpack3A_927 : vector<16xf32>
        %scan3A_930 = arith.constant 2 : i32
        %scan3A_931 = arith.addi %scan3A_853, %scan3A_930 : i32
        %mul3A_932 = arith.constant 2 : i32
        %mul3A_933 = arith.muli %mul3A_932, %scan3A_931 : i32
        %get3A_934 = arith.constant 1 : i32
        %get3A_935 = arith.index_cast %get3A_934 : i32 to index
        %get3A_936 = arith.index_cast %mul3A_933 : i32 to index
        %get3A_937 = arith.constant 0 : index
        %get3A_938 = tpu.vector_load %arg8[%get3A_935, %get3A_936, %get3A_937] {strides = array<i32>} : memref<8x200x64xbf16, #tpu.memory_space<vmem>>, vector<32xbf16>,
        %add3A_939 = arith.constant 1 : i32
        %add3A_940 = arith.addi %mul3A_933, %add3A_939 : i32
        %get3A_941 = arith.constant 1 : i32
        %get3A_942 = arith.index_cast %get3A_941 : i32 to index
        %get3A_943 = arith.index_cast %add3A_940 : i32 to index
        %get3A_944 = arith.constant 0 : index
        %get3A_945 = tpu.vector_load %arg8[%get3A_942, %get3A_943, %get3A_944] {strides = array<i32>} : memref<8x200x64xbf16, #tpu.memory_space<vmem>>, vector<32xbf16>,
        %add3A_946 = arith.addf %get3A_938, %get3A_945 : vector<32xbf16>
        %unpack3A_947 = tpu.unpack_subelements %add3A_946, 0 {pack_format = #tpu.pack_format<interleaved>} : vector<32xbf16> -> vector<16xf32>
        %unpack3A_948 = tpu.unpack_subelements %add3A_946, 1 {pack_format = #tpu.pack_format<interleaved>} : vector<32xbf16> -> vector<16xf32>
        %add3A_949 = arith.addf %add3A_911, %unpack3A_947 : vector<16xf32>
        %add3A_950 = arith.addf %add3A_912, %unpack3A_948 : vector<16xf32>
        %get3A_951 = arith.constant 1 : i32
        %get3A_952 = arith.index_cast %get3A_951 : i32 to index
        %get3A_953 = arith.index_cast %mul3A_933 : i32 to index
        %get3A_954 = arith.constant 32 : index
        %get3A_955 = tpu.vector_load %arg8[%get3A_952, %get3A_953, %get3A_954] {strides = array<i32>} : memref<8x200x64xbf16, #tpu.memory_space<vmem>>, vector<32xbf16>,
        %add3A_956 = arith.constant 1 : i32
        %add3A_957 = arith.addi %mul3A_933, %add3A_956 : i32
        %get3A_958 = arith.constant 1 : i32
        %get3A_959 = arith.index_cast %get3A_958 : i32 to index
        %get3A_960 = arith.index_cast %add3A_957 : i32 to index
        %get3A_961 = arith.constant 32 : index
        %get3A_962 = tpu.vector_load %arg8[%get3A_959, %get3A_960, %get3A_961] {strides = array<i32>} : memref<8x200x64xbf16, #tpu.memory_space<vmem>>, vector<32xbf16>,
        %add3A_963 = arith.addf %get3A_955, %get3A_962 : vector<32xbf16>
        %unpack3A_964 = tpu.unpack_subelements %add3A_963, 0 {pack_format = #tpu.pack_format<interleaved>} : vector<32xbf16> -> vector<16xf32>
        %unpack3A_965 = tpu.unpack_subelements %add3A_963, 1 {pack_format = #tpu.pack_format<interleaved>} : vector<32xbf16> -> vector<16xf32>
        %add3A_966 = arith.addf %add3A_928, %unpack3A_964 : vector<16xf32>
        %add3A_967 = arith.addf %add3A_929, %unpack3A_965 : vector<16xf32>
        %scan3A_968 = arith.constant 3 : i32
        %scan3A_969 = arith.addi %scan3A_853, %scan3A_968 : i32
        %mul3A_970 = arith.constant 2 : i32
        %mul3A_971 = arith.muli %mul3A_970, %scan3A_969 : i32
        %get3A_972 = arith.constant 1 : i32
        %get3A_973 = arith.index_cast %get3A_972 : i32 to index
        %get3A_974 = arith.index_cast %mul3A_971 : i32 to index
        %get3A_975 = arith.constant 0 : index
        %get3A_976 = tpu.vector_load %arg8[%get3A_973, %get3A_974, %get3A_975] {strides = array<i32>} : memref<8x200x64xbf16, #tpu.memory_space<vmem>>, vector<32xbf16>,
        %add3A_977 = arith.constant 1 : i32
        %add3A_978 = arith.addi %mul3A_971, %add3A_977 : i32
        %get3A_979 = arith.constant 1 : i32
        %get3A_980 = arith.index_cast %get3A_979 : i32 to index
        %get3A_981 = arith.index_cast %add3A_978 : i32 to index
        %get3A_982 = arith.constant 0 : index
        %get3A_983 = tpu.vector_load %arg8[%get3A_980, %get3A_981, %get3A_982] {strides = array<i32>} : memref<8x200x64xbf16, #tpu.memory_space<vmem>>, vector<32xbf16>,
        %add3A_984 = arith.addf %get3A_976, %get3A_983 : vector<32xbf16>
        %unpack3A_985 = tpu.unpack_subelements %add3A_984, 0 {pack_format = #tpu.pack_format<interleaved>} : vector<32xbf16> -> vector<16xf32>
        %unpack3A_986 = tpu.unpack_subelements %add3A_984, 1 {pack_format = #tpu.pack_format<interleaved>} : vector<32xbf16> -> vector<16xf32>
        %add3A_987 = arith.addf %add3A_949, %unpack3A_985 : vector<16xf32>
        %add3A_988 = arith.addf %add3A_950, %unpack3A_986 : vector<16xf32>
        %get3A_989 = arith.constant 1 : i32
        %get3A_990 = arith.index_cast %get3A_989 : i32 to index
        %get3A_991 = arith.index_cast %mul3A_971 : i32 to index
        %get3A_992 = arith.constant 32 : index
        %get3A_993 = tpu.vector_load %arg8[%get3A_990, %get3A_991, %get3A_992] {strides = array<i32>} : memref<8x200x64xbf16, #tpu.memory_space<vmem>>, vector<32xbf16>,
        %add3A_994 = arith.constant 1 : i32
        %add3A_995 = arith.addi %mul3A_971, %add3A_994 : i32
        %get3A_996 = arith.constant 1 : i32
        %get3A_997 = arith.index_cast %get3A_996 : i32 to index
        %get3A_998 = arith.index_cast %add3A_995 : i32 to index
        %get3A_999 = arith.constant 32 : index
        %get3A_1000 = tpu.vector_load %arg8[%get3A_997, %get3A_998, %get3A_999] {strides = array<i32>} : memref<8x200x64xbf16, #tpu.memory_space<vmem>>, vector<32xbf16>,
        %add3A_1001 = arith.addf %get3A_993, %get3A_1000 : vector<32xbf16>
        %unpack3A_1002 = tpu.unpack_subelements %add3A_1001, 0 {pack_format = #tpu.pack_format<interleaved>} : vector<32xbf16> -> vector<16xf32>
        %unpack3A_1003 = tpu.unpack_subelements %add3A_1001, 1 {pack_format = #tpu.pack_format<interleaved>} : vector<32xbf16> -> vector<16xf32>
        %add3A_1004 = arith.addf %add3A_966, %unpack3A_1002 : vector<16xf32>
        %add3A_1005 = arith.addf %add3A_967, %unpack3A_1003 : vector<16xf32>
        scf.yield %add3A_987, %add3A_988, %add3A_1004, %add3A_1005 : vector<16xf32>, vector<16xf32>, vector<16xf32>, vector<16xf32>
      }
      %scan3A_570 = arith.constant 100 : i32
      %swap3A_571 = arith.constant 1 : i32
      %swap3A_572 = arith.index_cast %swap3A_571 : i32 to index
      %swap3A_573 = arith.constant 0 : index
      %swap3A_574 = tpu.vector_load %arg10[%swap3A_572, %swap3A_573] {strides = array<i32>} : memref<8x64xf32, #tpu.memory_space<vmem>>, vector<16xf32>,
      tpu.vector_store %arg10[%swap3A_572, %swap3A_573], %scan3A_569#0 {strides = array<i32>} : memref<8x64xf32, #tpu.memory_space<vmem>>, vector<16xf32>,
      %swap3A_575 = arith.constant 1 : i32
      %swap3A_576 = arith.index_cast %swap3A_575 : i32 to index
      %swap3A_577 = arith.constant 16 : index
      %swap3A_578 = tpu.vector_load %arg10[%swap3A_576, %swap3A_577] {strides = array<i32>} : memref<8x64xf32, #tpu.memory_space<vmem>>, vector<16xf32>,
      tpu.vector_store %arg10[%swap3A_576, %swap3A_577], %scan3A_569#1 {strides = array<i32>} : memref<8x64xf32, #tpu.memory_space<vmem>>, vector<16xf32>,
      %swap3A_579 = arith.constant 1 : i32
      %swap3A_580 = arith.index_cast %swap3A_579 : i32 to index
      %swap3A_581 = arith.constant 32 : index
      %swap3A_582 = tpu.vector_load %arg10[%swap3A_580, %swap3A_581] {strides = array<i32>} : memref<8x64xf32, #tpu.memory_space<vmem>>, vector<16xf32>,
      tpu.vector_store %arg10[%swap3A_580, %swap3A_581], %scan3A_569#2 {strides = array<i32>} : memref<8x64xf32, #tpu.memory_space<vmem>>, vector<16xf32>,
      %swap3A_583 = arith.constant 1 : i32
      %swap3A_584 = arith.index_cast %swap3A_583 : i32 to index
      %swap3A_585 = arith.constant 48 : index
      %swap3A_586 = tpu.vector_load %arg10[%swap3A_584, %swap3A_585] {strides = array<i32>} : memref<8x64xf32, #tpu.memory_space<vmem>>, vector<16xf32>,
      tpu.vector_store %arg10[%swap3A_584, %swap3A_585], %scan3A_569#3 {strides = array<i32>} : memref<8x64xf32, #tpu.memory_space<vmem>>, vector<16xf32>,
      %dma_wait3A_587 = arith.constant 2 : i32
      %dma_wait3A_588 = arith.constant 2 : i32
      %dma_wait3A_589 = arith.constant 0 : i32
      %dma_wait3A_590 = arith.constant 0 : i32
      %dma_wait3A_591 = tpu.memref_slice %arg8[%dma_wait3A_588, %dma_wait3A_589, %dma_wait3A_590] : memref<8x200x64xbf16, #tpu.memory_space<vmem>> -> memref<1x200x64xbf16, #tpu.memory_space<vmem>>
      %dma_wait3A_592 = tpu.memref_squeeze %dma_wait3A_591 : memref<1x200x64xbf16, #tpu.memory_space<vmem>> -> memref<200x64xbf16, #tpu.memory_space<vmem>>
      %dma_wait3A_593 = arith.constant 0 : i32
      %dma_wait3A_594 = tpu.memref_slice %arg6[%dma_wait3A_587, %dma_wait3A_593] : memref<8x200xi32, #tpu.memory_space<vmem>> -> memref<1x200xi32, #tpu.memory_space<vmem>>
      %dma_wait3A_595 = tpu.memref_squeeze %dma_wait3A_594 : memref<1x200xi32, #tpu.memory_space<vmem>> -> memref<200xi32, #tpu.memory_space<vmem>>
      %dma_wait3A_596 = arith.constant 0 : i32
      %dma_wait3A_597 = arith.constant 0 : i32
      %dma_wait3A_598 = tpu.memref_slice %arg3[%dma_wait3A_596, %dma_wait3A_597] : memref<100000x64xbf16, #tpu.memory_space<hbm>> -> memref<100000x64xbf16, #tpu.memory_space<hbm>>
      tpu.wait_indirect_dma semaphore(%arg12 : memref<!tpu.dma_semaphore, #tpu.memory_space<semaphore_mem>>) src(%dma_wait3A_598 : memref<100000x64xbf16, #tpu.memory_space<hbm>>) dst(%dma_wait3A_592 : memref<200x64xbf16, #tpu.memory_space<vmem>>)
      %broadcast_in_dim3A_599 = arith.constant 0.000000e+00 : f32
      %broadcast_in_dim3A_600 = vector.broadcast %broadcast_in_dim3A_599 : f32 to vector<16xf32>
      %broadcast_in_dim3A_601 = arith.constant 0.000000e+00 : f32
      %broadcast_in_dim3A_602 = vector.broadcast %broadcast_in_dim3A_601 : f32 to vector<16xf32>
      %broadcast_in_dim3A_603 = arith.constant 0.000000e+00 : f32
      %broadcast_in_dim3A_604 = vector.broadcast %broadcast_in_dim3A_603 : f32 to vector<16xf32>
      %broadcast_in_dim3A_605 = arith.constant 0.000000e+00 : f32
      %broadcast_in_dim3A_606 = vector.broadcast %broadcast_in_dim3A_605 : f32 to vector<16xf32>
      %scan3A_607 = arith.constant 0 : i32
      %scan3A_608 = arith.constant 100 : i32
      %scan3A_609 = arith.addi %scan3A_607, %scan3A_608 : i32
      %scan3A_610 = arith.constant 4 : i32
      %scan3A_611:4 = scf.for %scan3A_853 = %scan3A_607 to %scan3A_609 step %scan3A_610 iter_args(%scan3A_854 = %broadcast_in_dim3A_600, %scan3A_855 = %broadcast_in_dim3A_602, %scan3A_856 = %broadcast_in_dim3A_604, %scan3A_857 = %broadcast_in_dim3A_606) -> (vector<16xf32>, vector<16xf32>, vector<16xf32>, vector<16xf32>)  : i32 {
        %mul3A_858 = arith.constant 2 : i32
        %mul3A_859 = arith.muli %mul3A_858, %scan3A_853 : i32
        %get3A = arith.constant 2 : i32
        %get3A_860 = arith.index_cast %get3A : i32 to index
        %get3A_861 = arith.index_cast %mul3A_859 : i32 to index
        %get3A_862 = arith.constant 0 : index
        %get3A_863 = tpu.vector_load %arg8[%get3A_860, %get3A_861, %get3A_862] {strides = array<i32>} : memref<8x200x64xbf16, #tpu.memory_space<vmem>>, vector<32xbf16>,
        %add3A_864 = arith.constant 1 : i32
        %add3A_865 = arith.addi %mul3A_859, %add3A_864 : i32
        %get3A_866 = arith.constant 2 : i32
        %get3A_867 = arith.index_cast %get3A_866 : i32 to index
        %get3A_868 = arith.index_cast %add3A_865 : i32 to index
        %get3A_869 = arith.constant 0 : index
        %get3A_870 = tpu.vector_load %arg8[%get3A_867, %get3A_868, %get3A_869] {strides = array<i32>} : memref<8x200x64xbf16, #tpu.memory_space<vmem>>, vector<32xbf16>,
        %add3A_871 = arith.addf %get3A_863, %get3A_870 : vector<32xbf16>
        %unpack3A = tpu.unpack_subelements %add3A_871, 0 {pack_format = #tpu.pack_format<interleaved>} : vector<32xbf16> -> vector<16xf32>
        %unpack3A_872 = tpu.unpack_subelements %add3A_871, 1 {pack_format = #tpu.pack_format<interleaved>} : vector<32xbf16> -> vector<16xf32>
        %add3A_873 = arith.addf %scan3A_854, %unpack3A : vector<16xf32>
        %add3A_874 = arith.addf %scan3A_855, %unpack3A_872 : vector<16xf32>
        %get3A_875 = arith.constant 2 : i32
        %get3A_876 = arith.index_cast %get3A_875 : i32 to index
        %get3A_877 = arith.index_cast %mul3A_859 : i32 to index
        %get3A_878 = arith.constant 32 : index
        %get3A_879 = tpu.vector_load %arg8[%get3A_876, %get3A_877, %get3A_878] {strides = array<i32>} : memref<8x200x64xbf16, #tpu.memory_space<vmem>>, vector<32xbf16>,
        %add3A_880 = arith.constant 1 : i32
        %add3A_881 = arith.addi %mul3A_859, %add3A_880 : i32
        %get3A_882 = arith.constant 2 : i32
        %get3A_883 = arith.index_cast %get3A_882 : i32 to index
        %get3A_884 = arith.index_cast %add3A_881 : i32 to index
        %get3A_885 = arith.constant 32 : index
        %get3A_886 = tpu.vector_load %arg8[%get3A_883, %get3A_884, %get3A_885] {strides = array<i32>} : memref<8x200x64xbf16, #tpu.memory_space<vmem>>, vector<32xbf16>,
        %add3A_887 = arith.addf %get3A_879, %get3A_886 : vector<32xbf16>
        %unpack3A_888 = tpu.unpack_subelements %add3A_887, 0 {pack_format = #tpu.pack_format<interleaved>} : vector<32xbf16> -> vector<16xf32>
        %unpack3A_889 = tpu.unpack_subelements %add3A_887, 1 {pack_format = #tpu.pack_format<interleaved>} : vector<32xbf16> -> vector<16xf32>
        %add3A_890 = arith.addf %scan3A_856, %unpack3A_888 : vector<16xf32>
        %add3A_891 = arith.addf %scan3A_857, %unpack3A_889 : vector<16xf32>
        %scan3A_892 = arith.constant 1 : i32
        %scan3A_893 = arith.addi %scan3A_853, %scan3A_892 : i32
        %mul3A_894 = arith.constant 2 : i32
        %mul3A_895 = arith.muli %mul3A_894, %scan3A_893 : i32
        %get3A_896 = arith.constant 2 : i32
        %get3A_897 = arith.index_cast %get3A_896 : i32 to index
        %get3A_898 = arith.index_cast %mul3A_895 : i32 to index
        %get3A_899 = arith.constant 0 : index
        %get3A_900 = tpu.vector_load %arg8[%get3A_897, %get3A_898, %get3A_899] {strides = array<i32>} : memref<8x200x64xbf16, #tpu.memory_space<vmem>>, vector<32xbf16>,
        %add3A_901 = arith.constant 1 : i32
        %add3A_902 = arith.addi %mul3A_895, %add3A_901 : i32
        %get3A_903 = arith.constant 2 : i32
        %get3A_904 = arith.index_cast %get3A_903 : i32 to index
        %get3A_905 = arith.index_cast %add3A_902 : i32 to index
        %get3A_906 = arith.constant 0 : index
        %get3A_907 = tpu.vector_load %arg8[%get3A_904, %get3A_905, %get3A_906] {strides = array<i32>} : memref<8x200x64xbf16, #tpu.memory_space<vmem>>, vector<32xbf16>,
        %add3A_908 = arith.addf %get3A_900, %get3A_907 : vector<32xbf16>
        %unpack3A_909 = tpu.unpack_subelements %add3A_908, 0 {pack_format = #tpu.pack_format<interleaved>} : vector<32xbf16> -> vector<16xf32>
        %unpack3A_910 = tpu.unpack_subelements %add3A_908, 1 {pack_format = #tpu.pack_format<interleaved>} : vector<32xbf16> -> vector<16xf32>
        %add3A_911 = arith.addf %add3A_873, %unpack3A_909 : vector<16xf32>
        %add3A_912 = arith.addf %add3A_874, %unpack3A_910 : vector<16xf32>
        %get3A_913 = arith.constant 2 : i32
        %get3A_914 = arith.index_cast %get3A_913 : i32 to index
        %get3A_915 = arith.index_cast %mul3A_895 : i32 to index
        %get3A_916 = arith.constant 32 : index
        %get3A_917 = tpu.vector_load %arg8[%get3A_914, %get3A_915, %get3A_916] {strides = array<i32>} : memref<8x200x64xbf16, #tpu.memory_space<vmem>>, vector<32xbf16>,
        %add3A_918 = arith.constant 1 : i32
        %add3A_919 = arith.addi %mul3A_895, %add3A_918 : i32
        %get3A_920 = arith.constant 2 : i32
        %get3A_921 = arith.index_cast %get3A_920 : i32 to index
        %get3A_922 = arith.index_cast %add3A_919 : i32 to index
        %get3A_923 = arith.constant 32 : index
        %get3A_924 = tpu.vector_load %arg8[%get3A_921, %get3A_922, %get3A_923] {strides = array<i32>} : memref<8x200x64xbf16, #tpu.memory_space<vmem>>, vector<32xbf16>,
        %add3A_925 = arith.addf %get3A_917, %get3A_924 : vector<32xbf16>
        %unpack3A_926 = tpu.unpack_subelements %add3A_925, 0 {pack_format = #tpu.pack_format<interleaved>} : vector<32xbf16> -> vector<16xf32>
        %unpack3A_927 = tpu.unpack_subelements %add3A_925, 1 {pack_format = #tpu.pack_format<interleaved>} : vector<32xbf16> -> vector<16xf32>
        %add3A_928 = arith.addf %add3A_890, %unpack3A_926 : vector<16xf32>
        %add3A_929 = arith.addf %add3A_891, %unpack3A_927 : vector<16xf32>
        %scan3A_930 = arith.constant 2 : i32
        %scan3A_931 = arith.addi %scan3A_853, %scan3A_930 : i32
        %mul3A_932 = arith.constant 2 : i32
        %mul3A_933 = arith.muli %mul3A_932, %scan3A_931 : i32
        %get3A_934 = arith.constant 2 : i32
        %get3A_935 = arith.index_cast %get3A_934 : i32 to index
        %get3A_936 = arith.index_cast %mul3A_933 : i32 to index
        %get3A_937 = arith.constant 0 : index
        %get3A_938 = tpu.vector_load %arg8[%get3A_935, %get3A_936, %get3A_937] {strides = array<i32>} : memref<8x200x64xbf16, #tpu.memory_space<vmem>>, vector<32xbf16>,
        %add3A_939 = arith.constant 1 : i32
        %add3A_940 = arith.addi %mul3A_933, %add3A_939 : i32
        %get3A_941 = arith.constant 2 : i32
        %get3A_942 = arith.index_cast %get3A_941 : i32 to index
        %get3A_943 = arith.index_cast %add3A_940 : i32 to index
        %get3A_944 = arith.constant 0 : index
        %get3A_945 = tpu.vector_load %arg8[%get3A_942, %get3A_943, %get3A_944] {strides = array<i32>} : memref<8x200x64xbf16, #tpu.memory_space<vmem>>, vector<32xbf16>,
        %add3A_946 = arith.addf %get3A_938, %get3A_945 : vector<32xbf16>
        %unpack3A_947 = tpu.unpack_subelements %add3A_946, 0 {pack_format = #tpu.pack_format<interleaved>} : vector<32xbf16> -> vector<16xf32>
        %unpack3A_948 = tpu.unpack_subelements %add3A_946, 1 {pack_format = #tpu.pack_format<interleaved>} : vector<32xbf16> -> vector<16xf32>
        %add3A_949 = arith.addf %add3A_911, %unpack3A_947 : vector<16xf32>
        %add3A_950 = arith.addf %add3A_912, %unpack3A_948 : vector<16xf32>
        %get3A_951 = arith.constant 2 : i32
        %get3A_952 = arith.index_cast %get3A_951 : i32 to index
        %get3A_953 = arith.index_cast %mul3A_933 : i32 to index
        %get3A_954 = arith.constant 32 : index
        %get3A_955 = tpu.vector_load %arg8[%get3A_952, %get3A_953, %get3A_954] {strides = array<i32>} : memref<8x200x64xbf16, #tpu.memory_space<vmem>>, vector<32xbf16>,
        %add3A_956 = arith.constant 1 : i32
        %add3A_957 = arith.addi %mul3A_933, %add3A_956 : i32
        %get3A_958 = arith.constant 2 : i32
        %get3A_959 = arith.index_cast %get3A_958 : i32 to index
        %get3A_960 = arith.index_cast %add3A_957 : i32 to index
        %get3A_961 = arith.constant 32 : index
        %get3A_962 = tpu.vector_load %arg8[%get3A_959, %get3A_960, %get3A_961] {strides = array<i32>} : memref<8x200x64xbf16, #tpu.memory_space<vmem>>, vector<32xbf16>,
        %add3A_963 = arith.addf %get3A_955, %get3A_962 : vector<32xbf16>
        %unpack3A_964 = tpu.unpack_subelements %add3A_963, 0 {pack_format = #tpu.pack_format<interleaved>} : vector<32xbf16> -> vector<16xf32>
        %unpack3A_965 = tpu.unpack_subelements %add3A_963, 1 {pack_format = #tpu.pack_format<interleaved>} : vector<32xbf16> -> vector<16xf32>
        %add3A_966 = arith.addf %add3A_928, %unpack3A_964 : vector<16xf32>
        %add3A_967 = arith.addf %add3A_929, %unpack3A_965 : vector<16xf32>
        %scan3A_968 = arith.constant 3 : i32
        %scan3A_969 = arith.addi %scan3A_853, %scan3A_968 : i32
        %mul3A_970 = arith.constant 2 : i32
        %mul3A_971 = arith.muli %mul3A_970, %scan3A_969 : i32
        %get3A_972 = arith.constant 2 : i32
        %get3A_973 = arith.index_cast %get3A_972 : i32 to index
        %get3A_974 = arith.index_cast %mul3A_971 : i32 to index
        %get3A_975 = arith.constant 0 : index
        %get3A_976 = tpu.vector_load %arg8[%get3A_973, %get3A_974, %get3A_975] {strides = array<i32>} : memref<8x200x64xbf16, #tpu.memory_space<vmem>>, vector<32xbf16>,
        %add3A_977 = arith.constant 1 : i32
        %add3A_978 = arith.addi %mul3A_971, %add3A_977 : i32
        %get3A_979 = arith.constant 2 : i32
        %get3A_980 = arith.index_cast %get3A_979 : i32 to index
        %get3A_981 = arith.index_cast %add3A_978 : i32 to index
        %get3A_982 = arith.constant 0 : index
        %get3A_983 = tpu.vector_load %arg8[%get3A_980, %get3A_981, %get3A_982] {strides = array<i32>} : memref<8x200x64xbf16, #tpu.memory_space<vmem>>, vector<32xbf16>,
        %add3A_984 = arith.addf %get3A_976, %get3A_983 : vector<32xbf16>
        %unpack3A_985 = tpu.unpack_subelements %add3A_984, 0 {pack_format = #tpu.pack_format<interleaved>} : vector<32xbf16> -> vector<16xf32>
        %unpack3A_986 = tpu.unpack_subelements %add3A_984, 1 {pack_format = #tpu.pack_format<interleaved>} : vector<32xbf16> -> vector<16xf32>
        %add3A_987 = arith.addf %add3A_949, %unpack3A_985 : vector<16xf32>
        %add3A_988 = arith.addf %add3A_950, %unpack3A_986 : vector<16xf32>
        %get3A_989 = arith.constant 2 : i32
        %get3A_990 = arith.index_cast %get3A_989 : i32 to index
        %get3A_991 = arith.index_cast %mul3A_971 : i32 to index
        %get3A_992 = arith.constant 32 : index
        %get3A_993 = tpu.vector_load %arg8[%get3A_990, %get3A_991, %get3A_992] {strides = array<i32>} : memref<8x200x64xbf16, #tpu.memory_space<vmem>>, vector<32xbf16>,
        %add3A_994 = arith.constant 1 : i32
        %add3A_995 = arith.addi %mul3A_971, %add3A_994 : i32
        %get3A_996 = arith.constant 2 : i32
        %get3A_997 = arith.index_cast %get3A_996 : i32 to index
        %get3A_998 = arith.index_cast %add3A_995 : i32 to index
        %get3A_999 = arith.constant 32 : index
        %get3A_1000 = tpu.vector_load %arg8[%get3A_997, %get3A_998, %get3A_999] {strides = array<i32>} : memref<8x200x64xbf16, #tpu.memory_space<vmem>>, vector<32xbf16>,
        %add3A_1001 = arith.addf %get3A_993, %get3A_1000 : vector<32xbf16>
        %unpack3A_1002 = tpu.unpack_subelements %add3A_1001, 0 {pack_format = #tpu.pack_format<interleaved>} : vector<32xbf16> -> vector<16xf32>
        %unpack3A_1003 = tpu.unpack_subelements %add3A_1001, 1 {pack_format = #tpu.pack_format<interleaved>} : vector<32xbf16> -> vector<16xf32>
        %add3A_1004 = arith.addf %add3A_966, %unpack3A_1002 : vector<16xf32>
        %add3A_1005 = arith.addf %add3A_967, %unpack3A_1003 : vector<16xf32>
        scf.yield %add3A_987, %add3A_988, %add3A_1004, %add3A_1005 : vector<16xf32>, vector<16xf32>, vector<16xf32>, vector<16xf32>
      }
      %scan3A_612 = arith.constant 100 : i32
      %swap3A_613 = arith.constant 2 : i32
      %swap3A_614 = arith.index_cast %swap3A_613 : i32 to index
      %swap3A_615 = arith.constant 0 : index
      %swap3A_616 = tpu.vector_load %arg10[%swap3A_614, %swap3A_615] {strides = array<i32>} : memref<8x64xf32, #tpu.memory_space<vmem>>, vector<16xf32>,
      tpu.vector_store %arg10[%swap3A_614, %swap3A_615], %scan3A_611#0 {strides = array<i32>} : memref<8x64xf32, #tpu.memory_space<vmem>>, vector<16xf32>,
      %swap3A_617 = arith.constant 2 : i32
      %swap3A_618 = arith.index_cast %swap3A_617 : i32 to index
      %swap3A_619 = arith.constant 16 : index
      %swap3A_620 = tpu.vector_load %arg10[%swap3A_618, %swap3A_619] {strides = array<i32>} : memref<8x64xf32, #tpu.memory_space<vmem>>, vector<16xf32>,
      tpu.vector_store %arg10[%swap3A_618, %swap3A_619], %scan3A_611#1 {strides = array<i32>} : memref<8x64xf32, #tpu.memory_space<vmem>>, vector<16xf32>,
      %swap3A_621 = arith.constant 2 : i32
      %swap3A_622 = arith.index_cast %swap3A_621 : i32 to index
      %swap3A_623 = arith.constant 32 : index
      %swap3A_624 = tpu.vector_load %arg10[%swap3A_622, %swap3A_623] {strides = array<i32>} : memref<8x64xf32, #tpu.memory_space<vmem>>, vector<16xf32>,
      tpu.vector_store %arg10[%swap3A_622, %swap3A_623], %scan3A_611#2 {strides = array<i32>} : memref<8x64xf32, #tpu.memory_space<vmem>>, vector<16xf32>,
      %swap3A_625 = arith.constant 2 : i32
      %swap3A_626 = arith.index_cast %swap3A_625 : i32 to index
      %swap3A_627 = arith.constant 48 : index
      %swap3A_628 = tpu.vector_load %arg10[%swap3A_626, %swap3A_627] {strides = array<i32>} : memref<8x64xf32, #tpu.memory_space<vmem>>, vector<16xf32>,
      tpu.vector_store %arg10[%swap3A_626, %swap3A_627], %scan3A_611#3 {strides = array<i32>} : memref<8x64xf32, #tpu.memory_space<vmem>>, vector<16xf32>,
      %dma_wait3A_629 = arith.constant 3 : i32
      %dma_wait3A_630 = arith.constant 3 : i32
      %dma_wait3A_631 = arith.constant 0 : i32
      %dma_wait3A_632 = arith.constant 0 : i32
      %dma_wait3A_633 = tpu.memref_slice %arg8[%dma_wait3A_630, %dma_wait3A_631, %dma_wait3A_632] : memref<8x200x64xbf16, #tpu.memory_space<vmem>> -> memref<1x200x64xbf16, #tpu.memory_space<vmem>>
      %dma_wait3A_634 = tpu.memref_squeeze %dma_wait3A_633 : memref<1x200x64xbf16, #tpu.memory_space<vmem>> -> memref<200x64xbf16, #tpu.memory_space<vmem>>
      %dma_wait3A_635 = arith.constant 0 : i32
      %dma_wait3A_636 = tpu.memref_slice %arg6[%dma_wait3A_629, %dma_wait3A_635] : memref<8x200xi32, #tpu.memory_space<vmem>> -> memref<1x200xi32, #tpu.memory_space<vmem>>
      %dma_wait3A_637 = tpu.memref_squeeze %dma_wait3A_636 : memref<1x200xi32, #tpu.memory_space<vmem>> -> memref<200xi32, #tpu.memory_space<vmem>>
      %dma_wait3A_638 = arith.constant 0 : i32
      %dma_wait3A_639 = arith.constant 0 : i32
      %dma_wait3A_640 = tpu.memref_slice %arg3[%dma_wait3A_638, %dma_wait3A_639] : memref<100000x64xbf16, #tpu.memory_space<hbm>> -> memref<100000x64xbf16, #tpu.memory_space<hbm>>
      tpu.wait_indirect_dma semaphore(%arg12 : memref<!tpu.dma_semaphore, #tpu.memory_space<semaphore_mem>>) src(%dma_wait3A_640 : memref<100000x64xbf16, #tpu.memory_space<hbm>>) dst(%dma_wait3A_634 : memref<200x64xbf16, #tpu.memory_space<vmem>>)
      %broadcast_in_dim3A_641 = arith.constant 0.000000e+00 : f32
      %broadcast_in_dim3A_642 = vector.broadcast %broadcast_in_dim3A_641 : f32 to vector<16xf32>
      %broadcast_in_dim3A_643 = arith.constant 0.000000e+00 : f32
      %broadcast_in_dim3A_644 = vector.broadcast %broadcast_in_dim3A_643 : f32 to vector<16xf32>
      %broadcast_in_dim3A_645 = arith.constant 0.000000e+00 : f32
      %broadcast_in_dim3A_646 = vector.broadcast %broadcast_in_dim3A_645 : f32 to vector<16xf32>
      %broadcast_in_dim3A_647 = arith.constant 0.000000e+00 : f32
      %broadcast_in_dim3A_648 = vector.broadcast %broadcast_in_dim3A_647 : f32 to vector<16xf32>
      %scan3A_649 = arith.constant 0 : i32
      %scan3A_650 = arith.constant 100 : i32
      %scan3A_651 = arith.addi %scan3A_649, %scan3A_650 : i32
      %scan3A_652 = arith.constant 4 : i32
      %scan3A_653:4 = scf.for %scan3A_853 = %scan3A_649 to %scan3A_651 step %scan3A_652 iter_args(%scan3A_854 = %broadcast_in_dim3A_642, %scan3A_855 = %broadcast_in_dim3A_644, %scan3A_856 = %broadcast_in_dim3A_646, %scan3A_857 = %broadcast_in_dim3A_648) -> (vector<16xf32>, vector<16xf32>, vector<16xf32>, vector<16xf32>)  : i32 {
        %mul3A_858 = arith.constant 2 : i32
        %mul3A_859 = arith.muli %mul3A_858, %scan3A_853 : i32
        %get3A = arith.constant 3 : i32
        %get3A_860 = arith.index_cast %get3A : i32 to index
        %get3A_861 = arith.index_cast %mul3A_859 : i32 to index
        %get3A_862 = arith.constant 0 : index
        %get3A_863 = tpu.vector_load %arg8[%get3A_860, %get3A_861, %get3A_862] {strides = array<i32>} : memref<8x200x64xbf16, #tpu.memory_space<vmem>>, vector<32xbf16>,
        %add3A_864 = arith.constant 1 : i32
        %add3A_865 = arith.addi %mul3A_859, %add3A_864 : i32
        %get3A_866 = arith.constant 3 : i32
        %get3A_867 = arith.index_cast %get3A_866 : i32 to index
        %get3A_868 = arith.index_cast %add3A_865 : i32 to index
        %get3A_869 = arith.constant 0 : index
        %get3A_870 = tpu.vector_load %arg8[%get3A_867, %get3A_868, %get3A_869] {strides = array<i32>} : memref<8x200x64xbf16, #tpu.memory_space<vmem>>, vector<32xbf16>,
        %add3A_871 = arith.addf %get3A_863, %get3A_870 : vector<32xbf16>
        %unpack3A = tpu.unpack_subelements %add3A_871, 0 {pack_format = #tpu.pack_format<interleaved>} : vector<32xbf16> -> vector<16xf32>
        %unpack3A_872 = tpu.unpack_subelements %add3A_871, 1 {pack_format = #tpu.pack_format<interleaved>} : vector<32xbf16> -> vector<16xf32>
        %add3A_873 = arith.addf %scan3A_854, %unpack3A : vector<16xf32>
        %add3A_874 = arith.addf %scan3A_855, %unpack3A_872 : vector<16xf32>
        %get3A_875 = arith.constant 3 : i32
        %get3A_876 = arith.index_cast %get3A_875 : i32 to index
        %get3A_877 = arith.index_cast %mul3A_859 : i32 to index
        %get3A_878 = arith.constant 32 : index
        %get3A_879 = tpu.vector_load %arg8[%get3A_876, %get3A_877, %get3A_878] {strides = array<i32>} : memref<8x200x64xbf16, #tpu.memory_space<vmem>>, vector<32xbf16>,
        %add3A_880 = arith.constant 1 : i32
        %add3A_881 = arith.addi %mul3A_859, %add3A_880 : i32
        %get3A_882 = arith.constant 3 : i32
        %get3A_883 = arith.index_cast %get3A_882 : i32 to index
        %get3A_884 = arith.index_cast %add3A_881 : i32 to index
        %get3A_885 = arith.constant 32 : index
        %get3A_886 = tpu.vector_load %arg8[%get3A_883, %get3A_884, %get3A_885] {strides = array<i32>} : memref<8x200x64xbf16, #tpu.memory_space<vmem>>, vector<32xbf16>,
        %add3A_887 = arith.addf %get3A_879, %get3A_886 : vector<32xbf16>
        %unpack3A_888 = tpu.unpack_subelements %add3A_887, 0 {pack_format = #tpu.pack_format<interleaved>} : vector<32xbf16> -> vector<16xf32>
        %unpack3A_889 = tpu.unpack_subelements %add3A_887, 1 {pack_format = #tpu.pack_format<interleaved>} : vector<32xbf16> -> vector<16xf32>
        %add3A_890 = arith.addf %scan3A_856, %unpack3A_888 : vector<16xf32>
        %add3A_891 = arith.addf %scan3A_857, %unpack3A_889 : vector<16xf32>
        %scan3A_892 = arith.constant 1 : i32
        %scan3A_893 = arith.addi %scan3A_853, %scan3A_892 : i32
        %mul3A_894 = arith.constant 2 : i32
        %mul3A_895 = arith.muli %mul3A_894, %scan3A_893 : i32
        %get3A_896 = arith.constant 3 : i32
        %get3A_897 = arith.index_cast %get3A_896 : i32 to index
        %get3A_898 = arith.index_cast %mul3A_895 : i32 to index
        %get3A_899 = arith.constant 0 : index
        %get3A_900 = tpu.vector_load %arg8[%get3A_897, %get3A_898, %get3A_899] {strides = array<i32>} : memref<8x200x64xbf16, #tpu.memory_space<vmem>>, vector<32xbf16>,
        %add3A_901 = arith.constant 1 : i32
        %add3A_902 = arith.addi %mul3A_895, %add3A_901 : i32
        %get3A_903 = arith.constant 3 : i32
        %get3A_904 = arith.index_cast %get3A_903 : i32 to index
        %get3A_905 = arith.index_cast %add3A_902 : i32 to index
        %get3A_906 = arith.constant 0 : index
        %get3A_907 = tpu.vector_load %arg8[%get3A_904, %get3A_905, %get3A_906] {strides = array<i32>} : memref<8x200x64xbf16, #tpu.memory_space<vmem>>, vector<32xbf16>,
        %add3A_908 = arith.addf %get3A_900, %get3A_907 : vector<32xbf16>
        %unpack3A_909 = tpu.unpack_subelements %add3A_908, 0 {pack_format = #tpu.pack_format<interleaved>} : vector<32xbf16> -> vector<16xf32>
        %unpack3A_910 = tpu.unpack_subelements %add3A_908, 1 {pack_format = #tpu.pack_format<interleaved>} : vector<32xbf16> -> vector<16xf32>
        %add3A_911 = arith.addf %add3A_873, %unpack3A_909 : vector<16xf32>
        %add3A_912 = arith.addf %add3A_874, %unpack3A_910 : vector<16xf32>
        %get3A_913 = arith.constant 3 : i32
        %get3A_914 = arith.index_cast %get3A_913 : i32 to index
        %get3A_915 = arith.index_cast %mul3A_895 : i32 to index
        %get3A_916 = arith.constant 32 : index
        %get3A_917 = tpu.vector_load %arg8[%get3A_914, %get3A_915, %get3A_916] {strides = array<i32>} : memref<8x200x64xbf16, #tpu.memory_space<vmem>>, vector<32xbf16>,
        %add3A_918 = arith.constant 1 : i32
        %add3A_919 = arith.addi %mul3A_895, %add3A_918 : i32
        %get3A_920 = arith.constant 3 : i32
        %get3A_921 = arith.index_cast %get3A_920 : i32 to index
        %get3A_922 = arith.index_cast %add3A_919 : i32 to index
        %get3A_923 = arith.constant 32 : index
        %get3A_924 = tpu.vector_load %arg8[%get3A_921, %get3A_922, %get3A_923] {strides = array<i32>} : memref<8x200x64xbf16, #tpu.memory_space<vmem>>, vector<32xbf16>,
        %add3A_925 = arith.addf %get3A_917, %get3A_924 : vector<32xbf16>
        %unpack3A_926 = tpu.unpack_subelements %add3A_925, 0 {pack_format = #tpu.pack_format<interleaved>} : vector<32xbf16> -> vector<16xf32>
        %unpack3A_927 = tpu.unpack_subelements %add3A_925, 1 {pack_format = #tpu.pack_format<interleaved>} : vector<32xbf16> -> vector<16xf32>
        %add3A_928 = arith.addf %add3A_890, %unpack3A_926 : vector<16xf32>
        %add3A_929 = arith.addf %add3A_891, %unpack3A_927 : vector<16xf32>
        %scan3A_930 = arith.constant 2 : i32
        %scan3A_931 = arith.addi %scan3A_853, %scan3A_930 : i32
        %mul3A_932 = arith.constant 2 : i32
        %mul3A_933 = arith.muli %mul3A_932, %scan3A_931 : i32
        %get3A_934 = arith.constant 3 : i32
        %get3A_935 = arith.index_cast %get3A_934 : i32 to index
        %get3A_936 = arith.index_cast %mul3A_933 : i32 to index
        %get3A_937 = arith.constant 0 : index
        %get3A_938 = tpu.vector_load %arg8[%get3A_935, %get3A_936, %get3A_937] {strides = array<i32>} : memref<8x200x64xbf16, #tpu.memory_space<vmem>>, vector<32xbf16>,
        %add3A_939 = arith.constant 1 : i32
        %add3A_940 = arith.addi %mul3A_933, %add3A_939 : i32
        %get3A_941 = arith.constant 3 : i32
        %get3A_942 = arith.index_cast %get3A_941 : i32 to index
        %get3A_943 = arith.index_cast %add3A_940 : i32 to index
        %get3A_944 = arith.constant 0 : index
        %get3A_945 = tpu.vector_load %arg8[%get3A_942, %get3A_943, %get3A_944] {strides = array<i32>} : memref<8x200x64xbf16, #tpu.memory_space<vmem>>, vector<32xbf16>,
        %add3A_946 = arith.addf %get3A_938, %get3A_945 : vector<32xbf16>
        %unpack3A_947 = tpu.unpack_subelements %add3A_946, 0 {pack_format = #tpu.pack_format<interleaved>} : vector<32xbf16> -> vector<16xf32>
        %unpack3A_948 = tpu.unpack_subelements %add3A_946, 1 {pack_format = #tpu.pack_format<interleaved>} : vector<32xbf16> -> vector<16xf32>
        %add3A_949 = arith.addf %add3A_911, %unpack3A_947 : vector<16xf32>
        %add3A_950 = arith.addf %add3A_912, %unpack3A_948 : vector<16xf32>
        %get3A_951 = arith.constant 3 : i32
        %get3A_952 = arith.index_cast %get3A_951 : i32 to index
        %get3A_953 = arith.index_cast %mul3A_933 : i32 to index
        %get3A_954 = arith.constant 32 : index
        %get3A_955 = tpu.vector_load %arg8[%get3A_952, %get3A_953, %get3A_954] {strides = array<i32>} : memref<8x200x64xbf16, #tpu.memory_space<vmem>>, vector<32xbf16>,
        %add3A_956 = arith.constant 1 : i32
        %add3A_957 = arith.addi %mul3A_933, %add3A_956 : i32
        %get3A_958 = arith.constant 3 : i32
        %get3A_959 = arith.index_cast %get3A_958 : i32 to index
        %get3A_960 = arith.index_cast %add3A_957 : i32 to index
        %get3A_961 = arith.constant 32 : index
        %get3A_962 = tpu.vector_load %arg8[%get3A_959, %get3A_960, %get3A_961] {strides = array<i32>} : memref<8x200x64xbf16, #tpu.memory_space<vmem>>, vector<32xbf16>,
        %add3A_963 = arith.addf %get3A_955, %get3A_962 : vector<32xbf16>
        %unpack3A_964 = tpu.unpack_subelements %add3A_963, 0 {pack_format = #tpu.pack_format<interleaved>} : vector<32xbf16> -> vector<16xf32>
        %unpack3A_965 = tpu.unpack_subelements %add3A_963, 1 {pack_format = #tpu.pack_format<interleaved>} : vector<32xbf16> -> vector<16xf32>
        %add3A_966 = arith.addf %add3A_928, %unpack3A_964 : vector<16xf32>
        %add3A_967 = arith.addf %add3A_929, %unpack3A_965 : vector<16xf32>
        %scan3A_968 = arith.constant 3 : i32
        %scan3A_969 = arith.addi %scan3A_853, %scan3A_968 : i32
        %mul3A_970 = arith.constant 2 : i32
        %mul3A_971 = arith.muli %mul3A_970, %scan3A_969 : i32
        %get3A_972 = arith.constant 3 : i32
        %get3A_973 = arith.index_cast %get3A_972 : i32 to index
        %get3A_974 = arith.index_cast %mul3A_971 : i32 to index
        %get3A_975 = arith.constant 0 : index
        %get3A_976 = tpu.vector_load %arg8[%get3A_973, %get3A_974, %get3A_975] {strides = array<i32>} : memref<8x200x64xbf16, #tpu.memory_space<vmem>>, vector<32xbf16>,
        %add3A_977 = arith.constant 1 : i32
        %add3A_978 = arith.addi %mul3A_971, %add3A_977 : i32
        %get3A_979 = arith.constant 3 : i32
        %get3A_980 = arith.index_cast %get3A_979 : i32 to index
        %get3A_981 = arith.index_cast %add3A_978 : i32 to index
        %get3A_982 = arith.constant 0 : index
        %get3A_983 = tpu.vector_load %arg8[%get3A_980, %get3A_981, %get3A_982] {strides = array<i32>} : memref<8x200x64xbf16, #tpu.memory_space<vmem>>, vector<32xbf16>,
        %add3A_984 = arith.addf %get3A_976, %get3A_983 : vector<32xbf16>
        %unpack3A_985 = tpu.unpack_subelements %add3A_984, 0 {pack_format = #tpu.pack_format<interleaved>} : vector<32xbf16> -> vector<16xf32>
        %unpack3A_986 = tpu.unpack_subelements %add3A_984, 1 {pack_format = #tpu.pack_format<interleaved>} : vector<32xbf16> -> vector<16xf32>
        %add3A_987 = arith.addf %add3A_949, %unpack3A_985 : vector<16xf32>
        %add3A_988 = arith.addf %add3A_950, %unpack3A_986 : vector<16xf32>
        %get3A_989 = arith.constant 3 : i32
        %get3A_990 = arith.index_cast %get3A_989 : i32 to index
        %get3A_991 = arith.index_cast %mul3A_971 : i32 to index
        %get3A_992 = arith.constant 32 : index
        %get3A_993 = tpu.vector_load %arg8[%get3A_990, %get3A_991, %get3A_992] {strides = array<i32>} : memref<8x200x64xbf16, #tpu.memory_space<vmem>>, vector<32xbf16>,
        %add3A_994 = arith.constant 1 : i32
        %add3A_995 = arith.addi %mul3A_971, %add3A_994 : i32
        %get3A_996 = arith.constant 3 : i32
        %get3A_997 = arith.index_cast %get3A_996 : i32 to index
        %get3A_998 = arith.index_cast %add3A_995 : i32 to index
        %get3A_999 = arith.constant 32 : index
        %get3A_1000 = tpu.vector_load %arg8[%get3A_997, %get3A_998, %get3A_999] {strides = array<i32>} : memref<8x200x64xbf16, #tpu.memory_space<vmem>>, vector<32xbf16>,
        %add3A_1001 = arith.addf %get3A_993, %get3A_1000 : vector<32xbf16>
        %unpack3A_1002 = tpu.unpack_subelements %add3A_1001, 0 {pack_format = #tpu.pack_format<interleaved>} : vector<32xbf16> -> vector<16xf32>
        %unpack3A_1003 = tpu.unpack_subelements %add3A_1001, 1 {pack_format = #tpu.pack_format<interleaved>} : vector<32xbf16> -> vector<16xf32>
        %add3A_1004 = arith.addf %add3A_966, %unpack3A_1002 : vector<16xf32>
        %add3A_1005 = arith.addf %add3A_967, %unpack3A_1003 : vector<16xf32>
        scf.yield %add3A_987, %add3A_988, %add3A_1004, %add3A_1005 : vector<16xf32>, vector<16xf32>, vector<16xf32>, vector<16xf32>
      }
      %scan3A_654 = arith.constant 100 : i32
      %swap3A_655 = arith.constant 3 : i32
      %swap3A_656 = arith.index_cast %swap3A_655 : i32 to index
      %swap3A_657 = arith.constant 0 : index
      %swap3A_658 = tpu.vector_load %arg10[%swap3A_656, %swap3A_657] {strides = array<i32>} : memref<8x64xf32, #tpu.memory_space<vmem>>, vector<16xf32>,
      tpu.vector_store %arg10[%swap3A_656, %swap3A_657], %scan3A_653#0 {strides = array<i32>} : memref<8x64xf32, #tpu.memory_space<vmem>>, vector<16xf32>,
      %swap3A_659 = arith.constant 3 : i32
      %swap3A_660 = arith.index_cast %swap3A_659 : i32 to index
      %swap3A_661 = arith.constant 16 : index
      %swap3A_662 = tpu.vector_load %arg10[%swap3A_660, %swap3A_661] {strides = array<i32>} : memref<8x64xf32, #tpu.memory_space<vmem>>, vector<16xf32>,
      tpu.vector_store %arg10[%swap3A_660, %swap3A_661], %scan3A_653#1 {strides = array<i32>} : memref<8x64xf32, #tpu.memory_space<vmem>>, vector<16xf32>,
      %swap3A_663 = arith.constant 3 : i32
      %swap3A_664 = arith.index_cast %swap3A_663 : i32 to index
      %swap3A_665 = arith.constant 32 : index
      %swap3A_666 = tpu.vector_load %arg10[%swap3A_664, %swap3A_665] {strides = array<i32>} : memref<8x64xf32, #tpu.memory_space<vmem>>, vector<16xf32>,
      tpu.vector_store %arg10[%swap3A_664, %swap3A_665], %scan3A_653#2 {strides = array<i32>} : memref<8x64xf32, #tpu.memory_space<vmem>>, vector<16xf32>,
      %swap3A_667 = arith.constant 3 : i32
      %swap3A_668 = arith.index_cast %swap3A_667 : i32 to index
      %swap3A_669 = arith.constant 48 : index
      %swap3A_670 = tpu.vector_load %arg10[%swap3A_668, %swap3A_669] {strides = array<i32>} : memref<8x64xf32, #tpu.memory_space<vmem>>, vector<16xf32>,
      tpu.vector_store %arg10[%swap3A_668, %swap3A_669], %scan3A_653#3 {strides = array<i32>} : memref<8x64xf32, #tpu.memory_space<vmem>>, vector<16xf32>,
      %dma_wait3A_671 = arith.constant 4 : i32
      %dma_wait3A_672 = arith.constant 4 : i32
      %dma_wait3A_673 = arith.constant 0 : i32
      %dma_wait3A_674 = arith.constant 0 : i32
      %dma_wait3A_675 = tpu.memref_slice %arg8[%dma_wait3A_672, %dma_wait3A_673, %dma_wait3A_674] : memref<8x200x64xbf16, #tpu.memory_space<vmem>> -> memref<1x200x64xbf16, #tpu.memory_space<vmem>>
      %dma_wait3A_676 = tpu.memref_squeeze %dma_wait3A_675 : memref<1x200x64xbf16, #tpu.memory_space<vmem>> -> memref<200x64xbf16, #tpu.memory_space<vmem>>
      %dma_wait3A_677 = arith.constant 0 : i32
      %dma_wait3A_678 = tpu.memref_slice %arg6[%dma_wait3A_671, %dma_wait3A_677] : memref<8x200xi32, #tpu.memory_space<vmem>> -> memref<1x200xi32, #tpu.memory_space<vmem>>
      %dma_wait3A_679 = tpu.memref_squeeze %dma_wait3A_678 : memref<1x200xi32, #tpu.memory_space<vmem>> -> memref<200xi32, #tpu.memory_space<vmem>>
      %dma_wait3A_680 = arith.constant 0 : i32
      %dma_wait3A_681 = arith.constant 0 : i32
      %dma_wait3A_682 = tpu.memref_slice %arg3[%dma_wait3A_680, %dma_wait3A_681] : memref<100000x64xbf16, #tpu.memory_space<hbm>> -> memref<100000x64xbf16, #tpu.memory_space<hbm>>
      tpu.wait_indirect_dma semaphore(%arg12 : memref<!tpu.dma_semaphore, #tpu.memory_space<semaphore_mem>>) src(%dma_wait3A_682 : memref<100000x64xbf16, #tpu.memory_space<hbm>>) dst(%dma_wait3A_676 : memref<200x64xbf16, #tpu.memory_space<vmem>>)
      %broadcast_in_dim3A_683 = arith.constant 0.000000e+00 : f32
      %broadcast_in_dim3A_684 = vector.broadcast %broadcast_in_dim3A_683 : f32 to vector<16xf32>
      %broadcast_in_dim3A_685 = arith.constant 0.000000e+00 : f32
      %broadcast_in_dim3A_686 = vector.broadcast %broadcast_in_dim3A_685 : f32 to vector<16xf32>
      %broadcast_in_dim3A_687 = arith.constant 0.000000e+00 : f32
      %broadcast_in_dim3A_688 = vector.broadcast %broadcast_in_dim3A_687 : f32 to vector<16xf32>
      %broadcast_in_dim3A_689 = arith.constant 0.000000e+00 : f32
      %broadcast_in_dim3A_690 = vector.broadcast %broadcast_in_dim3A_689 : f32 to vector<16xf32>
      %scan3A_691 = arith.constant 0 : i32
      %scan3A_692 = arith.constant 100 : i32
      %scan3A_693 = arith.addi %scan3A_691, %scan3A_692 : i32
      %scan3A_694 = arith.constant 4 : i32
      %scan3A_695:4 = scf.for %scan3A_853 = %scan3A_691 to %scan3A_693 step %scan3A_694 iter_args(%scan3A_854 = %broadcast_in_dim3A_684, %scan3A_855 = %broadcast_in_dim3A_686, %scan3A_856 = %broadcast_in_dim3A_688, %scan3A_857 = %broadcast_in_dim3A_690) -> (vector<16xf32>, vector<16xf32>, vector<16xf32>, vector<16xf32>)  : i32 {
        %mul3A_858 = arith.constant 2 : i32
        %mul3A_859 = arith.muli %mul3A_858, %scan3A_853 : i32
        %get3A = arith.constant 4 : i32
        %get3A_860 = arith.index_cast %get3A : i32 to index
        %get3A_861 = arith.index_cast %mul3A_859 : i32 to index
        %get3A_862 = arith.constant 0 : index
        %get3A_863 = tpu.vector_load %arg8[%get3A_860, %get3A_861, %get3A_862] {strides = array<i32>} : memref<8x200x64xbf16, #tpu.memory_space<vmem>>, vector<32xbf16>,
        %add3A_864 = arith.constant 1 : i32
        %add3A_865 = arith.addi %mul3A_859, %add3A_864 : i32
        %get3A_866 = arith.constant 4 : i32
        %get3A_867 = arith.index_cast %get3A_866 : i32 to index
        %get3A_868 = arith.index_cast %add3A_865 : i32 to index
        %get3A_869 = arith.constant 0 : index
        %get3A_870 = tpu.vector_load %arg8[%get3A_867, %get3A_868, %get3A_869] {strides = array<i32>} : memref<8x200x64xbf16, #tpu.memory_space<vmem>>, vector<32xbf16>,
        %add3A_871 = arith.addf %get3A_863, %get3A_870 : vector<32xbf16>
        %unpack3A = tpu.unpack_subelements %add3A_871, 0 {pack_format = #tpu.pack_format<interleaved>} : vector<32xbf16> -> vector<16xf32>
        %unpack3A_872 = tpu.unpack_subelements %add3A_871, 1 {pack_format = #tpu.pack_format<interleaved>} : vector<32xbf16> -> vector<16xf32>
        %add3A_873 = arith.addf %scan3A_854, %unpack3A : vector<16xf32>
        %add3A_874 = arith.addf %scan3A_855, %unpack3A_872 : vector<16xf32>
        %get3A_875 = arith.constant 4 : i32
        %get3A_876 = arith.index_cast %get3A_875 : i32 to index
        %get3A_877 = arith.index_cast %mul3A_859 : i32 to index
        %get3A_878 = arith.constant 32 : index
        %get3A_879 = tpu.vector_load %arg8[%get3A_876, %get3A_877, %get3A_878] {strides = array<i32>} : memref<8x200x64xbf16, #tpu.memory_space<vmem>>, vector<32xbf16>,
        %add3A_880 = arith.constant 1 : i32
        %add3A_881 = arith.addi %mul3A_859, %add3A_880 : i32
        %get3A_882 = arith.constant 4 : i32
        %get3A_883 = arith.index_cast %get3A_882 : i32 to index
        %get3A_884 = arith.index_cast %add3A_881 : i32 to index
        %get3A_885 = arith.constant 32 : index
        %get3A_886 = tpu.vector_load %arg8[%get3A_883, %get3A_884, %get3A_885] {strides = array<i32>} : memref<8x200x64xbf16, #tpu.memory_space<vmem>>, vector<32xbf16>,
        %add3A_887 = arith.addf %get3A_879, %get3A_886 : vector<32xbf16>
        %unpack3A_888 = tpu.unpack_subelements %add3A_887, 0 {pack_format = #tpu.pack_format<interleaved>} : vector<32xbf16> -> vector<16xf32>
        %unpack3A_889 = tpu.unpack_subelements %add3A_887, 1 {pack_format = #tpu.pack_format<interleaved>} : vector<32xbf16> -> vector<16xf32>
        %add3A_890 = arith.addf %scan3A_856, %unpack3A_888 : vector<16xf32>
        %add3A_891 = arith.addf %scan3A_857, %unpack3A_889 : vector<16xf32>
        %scan3A_892 = arith.constant 1 : i32
        %scan3A_893 = arith.addi %scan3A_853, %scan3A_892 : i32
        %mul3A_894 = arith.constant 2 : i32
        %mul3A_895 = arith.muli %mul3A_894, %scan3A_893 : i32
        %get3A_896 = arith.constant 4 : i32
        %get3A_897 = arith.index_cast %get3A_896 : i32 to index
        %get3A_898 = arith.index_cast %mul3A_895 : i32 to index
        %get3A_899 = arith.constant 0 : index
        %get3A_900 = tpu.vector_load %arg8[%get3A_897, %get3A_898, %get3A_899] {strides = array<i32>} : memref<8x200x64xbf16, #tpu.memory_space<vmem>>, vector<32xbf16>,
        %add3A_901 = arith.constant 1 : i32
        %add3A_902 = arith.addi %mul3A_895, %add3A_901 : i32
        %get3A_903 = arith.constant 4 : i32
        %get3A_904 = arith.index_cast %get3A_903 : i32 to index
        %get3A_905 = arith.index_cast %add3A_902 : i32 to index
        %get3A_906 = arith.constant 0 : index
        %get3A_907 = tpu.vector_load %arg8[%get3A_904, %get3A_905, %get3A_906] {strides = array<i32>} : memref<8x200x64xbf16, #tpu.memory_space<vmem>>, vector<32xbf16>,
        %add3A_908 = arith.addf %get3A_900, %get3A_907 : vector<32xbf16>
        %unpack3A_909 = tpu.unpack_subelements %add3A_908, 0 {pack_format = #tpu.pack_format<interleaved>} : vector<32xbf16> -> vector<16xf32>
        %unpack3A_910 = tpu.unpack_subelements %add3A_908, 1 {pack_format = #tpu.pack_format<interleaved>} : vector<32xbf16> -> vector<16xf32>
        %add3A_911 = arith.addf %add3A_873, %unpack3A_909 : vector<16xf32>
        %add3A_912 = arith.addf %add3A_874, %unpack3A_910 : vector<16xf32>
        %get3A_913 = arith.constant 4 : i32
        %get3A_914 = arith.index_cast %get3A_913 : i32 to index
        %get3A_915 = arith.index_cast %mul3A_895 : i32 to index
        %get3A_916 = arith.constant 32 : index
        %get3A_917 = tpu.vector_load %arg8[%get3A_914, %get3A_915, %get3A_916] {strides = array<i32>} : memref<8x200x64xbf16, #tpu.memory_space<vmem>>, vector<32xbf16>,
        %add3A_918 = arith.constant 1 : i32
        %add3A_919 = arith.addi %mul3A_895, %add3A_918 : i32
        %get3A_920 = arith.constant 4 : i32
        %get3A_921 = arith.index_cast %get3A_920 : i32 to index
        %get3A_922 = arith.index_cast %add3A_919 : i32 to index
        %get3A_923 = arith.constant 32 : index
        %get3A_924 = tpu.vector_load %arg8[%get3A_921, %get3A_922, %get3A_923] {strides = array<i32>} : memref<8x200x64xbf16, #tpu.memory_space<vmem>>, vector<32xbf16>,
        %add3A_925 = arith.addf %get3A_917, %get3A_924 : vector<32xbf16>
        %unpack3A_926 = tpu.unpack_subelements %add3A_925, 0 {pack_format = #tpu.pack_format<interleaved>} : vector<32xbf16> -> vector<16xf32>
        %unpack3A_927 = tpu.unpack_subelements %add3A_925, 1 {pack_format = #tpu.pack_format<interleaved>} : vector<32xbf16> -> vector<16xf32>
        %add3A_928 = arith.addf %add3A_890, %unpack3A_926 : vector<16xf32>
        %add3A_929 = arith.addf %add3A_891, %unpack3A_927 : vector<16xf32>
        %scan3A_930 = arith.constant 2 : i32
        %scan3A_931 = arith.addi %scan3A_853, %scan3A_930 : i32
        %mul3A_932 = arith.constant 2 : i32
        %mul3A_933 = arith.muli %mul3A_932, %scan3A_931 : i32
        %get3A_934 = arith.constant 4 : i32
        %get3A_935 = arith.index_cast %get3A_934 : i32 to index
        %get3A_936 = arith.index_cast %mul3A_933 : i32 to index
        %get3A_937 = arith.constant 0 : index
        %get3A_938 = tpu.vector_load %arg8[%get3A_935, %get3A_936, %get3A_937] {strides = array<i32>} : memref<8x200x64xbf16, #tpu.memory_space<vmem>>, vector<32xbf16>,
        %add3A_939 = arith.constant 1 : i32
        %add3A_940 = arith.addi %mul3A_933, %add3A_939 : i32
        %get3A_941 = arith.constant 4 : i32
        %get3A_942 = arith.index_cast %get3A_941 : i32 to index
        %get3A_943 = arith.index_cast %add3A_940 : i32 to index
        %get3A_944 = arith.constant 0 : index
        %get3A_945 = tpu.vector_load %arg8[%get3A_942, %get3A_943, %get3A_944] {strides = array<i32>} : memref<8x200x64xbf16, #tpu.memory_space<vmem>>, vector<32xbf16>,
        %add3A_946 = arith.addf %get3A_938, %get3A_945 : vector<32xbf16>
        %unpack3A_947 = tpu.unpack_subelements %add3A_946, 0 {pack_format = #tpu.pack_format<interleaved>} : vector<32xbf16> -> vector<16xf32>
        %unpack3A_948 = tpu.unpack_subelements %add3A_946, 1 {pack_format = #tpu.pack_format<interleaved>} : vector<32xbf16> -> vector<16xf32>
        %add3A_949 = arith.addf %add3A_911, %unpack3A_947 : vector<16xf32>
        %add3A_950 = arith.addf %add3A_912, %unpack3A_948 : vector<16xf32>
        %get3A_951 = arith.constant 4 : i32
        %get3A_952 = arith.index_cast %get3A_951 : i32 to index
        %get3A_953 = arith.index_cast %mul3A_933 : i32 to index
        %get3A_954 = arith.constant 32 : index
        %get3A_955 = tpu.vector_load %arg8[%get3A_952, %get3A_953, %get3A_954] {strides = array<i32>} : memref<8x200x64xbf16, #tpu.memory_space<vmem>>, vector<32xbf16>,
        %add3A_956 = arith.constant 1 : i32
        %add3A_957 = arith.addi %mul3A_933, %add3A_956 : i32
        %get3A_958 = arith.constant 4 : i32
        %get3A_959 = arith.index_cast %get3A_958 : i32 to index
        %get3A_960 = arith.index_cast %add3A_957 : i32 to index
        %get3A_961 = arith.constant 32 : index
        %get3A_962 = tpu.vector_load %arg8[%get3A_959, %get3A_960, %get3A_961] {strides = array<i32>} : memref<8x200x64xbf16, #tpu.memory_space<vmem>>, vector<32xbf16>,
        %add3A_963 = arith.addf %get3A_955, %get3A_962 : vector<32xbf16>
        %unpack3A_964 = tpu.unpack_subelements %add3A_963, 0 {pack_format = #tpu.pack_format<interleaved>} : vector<32xbf16> -> vector<16xf32>
        %unpack3A_965 = tpu.unpack_subelements %add3A_963, 1 {pack_format = #tpu.pack_format<interleaved>} : vector<32xbf16> -> vector<16xf32>
        %add3A_966 = arith.addf %add3A_928, %unpack3A_964 : vector<16xf32>
        %add3A_967 = arith.addf %add3A_929, %unpack3A_965 : vector<16xf32>
        %scan3A_968 = arith.constant 3 : i32
        %scan3A_969 = arith.addi %scan3A_853, %scan3A_968 : i32
        %mul3A_970 = arith.constant 2 : i32
        %mul3A_971 = arith.muli %mul3A_970, %scan3A_969 : i32
        %get3A_972 = arith.constant 4 : i32
        %get3A_973 = arith.index_cast %get3A_972 : i32 to index
        %get3A_974 = arith.index_cast %mul3A_971 : i32 to index
        %get3A_975 = arith.constant 0 : index
        %get3A_976 = tpu.vector_load %arg8[%get3A_973, %get3A_974, %get3A_975] {strides = array<i32>} : memref<8x200x64xbf16, #tpu.memory_space<vmem>>, vector<32xbf16>,
        %add3A_977 = arith.constant 1 : i32
        %add3A_978 = arith.addi %mul3A_971, %add3A_977 : i32
        %get3A_979 = arith.constant 4 : i32
        %get3A_980 = arith.index_cast %get3A_979 : i32 to index
        %get3A_981 = arith.index_cast %add3A_978 : i32 to index
        %get3A_982 = arith.constant 0 : index
        %get3A_983 = tpu.vector_load %arg8[%get3A_980, %get3A_981, %get3A_982] {strides = array<i32>} : memref<8x200x64xbf16, #tpu.memory_space<vmem>>, vector<32xbf16>,
        %add3A_984 = arith.addf %get3A_976, %get3A_983 : vector<32xbf16>
        %unpack3A_985 = tpu.unpack_subelements %add3A_984, 0 {pack_format = #tpu.pack_format<interleaved>} : vector<32xbf16> -> vector<16xf32>
        %unpack3A_986 = tpu.unpack_subelements %add3A_984, 1 {pack_format = #tpu.pack_format<interleaved>} : vector<32xbf16> -> vector<16xf32>
        %add3A_987 = arith.addf %add3A_949, %unpack3A_985 : vector<16xf32>
        %add3A_988 = arith.addf %add3A_950, %unpack3A_986 : vector<16xf32>
        %get3A_989 = arith.constant 4 : i32
        %get3A_990 = arith.index_cast %get3A_989 : i32 to index
        %get3A_991 = arith.index_cast %mul3A_971 : i32 to index
        %get3A_992 = arith.constant 32 : index
        %get3A_993 = tpu.vector_load %arg8[%get3A_990, %get3A_991, %get3A_992] {strides = array<i32>} : memref<8x200x64xbf16, #tpu.memory_space<vmem>>, vector<32xbf16>,
        %add3A_994 = arith.constant 1 : i32
        %add3A_995 = arith.addi %mul3A_971, %add3A_994 : i32
        %get3A_996 = arith.constant 4 : i32
        %get3A_997 = arith.index_cast %get3A_996 : i32 to index
        %get3A_998 = arith.index_cast %add3A_995 : i32 to index
        %get3A_999 = arith.constant 32 : index
        %get3A_1000 = tpu.vector_load %arg8[%get3A_997, %get3A_998, %get3A_999] {strides = array<i32>} : memref<8x200x64xbf16, #tpu.memory_space<vmem>>, vector<32xbf16>,
        %add3A_1001 = arith.addf %get3A_993, %get3A_1000 : vector<32xbf16>
        %unpack3A_1002 = tpu.unpack_subelements %add3A_1001, 0 {pack_format = #tpu.pack_format<interleaved>} : vector<32xbf16> -> vector<16xf32>
        %unpack3A_1003 = tpu.unpack_subelements %add3A_1001, 1 {pack_format = #tpu.pack_format<interleaved>} : vector<32xbf16> -> vector<16xf32>
        %add3A_1004 = arith.addf %add3A_966, %unpack3A_1002 : vector<16xf32>
        %add3A_1005 = arith.addf %add3A_967, %unpack3A_1003 : vector<16xf32>
        scf.yield %add3A_987, %add3A_988, %add3A_1004, %add3A_1005 : vector<16xf32>, vector<16xf32>, vector<16xf32>, vector<16xf32>
      }
      %scan3A_696 = arith.constant 100 : i32
      %swap3A_697 = arith.constant 4 : i32
      %swap3A_698 = arith.index_cast %swap3A_697 : i32 to index
      %swap3A_699 = arith.constant 0 : index
      %swap3A_700 = tpu.vector_load %arg10[%swap3A_698, %swap3A_699] {strides = array<i32>} : memref<8x64xf32, #tpu.memory_space<vmem>>, vector<16xf32>,
      tpu.vector_store %arg10[%swap3A_698, %swap3A_699], %scan3A_695#0 {strides = array<i32>} : memref<8x64xf32, #tpu.memory_space<vmem>>, vector<16xf32>,
      %swap3A_701 = arith.constant 4 : i32
      %swap3A_702 = arith.index_cast %swap3A_701 : i32 to index
      %swap3A_703 = arith.constant 16 : index
      %swap3A_704 = tpu.vector_load %arg10[%swap3A_702, %swap3A_703] {strides = array<i32>} : memref<8x64xf32, #tpu.memory_space<vmem>>, vector<16xf32>,
      tpu.vector_store %arg10[%swap3A_702, %swap3A_703], %scan3A_695#1 {strides = array<i32>} : memref<8x64xf32, #tpu.memory_space<vmem>>, vector<16xf32>,
      %swap3A_705 = arith.constant 4 : i32
      %swap3A_706 = arith.index_cast %swap3A_705 : i32 to index
      %swap3A_707 = arith.constant 32 : index
      %swap3A_708 = tpu.vector_load %arg10[%swap3A_706, %swap3A_707] {strides = array<i32>} : memref<8x64xf32, #tpu.memory_space<vmem>>, vector<16xf32>,
      tpu.vector_store %arg10[%swap3A_706, %swap3A_707], %scan3A_695#2 {strides = array<i32>} : memref<8x64xf32, #tpu.memory_space<vmem>>, vector<16xf32>,
      %swap3A_709 = arith.constant 4 : i32
      %swap3A_710 = arith.index_cast %swap3A_709 : i32 to index
      %swap3A_711 = arith.constant 48 : index
      %swap3A_712 = tpu.vector_load %arg10[%swap3A_710, %swap3A_711] {strides = array<i32>} : memref<8x64xf32, #tpu.memory_space<vmem>>, vector<16xf32>,
      tpu.vector_store %arg10[%swap3A_710, %swap3A_711], %scan3A_695#3 {strides = array<i32>} : memref<8x64xf32, #tpu.memory_space<vmem>>, vector<16xf32>,
      %dma_wait3A_713 = arith.constant 5 : i32
      %dma_wait3A_714 = arith.constant 5 : i32
      %dma_wait3A_715 = arith.constant 0 : i32
      %dma_wait3A_716 = arith.constant 0 : i32
      %dma_wait3A_717 = tpu.memref_slice %arg8[%dma_wait3A_714, %dma_wait3A_715, %dma_wait3A_716] : memref<8x200x64xbf16, #tpu.memory_space<vmem>> -> memref<1x200x64xbf16, #tpu.memory_space<vmem>>
      %dma_wait3A_718 = tpu.memref_squeeze %dma_wait3A_717 : memref<1x200x64xbf16, #tpu.memory_space<vmem>> -> memref<200x64xbf16, #tpu.memory_space<vmem>>
      %dma_wait3A_719 = arith.constant 0 : i32
      %dma_wait3A_720 = tpu.memref_slice %arg6[%dma_wait3A_713, %dma_wait3A_719] : memref<8x200xi32, #tpu.memory_space<vmem>> -> memref<1x200xi32, #tpu.memory_space<vmem>>
      %dma_wait3A_721 = tpu.memref_squeeze %dma_wait3A_720 : memref<1x200xi32, #tpu.memory_space<vmem>> -> memref<200xi32, #tpu.memory_space<vmem>>
      %dma_wait3A_722 = arith.constant 0 : i32
      %dma_wait3A_723 = arith.constant 0 : i32
      %dma_wait3A_724 = tpu.memref_slice %arg3[%dma_wait3A_722, %dma_wait3A_723] : memref<100000x64xbf16, #tpu.memory_space<hbm>> -> memref<100000x64xbf16, #tpu.memory_space<hbm>>
      tpu.wait_indirect_dma semaphore(%arg12 : memref<!tpu.dma_semaphore, #tpu.memory_space<semaphore_mem>>) src(%dma_wait3A_724 : memref<100000x64xbf16, #tpu.memory_space<hbm>>) dst(%dma_wait3A_718 : memref<200x64xbf16, #tpu.memory_space<vmem>>)
      %broadcast_in_dim3A_725 = arith.constant 0.000000e+00 : f32
      %broadcast_in_dim3A_726 = vector.broadcast %broadcast_in_dim3A_725 : f32 to vector<16xf32>
      %broadcast_in_dim3A_727 = arith.constant 0.000000e+00 : f32
      %broadcast_in_dim3A_728 = vector.broadcast %broadcast_in_dim3A_727 : f32 to vector<16xf32>
      %broadcast_in_dim3A_729 = arith.constant 0.000000e+00 : f32
      %broadcast_in_dim3A_730 = vector.broadcast %broadcast_in_dim3A_729 : f32 to vector<16xf32>
      %broadcast_in_dim3A_731 = arith.constant 0.000000e+00 : f32
      %broadcast_in_dim3A_732 = vector.broadcast %broadcast_in_dim3A_731 : f32 to vector<16xf32>
      %scan3A_733 = arith.constant 0 : i32
      %scan3A_734 = arith.constant 100 : i32
      %scan3A_735 = arith.addi %scan3A_733, %scan3A_734 : i32
      %scan3A_736 = arith.constant 4 : i32
      %scan3A_737:4 = scf.for %scan3A_853 = %scan3A_733 to %scan3A_735 step %scan3A_736 iter_args(%scan3A_854 = %broadcast_in_dim3A_726, %scan3A_855 = %broadcast_in_dim3A_728, %scan3A_856 = %broadcast_in_dim3A_730, %scan3A_857 = %broadcast_in_dim3A_732) -> (vector<16xf32>, vector<16xf32>, vector<16xf32>, vector<16xf32>)  : i32 {
        %mul3A_858 = arith.constant 2 : i32
        %mul3A_859 = arith.muli %mul3A_858, %scan3A_853 : i32
        %get3A = arith.constant 5 : i32
        %get3A_860 = arith.index_cast %get3A : i32 to index
        %get3A_861 = arith.index_cast %mul3A_859 : i32 to index
        %get3A_862 = arith.constant 0 : index
        %get3A_863 = tpu.vector_load %arg8[%get3A_860, %get3A_861, %get3A_862] {strides = array<i32>} : memref<8x200x64xbf16, #tpu.memory_space<vmem>>, vector<32xbf16>,
        %add3A_864 = arith.constant 1 : i32
        %add3A_865 = arith.addi %mul3A_859, %add3A_864 : i32
        %get3A_866 = arith.constant 5 : i32
        %get3A_867 = arith.index_cast %get3A_866 : i32 to index
        %get3A_868 = arith.index_cast %add3A_865 : i32 to index
        %get3A_869 = arith.constant 0 : index
        %get3A_870 = tpu.vector_load %arg8[%get3A_867, %get3A_868, %get3A_869] {strides = array<i32>} : memref<8x200x64xbf16, #tpu.memory_space<vmem>>, vector<32xbf16>,
        %add3A_871 = arith.addf %get3A_863, %get3A_870 : vector<32xbf16>
        %unpack3A = tpu.unpack_subelements %add3A_871, 0 {pack_format = #tpu.pack_format<interleaved>} : vector<32xbf16> -> vector<16xf32>
        %unpack3A_872 = tpu.unpack_subelements %add3A_871, 1 {pack_format = #tpu.pack_format<interleaved>} : vector<32xbf16> -> vector<16xf32>
        %add3A_873 = arith.addf %scan3A_854, %unpack3A : vector<16xf32>
        %add3A_874 = arith.addf %scan3A_855, %unpack3A_872 : vector<16xf32>
        %get3A_875 = arith.constant 5 : i32
        %get3A_876 = arith.index_cast %get3A_875 : i32 to index
        %get3A_877 = arith.index_cast %mul3A_859 : i32 to index
        %get3A_878 = arith.constant 32 : index
        %get3A_879 = tpu.vector_load %arg8[%get3A_876, %get3A_877, %get3A_878] {strides = array<i32>} : memref<8x200x64xbf16, #tpu.memory_space<vmem>>, vector<32xbf16>,
        %add3A_880 = arith.constant 1 : i32
        %add3A_881 = arith.addi %mul3A_859, %add3A_880 : i32
        %get3A_882 = arith.constant 5 : i32
        %get3A_883 = arith.index_cast %get3A_882 : i32 to index
        %get3A_884 = arith.index_cast %add3A_881 : i32 to index
        %get3A_885 = arith.constant 32 : index
        %get3A_886 = tpu.vector_load %arg8[%get3A_883, %get3A_884, %get3A_885] {strides = array<i32>} : memref<8x200x64xbf16, #tpu.memory_space<vmem>>, vector<32xbf16>,
        %add3A_887 = arith.addf %get3A_879, %get3A_886 : vector<32xbf16>
        %unpack3A_888 = tpu.unpack_subelements %add3A_887, 0 {pack_format = #tpu.pack_format<interleaved>} : vector<32xbf16> -> vector<16xf32>
        %unpack3A_889 = tpu.unpack_subelements %add3A_887, 1 {pack_format = #tpu.pack_format<interleaved>} : vector<32xbf16> -> vector<16xf32>
        %add3A_890 = arith.addf %scan3A_856, %unpack3A_888 : vector<16xf32>
        %add3A_891 = arith.addf %scan3A_857, %unpack3A_889 : vector<16xf32>
        %scan3A_892 = arith.constant 1 : i32
        %scan3A_893 = arith.addi %scan3A_853, %scan3A_892 : i32
        %mul3A_894 = arith.constant 2 : i32
        %mul3A_895 = arith.muli %mul3A_894, %scan3A_893 : i32
        %get3A_896 = arith.constant 5 : i32
        %get3A_897 = arith.index_cast %get3A_896 : i32 to index
        %get3A_898 = arith.index_cast %mul3A_895 : i32 to index
        %get3A_899 = arith.constant 0 : index
        %get3A_900 = tpu.vector_load %arg8[%get3A_897, %get3A_898, %get3A_899] {strides = array<i32>} : memref<8x200x64xbf16, #tpu.memory_space<vmem>>, vector<32xbf16>,
        %add3A_901 = arith.constant 1 : i32
        %add3A_902 = arith.addi %mul3A_895, %add3A_901 : i32
        %get3A_903 = arith.constant 5 : i32
        %get3A_904 = arith.index_cast %get3A_903 : i32 to index
        %get3A_905 = arith.index_cast %add3A_902 : i32 to index
        %get3A_906 = arith.constant 0 : index
        %get3A_907 = tpu.vector_load %arg8[%get3A_904, %get3A_905, %get3A_906] {strides = array<i32>} : memref<8x200x64xbf16, #tpu.memory_space<vmem>>, vector<32xbf16>,
        %add3A_908 = arith.addf %get3A_900, %get3A_907 : vector<32xbf16>
        %unpack3A_909 = tpu.unpack_subelements %add3A_908, 0 {pack_format = #tpu.pack_format<interleaved>} : vector<32xbf16> -> vector<16xf32>
        %unpack3A_910 = tpu.unpack_subelements %add3A_908, 1 {pack_format = #tpu.pack_format<interleaved>} : vector<32xbf16> -> vector<16xf32>
        %add3A_911 = arith.addf %add3A_873, %unpack3A_909 : vector<16xf32>
        %add3A_912 = arith.addf %add3A_874, %unpack3A_910 : vector<16xf32>
        %get3A_913 = arith.constant 5 : i32
        %get3A_914 = arith.index_cast %get3A_913 : i32 to index
        %get3A_915 = arith.index_cast %mul3A_895 : i32 to index
        %get3A_916 = arith.constant 32 : index
        %get3A_917 = tpu.vector_load %arg8[%get3A_914, %get3A_915, %get3A_916] {strides = array<i32>} : memref<8x200x64xbf16, #tpu.memory_space<vmem>>, vector<32xbf16>,
        %add3A_918 = arith.constant 1 : i32
        %add3A_919 = arith.addi %mul3A_895, %add3A_918 : i32
        %get3A_920 = arith.constant 5 : i32
        %get3A_921 = arith.index_cast %get3A_920 : i32 to index
        %get3A_922 = arith.index_cast %add3A_919 : i32 to index
        %get3A_923 = arith.constant 32 : index
        %get3A_924 = tpu.vector_load %arg8[%get3A_921, %get3A_922, %get3A_923] {strides = array<i32>} : memref<8x200x64xbf16, #tpu.memory_space<vmem>>, vector<32xbf16>,
        %add3A_925 = arith.addf %get3A_917, %get3A_924 : vector<32xbf16>
        %unpack3A_926 = tpu.unpack_subelements %add3A_925, 0 {pack_format = #tpu.pack_format<interleaved>} : vector<32xbf16> -> vector<16xf32>
        %unpack3A_927 = tpu.unpack_subelements %add3A_925, 1 {pack_format = #tpu.pack_format<interleaved>} : vector<32xbf16> -> vector<16xf32>
        %add3A_928 = arith.addf %add3A_890, %unpack3A_926 : vector<16xf32>
        %add3A_929 = arith.addf %add3A_891, %unpack3A_927 : vector<16xf32>
        %scan3A_930 = arith.constant 2 : i32
        %scan3A_931 = arith.addi %scan3A_853, %scan3A_930 : i32
        %mul3A_932 = arith.constant 2 : i32
        %mul3A_933 = arith.muli %mul3A_932, %scan3A_931 : i32
        %get3A_934 = arith.constant 5 : i32
        %get3A_935 = arith.index_cast %get3A_934 : i32 to index
        %get3A_936 = arith.index_cast %mul3A_933 : i32 to index
        %get3A_937 = arith.constant 0 : index
        %get3A_938 = tpu.vector_load %arg8[%get3A_935, %get3A_936, %get3A_937] {strides = array<i32>} : memref<8x200x64xbf16, #tpu.memory_space<vmem>>, vector<32xbf16>,
        %add3A_939 = arith.constant 1 : i32
        %add3A_940 = arith.addi %mul3A_933, %add3A_939 : i32
        %get3A_941 = arith.constant 5 : i32
        %get3A_942 = arith.index_cast %get3A_941 : i32 to index
        %get3A_943 = arith.index_cast %add3A_940 : i32 to index
        %get3A_944 = arith.constant 0 : index
        %get3A_945 = tpu.vector_load %arg8[%get3A_942, %get3A_943, %get3A_944] {strides = array<i32>} : memref<8x200x64xbf16, #tpu.memory_space<vmem>>, vector<32xbf16>,
        %add3A_946 = arith.addf %get3A_938, %get3A_945 : vector<32xbf16>
        %unpack3A_947 = tpu.unpack_subelements %add3A_946, 0 {pack_format = #tpu.pack_format<interleaved>} : vector<32xbf16> -> vector<16xf32>
        %unpack3A_948 = tpu.unpack_subelements %add3A_946, 1 {pack_format = #tpu.pack_format<interleaved>} : vector<32xbf16> -> vector<16xf32>
        %add3A_949 = arith.addf %add3A_911, %unpack3A_947 : vector<16xf32>
        %add3A_950 = arith.addf %add3A_912, %unpack3A_948 : vector<16xf32>
        %get3A_951 = arith.constant 5 : i32
        %get3A_952 = arith.index_cast %get3A_951 : i32 to index
        %get3A_953 = arith.index_cast %mul3A_933 : i32 to index
        %get3A_954 = arith.constant 32 : index
        %get3A_955 = tpu.vector_load %arg8[%get3A_952, %get3A_953, %get3A_954] {strides = array<i32>} : memref<8x200x64xbf16, #tpu.memory_space<vmem>>, vector<32xbf16>,
        %add3A_956 = arith.constant 1 : i32
        %add3A_957 = arith.addi %mul3A_933, %add3A_956 : i32
        %get3A_958 = arith.constant 5 : i32
        %get3A_959 = arith.index_cast %get3A_958 : i32 to index
        %get3A_960 = arith.index_cast %add3A_957 : i32 to index
        %get3A_961 = arith.constant 32 : index
        %get3A_962 = tpu.vector_load %arg8[%get3A_959, %get3A_960, %get3A_961] {strides = array<i32>} : memref<8x200x64xbf16, #tpu.memory_space<vmem>>, vector<32xbf16>,
        %add3A_963 = arith.addf %get3A_955, %get3A_962 : vector<32xbf16>
        %unpack3A_964 = tpu.unpack_subelements %add3A_963, 0 {pack_format = #tpu.pack_format<interleaved>} : vector<32xbf16> -> vector<16xf32>
        %unpack3A_965 = tpu.unpack_subelements %add3A_963, 1 {pack_format = #tpu.pack_format<interleaved>} : vector<32xbf16> -> vector<16xf32>
        %add3A_966 = arith.addf %add3A_928, %unpack3A_964 : vector<16xf32>
        %add3A_967 = arith.addf %add3A_929, %unpack3A_965 : vector<16xf32>
        %scan3A_968 = arith.constant 3 : i32
        %scan3A_969 = arith.addi %scan3A_853, %scan3A_968 : i32
        %mul3A_970 = arith.constant 2 : i32
        %mul3A_971 = arith.muli %mul3A_970, %scan3A_969 : i32
        %get3A_972 = arith.constant 5 : i32
        %get3A_973 = arith.index_cast %get3A_972 : i32 to index
        %get3A_974 = arith.index_cast %mul3A_971 : i32 to index
        %get3A_975 = arith.constant 0 : index
        %get3A_976 = tpu.vector_load %arg8[%get3A_973, %get3A_974, %get3A_975] {strides = array<i32>} : memref<8x200x64xbf16, #tpu.memory_space<vmem>>, vector<32xbf16>,
        %add3A_977 = arith.constant 1 : i32
        %add3A_978 = arith.addi %mul3A_971, %add3A_977 : i32
        %get3A_979 = arith.constant 5 : i32
        %get3A_980 = arith.index_cast %get3A_979 : i32 to index
        %get3A_981 = arith.index_cast %add3A_978 : i32 to index
        %get3A_982 = arith.constant 0 : index
        %get3A_983 = tpu.vector_load %arg8[%get3A_980, %get3A_981, %get3A_982] {strides = array<i32>} : memref<8x200x64xbf16, #tpu.memory_space<vmem>>, vector<32xbf16>,
        %add3A_984 = arith.addf %get3A_976, %get3A_983 : vector<32xbf16>
        %unpack3A_985 = tpu.unpack_subelements %add3A_984, 0 {pack_format = #tpu.pack_format<interleaved>} : vector<32xbf16> -> vector<16xf32>
        %unpack3A_986 = tpu.unpack_subelements %add3A_984, 1 {pack_format = #tpu.pack_format<interleaved>} : vector<32xbf16> -> vector<16xf32>
        %add3A_987 = arith.addf %add3A_949, %unpack3A_985 : vector<16xf32>
        %add3A_988 = arith.addf %add3A_950, %unpack3A_986 : vector<16xf32>
        %get3A_989 = arith.constant 5 : i32
        %get3A_990 = arith.index_cast %get3A_989 : i32 to index
        %get3A_991 = arith.index_cast %mul3A_971 : i32 to index
        %get3A_992 = arith.constant 32 : index
        %get3A_993 = tpu.vector_load %arg8[%get3A_990, %get3A_991, %get3A_992] {strides = array<i32>} : memref<8x200x64xbf16, #tpu.memory_space<vmem>>, vector<32xbf16>,
        %add3A_994 = arith.constant 1 : i32
        %add3A_995 = arith.addi %mul3A_971, %add3A_994 : i32
        %get3A_996 = arith.constant 5 : i32
        %get3A_997 = arith.index_cast %get3A_996 : i32 to index
        %get3A_998 = arith.index_cast %add3A_995 : i32 to index
        %get3A_999 = arith.constant 32 : index
        %get3A_1000 = tpu.vector_load %arg8[%get3A_997, %get3A_998, %get3A_999] {strides = array<i32>} : memref<8x200x64xbf16, #tpu.memory_space<vmem>>, vector<32xbf16>,
        %add3A_1001 = arith.addf %get3A_993, %get3A_1000 : vector<32xbf16>
        %unpack3A_1002 = tpu.unpack_subelements %add3A_1001, 0 {pack_format = #tpu.pack_format<interleaved>} : vector<32xbf16> -> vector<16xf32>
        %unpack3A_1003 = tpu.unpack_subelements %add3A_1001, 1 {pack_format = #tpu.pack_format<interleaved>} : vector<32xbf16> -> vector<16xf32>
        %add3A_1004 = arith.addf %add3A_966, %unpack3A_1002 : vector<16xf32>
        %add3A_1005 = arith.addf %add3A_967, %unpack3A_1003 : vector<16xf32>
        scf.yield %add3A_987, %add3A_988, %add3A_1004, %add3A_1005 : vector<16xf32>, vector<16xf32>, vector<16xf32>, vector<16xf32>
      }
      %scan3A_738 = arith.constant 100 : i32
      %swap3A_739 = arith.constant 5 : i32
      %swap3A_740 = arith.index_cast %swap3A_739 : i32 to index
      %swap3A_741 = arith.constant 0 : index
      %swap3A_742 = tpu.vector_load %arg10[%swap3A_740, %swap3A_741] {strides = array<i32>} : memref<8x64xf32, #tpu.memory_space<vmem>>, vector<16xf32>,
      tpu.vector_store %arg10[%swap3A_740, %swap3A_741], %scan3A_737#0 {strides = array<i32>} : memref<8x64xf32, #tpu.memory_space<vmem>>, vector<16xf32>,
      %swap3A_743 = arith.constant 5 : i32
      %swap3A_744 = arith.index_cast %swap3A_743 : i32 to index
      %swap3A_745 = arith.constant 16 : index
      %swap3A_746 = tpu.vector_load %arg10[%swap3A_744, %swap3A_745] {strides = array<i32>} : memref<8x64xf32, #tpu.memory_space<vmem>>, vector<16xf32>,
      tpu.vector_store %arg10[%swap3A_744, %swap3A_745], %scan3A_737#1 {strides = array<i32>} : memref<8x64xf32, #tpu.memory_space<vmem>>, vector<16xf32>,
      %swap3A_747 = arith.constant 5 : i32
      %swap3A_748 = arith.index_cast %swap3A_747 : i32 to index
      %swap3A_749 = arith.constant 32 : index
      %swap3A_750 = tpu.vector_load %arg10[%swap3A_748, %swap3A_749] {strides = array<i32>} : memref<8x64xf32, #tpu.memory_space<vmem>>, vector<16xf32>,
      tpu.vector_store %arg10[%swap3A_748, %swap3A_749], %scan3A_737#2 {strides = array<i32>} : memref<8x64xf32, #tpu.memory_space<vmem>>, vector<16xf32>,
      %swap3A_751 = arith.constant 5 : i32
      %swap3A_752 = arith.index_cast %swap3A_751 : i32 to index
      %swap3A_753 = arith.constant 48 : index
      %swap3A_754 = tpu.vector_load %arg10[%swap3A_752, %swap3A_753] {strides = array<i32>} : memref<8x64xf32, #tpu.memory_space<vmem>>, vector<16xf32>,
      tpu.vector_store %arg10[%swap3A_752, %swap3A_753], %scan3A_737#3 {strides = array<i32>} : memref<8x64xf32, #tpu.memory_space<vmem>>, vector<16xf32>,
      %dma_wait3A_755 = arith.constant 6 : i32
      %dma_wait3A_756 = arith.constant 6 : i32
      %dma_wait3A_757 = arith.constant 0 : i32
      %dma_wait3A_758 = arith.constant 0 : i32
      %dma_wait3A_759 = tpu.memref_slice %arg8[%dma_wait3A_756, %dma_wait3A_757, %dma_wait3A_758] : memref<8x200x64xbf16, #tpu.memory_space<vmem>> -> memref<1x200x64xbf16, #tpu.memory_space<vmem>>
      %dma_wait3A_760 = tpu.memref_squeeze %dma_wait3A_759 : memref<1x200x64xbf16, #tpu.memory_space<vmem>> -> memref<200x64xbf16, #tpu.memory_space<vmem>>
      %dma_wait3A_761 = arith.constant 0 : i32
      %dma_wait3A_762 = tpu.memref_slice %arg6[%dma_wait3A_755, %dma_wait3A_761] : memref<8x200xi32, #tpu.memory_space<vmem>> -> memref<1x200xi32, #tpu.memory_space<vmem>>
      %dma_wait3A_763 = tpu.memref_squeeze %dma_wait3A_762 : memref<1x200xi32, #tpu.memory_space<vmem>> -> memref<200xi32, #tpu.memory_space<vmem>>
      %dma_wait3A_764 = arith.constant 0 : i32
      %dma_wait3A_765 = arith.constant 0 : i32
      %dma_wait3A_766 = tpu.memref_slice %arg3[%dma_wait3A_764, %dma_wait3A_765] : memref<100000x64xbf16, #tpu.memory_space<hbm>> -> memref<100000x64xbf16, #tpu.memory_space<hbm>>
      tpu.wait_indirect_dma semaphore(%arg12 : memref<!tpu.dma_semaphore, #tpu.memory_space<semaphore_mem>>) src(%dma_wait3A_766 : memref<100000x64xbf16, #tpu.memory_space<hbm>>) dst(%dma_wait3A_760 : memref<200x64xbf16, #tpu.memory_space<vmem>>)
      %broadcast_in_dim3A_767 = arith.constant 0.000000e+00 : f32
      %broadcast_in_dim3A_768 = vector.broadcast %broadcast_in_dim3A_767 : f32 to vector<16xf32>
      %broadcast_in_dim3A_769 = arith.constant 0.000000e+00 : f32
      %broadcast_in_dim3A_770 = vector.broadcast %broadcast_in_dim3A_769 : f32 to vector<16xf32>
      %broadcast_in_dim3A_771 = arith.constant 0.000000e+00 : f32
      %broadcast_in_dim3A_772 = vector.broadcast %broadcast_in_dim3A_771 : f32 to vector<16xf32>
      %broadcast_in_dim3A_773 = arith.constant 0.000000e+00 : f32
      %broadcast_in_dim3A_774 = vector.broadcast %broadcast_in_dim3A_773 : f32 to vector<16xf32>
      %scan3A_775 = arith.constant 0 : i32
      %scan3A_776 = arith.constant 100 : i32
      %scan3A_777 = arith.addi %scan3A_775, %scan3A_776 : i32
      %scan3A_778 = arith.constant 4 : i32
      %scan3A_779:4 = scf.for %scan3A_853 = %scan3A_775 to %scan3A_777 step %scan3A_778 iter_args(%scan3A_854 = %broadcast_in_dim3A_768, %scan3A_855 = %broadcast_in_dim3A_770, %scan3A_856 = %broadcast_in_dim3A_772, %scan3A_857 = %broadcast_in_dim3A_774) -> (vector<16xf32>, vector<16xf32>, vector<16xf32>, vector<16xf32>)  : i32 {
        %mul3A_858 = arith.constant 2 : i32
        %mul3A_859 = arith.muli %mul3A_858, %scan3A_853 : i32
        %get3A = arith.constant 6 : i32
        %get3A_860 = arith.index_cast %get3A : i32 to index
        %get3A_861 = arith.index_cast %mul3A_859 : i32 to index
        %get3A_862 = arith.constant 0 : index
        %get3A_863 = tpu.vector_load %arg8[%get3A_860, %get3A_861, %get3A_862] {strides = array<i32>} : memref<8x200x64xbf16, #tpu.memory_space<vmem>>, vector<32xbf16>,
        %add3A_864 = arith.constant 1 : i32
        %add3A_865 = arith.addi %mul3A_859, %add3A_864 : i32
        %get3A_866 = arith.constant 6 : i32
        %get3A_867 = arith.index_cast %get3A_866 : i32 to index
        %get3A_868 = arith.index_cast %add3A_865 : i32 to index
        %get3A_869 = arith.constant 0 : index
        %get3A_870 = tpu.vector_load %arg8[%get3A_867, %get3A_868, %get3A_869] {strides = array<i32>} : memref<8x200x64xbf16, #tpu.memory_space<vmem>>, vector<32xbf16>,
        %add3A_871 = arith.addf %get3A_863, %get3A_870 : vector<32xbf16>
        %unpack3A = tpu.unpack_subelements %add3A_871, 0 {pack_format = #tpu.pack_format<interleaved>} : vector<32xbf16> -> vector<16xf32>
        %unpack3A_872 = tpu.unpack_subelements %add3A_871, 1 {pack_format = #tpu.pack_format<interleaved>} : vector<32xbf16> -> vector<16xf32>
        %add3A_873 = arith.addf %scan3A_854, %unpack3A : vector<16xf32>
        %add3A_874 = arith.addf %scan3A_855, %unpack3A_872 : vector<16xf32>
        %get3A_875 = arith.constant 6 : i32
        %get3A_876 = arith.index_cast %get3A_875 : i32 to index
        %get3A_877 = arith.index_cast %mul3A_859 : i32 to index
        %get3A_878 = arith.constant 32 : index
        %get3A_879 = tpu.vector_load %arg8[%get3A_876, %get3A_877, %get3A_878] {strides = array<i32>} : memref<8x200x64xbf16, #tpu.memory_space<vmem>>, vector<32xbf16>,
        %add3A_880 = arith.constant 1 : i32
        %add3A_881 = arith.addi %mul3A_859, %add3A_880 : i32
        %get3A_882 = arith.constant 6 : i32
        %get3A_883 = arith.index_cast %get3A_882 : i32 to index
        %get3A_884 = arith.index_cast %add3A_881 : i32 to index
        %get3A_885 = arith.constant 32 : index
        %get3A_886 = tpu.vector_load %arg8[%get3A_883, %get3A_884, %get3A_885] {strides = array<i32>} : memref<8x200x64xbf16, #tpu.memory_space<vmem>>, vector<32xbf16>,
        %add3A_887 = arith.addf %get3A_879, %get3A_886 : vector<32xbf16>
        %unpack3A_888 = tpu.unpack_subelements %add3A_887, 0 {pack_format = #tpu.pack_format<interleaved>} : vector<32xbf16> -> vector<16xf32>
        %unpack3A_889 = tpu.unpack_subelements %add3A_887, 1 {pack_format = #tpu.pack_format<interleaved>} : vector<32xbf16> -> vector<16xf32>
        %add3A_890 = arith.addf %scan3A_856, %unpack3A_888 : vector<16xf32>
        %add3A_891 = arith.addf %scan3A_857, %unpack3A_889 : vector<16xf32>
        %scan3A_892 = arith.constant 1 : i32
        %scan3A_893 = arith.addi %scan3A_853, %scan3A_892 : i32
        %mul3A_894 = arith.constant 2 : i32
        %mul3A_895 = arith.muli %mul3A_894, %scan3A_893 : i32
        %get3A_896 = arith.constant 6 : i32
        %get3A_897 = arith.index_cast %get3A_896 : i32 to index
        %get3A_898 = arith.index_cast %mul3A_895 : i32 to index
        %get3A_899 = arith.constant 0 : index
        %get3A_900 = tpu.vector_load %arg8[%get3A_897, %get3A_898, %get3A_899] {strides = array<i32>} : memref<8x200x64xbf16, #tpu.memory_space<vmem>>, vector<32xbf16>,
        %add3A_901 = arith.constant 1 : i32
        %add3A_902 = arith.addi %mul3A_895, %add3A_901 : i32
        %get3A_903 = arith.constant 6 : i32
        %get3A_904 = arith.index_cast %get3A_903 : i32 to index
        %get3A_905 = arith.index_cast %add3A_902 : i32 to index
        %get3A_906 = arith.constant 0 : index
        %get3A_907 = tpu.vector_load %arg8[%get3A_904, %get3A_905, %get3A_906] {strides = array<i32>} : memref<8x200x64xbf16, #tpu.memory_space<vmem>>, vector<32xbf16>,
        %add3A_908 = arith.addf %get3A_900, %get3A_907 : vector<32xbf16>
        %unpack3A_909 = tpu.unpack_subelements %add3A_908, 0 {pack_format = #tpu.pack_format<interleaved>} : vector<32xbf16> -> vector<16xf32>
        %unpack3A_910 = tpu.unpack_subelements %add3A_908, 1 {pack_format = #tpu.pack_format<interleaved>} : vector<32xbf16> -> vector<16xf32>
        %add3A_911 = arith.addf %add3A_873, %unpack3A_909 : vector<16xf32>
        %add3A_912 = arith.addf %add3A_874, %unpack3A_910 : vector<16xf32>
        %get3A_913 = arith.constant 6 : i32
        %get3A_914 = arith.index_cast %get3A_913 : i32 to index
        %get3A_915 = arith.index_cast %mul3A_895 : i32 to index
        %get3A_916 = arith.constant 32 : index
        %get3A_917 = tpu.vector_load %arg8[%get3A_914, %get3A_915, %get3A_916] {strides = array<i32>} : memref<8x200x64xbf16, #tpu.memory_space<vmem>>, vector<32xbf16>,
        %add3A_918 = arith.constant 1 : i32
        %add3A_919 = arith.addi %mul3A_895, %add3A_918 : i32
        %get3A_920 = arith.constant 6 : i32
        %get3A_921 = arith.index_cast %get3A_920 : i32 to index
        %get3A_922 = arith.index_cast %add3A_919 : i32 to index
        %get3A_923 = arith.constant 32 : index
        %get3A_924 = tpu.vector_load %arg8[%get3A_921, %get3A_922, %get3A_923] {strides = array<i32>} : memref<8x200x64xbf16, #tpu.memory_space<vmem>>, vector<32xbf16>,
        %add3A_925 = arith.addf %get3A_917, %get3A_924 : vector<32xbf16>
        %unpack3A_926 = tpu.unpack_subelements %add3A_925, 0 {pack_format = #tpu.pack_format<interleaved>} : vector<32xbf16> -> vector<16xf32>
        %unpack3A_927 = tpu.unpack_subelements %add3A_925, 1 {pack_format = #tpu.pack_format<interleaved>} : vector<32xbf16> -> vector<16xf32>
        %add3A_928 = arith.addf %add3A_890, %unpack3A_926 : vector<16xf32>
        %add3A_929 = arith.addf %add3A_891, %unpack3A_927 : vector<16xf32>
        %scan3A_930 = arith.constant 2 : i32
        %scan3A_931 = arith.addi %scan3A_853, %scan3A_930 : i32
        %mul3A_932 = arith.constant 2 : i32
        %mul3A_933 = arith.muli %mul3A_932, %scan3A_931 : i32
        %get3A_934 = arith.constant 6 : i32
        %get3A_935 = arith.index_cast %get3A_934 : i32 to index
        %get3A_936 = arith.index_cast %mul3A_933 : i32 to index
        %get3A_937 = arith.constant 0 : index
        %get3A_938 = tpu.vector_load %arg8[%get3A_935, %get3A_936, %get3A_937] {strides = array<i32>} : memref<8x200x64xbf16, #tpu.memory_space<vmem>>, vector<32xbf16>,
        %add3A_939 = arith.constant 1 : i32
        %add3A_940 = arith.addi %mul3A_933, %add3A_939 : i32
        %get3A_941 = arith.constant 6 : i32
        %get3A_942 = arith.index_cast %get3A_941 : i32 to index
        %get3A_943 = arith.index_cast %add3A_940 : i32 to index
        %get3A_944 = arith.constant 0 : index
        %get3A_945 = tpu.vector_load %arg8[%get3A_942, %get3A_943, %get3A_944] {strides = array<i32>} : memref<8x200x64xbf16, #tpu.memory_space<vmem>>, vector<32xbf16>,
        %add3A_946 = arith.addf %get3A_938, %get3A_945 : vector<32xbf16>
        %unpack3A_947 = tpu.unpack_subelements %add3A_946, 0 {pack_format = #tpu.pack_format<interleaved>} : vector<32xbf16> -> vector<16xf32>
        %unpack3A_948 = tpu.unpack_subelements %add3A_946, 1 {pack_format = #tpu.pack_format<interleaved>} : vector<32xbf16> -> vector<16xf32>
        %add3A_949 = arith.addf %add3A_911, %unpack3A_947 : vector<16xf32>
        %add3A_950 = arith.addf %add3A_912, %unpack3A_948 : vector<16xf32>
        %get3A_951 = arith.constant 6 : i32
        %get3A_952 = arith.index_cast %get3A_951 : i32 to index
        %get3A_953 = arith.index_cast %mul3A_933 : i32 to index
        %get3A_954 = arith.constant 32 : index
        %get3A_955 = tpu.vector_load %arg8[%get3A_952, %get3A_953, %get3A_954] {strides = array<i32>} : memref<8x200x64xbf16, #tpu.memory_space<vmem>>, vector<32xbf16>,
        %add3A_956 = arith.constant 1 : i32
        %add3A_957 = arith.addi %mul3A_933, %add3A_956 : i32
        %get3A_958 = arith.constant 6 : i32
        %get3A_959 = arith.index_cast %get3A_958 : i32 to index
        %get3A_960 = arith.index_cast %add3A_957 : i32 to index
        %get3A_961 = arith.constant 32 : index
        %get3A_962 = tpu.vector_load %arg8[%get3A_959, %get3A_960, %get3A_961] {strides = array<i32>} : memref<8x200x64xbf16, #tpu.memory_space<vmem>>, vector<32xbf16>,
        %add3A_963 = arith.addf %get3A_955, %get3A_962 : vector<32xbf16>
        %unpack3A_964 = tpu.unpack_subelements %add3A_963, 0 {pack_format = #tpu.pack_format<interleaved>} : vector<32xbf16> -> vector<16xf32>
        %unpack3A_965 = tpu.unpack_subelements %add3A_963, 1 {pack_format = #tpu.pack_format<interleaved>} : vector<32xbf16> -> vector<16xf32>
        %add3A_966 = arith.addf %add3A_928, %unpack3A_964 : vector<16xf32>
        %add3A_967 = arith.addf %add3A_929, %unpack3A_965 : vector<16xf32>
        %scan3A_968 = arith.constant 3 : i32
        %scan3A_969 = arith.addi %scan3A_853, %scan3A_968 : i32
        %mul3A_970 = arith.constant 2 : i32
        %mul3A_971 = arith.muli %mul3A_970, %scan3A_969 : i32
        %get3A_972 = arith.constant 6 : i32
        %get3A_973 = arith.index_cast %get3A_972 : i32 to index
        %get3A_974 = arith.index_cast %mul3A_971 : i32 to index
        %get3A_975 = arith.constant 0 : index
        %get3A_976 = tpu.vector_load %arg8[%get3A_973, %get3A_974, %get3A_975] {strides = array<i32>} : memref<8x200x64xbf16, #tpu.memory_space<vmem>>, vector<32xbf16>,
        %add3A_977 = arith.constant 1 : i32
        %add3A_978 = arith.addi %mul3A_971, %add3A_977 : i32
        %get3A_979 = arith.constant 6 : i32
        %get3A_980 = arith.index_cast %get3A_979 : i32 to index
        %get3A_981 = arith.index_cast %add3A_978 : i32 to index
        %get3A_982 = arith.constant 0 : index
        %get3A_983 = tpu.vector_load %arg8[%get3A_980, %get3A_981, %get3A_982] {strides = array<i32>} : memref<8x200x64xbf16, #tpu.memory_space<vmem>>, vector<32xbf16>,
        %add3A_984 = arith.addf %get3A_976, %get3A_983 : vector<32xbf16>
        %unpack3A_985 = tpu.unpack_subelements %add3A_984, 0 {pack_format = #tpu.pack_format<interleaved>} : vector<32xbf16> -> vector<16xf32>
        %unpack3A_986 = tpu.unpack_subelements %add3A_984, 1 {pack_format = #tpu.pack_format<interleaved>} : vector<32xbf16> -> vector<16xf32>
        %add3A_987 = arith.addf %add3A_949, %unpack3A_985 : vector<16xf32>
        %add3A_988 = arith.addf %add3A_950, %unpack3A_986 : vector<16xf32>
        %get3A_989 = arith.constant 6 : i32
        %get3A_990 = arith.index_cast %get3A_989 : i32 to index
        %get3A_991 = arith.index_cast %mul3A_971 : i32 to index
        %get3A_992 = arith.constant 32 : index
        %get3A_993 = tpu.vector_load %arg8[%get3A_990, %get3A_991, %get3A_992] {strides = array<i32>} : memref<8x200x64xbf16, #tpu.memory_space<vmem>>, vector<32xbf16>,
        %add3A_994 = arith.constant 1 : i32
        %add3A_995 = arith.addi %mul3A_971, %add3A_994 : i32
        %get3A_996 = arith.constant 6 : i32
        %get3A_997 = arith.index_cast %get3A_996 : i32 to index
        %get3A_998 = arith.index_cast %add3A_995 : i32 to index
        %get3A_999 = arith.constant 32 : index
        %get3A_1000 = tpu.vector_load %arg8[%get3A_997, %get3A_998, %get3A_999] {strides = array<i32>} : memref<8x200x64xbf16, #tpu.memory_space<vmem>>, vector<32xbf16>,
        %add3A_1001 = arith.addf %get3A_993, %get3A_1000 : vector<32xbf16>
        %unpack3A_1002 = tpu.unpack_subelements %add3A_1001, 0 {pack_format = #tpu.pack_format<interleaved>} : vector<32xbf16> -> vector<16xf32>
        %unpack3A_1003 = tpu.unpack_subelements %add3A_1001, 1 {pack_format = #tpu.pack_format<interleaved>} : vector<32xbf16> -> vector<16xf32>
        %add3A_1004 = arith.addf %add3A_966, %unpack3A_1002 : vector<16xf32>
        %add3A_1005 = arith.addf %add3A_967, %unpack3A_1003 : vector<16xf32>
        scf.yield %add3A_987, %add3A_988, %add3A_1004, %add3A_1005 : vector<16xf32>, vector<16xf32>, vector<16xf32>, vector<16xf32>
      }
      %scan3A_780 = arith.constant 100 : i32
      %swap3A_781 = arith.constant 6 : i32
      %swap3A_782 = arith.index_cast %swap3A_781 : i32 to index
      %swap3A_783 = arith.constant 0 : index
      %swap3A_784 = tpu.vector_load %arg10[%swap3A_782, %swap3A_783] {strides = array<i32>} : memref<8x64xf32, #tpu.memory_space<vmem>>, vector<16xf32>,
      tpu.vector_store %arg10[%swap3A_782, %swap3A_783], %scan3A_779#0 {strides = array<i32>} : memref<8x64xf32, #tpu.memory_space<vmem>>, vector<16xf32>,
      %swap3A_785 = arith.constant 6 : i32
      %swap3A_786 = arith.index_cast %swap3A_785 : i32 to index
      %swap3A_787 = arith.constant 16 : index
      %swap3A_788 = tpu.vector_load %arg10[%swap3A_786, %swap3A_787] {strides = array<i32>} : memref<8x64xf32, #tpu.memory_space<vmem>>, vector<16xf32>,
      tpu.vector_store %arg10[%swap3A_786, %swap3A_787], %scan3A_779#1 {strides = array<i32>} : memref<8x64xf32, #tpu.memory_space<vmem>>, vector<16xf32>,
      %swap3A_789 = arith.constant 6 : i32
      %swap3A_790 = arith.index_cast %swap3A_789 : i32 to index
      %swap3A_791 = arith.constant 32 : index
      %swap3A_792 = tpu.vector_load %arg10[%swap3A_790, %swap3A_791] {strides = array<i32>} : memref<8x64xf32, #tpu.memory_space<vmem>>, vector<16xf32>,
      tpu.vector_store %arg10[%swap3A_790, %swap3A_791], %scan3A_779#2 {strides = array<i32>} : memref<8x64xf32, #tpu.memory_space<vmem>>, vector<16xf32>,
      %swap3A_793 = arith.constant 6 : i32
      %swap3A_794 = arith.index_cast %swap3A_793 : i32 to index
      %swap3A_795 = arith.constant 48 : index
      %swap3A_796 = tpu.vector_load %arg10[%swap3A_794, %swap3A_795] {strides = array<i32>} : memref<8x64xf32, #tpu.memory_space<vmem>>, vector<16xf32>,
      tpu.vector_store %arg10[%swap3A_794, %swap3A_795], %scan3A_779#3 {strides = array<i32>} : memref<8x64xf32, #tpu.memory_space<vmem>>, vector<16xf32>,
      %dma_wait3A_797 = arith.constant 7 : i32
      %dma_wait3A_798 = arith.constant 7 : i32
      %dma_wait3A_799 = arith.constant 0 : i32
      %dma_wait3A_800 = arith.constant 0 : i32
      %dma_wait3A_801 = tpu.memref_slice %arg8[%dma_wait3A_798, %dma_wait3A_799, %dma_wait3A_800] : memref<8x200x64xbf16, #tpu.memory_space<vmem>> -> memref<1x200x64xbf16, #tpu.memory_space<vmem>>
      %dma_wait3A_802 = tpu.memref_squeeze %dma_wait3A_801 : memref<1x200x64xbf16, #tpu.memory_space<vmem>> -> memref<200x64xbf16, #tpu.memory_space<vmem>>
      %dma_wait3A_803 = arith.constant 0 : i32
      %dma_wait3A_804 = tpu.memref_slice %arg6[%dma_wait3A_797, %dma_wait3A_803] : memref<8x200xi32, #tpu.memory_space<vmem>> -> memref<1x200xi32, #tpu.memory_space<vmem>>
      %dma_wait3A_805 = tpu.memref_squeeze %dma_wait3A_804 : memref<1x200xi32, #tpu.memory_space<vmem>> -> memref<200xi32, #tpu.memory_space<vmem>>
      %dma_wait3A_806 = arith.constant 0 : i32
      %dma_wait3A_807 = arith.constant 0 : i32
      %dma_wait3A_808 = tpu.memref_slice %arg3[%dma_wait3A_806, %dma_wait3A_807] : memref<100000x64xbf16, #tpu.memory_space<hbm>> -> memref<100000x64xbf16, #tpu.memory_space<hbm>>
      tpu.wait_indirect_dma semaphore(%arg12 : memref<!tpu.dma_semaphore, #tpu.memory_space<semaphore_mem>>) src(%dma_wait3A_808 : memref<100000x64xbf16, #tpu.memory_space<hbm>>) dst(%dma_wait3A_802 : memref<200x64xbf16, #tpu.memory_space<vmem>>)
      %broadcast_in_dim3A_809 = arith.constant 0.000000e+00 : f32
      %broadcast_in_dim3A_810 = vector.broadcast %broadcast_in_dim3A_809 : f32 to vector<16xf32>
      %broadcast_in_dim3A_811 = arith.constant 0.000000e+00 : f32
      %broadcast_in_dim3A_812 = vector.broadcast %broadcast_in_dim3A_811 : f32 to vector<16xf32>
      %broadcast_in_dim3A_813 = arith.constant 0.000000e+00 : f32
      %broadcast_in_dim3A_814 = vector.broadcast %broadcast_in_dim3A_813 : f32 to vector<16xf32>
      %broadcast_in_dim3A_815 = arith.constant 0.000000e+00 : f32
      %broadcast_in_dim3A_816 = vector.broadcast %broadcast_in_dim3A_815 : f32 to vector<16xf32>
      %scan3A_817 = arith.constant 0 : i32
      %scan3A_818 = arith.constant 100 : i32
      %scan3A_819 = arith.addi %scan3A_817, %scan3A_818 : i32
      %scan3A_820 = arith.constant 4 : i32
      %scan3A_821:4 = scf.for %scan3A_853 = %scan3A_817 to %scan3A_819 step %scan3A_820 iter_args(%scan3A_854 = %broadcast_in_dim3A_810, %scan3A_855 = %broadcast_in_dim3A_812, %scan3A_856 = %broadcast_in_dim3A_814, %scan3A_857 = %broadcast_in_dim3A_816) -> (vector<16xf32>, vector<16xf32>, vector<16xf32>, vector<16xf32>)  : i32 {
        %mul3A_858 = arith.constant 2 : i32
        %mul3A_859 = arith.muli %mul3A_858, %scan3A_853 : i32
        %get3A = arith.constant 7 : i32
        %get3A_860 = arith.index_cast %get3A : i32 to index
        %get3A_861 = arith.index_cast %mul3A_859 : i32 to index
        %get3A_862 = arith.constant 0 : index
        %get3A_863 = tpu.vector_load %arg8[%get3A_860, %get3A_861, %get3A_862] {strides = array<i32>} : memref<8x200x64xbf16, #tpu.memory_space<vmem>>, vector<32xbf16>,
        %add3A_864 = arith.constant 1 : i32
        %add3A_865 = arith.addi %mul3A_859, %add3A_864 : i32
        %get3A_866 = arith.constant 7 : i32
        %get3A_867 = arith.index_cast %get3A_866 : i32 to index
        %get3A_868 = arith.index_cast %add3A_865 : i32 to index
        %get3A_869 = arith.constant 0 : index
        %get3A_870 = tpu.vector_load %arg8[%get3A_867, %get3A_868, %get3A_869] {strides = array<i32>} : memref<8x200x64xbf16, #tpu.memory_space<vmem>>, vector<32xbf16>,
        %add3A_871 = arith.addf %get3A_863, %get3A_870 : vector<32xbf16>
        %unpack3A = tpu.unpack_subelements %add3A_871, 0 {pack_format = #tpu.pack_format<interleaved>} : vector<32xbf16> -> vector<16xf32>
        %unpack3A_872 = tpu.unpack_subelements %add3A_871, 1 {pack_format = #tpu.pack_format<interleaved>} : vector<32xbf16> -> vector<16xf32>
        %add3A_873 = arith.addf %scan3A_854, %unpack3A : vector<16xf32>
        %add3A_874 = arith.addf %scan3A_855, %unpack3A_872 : vector<16xf32>
        %get3A_875 = arith.constant 7 : i32
        %get3A_876 = arith.index_cast %get3A_875 : i32 to index
        %get3A_877 = arith.index_cast %mul3A_859 : i32 to index
        %get3A_878 = arith.constant 32 : index
        %get3A_879 = tpu.vector_load %arg8[%get3A_876, %get3A_877, %get3A_878] {strides = array<i32>} : memref<8x200x64xbf16, #tpu.memory_space<vmem>>, vector<32xbf16>,
        %add3A_880 = arith.constant 1 : i32
        %add3A_881 = arith.addi %mul3A_859, %add3A_880 : i32
        %get3A_882 = arith.constant 7 : i32
        %get3A_883 = arith.index_cast %get3A_882 : i32 to index
        %get3A_884 = arith.index_cast %add3A_881 : i32 to index
        %get3A_885 = arith.constant 32 : index
        %get3A_886 = tpu.vector_load %arg8[%get3A_883, %get3A_884, %get3A_885] {strides = array<i32>} : memref<8x200x64xbf16, #tpu.memory_space<vmem>>, vector<32xbf16>,
        %add3A_887 = arith.addf %get3A_879, %get3A_886 : vector<32xbf16>
        %unpack3A_888 = tpu.unpack_subelements %add3A_887, 0 {pack_format = #tpu.pack_format<interleaved>} : vector<32xbf16> -> vector<16xf32>
        %unpack3A_889 = tpu.unpack_subelements %add3A_887, 1 {pack_format = #tpu.pack_format<interleaved>} : vector<32xbf16> -> vector<16xf32>
        %add3A_890 = arith.addf %scan3A_856, %unpack3A_888 : vector<16xf32>
        %add3A_891 = arith.addf %scan3A_857, %unpack3A_889 : vector<16xf32>
        %scan3A_892 = arith.constant 1 : i32
        %scan3A_893 = arith.addi %scan3A_853, %scan3A_892 : i32
        %mul3A_894 = arith.constant 2 : i32
        %mul3A_895 = arith.muli %mul3A_894, %scan3A_893 : i32
        %get3A_896 = arith.constant 7 : i32
        %get3A_897 = arith.index_cast %get3A_896 : i32 to index
        %get3A_898 = arith.index_cast %mul3A_895 : i32 to index
        %get3A_899 = arith.constant 0 : index
        %get3A_900 = tpu.vector_load %arg8[%get3A_897, %get3A_898, %get3A_899] {strides = array<i32>} : memref<8x200x64xbf16, #tpu.memory_space<vmem>>, vector<32xbf16>,
        %add3A_901 = arith.constant 1 : i32
        %add3A_902 = arith.addi %mul3A_895, %add3A_901 : i32
        %get3A_903 = arith.constant 7 : i32
        %get3A_904 = arith.index_cast %get3A_903 : i32 to index
        %get3A_905 = arith.index_cast %add3A_902 : i32 to index
        %get3A_906 = arith.constant 0 : index
        %get3A_907 = tpu.vector_load %arg8[%get3A_904, %get3A_905, %get3A_906] {strides = array<i32>} : memref<8x200x64xbf16, #tpu.memory_space<vmem>>, vector<32xbf16>,
        %add3A_908 = arith.addf %get3A_900, %get3A_907 : vector<32xbf16>
        %unpack3A_909 = tpu.unpack_subelements %add3A_908, 0 {pack_format = #tpu.pack_format<interleaved>} : vector<32xbf16> -> vector<16xf32>
        %unpack3A_910 = tpu.unpack_subelements %add3A_908, 1 {pack_format = #tpu.pack_format<interleaved>} : vector<32xbf16> -> vector<16xf32>
        %add3A_911 = arith.addf %add3A_873, %unpack3A_909 : vector<16xf32>
        %add3A_912 = arith.addf %add3A_874, %unpack3A_910 : vector<16xf32>
        %get3A_913 = arith.constant 7 : i32
        %get3A_914 = arith.index_cast %get3A_913 : i32 to index
        %get3A_915 = arith.index_cast %mul3A_895 : i32 to index
        %get3A_916 = arith.constant 32 : index
        %get3A_917 = tpu.vector_load %arg8[%get3A_914, %get3A_915, %get3A_916] {strides = array<i32>} : memref<8x200x64xbf16, #tpu.memory_space<vmem>>, vector<32xbf16>,
        %add3A_918 = arith.constant 1 : i32
        %add3A_919 = arith.addi %mul3A_895, %add3A_918 : i32
        %get3A_920 = arith.constant 7 : i32
        %get3A_921 = arith.index_cast %get3A_920 : i32 to index
        %get3A_922 = arith.index_cast %add3A_919 : i32 to index
        %get3A_923 = arith.constant 32 : index
        %get3A_924 = tpu.vector_load %arg8[%get3A_921, %get3A_922, %get3A_923] {strides = array<i32>} : memref<8x200x64xbf16, #tpu.memory_space<vmem>>, vector<32xbf16>,
        %add3A_925 = arith.addf %get3A_917, %get3A_924 : vector<32xbf16>
        %unpack3A_926 = tpu.unpack_subelements %add3A_925, 0 {pack_format = #tpu.pack_format<interleaved>} : vector<32xbf16> -> vector<16xf32>
        %unpack3A_927 = tpu.unpack_subelements %add3A_925, 1 {pack_format = #tpu.pack_format<interleaved>} : vector<32xbf16> -> vector<16xf32>
        %add3A_928 = arith.addf %add3A_890, %unpack3A_926 : vector<16xf32>
        %add3A_929 = arith.addf %add3A_891, %unpack3A_927 : vector<16xf32>
        %scan3A_930 = arith.constant 2 : i32
        %scan3A_931 = arith.addi %scan3A_853, %scan3A_930 : i32
        %mul3A_932 = arith.constant 2 : i32
        %mul3A_933 = arith.muli %mul3A_932, %scan3A_931 : i32
        %get3A_934 = arith.constant 7 : i32
        %get3A_935 = arith.index_cast %get3A_934 : i32 to index
        %get3A_936 = arith.index_cast %mul3A_933 : i32 to index
        %get3A_937 = arith.constant 0 : index
        %get3A_938 = tpu.vector_load %arg8[%get3A_935, %get3A_936, %get3A_937] {strides = array<i32>} : memref<8x200x64xbf16, #tpu.memory_space<vmem>>, vector<32xbf16>,
        %add3A_939 = arith.constant 1 : i32
        %add3A_940 = arith.addi %mul3A_933, %add3A_939 : i32
        %get3A_941 = arith.constant 7 : i32
        %get3A_942 = arith.index_cast %get3A_941 : i32 to index
        %get3A_943 = arith.index_cast %add3A_940 : i32 to index
        %get3A_944 = arith.constant 0 : index
        %get3A_945 = tpu.vector_load %arg8[%get3A_942, %get3A_943, %get3A_944] {strides = array<i32>} : memref<8x200x64xbf16, #tpu.memory_space<vmem>>, vector<32xbf16>,
        %add3A_946 = arith.addf %get3A_938, %get3A_945 : vector<32xbf16>
        %unpack3A_947 = tpu.unpack_subelements %add3A_946, 0 {pack_format = #tpu.pack_format<interleaved>} : vector<32xbf16> -> vector<16xf32>
        %unpack3A_948 = tpu.unpack_subelements %add3A_946, 1 {pack_format = #tpu.pack_format<interleaved>} : vector<32xbf16> -> vector<16xf32>
        %add3A_949 = arith.addf %add3A_911, %unpack3A_947 : vector<16xf32>
        %add3A_950 = arith.addf %add3A_912, %unpack3A_948 : vector<16xf32>
        %get3A_951 = arith.constant 7 : i32
        %get3A_952 = arith.index_cast %get3A_951 : i32 to index
        %get3A_953 = arith.index_cast %mul3A_933 : i32 to index
        %get3A_954 = arith.constant 32 : index
        %get3A_955 = tpu.vector_load %arg8[%get3A_952, %get3A_953, %get3A_954] {strides = array<i32>} : memref<8x200x64xbf16, #tpu.memory_space<vmem>>, vector<32xbf16>,
        %add3A_956 = arith.constant 1 : i32
        %add3A_957 = arith.addi %mul3A_933, %add3A_956 : i32
        %get3A_958 = arith.constant 7 : i32
        %get3A_959 = arith.index_cast %get3A_958 : i32 to index
        %get3A_960 = arith.index_cast %add3A_957 : i32 to index
        %get3A_961 = arith.constant 32 : index
        %get3A_962 = tpu.vector_load %arg8[%get3A_959, %get3A_960, %get3A_961] {strides = array<i32>} : memref<8x200x64xbf16, #tpu.memory_space<vmem>>, vector<32xbf16>,
        %add3A_963 = arith.addf %get3A_955, %get3A_962 : vector<32xbf16>
        %unpack3A_964 = tpu.unpack_subelements %add3A_963, 0 {pack_format = #tpu.pack_format<interleaved>} : vector<32xbf16> -> vector<16xf32>
        %unpack3A_965 = tpu.unpack_subelements %add3A_963, 1 {pack_format = #tpu.pack_format<interleaved>} : vector<32xbf16> -> vector<16xf32>
        %add3A_966 = arith.addf %add3A_928, %unpack3A_964 : vector<16xf32>
        %add3A_967 = arith.addf %add3A_929, %unpack3A_965 : vector<16xf32>
        %scan3A_968 = arith.constant 3 : i32
        %scan3A_969 = arith.addi %scan3A_853, %scan3A_968 : i32
        %mul3A_970 = arith.constant 2 : i32
        %mul3A_971 = arith.muli %mul3A_970, %scan3A_969 : i32
        %get3A_972 = arith.constant 7 : i32
        %get3A_973 = arith.index_cast %get3A_972 : i32 to index
        %get3A_974 = arith.index_cast %mul3A_971 : i32 to index
        %get3A_975 = arith.constant 0 : index
        %get3A_976 = tpu.vector_load %arg8[%get3A_973, %get3A_974, %get3A_975] {strides = array<i32>} : memref<8x200x64xbf16, #tpu.memory_space<vmem>>, vector<32xbf16>,
        %add3A_977 = arith.constant 1 : i32
        %add3A_978 = arith.addi %mul3A_971, %add3A_977 : i32
        %get3A_979 = arith.constant 7 : i32
        %get3A_980 = arith.index_cast %get3A_979 : i32 to index
        %get3A_981 = arith.index_cast %add3A_978 : i32 to index
        %get3A_982 = arith.constant 0 : index
        %get3A_983 = tpu.vector_load %arg8[%get3A_980, %get3A_981, %get3A_982] {strides = array<i32>} : memref<8x200x64xbf16, #tpu.memory_space<vmem>>, vector<32xbf16>,
        %add3A_984 = arith.addf %get3A_976, %get3A_983 : vector<32xbf16>
        %unpack3A_985 = tpu.unpack_subelements %add3A_984, 0 {pack_format = #tpu.pack_format<interleaved>} : vector<32xbf16> -> vector<16xf32>
        %unpack3A_986 = tpu.unpack_subelements %add3A_984, 1 {pack_format = #tpu.pack_format<interleaved>} : vector<32xbf16> -> vector<16xf32>
        %add3A_987 = arith.addf %add3A_949, %unpack3A_985 : vector<16xf32>
        %add3A_988 = arith.addf %add3A_950, %unpack3A_986 : vector<16xf32>
        %get3A_989 = arith.constant 7 : i32
        %get3A_990 = arith.index_cast %get3A_989 : i32 to index
        %get3A_991 = arith.index_cast %mul3A_971 : i32 to index
        %get3A_992 = arith.constant 32 : index
        %get3A_993 = tpu.vector_load %arg8[%get3A_990, %get3A_991, %get3A_992] {strides = array<i32>} : memref<8x200x64xbf16, #tpu.memory_space<vmem>>, vector<32xbf16>,
        %add3A_994 = arith.constant 1 : i32
        %add3A_995 = arith.addi %mul3A_971, %add3A_994 : i32
        %get3A_996 = arith.constant 7 : i32
        %get3A_997 = arith.index_cast %get3A_996 : i32 to index
        %get3A_998 = arith.index_cast %add3A_995 : i32 to index
        %get3A_999 = arith.constant 32 : index
        %get3A_1000 = tpu.vector_load %arg8[%get3A_997, %get3A_998, %get3A_999] {strides = array<i32>} : memref<8x200x64xbf16, #tpu.memory_space<vmem>>, vector<32xbf16>,
        %add3A_1001 = arith.addf %get3A_993, %get3A_1000 : vector<32xbf16>
        %unpack3A_1002 = tpu.unpack_subelements %add3A_1001, 0 {pack_format = #tpu.pack_format<interleaved>} : vector<32xbf16> -> vector<16xf32>
        %unpack3A_1003 = tpu.unpack_subelements %add3A_1001, 1 {pack_format = #tpu.pack_format<interleaved>} : vector<32xbf16> -> vector<16xf32>
        %add3A_1004 = arith.addf %add3A_966, %unpack3A_1002 : vector<16xf32>
        %add3A_1005 = arith.addf %add3A_967, %unpack3A_1003 : vector<16xf32>
        scf.yield %add3A_987, %add3A_988, %add3A_1004, %add3A_1005 : vector<16xf32>, vector<16xf32>, vector<16xf32>, vector<16xf32>
      }
      %scan3A_822 = arith.constant 100 : i32
      %swap3A_823 = arith.constant 7 : i32
      %swap3A_824 = arith.index_cast %swap3A_823 : i32 to index
      %swap3A_825 = arith.constant 0 : index
      %swap3A_826 = tpu.vector_load %arg10[%swap3A_824, %swap3A_825] {strides = array<i32>} : memref<8x64xf32, #tpu.memory_space<vmem>>, vector<16xf32>,
      tpu.vector_store %arg10[%swap3A_824, %swap3A_825], %scan3A_821#0 {strides = array<i32>} : memref<8x64xf32, #tpu.memory_space<vmem>>, vector<16xf32>,
      %swap3A_827 = arith.constant 7 : i32
      %swap3A_828 = arith.index_cast %swap3A_827 : i32 to index
      %swap3A_829 = arith.constant 16 : index
      %swap3A_830 = tpu.vector_load %arg10[%swap3A_828, %swap3A_829] {strides = array<i32>} : memref<8x64xf32, #tpu.memory_space<vmem>>, vector<16xf32>,
      tpu.vector_store %arg10[%swap3A_828, %swap3A_829], %scan3A_821#1 {strides = array<i32>} : memref<8x64xf32, #tpu.memory_space<vmem>>, vector<16xf32>,
      %swap3A_831 = arith.constant 7 : i32
      %swap3A_832 = arith.index_cast %swap3A_831 : i32 to index
      %swap3A_833 = arith.constant 32 : index
      %swap3A_834 = tpu.vector_load %arg10[%swap3A_832, %swap3A_833] {strides = array<i32>} : memref<8x64xf32, #tpu.memory_space<vmem>>, vector<16xf32>,
      tpu.vector_store %arg10[%swap3A_832, %swap3A_833], %scan3A_821#2 {strides = array<i32>} : memref<8x64xf32, #tpu.memory_space<vmem>>, vector<16xf32>,
      %swap3A_835 = arith.constant 7 : i32
      %swap3A_836 = arith.index_cast %swap3A_835 : i32 to index
      %swap3A_837 = arith.constant 48 : index
      %swap3A_838 = tpu.vector_load %arg10[%swap3A_836, %swap3A_837] {strides = array<i32>} : memref<8x64xf32, #tpu.memory_space<vmem>>, vector<16xf32>,
      tpu.vector_store %arg10[%swap3A_836, %swap3A_837], %scan3A_821#3 {strides = array<i32>} : memref<8x64xf32, #tpu.memory_space<vmem>>, vector<16xf32>,
      %add3A_839 = arith.constant 2 : i32
      %add3A_840 = arith.addi %add3A_490, %add3A_839 : i32
      %lt3A_841 = arith.constant 64 : i32
      %lt3A_842 = arith.cmpi slt, %add3A_840, %lt3A_841 : i32
      %convert_element_type3A_843 = arith.extui %lt3A_842 : i1 to i32
      %cond3A_844 = arith.constant 0 : i32
      %cond3A_845 = arith.cmpi ne, %convert_element_type3A_843, %cond3A_844 : i32
      scf.if %cond3A_845 {
        %add3A_853 = arith.constant 2 : i32
        %add3A_854 = arith.addi %add3A_490, %add3A_853 : i32
        %mul3A_855 = arith.constant 8 : i32
        %mul3A_856 = arith.muli %add3A_854, %mul3A_855 : i32
        %add3A_857 = arith.addi %mul3A_2, %mul3A_856 : i32
        %dma_start3A_858 = arith.constant 0 : i32
        %dma_start3A_859 = tpu.memref_slice %arg2[%add3A_857, %dma_start3A_858] : memref<16384x200xi32, #tpu.memory_space<hbm>> -> memref<8x200xi32, #tpu.memory_space<hbm>>
        %dma_start3A_860 = arith.constant 0 : i32
        %dma_start3A_861 = tpu.memref_slice %arg2[%add3A_857, %dma_start3A_860] : memref<16384x200xi32, #tpu.memory_space<hbm>> -> memref<8x200xi32, #tpu.memory_space<hbm>>
        tpu.enqueue_dma source(%dma_start3A_861 : memref<8x200xi32, #tpu.memory_space<hbm>>) target(%arg6 : memref<8x200xi32, #tpu.memory_space<vmem>>) target_semaphore(%arg14 : memref<!tpu.dma_semaphore, #tpu.memory_space<semaphore_mem>>)
      } else {
      }
      %mul3A_846 = arith.constant 8 : i32
      %mul3A_847 = arith.muli %add3A_490, %mul3A_846 : i32
      %add3A_848 = arith.addi %mul3A_2, %mul3A_847 : i32
      %dma_start3A_849 = arith.constant 0 : i32
      %dma_start3A_850 = tpu.memref_slice %arg4[%add3A_848, %dma_start3A_849] : memref<16384x64xf32, #tpu.memory_space<hbm>> -> memref<8x64xf32, #tpu.memory_space<hbm>>
      %dma_start3A_851 = arith.constant 0 : i32
      %dma_start3A_852 = tpu.memref_slice %arg4[%add3A_848, %dma_start3A_851] : memref<16384x64xf32, #tpu.memory_space<hbm>> -> memref<8x64xf32, #tpu.memory_space<hbm>>
      tpu.enqueue_dma source(%arg10 : memref<8x64xf32, #tpu.memory_space<vmem>>) target(%dma_start3A_852 : memref<8x64xf32, #tpu.memory_space<hbm>>) target_semaphore(%arg16 : memref<!tpu.dma_semaphore, #tpu.memory_space<semaphore_mem>>)
    }
    %scan3A_117 = arith.constant 32 : i32
    %dma_wait3A_118 = arith.constant 0 : i32
    %dma_wait3A_119 = tpu.memref_slice %arg4[%mul3A_2, %dma_wait3A_118] : memref<16384x64xf32, #tpu.memory_space<hbm>> -> memref<8x64xf32, #tpu.memory_space<hbm>>
    %dma_wait3A_120 = arith.constant 0 : i32
    %dma_wait3A_121 = tpu.memref_slice %arg4[%mul3A_2, %dma_wait3A_120] : memref<16384x64xf32, #tpu.memory_space<hbm>> -> memref<8x64xf32, #tpu.memory_space<hbm>>
    tpu.wait_dma2 semaphore(%arg15 : memref<!tpu.dma_semaphore, #tpu.memory_space<semaphore_mem>>) src(%arg9 : memref<8x64xf32, #tpu.memory_space<vmem>>) dst(%dma_wait3A_121 : memref<8x64xf32, #tpu.memory_space<hbm>>)
    %dma_wait3A_122 = arith.constant 0 : i32
    %dma_wait3A_123 = tpu.memref_slice %arg4[%mul3A_2, %dma_wait3A_122] : memref<16384x64xf32, #tpu.memory_space<hbm>> -> memref<8x64xf32, #tpu.memory_space<hbm>>
    %dma_wait3A_124 = arith.constant 0 : i32
    %dma_wait3A_125 = tpu.memref_slice %arg4[%mul3A_2, %dma_wait3A_124] : memref<16384x64xf32, #tpu.memory_space<hbm>> -> memref<8x64xf32, #tpu.memory_space<hbm>>
    tpu.wait_dma2 semaphore(%arg16 : memref<!tpu.dma_semaphore, #tpu.memory_space<semaphore_mem>>) src(%arg10 : memref<8x64xf32, #tpu.memory_space<vmem>>) dst(%dma_wait3A_125 : memref<8x64xf32, #tpu.memory_space<hbm>>)
    return
  }
}

module attributes {stable_mosaic.version = 14 : i64} {
  func.func @_mm_body(%arg0: i32, %arg1: memref<4096x64xf32, #tpu.memory_space<vmem>>, %arg2: memref<64x50xf32, #tpu.memory_space<vmem>>, %arg3: memref<1x50xf32, #tpu.memory_space<vmem>>, %arg4: memref<4096x50xf32, #tpu.memory_space<vmem>>) attributes {dimension_semantics = [#tpu.dimension_semantics<arbitrary>], iteration_bounds = array<i64: 4>, scalar_prefetch = 0 : i64, scratch_operands = 0 : i64, tpu.core_type = #tpu.core_type<tc>, window_params = [{transform_indices = @transform_0, window_bounds = array<i64: 4096, 64>}, {pipeline_mode = #tpu.pipeline_mode<synchronous>, transform_indices = @transform_1, window_bounds = array<i64: 64, 50>}, {pipeline_mode = #tpu.pipeline_mode<synchronous>, transform_indices = @transform_2, window_bounds = array<i64: 1, 50>}, {transform_indices = @transform_3, window_bounds = array<i64: 4096, 50>}]} {
    %get3A = arith.constant 0 : index
    %get3A_0 = arith.constant 0 : index
    %get3A_1 = vector.load %arg1[%get3A, %get3A_0] : memref<4096x64xf32, #tpu.memory_space<vmem>>, vector<4096x64xf32>
    %get3A_2 = arith.constant 0 : index
    %get3A_3 = arith.constant 0 : index
    %get3A_4 = vector.load %arg2[%get3A_2, %get3A_3] : memref<64x50xf32, #tpu.memory_space<vmem>>, vector<64x50xf32>
    %dot_general3A = arith.constant dense<0.000000e+00> : vector<4096x50xf32>
    %dot_general3A_5 = tpu.matmul %get3A_1, %get3A_4, %dot_general3A {dimension_numbers = #tpu.dot_dimension_numbers<[1], [0], [0], [1], [0, 0, 1, 1], [], []>, transpose_lhs_hint = false} : vector<4096x64xf32>, vector<64x50xf32>, vector<4096x50xf32> -> vector<4096x50xf32>
    %mul3A = arith.constant 5.000000e-03 : f32
    %mul3A_6 = vector.broadcast %mul3A : f32 to vector<4096x50xf32>
    %mul3A_7 = arith.mulf %dot_general3A_5, %mul3A_6 : vector<4096x50xf32>
    %get3A_8 = arith.constant 0 : index
    %get3A_9 = arith.constant 0 : index
    %get3A_10 = vector.load %arg3[%get3A_8, %get3A_9] : memref<1x50xf32, #tpu.memory_space<vmem>>, vector<1x50xf32>
    %add3A = vector.broadcast %get3A_10 : vector<1x50xf32> to vector<4096x50xf32>
    %add3A_11 = arith.addf %mul3A_7, %add3A : vector<4096x50xf32>
    %swap3A = arith.constant 0 : index
    %swap3A_12 = arith.constant 0 : index
    %swap3A_13 = vector.load %arg4[%swap3A, %swap3A_12] : memref<4096x50xf32, #tpu.memory_space<vmem>>, vector<4096x50xf32>
    tpu.vector_store %arg4[%swap3A, %swap3A_12], %add3A_11 {strides = array<i32>} : memref<4096x50xf32, #tpu.memory_space<vmem>>, vector<4096x50xf32>,
    return
  }
  func.func @transform_0(%arg0: i32) -> (i32, i32) {
    %c0_i32 = arith.constant 0 : i32
    %c0_i32_0 = arith.constant 0 : i32
    return %arg0, %c0_i32 : i32, i32
  }
  func.func @transform_1(%arg0: i32) -> (i32, i32) {
    %c0_i32 = arith.constant 0 : i32
    %c0_i32_0 = arith.constant 0 : i32
    %c0_i32_1 = arith.constant 0 : i32
    return %c0_i32, %c0_i32_0 : i32, i32
  }
  func.func @transform_2(%arg0: i32) -> (i32, i32) {
    %c0_i32 = arith.constant 0 : i32
    %c0_i32_0 = arith.constant 0 : i32
    %c0_i32_1 = arith.constant 0 : i32
    return %c0_i32, %c0_i32_0 : i32, i32
  }
  func.func @transform_3(%arg0: i32) -> (i32, i32) {
    %c0_i32 = arith.constant 0 : i32
    %c0_i32_0 = arith.constant 0 : i32
    return %arg0, %c0_i32 : i32, i32
  }
}

</mosaic_0001>

<sc_bundles>
// kernel: kernel.4.cloned.1.call-start
scs
__scs_entry_jumppad:
0x0: {  	(pc) =	sbr.rel $0x88, $3  }
0x1: {  	(tag) =	ssettag $0x0;
	lr =	simm.s32 $0x1  }
0x2: {  	[smem:$0x3F9D] =	sst lr;
	_ =	strace $0xD0000000  }
0x3: {  	_ = 	snop  }
0x4: {  	_ = 	snop  }
0x5: {  	_ = 	snop  }
0x6: {  	_ = 	snop  }
0x7: {  	_ = 	snop  }
__scs_overlays_trampoline_lowered:
0x8: {  	[smem:$0x3FAC] =	sst s0  }
0x9: {  	[smem:$0x3FAD] =	sst s1  }
0xa: {  	[smem:$0x3FAE] =	sst s2  }
0xb: {  	[smem:$0x3FAF] =	sst s3  }
0xc: {  	[smem:$0x3FB0] =	sst s4  }
0xd: {  	[smem:$0x3FB1] =	sst s5  }
0xe: {  	[smem:$0x3FB2] =	sst s6  }
0xf: {  	[smem:$0x3FB3] =	sst s7  }
0x10: {  	[smem:$0x3FB4] =	sst s8  }
0x11: {  	[smem:$0x3FB5] =	sst s9;
	s0 =	simm.s32 @!p0 $0x0  }
0x12: {  	s1 =	sld [smem:$0x3F9B];
	s0 =	simm.s32 @p0 $0x1  }
0x13: {  	[smem:$0x3FB6] =	sst s0;
	s0 =	simm.s32 @!p1 $0x0  }
0x14: {  	s2 =	sld [smem:$0x3F9A];
	s0 =	simm.s32 @p1 $0x1  }
0x15: {  	[smem:$0x3FB7] =	sst s0;
	s0 =	simm.s32 @!p2 $0x0  }
0x16: {  	s3 =	sld [smem:$0x3FDB];
	s0 =	simm.s32 @p2 $0x1  }
0x17: {  	s4 =	simm.s32 $0x1BF5;
	[smem:$0x3FB9] =	sst s0  }
0x18: {  	s0 =	sld [smem:$0x3F9C];
	_ =	swait.ge [sflag:s4], $0x0  }
0x19: {  	s7 =	sld [smem:$0x3F9D]  }
0x1a: {  	s8 =	sadd.s32 $0xFFFFE003, lr  }
0x1b: {  	s9 =	sadd.s32 $0xFFFFFEF7, lr;
	s5 =	simm.s32 $0xFFFFFFFF;
	p2 =	slt.u32 s8, $0xFFFFF086  }
0x1c: {  	p1 =	slt.u32 s9, $0xF7A;
	s5 =	simm.s32 @!p2 $0x0  }
0x1d: {  	s5 =	simm.s32 @p1 $0x1;
	p0 =	seq.s32 s7, s2  }
0x1e: {  	s7 =	smul.u32 @!p0 $0xF7A, s2;
	p2 =	seq.s32 @!p0 s5, $0x0  }
0x1f: {  	s9 =	smul.u32 $0xF7A, s1;
	s8 =	simm.s32 @!p0 $0x1BF5;
	p2 =	por !p2, p0  }
0x20: {  	[sflag:s8] =	ssyncset.s32 @!p0 $0xFFFFF086;
	s6 =	sadd.s32 @!p0 s3, s7;
	s7 =	simm.s32 @!p0 $0x108  }
0x21: {  	s3 =	sadd.s32 s3, s9;
	s6 =	sadd.s32 @!p0 $0x88, s6;
	s7 =	simm.s32 @p2 $0x1082  }
0x22: {  	[simem:s7], [sflag:s8] =	dma.local @!p0 [hbm:s6], $0xF7A  }
0x23: {  	s9 =	sor.u32 $0xD0000000, s2;
	s6 =	simm.s32 $0x108;
	_ =	swait.ge @!p0 [sflag:s8], $0x0  }
0x24: {  	s3 =	sadd.s32 $0x88, s3;
	s6 =	simm.s32 @!p1 $0x1082;
	[sflag:s4] =	ssyncset.s32 $0xFFFFF086  }
0x25: {  	[simem:s6], [sflag:s4] =	dma.local [hbm:s3], $0xF7A  }
0x26: {  	[smem:$0x3F9D] =	sst s1;
	(tag) =	ssettag s2;
	_ =	strace s9  }
0x27: {  	s1 =	sld [smem:$0x3FAD]  }
0x28: {  	s2 =	sld [smem:$0x3FAE]  }
0x29: {  	s4 =	sld [smem:$0x3FB0]  }
0x2a: {  	p0 =	seq.s32 s5, $0x0;
	s5 =	sld [smem:$0x3FB1]  }
0x2b: {  	s6 =	sld [smem:$0x3FB2]  }
0x2c: {  	s7 =	sld [smem:$0x3FB3]  }
0x2d: {  	s3 =	simm.s32 $0x108;
	s8 =	sld [smem:$0x3FB4]  }
0x2e: {  	s3 =	simm.s32 @!p0 $0x1082;
	s9 =	sld [smem:$0x3FB5]  }
0x2f: {  	lr =	sadd.s32 s0, s3;
	s0 =	sld [smem:$0x3FAC]  }
0x30: {  	s3 =	sld [smem:$0x3FAF]  }
0x31: {  	[smem:$0x3FB8] =	sst s10  }
0x32: {  	s10 =	sld [smem:$0x3FB6];
	_ =	sdelay $0x3  }
0x33: {  	p0 =	seq.s32 s10, $0x1;
	s10 =	sld [smem:$0x3FB8];
	_ =	sdelay $0x3  }
0x34: {  	[smem:$0x3FB8] =	sst s10  }
0x35: {  	s10 =	sld [smem:$0x3FB7];
	_ =	sdelay $0x3  }
0x36: {  	p1 =	seq.s32 s10, $0x1;
	s10 =	sld [smem:$0x3FB8];
	_ =	sdelay $0x3  }
0x37: {  	[smem:$0x3FB8] =	sst s10  }
0x38: {  	s10 =	sld [smem:$0x3FB9]  }
0x39: {  	_ = 	snop;
	(pc) =	sbr.ind lr, $3  }
0x3a: {  	_ = 	snop  }
0x3b: {  	_ = 	snop  }
0x3c: {  	p2 =	seq.s32 s10, $0x1;
	s10 =	sld [smem:$0x3FB8]  }
0x3d: {  	_ =	shalt  }
0x3e: {  	_ =	shalt  }
0x3f: {  	_ =	shalt  }
0x40: {  	_ =	shalt  }
0x41: {  	_ =	shalt  }
0x42: {  	_ =	shalt  }
0x43: {  	_ =	shalt  }
0x44: {  	_ =	shalt  }
0x45: {  	_ =	shalt  }
0x46: {  	_ =	shalt  }
0x47: {  	_ =	shalt  }
0x48: {  	_ =	shalt  }
0x49: {  	_ =	shalt  }
0x4a: {  	_ =	shalt  }
0x4b: {  	_ =	shalt  }
0x4c: {  	_ =	shalt  }
0x4d: {  	_ =	shalt  }
0x4e: {  	_ =	shalt  }
0x4f: {  	_ =	shalt  }
0x50: {  	_ =	shalt  }
0x51: {  	_ =	shalt  }
0x52: {  	_ =	shalt  }
0x53: {  	_ =	shalt  }
0x54: {  	_ =	shalt  }
0x55: {  	_ =	shalt  }
0x56: {  	_ =	shalt  }
0x57: {  	_ =	shalt  }
0x58: {  	_ =	shalt  }
0x59: {  	_ =	shalt  }
0x5a: {  	_ =	shalt  }
0x5b: {  	_ =	shalt  }
0x5c: {  	_ =	shalt  }
0x5d: {  	_ =	shalt  }
0x5e: {  	_ =	shalt  }
0x5f: {  	_ =	shalt  }
0x60: {  	_ =	shalt  }
0x61: {  	_ =	shalt  }
0x62: {  	_ =	shalt  }
0x63: {  	_ =	shalt  }
0x64: {  	_ =	shalt  }
0x65: {  	_ =	shalt  }
0x66: {  	_ =	shalt  }
0x67: {  	_ =	shalt  }
0x68: {  	_ =	shalt  }
0x69: {  	_ =	shalt  }
0x6a: {  	_ =	shalt  }
0x6b: {  	_ =	shalt  }
0x6c: {  	_ =	shalt  }
0x6d: {  	_ =	shalt  }
0x6e: {  	_ =	shalt  }
0x6f: {  	_ =	shalt  }
0x70: {  	_ =	shalt  }
0x71: {  	_ =	shalt  }
0x72: {  	_ =	shalt  }
0x73: {  	_ =	shalt  }
0x74: {  	_ =	shalt  }
0x75: {  	_ =	shalt  }
0x76: {  	_ =	shalt  }
0x77: {  	_ =	shalt  }
0x78: {  	_ =	shalt  }
0x79: {  	_ =	shalt  }
0x7a: {  	_ =	shalt  }
0x7b: {  	_ =	shalt  }
0x7c: {  	_ =	shalt  }
0x7d: {  	_ =	shalt  }
0x7e: {  	_ =	shalt  }
0x7f: {  	_ =	shalt  }
0x80: {  	_ =	shalt  }
0x81: {  	_ =	shalt  }
0x82: {  	_ =	shalt  }
0x83: {  	_ =	shalt  }
0x84: {  	_ =	shalt  }
0x85: {  	_ =	shalt  }
0x86: {  	_ =	shalt  }
0x87: {  	_ =	shalt  }
.Lfunc_end0:
.L_simem_size_0:
called_computation_lowered:
.L_overlay_start_0:
0x88: {  	s2 =	sld [smem:$0x3FD9]  }
0x89: {  	s3 =	sld [smem:$0x3FFE];
	_ =	sdelay $0x1  }
0x8a: {  	s1 =	srdreg.scid  }
0x8b: {  	s0 =	sand.u32 $0x1, s1  }
0x8c: {  	s16 =	sshll.u32 s0, $0xA;
	s2 =	sadd.s32 s3, s2  }
0x8d: {  	s2 =	sadd.s32 s2, s16  }
0x8e: {  	[smem:$0x3FC4] =	sst s2  }
0x8f: {  	_ = 	snop  }
0x90: {  	(tm) =	ssettm $0x1  }
0x91: {  	s17 =	sld [smem:$0x3FFB];
	_ =	sdelay $0x3  }
0x92: {  	_ =	strace s17  }
0x93: {  	s2 =	sld [smem:$0x3FFC];
	_ =	sdelay $0x3  }
0x94: {  	_ =	strace s2  }
0x95: {  	s2 =	sld [smem:$0x3FFD];
	_ =	sdelay $0x3  }
0x96: {  	_ =	strace s2  }
0x97: {  	_ =	strace $0x8FFFFFFF  }
0x98: {  	s18 =	sld [smem:$0x3FDB];
	_ =	sdelay $0x1  }
0x99: {  	s19 =	simm.s32 $_scs_section_size  }
0x9a: {  	s4 =	simm.s32 $_size__tile_overlayer_lowered;
	s5 =	simm.s32 $_tile_overlayer_lowered  }
0x9b: {  	s22 =	simm.s32 $0x1BFF;
	s21 =	sshll.u32 s5, $0x1;
	s2 =	sadd.s32 s19, s18  }
0x9c: {  	s6 =	simm.s32 $0x0;
	s20 =	sshll.u32 s4, $0x1;
	s4 =	sadd.s32 s21, s2  }
0x9d: {  	[timem:s6], [sflag:s22] =	dma.local [hbm:s4], s20  }
0x9e: {  	_ =	swait.ge [sflag:s22], s20  }
0x9f: {  	s3 =	ssub.s32 $0x0, s20;
	[sflag:s22] =	ssyncset.done $0x0  }
0xa0: {  	[sflag:s22] =	ssyncadd.s32 s3;
	_ =	sdelay $0x1  }
0xa1: {  	s23 =	simm.s32 $0x1B8B  }
0xa2: {  	_ =	swait.ge [sflag:s23], $0x1  }
0xa3: {  	[sflag:s23] =	ssyncset.done $0x0  }
0xa4: {  	s25 =	simm.s32 $0x1B8E;
	s24 =	sld [smem:$0x3FFE];
	[sflag:s23] =	ssyncadd.s32 $0xFFFFFFFF  }
0xa5: {  	s26 =	simm.s32 $execute0_lowered;
	[smem:$0x3FD2] =	sst s25  }
0xa6: {  	s4 =	sshll.u32 s26, $0x1;
	_ =	strace $0x80000046;
	[dreg:$0x1] =	wrdreg $0xFFFFFFFF  }
0xa7: {  	s28 =	simm.s32 $_size_execute0_lowered;
	s2 =	sadd.s32 s2, s4;
	[dreg:$0x0] =	wrdreg $0x0  }
0xa8: {  	s4 =	sshll.u32 s28, $0x1;
	[dreg:$0x2] =	wrdreg s2  }
0xa9: {  	[dreg:$0x3] =	wrdreg s4  }
0xaa: {  	[dreg:$0x4] =	wrdreg $0xC0  }
0xab: {  	_ =	task [dreg:s6], $0x5FFFF  }
0xac: {  	[dreg:$0x1] =	wrdreg $0xFFFFFFFF  }
0xad: {  	[dreg:$0x0] =	wrdreg $0x60  }
0xae: {  	[dreg:$0x2] =	wrdreg s24  }
0xaf: {  	[dreg:$0x3] =	wrdreg $0x9  }
0xb0: {  	_ =	task.clear_ibuf [dreg:s6], $0x4FFFF;
	_ =	strace $0x90000046  }
0xb1: {  	s29 =	simm.s32 $0x9;
	_ =	strace $0x80000048  }
0xb2: {  	_ =	swait.ge [sflag:s29], $0x1  }
0xb3: {  	[sflag:s29] =	ssyncadd.s32 $0xFFFFFFFF  }
0xb4: {  	_ =	strace $0x90000048  }
0xb5: {  	_ =	sfence  }
0xb6: {  	s30 =	sld [smem:$0x0];
	_ =	sdelay $0x2  }
0xb7: {  	s31 =	sshll.u32 s1, $0xD;
	s1 =	sshrl.u32 s1, $0x2  }
0xb8: {  	s3 =	sand.u32 $0x4000, s31;
	s1 =	sadd.s32 s1, s30  }
0xb9: {  	s0 =	sor.u32 s3, s0;
	s1 =	sshll.u32 s1, $0x11  }
0xba: {  	s0 =	sor.u32 s1, s0  }
0xbb: {  	s0 =	sadd.s32 $0x8F2B, s0  }
0xbc: {  	[sflag:s0] =	ssyncadd.remote.s32 $0x1  }
0xbd: {  	_ =	sfence.sel $0xFFFF  }
0xbe: {  	[dreg:$0x0] =	wrdreg $0xFFFFFFFF;
	(pc) =	sbr.abs _section_cstart, $3  }
0xbf: {  	[dreg:$0x1] =	wrdreg $0xFFFFFFFF  }
0xc0: {  	_ =	task.clear_ibuf [dreg:s6], $0x2FFFF;
	_ =	strace $0x9FFFFFFF  }
0xc1: {  	(tm) =	ssettm $0x7FFFFFFF  }
tec
execute0_lowered:
.L_overlay_start_1:
0x0: {  	(tag) =	ssettag $0x1  }
0x1: {  	s0 =	srdreg.scid  }
0x2: {  	s2 =	stileid.u32;
	s1 =	rddreg [dreg:$0x0]  }
0x3: {  	s14 =	simm.s32 $0xC8;
	s30 =	simm.s32 $0x640;
	s31 =	simm.s32 $0x4  }
0x4: {  	s19 =	simm.s32 $0x11F80;
	s20 =	simm.s32 $0x960;
	s21 =	simm.s32 $0x13880  }
0x5: {  	s22 =	simm.s32 $0xA28;
	s23 =	simm.s32 $0x15180;
	s24 =	simm.s32 $0xAF0  }
0x6: {  	s25 =	simm.s32 $0x16A80;
	s28 =	simm.s32 $0x18380;
	s29 =	simm.s32 $0x1  }
0x7: {  	s12 =	simm.s32 $0x2;
	s13 =	simm.s32 $0x6;
	s0 =	sand.u32 $0x1, s0  }
0x8: {  	s3 =	sshll.u32 s2, $0xA;
	s2 =	simm.s32 $0x0;
	s11 =	sadd.s32 $0xC7640, s1  }
0x9: {  	s4 =	sshll.u32 s0, $0x9;
	[smem:$0x7FF] =	sst s2;
	s0 =	ssub.s32 $0x2, s0  }
0xa: {  	s5 =	sor.u32 s4, s3;
	_ =	strace $0x80000047;
	s3 =	sadd.s32 $0x63600, s1  }
0xb: {  	s4 =	sadd.s32 $0x1A00, s1;
	s7 =	sshrl.u32 s0, $0x1;
	s6 =	smul.u32 $0x19, s5  }
0xc: {  	s0 =	ssub.s32 s0, s7;
	s9 =	sshll.u32 s5, $0x3;
	s10 =	sor.u32 $0x18, s5  }
0xd: {  	s7 =	simm.s32 $0x19C80;
	s0 =	smax.u32 s0, $0x1;
	s8 =	sadd.s32 s3, s6  }
0xe: {  	s6 =	sadd.s32 $0xC7600, s1;
	[dreg:$0x4] =	wrdreg s0;
	s1 =	simm.s32 $0x0  }
0xf: {  	[dreg:$0x2] =	wrdreg s8;
	s26 =	sadd.s32 $0xC8, s8;
	s8 =	sor.u32 $0x10, s5  }
0x10: {  	s5 =	simm.s32 $0x19E80;
	[dreg:$0x3] =	wrdreg s26;
	s26 =	simm.s32 $0xBB8  }
.LBB2_1:
0x11: {  	[dreg:$0x5] =	wrdreg s1  }
0x12: {  	s0 =	rddreg [dreg:$0x2];
	s17 =	simm.s32 $0x3  }
0x13: {  	[tilespmem:s2], [sflag:$0x3] =	stream.linear.gather [hbm4b:s0+s2], $0x640, $0x38;
	[tilespmem:$0x1A080] =	vst v63  }
0x14: {  	_ =	swait.ge [sflag:s17], $0x640  }
0x15: {  	[sflag:s17] =	ssyncset.done $0x0  }
0x16: {  	s18 =	simm.s32 $0xC80;
	[sflag:s17] =	ssyncadd.s32 $0xFFFFF9C0  }
0x17: {  	[tilespmem:s18], [sflag:$0x1] =	stream.indirect.gather [hbm4b:s4+s14], $0x20, s2, s14, $0xb8;
	[tilespmem:$0x1A080] =	vst v63  }
0x18: {  	s1 =	simm.s32 $0x2580  }
0x19: {  	[tilespmem:s1], [sflag:$0x1] =	stream.indirect.gather [hbm4b:s4+s14], $0x20, s14, s14, $0xb8;
	[tilespmem:$0x1A080] =	vst v63  }
0x1a: {  	s15 =	simm.s32 $0x190;
	s16 =	simm.s32 $0x3E80  }
0x1b: {  	[tilespmem:s16], [sflag:$0x1] =	stream.indirect.gather [hbm4b:s4+s14], $0x20, s15, s14, $0xb8;
	[tilespmem:$0x1A080] =	vst v63  }
0x1c: {  	s17 =	simm.s32 $0x258;
	s18 =	simm.s32 $0x5780  }
0x1d: {  	[tilespmem:s18], [sflag:$0x1] =	stream.indirect.gather [hbm4b:s4+s14], $0x20, s17, s14, $0xb8;
	[tilespmem:$0x1A080] =	vst v63  }
0x1e: {  	s15 =	simm.s32 $0x320;
	s16 =	simm.s32 $0x7080  }
0x1f: {  	[tilespmem:s16], [sflag:$0x1] =	stream.indirect.gather [hbm4b:s4+s14], $0x20, s15, s14, $0xb8;
	[tilespmem:$0x1A080] =	vst v63  }
0x20: {  	s17 =	simm.s32 $0x3E8;
	s18 =	simm.s32 $0x8980  }
0x21: {  	[tilespmem:s18], [sflag:$0x1] =	stream.indirect.gather [hbm4b:s4+s14], $0x20, s17, s14, $0xb8;
	[tilespmem:$0x1A080] =	vst v63  }
0x22: {  	s1 =	simm.s32 $0x4B0;
	s15 =	simm.s32 $0xA280  }
0x23: {  	[tilespmem:s15], [sflag:$0x1] =	stream.indirect.gather [hbm4b:s4+s14], $0x20, s1, s14, $0xb8;
	[tilespmem:$0x1A080] =	vst v63  }
0x24: {  	s16 =	simm.s32 $0x578;
	s17 =	simm.s32 $0xBB80  }
0x25: {  	[tilespmem:s17], [sflag:$0x1] =	stream.indirect.gather [hbm4b:s4+s14], $0x20, s16, s14, $0xb8;
	[tilespmem:$0x1A080] =	vst v63  }
0x26: {  	s18 =	rddreg [dreg:$0x3];
	s1 =	simm.s32 $0x0  }
0x27: {  	[tilespmem:s30], [sflag:$0x4] =	stream.linear.gather [hbm4b:s18+s2], $0x640, $0x38;
	[tilespmem:$0x1A080] =	vst v63  }
.LBB2_2:
0x28: {  	_ =	swait.ge [sflag:s31], $0x640  }
0x29: {  	[sflag:s31] =	ssyncset.done $0x0  }
0x2a: {  	s0 =	simm.s32 $0xD480;
	[sflag:s31] =	ssyncadd.s32 $0xFFFFF9C0  }
0x2b: {  	[tilespmem:s0], [sflag:$0x2] =	stream.indirect.gather [hbm4b:s4+s14], $0x20, s30, s14, $0xb8;
	[tilespmem:$0x1A080] =	vst v63  }
0x2c: {  	s18 =	simm.s32 $0x708;
	s15 =	simm.s32 $0xED80  }
0x2d: {  	[tilespmem:s15], [sflag:$0x2] =	stream.indirect.gather [hbm4b:s4+s14], $0x20, s18, s14, $0xb8;
	[tilespmem:$0x1A080] =	vst v63  }
0x2e: {  	s16 =	simm.s32 $0x7D0;
	s17 =	simm.s32 $0x10680  }
0x2f: {  	[tilespmem:s17], [sflag:$0x2] =	stream.indirect.gather [hbm4b:s4+s14], $0x20, s16, s14, $0xb8;
	[tilespmem:$0x1A080] =	vst v63  }
0x30: {  	s18 =	simm.s32 $0x898  }
0x31: {  	[tilespmem:s19], [sflag:$0x2] =	stream.indirect.gather [hbm4b:s4+s14], $0x20, s18, s14, $0xb8;
	[tilespmem:$0x1A080] =	vst v63  }
0x32: {  	_ = 	snop  }
0x33: {  	[tilespmem:s21], [sflag:$0x2] =	stream.indirect.gather [hbm4b:s4+s14], $0x20, s20, s14, $0xb8;
	[tilespmem:$0x1A080] =	vst v63  }
0x34: {  	_ = 	snop  }
0x35: {  	[tilespmem:s23], [sflag:$0x2] =	stream.indirect.gather [hbm4b:s4+s14], $0x20, s22, s14, $0xb8;
	[tilespmem:$0x1A080] =	vst v63  }
0x36: {  	p0 =	seq.s32 s1, $0x0  }
0x37: {  	[tilespmem:s25], [sflag:$0x2] =	stream.indirect.gather [hbm4b:s4+s14], $0x20, s24, s14, $0xb8;
	[tilespmem:$0x1A080] =	vst v63  }
0x38: {  	s0 =	simm.s32 @!p0 $0x5  }
0x39: {  	[tilespmem:s28], [sflag:$0x2] =	stream.indirect.gather [hbm4b:s4+s14], $0x20, s26, s14, $0xb8;
	[tilespmem:$0x1A080] =	vst v63  }
0x3a: {  	_ =	swait.ge @!p0 [sflag:s0], $0x200  }
0x3b: {  	[sflag:s0] =	ssyncset.done @!p0 $0x0  }
0x3c: {  	[sflag:s0] =	ssyncadd.s32 @!p0 $0xFFFFFE00  }
0x3d: {  	_ =	swait.ge [sflag:s29], $0x1900  }
0x3e: {  	[sflag:s29] =	ssyncset.done $0x0  }
0x3f: {  	s16 =	simm.s32 $0xD00;
	[sflag:s29] =	ssyncadd.s32 $0xFFFFE700  }
0x40: {  	v0 =	vld [tilespmem:s16+$0xFFFFFFB0]  }
0x41: {  	v1 =	vld [tilespmem:s16+$0xFFFFFFC0]  }
0x42: {  	v2 =	vld [tilespmem:s16+$0xFFFFFFD0]  }
0x43: {  	v3 =	vld [tilespmem:s16+$0xFFFFFFF0]  }
0x44: {  	v4 =	vld [tilespmem:s16+$0xFFFFFFE0]  }
0x45: {  	v6 =	vld [tilespmem:s16+$0xFFFFFFA0]  }
0x46: {  	v7 =	vld [tilespmem:s16+$0xFFFFFF90]  }
0x47: {  	v8 =	vld [tilespmem:s16+$0xFFFFFF80]  }
0x48: {  	v9 =	vld [tilespmem:s16+$0x70]  }
0x49: {  	v10 =	vld [tilespmem:s16+$0x50];
	_ =	sdelay $0x2  }
0x4a: {  	v4 =	vadd.bf16 v4, v1;
	v1 =	vld [tilespmem:s16+$0x30]  }
0x4b: {  	v5 =	vimm.f32 $0.0e+00;
	v12 =	vadd.bf16 v3, v2;
	v2 =	vld [tilespmem:s16+$0x10];
	v13 =	vadd.bf16 v0, v7  }
0x4c: {  	v7 =	vld [tilespmem:s16+$0x20];
	v14 =	vadd.bf16 v6, v8;
	v0 =	vadd.bf16 v9, v10;
	v9 =	vimm.f32 $0.0e+00  }
0x4d: {  	v8 =	vld [tilespmem:s16+$0x0];
	v3 =	vunpack.i.u.bf16.f32 v4;
	v4 =	vunpack.i.l.bf16.f32 v4;
	v11 =	vunpack.i.u.bf16.f32 v12  }
0x4e: {  	v6 =	vld [tilespmem:s16+$0x60];
	v15 =	vunpack.i.u.bf16.f32 v13;
	v12 =	vunpack.i.l.bf16.f32 v12;
	v16 =	vunpack.i.u.bf16.f32 v14  }
0x4f: {  	s15 =	sshll.u32 s1, $0x7;
	s0 =	simm.s32 $0x0;
	v10 =	vld [tilespmem:s16+$0x40];
	s16 =	simm.s32 $0xE00;
	v17 =	vunpack.i.l.bf16.f32 v13;
	v13 =	vimm.f32 $0.0e+00;
	v15 =	vadd.f32 v15, v5  }
.LBB2_3:
0x50: {  	v18 =	vld [tilespmem:s16+$0xFFFFFFB0];
	s0 =	sadd.s32 $0x4, s0;
	v14 =	vunpack.i.l.bf16.f32 v14;
	v5 =	vadd.f32 v16, v5;
	v13 =	vadd.f32 v17, v13  }
0x51: {  	v16 =	vld [tilespmem:s16+$0xFFFFFFC0];
	p0 =	slt.u32 s0, $0x60;
	v9 =	vadd.f32 v14, v9;
	v11 =	vadd.f32 v11, v15  }
0x52: {  	v14 =	vld [tilespmem:s16+$0xFFFFFFD0];
	v12 =	vadd.f32 v12, v13;
	v7 =	vadd.bf16 v7, v8  }
0x53: {  	v1 =	vadd.bf16 v1, v2;
	v8 =	vld [tilespmem:s16+$0xFFFFFFF0];
	v4 =	vadd.f32 v4, v9  }
0x54: {  	v3 =	vadd.f32 v3, v5;
	v2 =	vld [tilespmem:s16+$0xFFFFFFE0];
	v5 =	vunpack.i.l.bf16.f32 v7  }
0x55: {  	v7 =	vunpack.i.u.bf16.f32 v7;
	v15 =	vld [tilespmem:s16+$0xFFFFFFA0];
	v4 =	vadd.f32 v5, v4;
	v5 =	vadd.bf16 v6, v10  }
0x56: {  	v9 =	vunpack.i.u.bf16.f32 v1;
	v1 =	vunpack.i.l.bf16.f32 v1;
	v6 =	vld [tilespmem:s16+$0xFFFFFF90]  }
0x57: {  	v3 =	vadd.f32 v7, v3;
	v7 =	vadd.f32 v9, v11;
	v10 =	vld [tilespmem:s16+$0xFFFFFF80];
	v11 =	vunpack.i.u.bf16.f32 v5  }
0x58: {  	v13 =	vunpack.i.l.bf16.f32 v0;
	v12 =	vadd.f32 v1, v12;
	v1 =	vunpack.i.l.bf16.f32 v5;
	v17 =	vld [tilespmem:s16+$0x70]  }
0x59: {  	v0 =	vunpack.i.u.bf16.f32 v0;
	v9 =	vadd.f32 v1, v4;
	v5 =	vadd.f32 v11, v3;
	v19 =	vld [tilespmem:s16+$0x50]  }
0x5a: {  	v13 =	vadd.f32 v13, v12;
	v4 =	vadd.bf16 v2, v16;
	v1 =	vld [tilespmem:s16+$0x30]  }
.Ltmp0:
0x5b: {  	v20 =	vadd.f32 v0, v7;
	v12 =	vadd.bf16 v8, v14;
	v2 =	vld [tilespmem:s16+$0x10];
	(pc) =	sbr.rel @p0 .LBB2_3-.Ltmp0, $4  }
0x5c: {  	v18 =	vadd.bf16 v18, v6;
	v3 =	vunpack.i.u.bf16.f32 v4;
	v4 =	vunpack.i.l.bf16.f32 v4;
	v7 =	vld [tilespmem:s16+$0x20]  }
0x5d: {  	v11 =	vunpack.i.u.bf16.f32 v12;
	v14 =	vadd.bf16 v15, v10;
	v8 =	vld [tilespmem:s16+$0x0]  }
0x5e: {  	v12 =	vunpack.i.l.bf16.f32 v12;
	v10 =	vunpack.i.u.bf16.f32 v18;
	v6 =	vld [tilespmem:s16+$0x60];
	v0 =	vadd.bf16 v17, v19  }
0x5f: {  	v16 =	vunpack.i.u.bf16.f32 v14;
	v17 =	vunpack.i.l.bf16.f32 v18;
	v15 =	vadd.f32 v10, v20;
	v10 =	vld [tilespmem:s16+$0x40];
	s16 =	sadd.s32 $0x100, s16  }
0x60: {  	v14 =	vunpack.i.l.bf16.f32 v14;
	v5 =	vadd.f32 v16, v5;
	v13 =	vadd.f32 v17, v13  }
0x61: {  	v1 =	vadd.bf16 v1, v2;
	v9 =	vadd.f32 v14, v9  }
0x62: {  	v11 =	vadd.f32 v11, v15;
	v7 =	vadd.bf16 v7, v8  }
0x63: {  	v12 =	vadd.f32 v12, v13;
	v4 =	vadd.f32 v4, v9  }
0x64: {  	v2 =	vadd.f32 v3, v5;
	v3 =	vunpack.i.l.bf16.f32 v7;
	v5 =	vadd.bf16 v6, v10  }
0x65: {  	v6 =	vunpack.i.u.bf16.f32 v7;
	v3 =	vadd.f32 v3, v4;
	v4 =	vunpack.i.u.bf16.f32 v1  }
0x66: {  	v1 =	vunpack.i.l.bf16.f32 v1;
	v2 =	vadd.f32 v6, v2;
	v6 =	vunpack.i.l.bf16.f32 v5  }
0x67: {  	v5 =	vunpack.i.u.bf16.f32 v5;
	v1 =	vadd.f32 v1, v12;
	v3 =	vadd.f32 v6, v3  }
0x68: {  	v4 =	vadd.f32 v4, v11;
	v6 =	vunpack.i.l.bf16.f32 v0;
	v2 =	vadd.f32 v5, v2  }
0x69: {  	v0 =	vunpack.i.u.bf16.f32 v0;
	v1 =	vadd.f32 v6, v1;
	[tilespmem:$0x19C80] =	vst v3  }
0x6a: {  	v0 =	vadd.f32 v0, v4;
	[tilespmem:$0x19C90] =	vst v2  }
0x6b: {  	[tilespmem:$0x19CA0] =	vst v1  }
0x6c: {  	[tilespmem:$0x19CB0] =	vst v0  }
0x6d: {  	_ =	swait.ge [sflag:s29], $0x1900  }
0x6e: {  	[sflag:s29] =	ssyncset.done $0x0  }
0x6f: {  	s16 =	simm.s32 $0x2670;
	[sflag:s29] =	ssyncadd.s32 $0xFFFFE700  }
0x70: {  	v0 =	vld [tilespmem:s16+$0xFFFFFF40]  }
0x71: {  	v1 =	vld [tilespmem:s16+$0xFFFFFF50]  }
0x72: {  	v2 =	vld [tilespmem:s16+$0xFFFFFF60]  }
0x73: {  	v3 =	vld [tilespmem:s16+$0xFFFFFF80]  }
0x74: {  	v4 =	vld [tilespmem:s16+$0xFFFFFF70]  }
0x75: {  	v6 =	vld [tilespmem:s16+$0xFFFFFF30]  }
0x76: {  	v7 =	vld [tilespmem:s16+$0xFFFFFF20]  }
0x77: {  	v8 =	vld [tilespmem:s16+$0xFFFFFF10]  }
0x78: {  	v9 =	vld [tilespmem:s16+$0x0]  }
0x79: {  	v10 =	vld [tilespmem:s16+$0xFFFFFFE0];
	_ =	sdelay $0x2  }
0x7a: {  	v4 =	vadd.bf16 v4, v1;
	v1 =	vld [tilespmem:s16+$0xFFFFFFC0]  }
0x7b: {  	v5 =	vimm.f32 $0.0e+00;
	v12 =	vadd.bf16 v3, v2;
	v2 =	vld [tilespmem:s16+$0xFFFFFFA0];
	v13 =	vadd.bf16 v0, v7  }
0x7c: {  	v7 =	vld [tilespmem:s16+$0xFFFFFFB0];
	v14 =	vadd.bf16 v6, v8;
	v0 =	vadd.bf16 v9, v10;
	v9 =	vimm.f32 $0.0e+00  }
0x7d: {  	v8 =	vld [tilespmem:s16+$0xFFFFFF90];
	v3 =	vunpack.i.u.bf16.f32 v4;
	v4 =	vunpack.i.l.bf16.f32 v4;
	v11 =	vunpack.i.u.bf16.f32 v12  }
0x7e: {  	v6 =	vld [tilespmem:s16+$0xFFFFFFF0];
	v15 =	vunpack.i.u.bf16.f32 v13;
	v12 =	vunpack.i.l.bf16.f32 v12;
	v16 =	vunpack.i.u.bf16.f32 v14  }
0x7f: {  	s0 =	simm.s32 $0x0;
	v10 =	vld [tilespmem:s16+$0xFFFFFFD0];
	s16 =	simm.s32 $0x2770;
	v17 =	vunpack.i.l.bf16.f32 v13;
	v13 =	vimm.f32 $0.0e+00;
	v15 =	vadd.f32 v15, v5  }
.LBB2_5:
0x80: {  	v18 =	vld [tilespmem:s16+$0xFFFFFF40];
	s0 =	sadd.s32 $0x4, s0;
	v14 =	vunpack.i.l.bf16.f32 v14;
	v5 =	vadd.f32 v16, v5;
	v13 =	vadd.f32 v17, v13  }
0x81: {  	v16 =	vld [tilespmem:s16+$0xFFFFFF50];
	p0 =	slt.u32 s0, $0x60;
	v9 =	vadd.f32 v14, v9;
	v11 =	vadd.f32 v11, v15  }
0x82: {  	v14 =	vld [tilespmem:s16+$0xFFFFFF60];
	v12 =	vadd.f32 v12, v13;
	v7 =	vadd.bf16 v7, v8  }
0x83: {  	v1 =	vadd.bf16 v1, v2;
	v8 =	vld [tilespmem:s16+$0xFFFFFF80];
	v4 =	vadd.f32 v4, v9  }
0x84: {  	v3 =	vadd.f32 v3, v5;
	v2 =	vld [tilespmem:s16+$0xFFFFFF70];
	v5 =	vunpack.i.l.bf16.f32 v7  }
0x85: {  	v7 =	vunpack.i.u.bf16.f32 v7;
	v15 =	vld [tilespmem:s16+$0xFFFFFF30];
	v4 =	vadd.f32 v5, v4;
	v5 =	vadd.bf16 v6, v10  }
0x86: {  	v9 =	vunpack.i.u.bf16.f32 v1;
	v1 =	vunpack.i.l.bf16.f32 v1;
	v6 =	vld [tilespmem:s16+$0xFFFFFF20]  }
0x87: {  	v3 =	vadd.f32 v7, v3;
	v7 =	vadd.f32 v9, v11;
	v10 =	vld [tilespmem:s16+$0xFFFFFF10];
	v11 =	vunpack.i.u.bf16.f32 v5  }
0x88: {  	v13 =	vunpack.i.l.bf16.f32 v0;
	v12 =	vadd.f32 v1, v12;
	v1 =	vunpack.i.l.bf16.f32 v5;
	v17 =	vld [tilespmem:s16+$0x0]  }
0x89: {  	v0 =	vunpack.i.u.bf16.f32 v0;
	v9 =	vadd.f32 v1, v4;
	v5 =	vadd.f32 v11, v3;
	v19 =	vld [tilespmem:s16+$0xFFFFFFE0]  }
0x8a: {  	v13 =	vadd.f32 v13, v12;
	v4 =	vadd.bf16 v2, v16;
	v1 =	vld [tilespmem:s16+$0xFFFFFFC0]  }
.Ltmp1:
0x8b: {  	v20 =	vadd.f32 v0, v7;
	v12 =	vadd.bf16 v8, v14;
	v2 =	vld [tilespmem:s16+$0xFFFFFFA0];
	(pc) =	sbr.rel @p0 .LBB2_5-.Ltmp1, $4  }
0x8c: {  	v18 =	vadd.bf16 v18, v6;
	v3 =	vunpack.i.u.bf16.f32 v4;
	v4 =	vunpack.i.l.bf16.f32 v4;
	v7 =	vld [tilespmem:s16+$0xFFFFFFB0]  }
0x8d: {  	v11 =	vunpack.i.u.bf16.f32 v12;
	v14 =	vadd.bf16 v15, v10;
	v8 =	vld [tilespmem:s16+$0xFFFFFF90]  }
0x8e: {  	v12 =	vunpack.i.l.bf16.f32 v12;
	v10 =	vunpack.i.u.bf16.f32 v18;
	v6 =	vld [tilespmem:s16+$0xFFFFFFF0];
	v0 =	vadd.bf16 v17, v19  }
0x8f: {  	v16 =	vunpack.i.u.bf16.f32 v14;
	v17 =	vunpack.i.l.bf16.f32 v18;
	v15 =	vadd.f32 v10, v20;
	v10 =	vld [tilespmem:s16+$0xFFFFFFD0];
	s16 =	sadd.s32 $0x100, s16  }
0x90: {  	v14 =	vunpack.i.l.bf16.f32 v14;
	v5 =	vadd.f32 v16, v5;
	v13 =	vadd.f32 v17, v13  }
0x91: {  	v1 =	vadd.bf16 v1, v2;
	v9 =	vadd.f32 v14, v9  }
0x92: {  	v11 =	vadd.f32 v11, v15;
	v7 =	vadd.bf16 v7, v8  }
0x93: {  	v12 =	vadd.f32 v12, v13;
	v4 =	vadd.f32 v4, v9  }
0x94: {  	v2 =	vadd.f32 v3, v5;
	v3 =	vunpack.i.l.bf16.f32 v7;
	v5 =	vadd.bf16 v6, v10  }
0x95: {  	v6 =	vunpack.i.u.bf16.f32 v7;
	v3 =	vadd.f32 v3, v4;
	v4 =	vunpack.i.u.bf16.f32 v1  }
0x96: {  	v1 =	vunpack.i.l.bf16.f32 v1;
	v2 =	vadd.f32 v6, v2;
	v6 =	vunpack.i.l.bf16.f32 v5  }
0x97: {  	v5 =	vunpack.i.u.bf16.f32 v5;
	v1 =	vadd.f32 v1, v12;
	v3 =	vadd.f32 v6, v3  }
0x98: {  	v4 =	vadd.f32 v4, v11;
	v6 =	vunpack.i.l.bf16.f32 v0;
	v2 =	vadd.f32 v5, v2  }
0x99: {  	v0 =	vunpack.i.u.bf16.f32 v0;
	v1 =	vadd.f32 v6, v1;
	[tilespmem:$0x19CC0] =	vst v3  }
0x9a: {  	v0 =	vadd.f32 v0, v4;
	[tilespmem:$0x19CD0] =	vst v2  }
0x9b: {  	[tilespmem:$0x19CE0] =	vst v1  }
0x9c: {  	[tilespmem:$0x19CF0] =	vst v0  }
0x9d: {  	_ =	swait.ge [sflag:s29], $0x1900  }
0x9e: {  	[sflag:s29] =	ssyncset.done $0x0  }
0x9f: {  	s16 =	simm.s32 $0x3F70;
	[sflag:s29] =	ssyncadd.s32 $0xFFFFE700  }
0xa0: {  	v0 =	vld [tilespmem:s16+$0xFFFFFF40]  }
0xa1: {  	v1 =	vld [tilespmem:s16+$0xFFFFFF50]  }
0xa2: {  	v2 =	vld [tilespmem:s16+$0xFFFFFF60]  }
0xa3: {  	v3 =	vld [tilespmem:s16+$0xFFFFFF80]  }
0xa4: {  	v4 =	vld [tilespmem:s16+$0xFFFFFF70]  }
0xa5: {  	v6 =	vld [tilespmem:s16+$0xFFFFFF30]  }
0xa6: {  	v7 =	vld [tilespmem:s16+$0xFFFFFF20]  }
0xa7: {  	v8 =	vld [tilespmem:s16+$0xFFFFFF10]  }
0xa8: {  	v9 =	vld [tilespmem:s16+$0x0]  }
0xa9: {  	v10 =	vld [tilespmem:s16+$0xFFFFFFE0];
	_ =	sdelay $0x2  }
0xaa: {  	v4 =	vadd.bf16 v4, v1;
	v1 =	vld [tilespmem:s16+$0xFFFFFFC0]  }
0xab: {  	v5 =	vimm.f32 $0.0e+00;
	v12 =	vadd.bf16 v3, v2;
	v2 =	vld [tilespmem:s16+$0xFFFFFFA0];
	v13 =	vadd.bf16 v0, v7  }
0xac: {  	v7 =	vld [tilespmem:s16+$0xFFFFFFB0];
	v14 =	vadd.bf16 v6, v8;
	v0 =	vadd.bf16 v9, v10;
	v9 =	vimm.f32 $0.0e+00  }
0xad: {  	v8 =	vld [tilespmem:s16+$0xFFFFFF90];
	v3 =	vunpack.i.u.bf16.f32 v4;
	v4 =	vunpack.i.l.bf16.f32 v4;
	v11 =	vunpack.i.u.bf16.f32 v12  }
0xae: {  	v6 =	vld [tilespmem:s16+$0xFFFFFFF0];
	v15 =	vunpack.i.u.bf16.f32 v13;
	v12 =	vunpack.i.l.bf16.f32 v12;
	v16 =	vunpack.i.u.bf16.f32 v14  }
0xaf: {  	s0 =	simm.s32 $0x0;
	v10 =	vld [tilespmem:s16+$0xFFFFFFD0];
	s16 =	simm.s32 $0x4070;
	v17 =	vunpack.i.l.bf16.f32 v13;
	v13 =	vimm.f32 $0.0e+00;
	v15 =	vadd.f32 v15, v5  }
.LBB2_7:
0xb0: {  	v18 =	vld [tilespmem:s16+$0xFFFFFF40];
	s0 =	sadd.s32 $0x4, s0;
	v14 =	vunpack.i.l.bf16.f32 v14;
	v5 =	vadd.f32 v16, v5;
	v13 =	vadd.f32 v17, v13  }
0xb1: {  	v16 =	vld [tilespmem:s16+$0xFFFFFF50];
	p0 =	slt.u32 s0, $0x60;
	v9 =	vadd.f32 v14, v9;
	v11 =	vadd.f32 v11, v15  }
0xb2: {  	v14 =	vld [tilespmem:s16+$0xFFFFFF60];
	v12 =	vadd.f32 v12, v13;
	v7 =	vadd.bf16 v7, v8  }
0xb3: {  	v1 =	vadd.bf16 v1, v2;
	v8 =	vld [tilespmem:s16+$0xFFFFFF80];
	v4 =	vadd.f32 v4, v9  }
0xb4: {  	v3 =	vadd.f32 v3, v5;
	v2 =	vld [tilespmem:s16+$0xFFFFFF70];
	v5 =	vunpack.i.l.bf16.f32 v7  }
0xb5: {  	v7 =	vunpack.i.u.bf16.f32 v7;
	v15 =	vld [tilespmem:s16+$0xFFFFFF30];
	v4 =	vadd.f32 v5, v4;
	v5 =	vadd.bf16 v6, v10  }
0xb6: {  	v9 =	vunpack.i.u.bf16.f32 v1;
	v1 =	vunpack.i.l.bf16.f32 v1;
	v6 =	vld [tilespmem:s16+$0xFFFFFF20]  }
0xb7: {  	v3 =	vadd.f32 v7, v3;
	v7 =	vadd.f32 v9, v11;
	v10 =	vld [tilespmem:s16+$0xFFFFFF10];
	v11 =	vunpack.i.u.bf16.f32 v5  }
0xb8: {  	v13 =	vunpack.i.l.bf16.f32 v0;
	v12 =	vadd.f32 v1, v12;
	v1 =	vunpack.i.l.bf16.f32 v5;
	v17 =	vld [tilespmem:s16+$0x0]  }
0xb9: {  	v0 =	vunpack.i.u.bf16.f32 v0;
	v9 =	vadd.f32 v1, v4;
	v5 =	vadd.f32 v11, v3;
	v19 =	vld [tilespmem:s16+$0xFFFFFFE0]  }
0xba: {  	v13 =	vadd.f32 v13, v12;
	v4 =	vadd.bf16 v2, v16;
	v1 =	vld [tilespmem:s16+$0xFFFFFFC0]  }
.Ltmp2:
0xbb: {  	v20 =	vadd.f32 v0, v7;
	v12 =	vadd.bf16 v8, v14;
	v2 =	vld [tilespmem:s16+$0xFFFFFFA0];
	(pc) =	sbr.rel @p0 .LBB2_7-.Ltmp2, $4  }
0xbc: {  	v18 =	vadd.bf16 v18, v6;
	v3 =	vunpack.i.u.bf16.f32 v4;
	v4 =	vunpack.i.l.bf16.f32 v4;
	v7 =	vld [tilespmem:s16+$0xFFFFFFB0]  }
0xbd: {  	v11 =	vunpack.i.u.bf16.f32 v12;
	v14 =	vadd.bf16 v15, v10;
	v8 =	vld [tilespmem:s16+$0xFFFFFF90]  }
0xbe: {  	v12 =	vunpack.i.l.bf16.f32 v12;
	v10 =	vunpack.i.u.bf16.f32 v18;
	v6 =	vld [tilespmem:s16+$0xFFFFFFF0];
	v0 =	vadd.bf16 v17, v19  }
0xbf: {  	v16 =	vunpack.i.u.bf16.f32 v14;
	v17 =	vunpack.i.l.bf16.f32 v18;
	v15 =	vadd.f32 v10, v20;
	v10 =	vld [tilespmem:s16+$0xFFFFFFD0];
	s16 =	sadd.s32 $0x100, s16  }
0xc0: {  	v14 =	vunpack.i.l.bf16.f32 v14;
	v5 =	vadd.f32 v16, v5;
	v13 =	vadd.f32 v17, v13  }
0xc1: {  	v1 =	vadd.bf16 v1, v2;
	v9 =	vadd.f32 v14, v9  }
0xc2: {  	v11 =	vadd.f32 v11, v15;
	v7 =	vadd.bf16 v7, v8  }
0xc3: {  	v12 =	vadd.f32 v12, v13;
	v4 =	vadd.f32 v4, v9  }
0xc4: {  	v2 =	vadd.f32 v3, v5;
	v3 =	vunpack.i.l.bf16.f32 v7;
	v5 =	vadd.bf16 v6, v10  }
0xc5: {  	v6 =	vunpack.i.u.bf16.f32 v7;
	v3 =	vadd.f32 v3, v4;
	v4 =	vunpack.i.u.bf16.f32 v1  }
0xc6: {  	v1 =	vunpack.i.l.bf16.f32 v1;
	v2 =	vadd.f32 v6, v2;
	v6 =	vunpack.i.l.bf16.f32 v5  }
0xc7: {  	v5 =	vunpack.i.u.bf16.f32 v5;
	v1 =	vadd.f32 v1, v12;
	v3 =	vadd.f32 v6, v3  }
0xc8: {  	v4 =	vadd.f32 v4, v11;
	v6 =	vunpack.i.l.bf16.f32 v0;
	v2 =	vadd.f32 v5, v2  }
0xc9: {  	v0 =	vunpack.i.u.bf16.f32 v0;
	v1 =	vadd.f32 v6, v1;
	[tilespmem:$0x19D00] =	vst v3  }
0xca: {  	v0 =	vadd.f32 v0, v4;
	[tilespmem:$0x19D10] =	vst v2  }
0xcb: {  	[tilespmem:$0x19D20] =	vst v1  }
0xcc: {  	[tilespmem:$0x19D30] =	vst v0  }
0xcd: {  	_ =	swait.ge [sflag:s29], $0x1900  }
0xce: {  	[sflag:s29] =	ssyncset.done $0x0  }
0xcf: {  	s16 =	simm.s32 $0x5780;
	[sflag:s29] =	ssyncadd.s32 $0xFFFFE700  }
0xd0: {  	v0 =	vld [tilespmem:s16+$0x30]  }
0xd1: {  	v1 =	vld [tilespmem:s16+$0x40]  }
0xd2: {  	v2 =	vld [tilespmem:s16+$0x50]  }
0xd3: {  	v3 =	vld [tilespmem:s16+$0x70]  }
0xd4: {  	v4 =	vld [tilespmem:s16+$0x60]  }
0xd5: {  	v6 =	vld [tilespmem:s16+$0x20]  }
0xd6: {  	v7 =	vld [tilespmem:s16+$0x10]  }
0xd7: {  	v8 =	vld [tilespmem:s16+$0x0]  }
0xd8: {  	v9 =	vld [tilespmem:s16+$0xF0]  }
0xd9: {  	v10 =	vld [tilespmem:s16+$0xD0];
	_ =	sdelay $0x2  }
0xda: {  	v4 =	vadd.bf16 v4, v1;
	v1 =	vld [tilespmem:s16+$0xB0]  }
0xdb: {  	v5 =	vimm.f32 $0.0e+00;
	v12 =	vadd.bf16 v3, v2;
	v2 =	vld [tilespmem:s16+$0x90];
	v13 =	vadd.bf16 v0, v7  }
0xdc: {  	v7 =	vld [tilespmem:s16+$0xA0];
	v14 =	vadd.bf16 v6, v8;
	v0 =	vadd.bf16 v9, v10;
	v9 =	vimm.f32 $0.0e+00  }
0xdd: {  	v8 =	vld [tilespmem:s16+$0x80];
	v3 =	vunpack.i.u.bf16.f32 v4;
	v4 =	vunpack.i.l.bf16.f32 v4;
	v11 =	vunpack.i.u.bf16.f32 v12  }
0xde: {  	v6 =	vld [tilespmem:s16+$0xE0];
	v15 =	vunpack.i.u.bf16.f32 v13;
	v12 =	vunpack.i.l.bf16.f32 v12;
	v16 =	vunpack.i.u.bf16.f32 v14  }
0xdf: {  	s0 =	simm.s32 $0x0;
	v10 =	vld [tilespmem:s16+$0xC0];
	s16 =	simm.s32 $0x5880;
	v17 =	vunpack.i.l.bf16.f32 v13;
	v13 =	vimm.f32 $0.0e+00;
	v15 =	vadd.f32 v15, v5  }
.LBB2_9:
0xe0: {  	v18 =	vld [tilespmem:s16+$0x30];
	s0 =	sadd.s32 $0x4, s0;
	v14 =	vunpack.i.l.bf16.f32 v14;
	v5 =	vadd.f32 v16, v5;
	v13 =	vadd.f32 v17, v13  }
0xe1: {  	v16 =	vld [tilespmem:s16+$0x40];
	p0 =	slt.u32 s0, $0x60;
	v9 =	vadd.f32 v14, v9;
	v11 =	vadd.f32 v11, v15  }
0xe2: {  	v14 =	vld [tilespmem:s16+$0x50];
	v12 =	vadd.f32 v12, v13;
	v7 =	vadd.bf16 v7, v8  }
0xe3: {  	v1 =	vadd.bf16 v1, v2;
	v8 =	vld [tilespmem:s16+$0x70];
	v4 =	vadd.f32 v4, v9  }
0xe4: {  	v3 =	vadd.f32 v3, v5;
	v2 =	vld [tilespmem:s16+$0x60];
	v5 =	vunpack.i.l.bf16.f32 v7  }
0xe5: {  	v7 =	vunpack.i.u.bf16.f32 v7;
	v15 =	vld [tilespmem:s16+$0x20];
	v4 =	vadd.f32 v5, v4;
	v5 =	vadd.bf16 v6, v10  }
0xe6: {  	v9 =	vunpack.i.u.bf16.f32 v1;
	v1 =	vunpack.i.l.bf16.f32 v1;
	v6 =	vld [tilespmem:s16+$0x10]  }
0xe7: {  	v3 =	vadd.f32 v7, v3;
	v7 =	vadd.f32 v9, v11;
	v10 =	vld [tilespmem:s16+$0x0];
	v11 =	vunpack.i.u.bf16.f32 v5  }
0xe8: {  	v13 =	vunpack.i.l.bf16.f32 v0;
	v12 =	vadd.f32 v1, v12;
	v1 =	vunpack.i.l.bf16.f32 v5;
	v17 =	vld [tilespmem:s16+$0xF0]  }
0xe9: {  	v0 =	vunpack.i.u.bf16.f32 v0;
	v9 =	vadd.f32 v1, v4;
	v5 =	vadd.f32 v11, v3;
	v19 =	vld [tilespmem:s16+$0xD0]  }
0xea: {  	v13 =	vadd.f32 v13, v12;
	v4 =	vadd.bf16 v2, v16;
	v1 =	vld [tilespmem:s16+$0xB0]  }
.Ltmp3:
0xeb: {  	v20 =	vadd.f32 v0, v7;
	v12 =	vadd.bf16 v8, v14;
	v2 =	vld [tilespmem:s16+$0x90];
	(pc) =	sbr.rel @p0 .LBB2_9-.Ltmp3, $4  }
0xec: {  	v18 =	vadd.bf16 v18, v6;
	v3 =	vunpack.i.u.bf16.f32 v4;
	v4 =	vunpack.i.l.bf16.f32 v4;
	v7 =	vld [tilespmem:s16+$0xA0]  }
0xed: {  	v11 =	vunpack.i.u.bf16.f32 v12;
	v14 =	vadd.bf16 v15, v10;
	v8 =	vld [tilespmem:s16+$0x80]  }
0xee: {  	v12 =	vunpack.i.l.bf16.f32 v12;
	v10 =	vunpack.i.u.bf16.f32 v18;
	v6 =	vld [tilespmem:s16+$0xE0];
	v0 =	vadd.bf16 v17, v19  }
0xef: {  	v16 =	vunpack.i.u.bf16.f32 v14;
	v17 =	vunpack.i.l.bf16.f32 v18;
	v15 =	vadd.f32 v10, v20;
	v10 =	vld [tilespmem:s16+$0xC0];
	s16 =	sadd.s32 $0x100, s16  }
0xf0: {  	v14 =	vunpack.i.l.bf16.f32 v14;
	v5 =	vadd.f32 v16, v5;
	v13 =	vadd.f32 v17, v13  }
0xf1: {  	v1 =	vadd.bf16 v1, v2;
	v9 =	vadd.f32 v14, v9  }
0xf2: {  	v11 =	vadd.f32 v11, v15;
	v7 =	vadd.bf16 v7, v8  }
0xf3: {  	v12 =	vadd.f32 v12, v13;
	v4 =	vadd.f32 v4, v9  }
0xf4: {  	v2 =	vadd.f32 v3, v5;
	v3 =	vunpack.i.l.bf16.f32 v7;
	v5 =	vadd.bf16 v6, v10  }
0xf5: {  	v6 =	vunpack.i.u.bf16.f32 v7;
	v3 =	vadd.f32 v3, v4;
	v4 =	vunpack.i.u.bf16.f32 v1  }
0xf6: {  	v1 =	vunpack.i.l.bf16.f32 v1;
	v2 =	vadd.f32 v6, v2;
	v6 =	vunpack.i.l.bf16.f32 v5  }
0xf7: {  	v5 =	vunpack.i.u.bf16.f32 v5;
	v1 =	vadd.f32 v1, v12;
	v3 =	vadd.f32 v6, v3  }
0xf8: {  	v4 =	vadd.f32 v4, v11;
	v6 =	vunpack.i.l.bf16.f32 v0;
	v2 =	vadd.f32 v5, v2  }
0xf9: {  	v0 =	vunpack.i.u.bf16.f32 v0;
	v1 =	vadd.f32 v6, v1;
	[tilespmem:$0x19D40] =	vst v3  }
0xfa: {  	v0 =	vadd.f32 v0, v4;
	[tilespmem:$0x19D50] =	vst v2  }
0xfb: {  	[tilespmem:$0x19D60] =	vst v1  }
0xfc: {  	[tilespmem:$0x19D70] =	vst v0  }
0xfd: {  	_ =	swait.ge [sflag:s29], $0x1900  }
0xfe: {  	[sflag:s29] =	ssyncset.done $0x0  }
0xff: {  	s16 =	simm.s32 $0x7080;
	[sflag:s29] =	ssyncadd.s32 $0xFFFFE700  }
0x100: {  	v0 =	vld [tilespmem:s16+$0x30]  }
0x101: {  	v1 =	vld [tilespmem:s16+$0x40]  }
0x102: {  	v2 =	vld [tilespmem:s16+$0x50]  }
0x103: {  	v3 =	vld [tilespmem:s16+$0x70]  }
0x104: {  	v4 =	vld [tilespmem:s16+$0x60]  }
0x105: {  	v6 =	vld [tilespmem:s16+$0x20]  }
0x106: {  	v7 =	vld [tilespmem:s16+$0x10]  }
0x107: {  	v8 =	vld [tilespmem:s16+$0x0]  }
0x108: {  	v9 =	vld [tilespmem:s16+$0xF0]  }
0x109: {  	v10 =	vld [tilespmem:s16+$0xD0];
	_ =	sdelay $0x2  }
0x10a: {  	v4 =	vadd.bf16 v4, v1;
	v1 =	vld [tilespmem:s16+$0xB0]  }
0x10b: {  	v5 =	vimm.f32 $0.0e+00;
	v12 =	vadd.bf16 v3, v2;
	v2 =	vld [tilespmem:s16+$0x90];
	v13 =	vadd.bf16 v0, v7  }
0x10c: {  	v7 =	vld [tilespmem:s16+$0xA0];
	v14 =	vadd.bf16 v6, v8;
	v0 =	vadd.bf16 v9, v10;
	v9 =	vimm.f32 $0.0e+00  }
0x10d: {  	v8 =	vld [tilespmem:s16+$0x80];
	v3 =	vunpack.i.u.bf16.f32 v4;
	v4 =	vunpack.i.l.bf16.f32 v4;
	v11 =	vunpack.i.u.bf16.f32 v12  }
0x10e: {  	v6 =	vld [tilespmem:s16+$0xE0];
	v15 =	vunpack.i.u.bf16.f32 v13;
	v12 =	vunpack.i.l.bf16.f32 v12;
	v16 =	vunpack.i.u.bf16.f32 v14  }
0x10f: {  	s0 =	simm.s32 $0x0;
	v10 =	vld [tilespmem:s16+$0xC0];
	s16 =	simm.s32 $0x7180;
	v17 =	vunpack.i.l.bf16.f32 v13;
	v13 =	vimm.f32 $0.0e+00;
	v15 =	vadd.f32 v15, v5  }
.LBB2_11:
0x110: {  	v18 =	vld [tilespmem:s16+$0x30];
	s0 =	sadd.s32 $0x4, s0;
	v14 =	vunpack.i.l.bf16.f32 v14;
	v5 =	vadd.f32 v16, v5;
	v13 =	vadd.f32 v17, v13  }
0x111: {  	v16 =	vld [tilespmem:s16+$0x40];
	p0 =	slt.u32 s0, $0x60;
	v9 =	vadd.f32 v14, v9;
	v11 =	vadd.f32 v11, v15  }
0x112: {  	v14 =	vld [tilespmem:s16+$0x50];
	v12 =	vadd.f32 v12, v13;
	v7 =	vadd.bf16 v7, v8  }
0x113: {  	v1 =	vadd.bf16 v1, v2;
	v8 =	vld [tilespmem:s16+$0x70];
	v4 =	vadd.f32 v4, v9  }
0x114: {  	v3 =	vadd.f32 v3, v5;
	v2 =	vld [tilespmem:s16+$0x60];
	v5 =	vunpack.i.l.bf16.f32 v7  }
0x115: {  	v7 =	vunpack.i.u.bf16.f32 v7;
	v15 =	vld [tilespmem:s16+$0x20];
	v4 =	vadd.f32 v5, v4;
	v5 =	vadd.bf16 v6, v10  }
0x116: {  	v9 =	vunpack.i.u.bf16.f32 v1;
	v1 =	vunpack.i.l.bf16.f32 v1;
	v6 =	vld [tilespmem:s16+$0x10]  }
0x117: {  	v3 =	vadd.f32 v7, v3;
	v7 =	vadd.f32 v9, v11;
	v10 =	vld [tilespmem:s16+$0x0];
	v11 =	vunpack.i.u.bf16.f32 v5  }
0x118: {  	v13 =	vunpack.i.l.bf16.f32 v0;
	v12 =	vadd.f32 v1, v12;
	v1 =	vunpack.i.l.bf16.f32 v5;
	v17 =	vld [tilespmem:s16+$0xF0]  }
0x119: {  	v0 =	vunpack.i.u.bf16.f32 v0;
	v9 =	vadd.f32 v1, v4;
	v5 =	vadd.f32 v11, v3;
	v19 =	vld [tilespmem:s16+$0xD0]  }
0x11a: {  	v13 =	vadd.f32 v13, v12;
	v4 =	vadd.bf16 v2, v16;
	v1 =	vld [tilespmem:s16+$0xB0]  }
.Ltmp4:
0x11b: {  	v20 =	vadd.f32 v0, v7;
	v12 =	vadd.bf16 v8, v14;
	v2 =	vld [tilespmem:s16+$0x90];
	(pc) =	sbr.rel @p0 .LBB2_11-.Ltmp4, $4  }
0x11c: {  	v18 =	vadd.bf16 v18, v6;
	v3 =	vunpack.i.u.bf16.f32 v4;
	v4 =	vunpack.i.l.bf16.f32 v4;
	v7 =	vld [tilespmem:s16+$0xA0]  }
0x11d: {  	v11 =	vunpack.i.u.bf16.f32 v12;
	v14 =	vadd.bf16 v15, v10;
	v8 =	vld [tilespmem:s16+$0x80]  }
0x11e: {  	v12 =	vunpack.i.l.bf16.f32 v12;
	v10 =	vunpack.i.u.bf16.f32 v18;
	v6 =	vld [tilespmem:s16+$0xE0];
	v0 =	vadd.bf16 v17, v19  }
0x11f: {  	v16 =	vunpack.i.u.bf16.f32 v14;
	v17 =	vunpack.i.l.bf16.f32 v18;
	v15 =	vadd.f32 v10, v20;
	v10 =	vld [tilespmem:s16+$0xC0];
	s16 =	sadd.s32 $0x100, s16  }
0x120: {  	v14 =	vunpack.i.l.bf16.f32 v14;
	v5 =	vadd.f32 v16, v5;
	v13 =	vadd.f32 v17, v13  }
0x121: {  	v1 =	vadd.bf16 v1, v2;
	v9 =	vadd.f32 v14, v9  }
0x122: {  	v11 =	vadd.f32 v11, v15;
	v7 =	vadd.bf16 v7, v8  }
0x123: {  	v12 =	vadd.f32 v12, v13;
	v4 =	vadd.f32 v4, v9  }
0x124: {  	v2 =	vadd.f32 v3, v5;
	v3 =	vunpack.i.l.bf16.f32 v7;
	v5 =	vadd.bf16 v6, v10  }
0x125: {  	v6 =	vunpack.i.u.bf16.f32 v7;
	v3 =	vadd.f32 v3, v4;
	v4 =	vunpack.i.u.bf16.f32 v1  }
0x126: {  	v1 =	vunpack.i.l.bf16.f32 v1;
	v2 =	vadd.f32 v6, v2;
	v6 =	vunpack.i.l.bf16.f32 v5  }
0x127: {  	v5 =	vunpack.i.u.bf16.f32 v5;
	v1 =	vadd.f32 v1, v12;
	v3 =	vadd.f32 v6, v3  }
0x128: {  	v4 =	vadd.f32 v4, v11;
	v6 =	vunpack.i.l.bf16.f32 v0;
	v2 =	vadd.f32 v5, v2  }
0x129: {  	v0 =	vunpack.i.u.bf16.f32 v0;
	v1 =	vadd.f32 v6, v1;
	[tilespmem:$0x19D80] =	vst v3  }
0x12a: {  	v0 =	vadd.f32 v0, v4;
	[tilespmem:$0x19D90] =	vst v2  }
0x12b: {  	[tilespmem:$0x19DA0] =	vst v1  }
0x12c: {  	[tilespmem:$0x19DB0] =	vst v0  }
0x12d: {  	_ =	swait.ge [sflag:s29], $0x1900  }
0x12e: {  	[sflag:s29] =	ssyncset.done $0x0  }
0x12f: {  	s16 =	simm.s32 $0x8980;
	[sflag:s29] =	ssyncadd.s32 $0xFFFFE700  }
0x130: {  	v0 =	vld [tilespmem:s16+$0x30]  }
0x131: {  	v1 =	vld [tilespmem:s16+$0x40]  }
0x132: {  	v2 =	vld [tilespmem:s16+$0x50]  }
0x133: {  	v3 =	vld [tilespmem:s16+$0x70]  }
0x134: {  	v4 =	vld [tilespmem:s16+$0x60]  }
0x135: {  	v6 =	vld [tilespmem:s16+$0x20]  }
0x136: {  	v7 =	vld [tilespmem:s16+$0x10]  }
0x137: {  	v8 =	vld [tilespmem:s16+$0x0]  }
0x138: {  	v9 =	vld [tilespmem:s16+$0xF0]  }
0x139: {  	v10 =	vld [tilespmem:s16+$0xD0];
	_ =	sdelay $0x2  }
0x13a: {  	v4 =	vadd.bf16 v4, v1;
	v1 =	vld [tilespmem:s16+$0xB0]  }
0x13b: {  	v5 =	vimm.f32 $0.0e+00;
	v12 =	vadd.bf16 v3, v2;
	v2 =	vld [tilespmem:s16+$0x90];
	v13 =	vadd.bf16 v0, v7  }
0x13c: {  	v7 =	vld [tilespmem:s16+$0xA0];
	v14 =	vadd.bf16 v6, v8;
	v0 =	vadd.bf16 v9, v10;
	v9 =	vimm.f32 $0.0e+00  }
0x13d: {  	v8 =	vld [tilespmem:s16+$0x80];
	v3 =	vunpack.i.u.bf16.f32 v4;
	v4 =	vunpack.i.l.bf16.f32 v4;
	v11 =	vunpack.i.u.bf16.f32 v12  }
0x13e: {  	v6 =	vld [tilespmem:s16+$0xE0];
	v15 =	vunpack.i.u.bf16.f32 v13;
	v12 =	vunpack.i.l.bf16.f32 v12;
	v16 =	vunpack.i.u.bf16.f32 v14  }
0x13f: {  	s0 =	simm.s32 $0x0;
	v10 =	vld [tilespmem:s16+$0xC0];
	s16 =	simm.s32 $0x8A80;
	v17 =	vunpack.i.l.bf16.f32 v13;
	v13 =	vimm.f32 $0.0e+00;
	v15 =	vadd.f32 v15, v5  }
.LBB2_13:
0x140: {  	v18 =	vld [tilespmem:s16+$0x30];
	s0 =	sadd.s32 $0x4, s0;
	v14 =	vunpack.i.l.bf16.f32 v14;
	v5 =	vadd.f32 v16, v5;
	v13 =	vadd.f32 v17, v13  }
0x141: {  	v16 =	vld [tilespmem:s16+$0x40];
	p0 =	slt.u32 s0, $0x60;
	v9 =	vadd.f32 v14, v9;
	v11 =	vadd.f32 v11, v15  }
0x142: {  	v14 =	vld [tilespmem:s16+$0x50];
	v12 =	vadd.f32 v12, v13;
	v7 =	vadd.bf16 v7, v8  }
0x143: {  	v1 =	vadd.bf16 v1, v2;
	v8 =	vld [tilespmem:s16+$0x70];
	v4 =	vadd.f32 v4, v9  }
0x144: {  	v3 =	vadd.f32 v3, v5;
	v2 =	vld [tilespmem:s16+$0x60];
	v5 =	vunpack.i.l.bf16.f32 v7  }
0x145: {  	v7 =	vunpack.i.u.bf16.f32 v7;
	v15 =	vld [tilespmem:s16+$0x20];
	v4 =	vadd.f32 v5, v4;
	v5 =	vadd.bf16 v6, v10  }
0x146: {  	v9 =	vunpack.i.u.bf16.f32 v1;
	v1 =	vunpack.i.l.bf16.f32 v1;
	v6 =	vld [tilespmem:s16+$0x10]  }
0x147: {  	v3 =	vadd.f32 v7, v3;
	v7 =	vadd.f32 v9, v11;
	v10 =	vld [tilespmem:s16+$0x0];
	v11 =	vunpack.i.u.bf16.f32 v5  }
0x148: {  	v13 =	vunpack.i.l.bf16.f32 v0;
	v12 =	vadd.f32 v1, v12;
	v1 =	vunpack.i.l.bf16.f32 v5;
	v17 =	vld [tilespmem:s16+$0xF0]  }
0x149: {  	v0 =	vunpack.i.u.bf16.f32 v0;
	v9 =	vadd.f32 v1, v4;
	v5 =	vadd.f32 v11, v3;
	v19 =	vld [tilespmem:s16+$0xD0]  }
0x14a: {  	v13 =	vadd.f32 v13, v12;
	v4 =	vadd.bf16 v2, v16;
	v1 =	vld [tilespmem:s16+$0xB0]  }
.Ltmp5:
0x14b: {  	v20 =	vadd.f32 v0, v7;
	v12 =	vadd.bf16 v8, v14;
	v2 =	vld [tilespmem:s16+$0x90];
	(pc) =	sbr.rel @p0 .LBB2_13-.Ltmp5, $4  }
0x14c: {  	v18 =	vadd.bf16 v18, v6;
	v3 =	vunpack.i.u.bf16.f32 v4;
	v4 =	vunpack.i.l.bf16.f32 v4;
	v7 =	vld [tilespmem:s16+$0xA0]  }
0x14d: {  	v11 =	vunpack.i.u.bf16.f32 v12;
	v14 =	vadd.bf16 v15, v10;
	v8 =	vld [tilespmem:s16+$0x80]  }
0x14e: {  	v12 =	vunpack.i.l.bf16.f32 v12;
	v10 =	vunpack.i.u.bf16.f32 v18;
	v6 =	vld [tilespmem:s16+$0xE0];
	v0 =	vadd.bf16 v17, v19  }
0x14f: {  	v16 =	vunpack.i.u.bf16.f32 v14;
	v17 =	vunpack.i.l.bf16.f32 v18;
	v15 =	vadd.f32 v10, v20;
	v10 =	vld [tilespmem:s16+$0xC0];
	s16 =	sadd.s32 $0x100, s16  }
0x150: {  	v14 =	vunpack.i.l.bf16.f32 v14;
	v5 =	vadd.f32 v16, v5;
	v13 =	vadd.f32 v17, v13  }
0x151: {  	v1 =	vadd.bf16 v1, v2;
	v9 =	vadd.f32 v14, v9  }
0x152: {  	v11 =	vadd.f32 v11, v15;
	v7 =	vadd.bf16 v7, v8  }
0x153: {  	v12 =	vadd.f32 v12, v13;
	v4 =	vadd.f32 v4, v9  }
0x154: {  	v2 =	vadd.f32 v3, v5;
	v3 =	vunpack.i.l.bf16.f32 v7;
	v5 =	vadd.bf16 v6, v10  }
0x155: {  	v6 =	vunpack.i.u.bf16.f32 v7;
	v3 =	vadd.f32 v3, v4;
	v4 =	vunpack.i.u.bf16.f32 v1  }
0x156: {  	v1 =	vunpack.i.l.bf16.f32 v1;
	v2 =	vadd.f32 v6, v2;
	v6 =	vunpack.i.l.bf16.f32 v5  }
0x157: {  	v5 =	vunpack.i.u.bf16.f32 v5;
	v1 =	vadd.f32 v1, v12;
	v3 =	vadd.f32 v6, v3  }
0x158: {  	v4 =	vadd.f32 v4, v11;
	v6 =	vunpack.i.l.bf16.f32 v0;
	v2 =	vadd.f32 v5, v2  }
0x159: {  	v0 =	vunpack.i.u.bf16.f32 v0;
	v1 =	vadd.f32 v6, v1;
	[tilespmem:$0x19DC0] =	vst v3  }
0x15a: {  	v0 =	vadd.f32 v0, v4;
	[tilespmem:$0x19DD0] =	vst v2  }
0x15b: {  	[tilespmem:$0x19DE0] =	vst v1  }
0x15c: {  	[tilespmem:$0x19DF0] =	vst v0  }
0x15d: {  	_ =	swait.ge [sflag:s29], $0x1900  }
0x15e: {  	[sflag:s29] =	ssyncset.done $0x0  }
0x15f: {  	s16 =	simm.s32 $0xA280;
	[sflag:s29] =	ssyncadd.s32 $0xFFFFE700  }
0x160: {  	v0 =	vld [tilespmem:s16+$0x30]  }
0x161: {  	v1 =	vld [tilespmem:s16+$0x40]  }
0x162: {  	v2 =	vld [tilespmem:s16+$0x50]  }
0x163: {  	v3 =	vld [tilespmem:s16+$0x70]  }
0x164: {  	v4 =	vld [tilespmem:s16+$0x60]  }
0x165: {  	v6 =	vld [tilespmem:s16+$0x20]  }
0x166: {  	v7 =	vld [tilespmem:s16+$0x10]  }
0x167: {  	v8 =	vld [tilespmem:s16+$0x0]  }
0x168: {  	v9 =	vld [tilespmem:s16+$0xF0]  }
0x169: {  	v10 =	vld [tilespmem:s16+$0xD0];
	_ =	sdelay $0x2  }
0x16a: {  	v4 =	vadd.bf16 v4, v1;
	v1 =	vld [tilespmem:s16+$0xB0]  }
0x16b: {  	v5 =	vimm.f32 $0.0e+00;
	v12 =	vadd.bf16 v3, v2;
	v2 =	vld [tilespmem:s16+$0x90];
	v13 =	vadd.bf16 v0, v7  }
0x16c: {  	v7 =	vld [tilespmem:s16+$0xA0];
	v14 =	vadd.bf16 v6, v8;
	v0 =	vadd.bf16 v9, v10;
	v9 =	vimm.f32 $0.0e+00  }
0x16d: {  	v8 =	vld [tilespmem:s16+$0x80];
	v3 =	vunpack.i.u.bf16.f32 v4;
	v4 =	vunpack.i.l.bf16.f32 v4;
	v11 =	vunpack.i.u.bf16.f32 v12  }
0x16e: {  	v6 =	vld [tilespmem:s16+$0xE0];
	v15 =	vunpack.i.u.bf16.f32 v13;
	v12 =	vunpack.i.l.bf16.f32 v12;
	v16 =	vunpack.i.u.bf16.f32 v14  }
0x16f: {  	s0 =	simm.s32 $0x0;
	v10 =	vld [tilespmem:s16+$0xC0];
	s16 =	simm.s32 $0xA380;
	v17 =	vunpack.i.l.bf16.f32 v13;
	v13 =	vimm.f32 $0.0e+00;
	v15 =	vadd.f32 v15, v5  }
.LBB2_15:
0x170: {  	v18 =	vld [tilespmem:s16+$0x30];
	s0 =	sadd.s32 $0x4, s0;
	v14 =	vunpack.i.l.bf16.f32 v14;
	v5 =	vadd.f32 v16, v5;
	v13 =	vadd.f32 v17, v13  }
0x171: {  	v16 =	vld [tilespmem:s16+$0x40];
	p0 =	slt.u32 s0, $0x60;
	v9 =	vadd.f32 v14, v9;
	v11 =	vadd.f32 v11, v15  }
0x172: {  	v14 =	vld [tilespmem:s16+$0x50];
	v12 =	vadd.f32 v12, v13;
	v7 =	vadd.bf16 v7, v8  }
0x173: {  	v1 =	vadd.bf16 v1, v2;
	v8 =	vld [tilespmem:s16+$0x70];
	v4 =	vadd.f32 v4, v9  }
0x174: {  	v3 =	vadd.f32 v3, v5;
	v2 =	vld [tilespmem:s16+$0x60];
	v5 =	vunpack.i.l.bf16.f32 v7  }
0x175: {  	v7 =	vunpack.i.u.bf16.f32 v7;
	v15 =	vld [tilespmem:s16+$0x20];
	v4 =	vadd.f32 v5, v4;
	v5 =	vadd.bf16 v6, v10  }
0x176: {  	v9 =	vunpack.i.u.bf16.f32 v1;
	v1 =	vunpack.i.l.bf16.f32 v1;
	v6 =	vld [tilespmem:s16+$0x10]  }
0x177: {  	v3 =	vadd.f32 v7, v3;
	v7 =	vadd.f32 v9, v11;
	v10 =	vld [tilespmem:s16+$0x0];
	v11 =	vunpack.i.u.bf16.f32 v5  }
0x178: {  	v13 =	vunpack.i.l.bf16.f32 v0;
	v12 =	vadd.f32 v1, v12;
	v1 =	vunpack.i.l.bf16.f32 v5;
	v17 =	vld [tilespmem:s16+$0xF0]  }
0x179: {  	v0 =	vunpack.i.u.bf16.f32 v0;
	v9 =	vadd.f32 v1, v4;
	v5 =	vadd.f32 v11, v3;
	v19 =	vld [tilespmem:s16+$0xD0]  }
0x17a: {  	v13 =	vadd.f32 v13, v12;
	v4 =	vadd.bf16 v2, v16;
	v1 =	vld [tilespmem:s16+$0xB0]  }
.Ltmp6:
0x17b: {  	v20 =	vadd.f32 v0, v7;
	v12 =	vadd.bf16 v8, v14;
	v2 =	vld [tilespmem:s16+$0x90];
	(pc) =	sbr.rel @p0 .LBB2_15-.Ltmp6, $4  }
0x17c: {  	v18 =	vadd.bf16 v18, v6;
	v3 =	vunpack.i.u.bf16.f32 v4;
	v4 =	vunpack.i.l.bf16.f32 v4;
	v7 =	vld [tilespmem:s16+$0xA0]  }
0x17d: {  	v11 =	vunpack.i.u.bf16.f32 v12;
	v14 =	vadd.bf16 v15, v10;
	v8 =	vld [tilespmem:s16+$0x80]  }
0x17e: {  	v12 =	vunpack.i.l.bf16.f32 v12;
	v10 =	vunpack.i.u.bf16.f32 v18;
	v6 =	vld [tilespmem:s16+$0xE0];
	v0 =	vadd.bf16 v17, v19  }
0x17f: {  	v16 =	vunpack.i.u.bf16.f32 v14;
	v17 =	vunpack.i.l.bf16.f32 v18;
	v15 =	vadd.f32 v10, v20;
	v10 =	vld [tilespmem:s16+$0xC0];
	s16 =	sadd.s32 $0x100, s16  }
0x180: {  	v14 =	vunpack.i.l.bf16.f32 v14;
	v5 =	vadd.f32 v16, v5;
	v13 =	vadd.f32 v17, v13  }
0x181: {  	v1 =	vadd.bf16 v1, v2;
	v9 =	vadd.f32 v14, v9  }
0x182: {  	v11 =	vadd.f32 v11, v15;
	v7 =	vadd.bf16 v7, v8  }
0x183: {  	v12 =	vadd.f32 v12, v13;
	v4 =	vadd.f32 v4, v9  }
0x184: {  	v2 =	vadd.f32 v3, v5;
	v3 =	vunpack.i.l.bf16.f32 v7;
	v5 =	vadd.bf16 v6, v10  }
0x185: {  	v6 =	vunpack.i.u.bf16.f32 v7;
	v3 =	vadd.f32 v3, v4;
	v4 =	vunpack.i.u.bf16.f32 v1  }
0x186: {  	v1 =	vunpack.i.l.bf16.f32 v1;
	v2 =	vadd.f32 v6, v2;
	v6 =	vunpack.i.l.bf16.f32 v5  }
0x187: {  	v5 =	vunpack.i.u.bf16.f32 v5;
	v1 =	vadd.f32 v1, v12;
	v3 =	vadd.f32 v6, v3  }
0x188: {  	v4 =	vadd.f32 v4, v11;
	v6 =	vunpack.i.l.bf16.f32 v0;
	v2 =	vadd.f32 v5, v2  }
0x189: {  	v0 =	vunpack.i.u.bf16.f32 v0;
	v1 =	vadd.f32 v6, v1;
	[tilespmem:$0x19E00] =	vst v3  }
0x18a: {  	v0 =	vadd.f32 v0, v4;
	[tilespmem:$0x19E10] =	vst v2  }
0x18b: {  	[tilespmem:$0x19E20] =	vst v1  }
0x18c: {  	[tilespmem:$0x19E30] =	vst v0  }
0x18d: {  	_ =	swait.ge [sflag:s29], $0x1900  }
0x18e: {  	[sflag:s29] =	ssyncset.done $0x0  }
0x18f: {  	s16 =	simm.s32 $0xBB80;
	[sflag:s29] =	ssyncadd.s32 $0xFFFFE700  }
0x190: {  	v0 =	vld [tilespmem:s16+$0x30]  }
0x191: {  	v1 =	vld [tilespmem:s16+$0x40]  }
0x192: {  	v2 =	vld [tilespmem:s16+$0x50]  }
0x193: {  	v3 =	vld [tilespmem:s16+$0x70]  }
0x194: {  	v4 =	vld [tilespmem:s16+$0x60]  }
0x195: {  	v6 =	vld [tilespmem:s16+$0x20]  }
0x196: {  	v7 =	vld [tilespmem:s16+$0x10]  }
0x197: {  	v8 =	vld [tilespmem:s16+$0x0]  }
0x198: {  	v9 =	vld [tilespmem:s16+$0xF0]  }
0x199: {  	v10 =	vld [tilespmem:s16+$0xD0];
	_ =	sdelay $0x2  }
0x19a: {  	v4 =	vadd.bf16 v4, v1;
	v1 =	vld [tilespmem:s16+$0xB0]  }
0x19b: {  	v5 =	vimm.f32 $0.0e+00;
	v12 =	vadd.bf16 v3, v2;
	v2 =	vld [tilespmem:s16+$0x90];
	v13 =	vadd.bf16 v0, v7  }
0x19c: {  	v7 =	vld [tilespmem:s16+$0xA0];
	v14 =	vadd.bf16 v6, v8;
	v0 =	vadd.bf16 v9, v10;
	v9 =	vimm.f32 $0.0e+00  }
0x19d: {  	v8 =	vld [tilespmem:s16+$0x80];
	v3 =	vunpack.i.u.bf16.f32 v4;
	v4 =	vunpack.i.l.bf16.f32 v4;
	v11 =	vunpack.i.u.bf16.f32 v12  }
0x19e: {  	v6 =	vld [tilespmem:s16+$0xE0];
	v15 =	vunpack.i.u.bf16.f32 v13;
	v12 =	vunpack.i.l.bf16.f32 v12;
	v16 =	vunpack.i.u.bf16.f32 v14  }
0x19f: {  	s0 =	simm.s32 $0x0;
	v10 =	vld [tilespmem:s16+$0xC0];
	s16 =	simm.s32 $0xBC80;
	v17 =	vunpack.i.l.bf16.f32 v13;
	v13 =	vimm.f32 $0.0e+00;
	v15 =	vadd.f32 v15, v5  }
.LBB2_17:
0x1a0: {  	v18 =	vld [tilespmem:s16+$0x30];
	s0 =	sadd.s32 $0x4, s0;
	v14 =	vunpack.i.l.bf16.f32 v14;
	v5 =	vadd.f32 v16, v5;
	v13 =	vadd.f32 v17, v13  }
0x1a1: {  	v16 =	vld [tilespmem:s16+$0x40];
	p0 =	slt.u32 s0, $0x60;
	v9 =	vadd.f32 v14, v9;
	v11 =	vadd.f32 v11, v15  }
0x1a2: {  	v14 =	vld [tilespmem:s16+$0x50];
	v12 =	vadd.f32 v12, v13;
	v7 =	vadd.bf16 v7, v8  }
0x1a3: {  	v1 =	vadd.bf16 v1, v2;
	v8 =	vld [tilespmem:s16+$0x70];
	v4 =	vadd.f32 v4, v9  }
0x1a4: {  	v3 =	vadd.f32 v3, v5;
	v2 =	vld [tilespmem:s16+$0x60];
	v5 =	vunpack.i.l.bf16.f32 v7  }
0x1a5: {  	v7 =	vunpack.i.u.bf16.f32 v7;
	v15 =	vld [tilespmem:s16+$0x20];
	v4 =	vadd.f32 v5, v4;
	v5 =	vadd.bf16 v6, v10  }
0x1a6: {  	v9 =	vunpack.i.u.bf16.f32 v1;
	v1 =	vunpack.i.l.bf16.f32 v1;
	v6 =	vld [tilespmem:s16+$0x10]  }
0x1a7: {  	v3 =	vadd.f32 v7, v3;
	v7 =	vadd.f32 v9, v11;
	v10 =	vld [tilespmem:s16+$0x0];
	v11 =	vunpack.i.u.bf16.f32 v5  }
0x1a8: {  	v13 =	vunpack.i.l.bf16.f32 v0;
	v12 =	vadd.f32 v1, v12;
	v1 =	vunpack.i.l.bf16.f32 v5;
	v17 =	vld [tilespmem:s16+$0xF0]  }
0x1a9: {  	v0 =	vunpack.i.u.bf16.f32 v0;
	v9 =	vadd.f32 v1, v4;
	v5 =	vadd.f32 v11, v3;
	v19 =	vld [tilespmem:s16+$0xD0]  }
0x1aa: {  	v13 =	vadd.f32 v13, v12;
	v4 =	vadd.bf16 v2, v16;
	v1 =	vld [tilespmem:s16+$0xB0]  }
.Ltmp7:
0x1ab: {  	v20 =	vadd.f32 v0, v7;
	v12 =	vadd.bf16 v8, v14;
	v2 =	vld [tilespmem:s16+$0x90];
	(pc) =	sbr.rel @p0 .LBB2_17-.Ltmp7, $4  }
0x1ac: {  	v18 =	vadd.bf16 v18, v6;
	v3 =	vunpack.i.u.bf16.f32 v4;
	v4 =	vunpack.i.l.bf16.f32 v4;
	v7 =	vld [tilespmem:s16+$0xA0]  }
0x1ad: {  	v11 =	vunpack.i.u.bf16.f32 v12;
	v14 =	vadd.bf16 v15, v10;
	v8 =	vld [tilespmem:s16+$0x80]  }
0x1ae: {  	v12 =	vunpack.i.l.bf16.f32 v12;
	v10 =	vunpack.i.u.bf16.f32 v18;
	v6 =	vld [tilespmem:s16+$0xE0];
	v0 =	vadd.bf16 v17, v19  }
0x1af: {  	v16 =	vunpack.i.u.bf16.f32 v14;
	v17 =	vunpack.i.l.bf16.f32 v18;
	v15 =	vadd.f32 v10, v20;
	v10 =	vld [tilespmem:s16+$0xC0];
	s16 =	sadd.s32 $0x100, s16  }
0x1b0: {  	v14 =	vunpack.i.l.bf16.f32 v14;
	v5 =	vadd.f32 v16, v5;
	v13 =	vadd.f32 v17, v13  }
0x1b1: {  	v1 =	vadd.bf16 v1, v2;
	v9 =	vadd.f32 v14, v9  }
0x1b2: {  	v11 =	vadd.f32 v11, v15;
	v7 =	vadd.bf16 v7, v8  }
0x1b3: {  	v12 =	vadd.f32 v12, v13;
	v4 =	vadd.f32 v4, v9  }
0x1b4: {  	v2 =	vadd.f32 v3, v5;
	v3 =	vunpack.i.l.bf16.f32 v7;
	v5 =	vadd.bf16 v6, v10  }
0x1b5: {  	v6 =	vunpack.i.u.bf16.f32 v7;
	v3 =	vadd.f32 v3, v4;
	v4 =	vunpack.i.u.bf16.f32 v1  }
0x1b6: {  	v1 =	vunpack.i.l.bf16.f32 v1;
	v2 =	vadd.f32 v6, v2;
	v6 =	vunpack.i.l.bf16.f32 v5  }
0x1b7: {  	p0 =	seq.s32 s1, $0x1F;
	v5 =	vunpack.i.u.bf16.f32 v5;
	v1 =	vadd.f32 v1, v12;
	v3 =	vadd.f32 v6, v3  }
0x1b8: {  	s0 =	sshll.u32 @!p0 s1, $0x4;
	v4 =	vadd.f32 v4, v11;
	v6 =	vunpack.i.l.bf16.f32 v0;
	v2 =	vadd.f32 v5, v2  }
0x1b9: {  	s16 =	sadd.s32 @!p0 s0, s8;
	v0 =	vunpack.i.u.bf16.f32 v0;
	v1 =	vadd.f32 v6, v1;
	[tilespmem:$0x19E40] =	vst v3  }
0x1ba: {  	s16 =	smul.u32 @!p0 $0x19, s16;
	v0 =	vadd.f32 v0, v4;
	[tilespmem:$0x19E50] =	vst v2  }
0x1bb: {  	[tilespmem:$0x19E60] =	vst v1  }
0x1bc: {  	s15 =	sadd.s32 s9, s15;
	s17 =	simm.s32 @!p0 $0x0;
	s16 =	sadd.s32 @!p0 s3, s16;
	[tilespmem:$0x19E70] =	vst v0  }
0x1bd: {  	[tilespmem:s17], [sflag:$0x3] =	stream.linear.gather @!p0 [hbm4b:s16+s17], $0x640, $0x38;
	[tilespmem:$0x1A080] =	vst v63  }
0x1be: {  	s18 =	sadd.s32 s6, s15;
	s16 =	simm.s32 @!p0 $0x3  }
0x1bf: {  	[hbm4b:s18+s2] =	stream.linear.scatter [tilespmem:s7], [sflag:$0x5], $0x200, $0x38;
	[tilespmem:$0x1A080] =	vst v63  }
0x1c0: {  	_ =	swait.ge @!p0 [sflag:s16], $0x640  }
0x1c1: {  	[sflag:s16] =	ssyncset.done @!p0 $0x0  }
0x1c2: {  	s18 =	simm.s32 @!p0 $0xC80;
	[sflag:s16] =	ssyncadd.s32 @!p0 $0xFFFFF9C0;
	s16 =	simm.s32 @!p0 $0xC8  }
0x1c3: {  	[tilespmem:s18], [sflag:$0x1] =	stream.indirect.gather @!p0 [hbm4b:s4+s16], $0x20, s17, s16, $0xb8;
	[tilespmem:$0x1A080] =	vst v63  }
0x1c4: {  	s17 =	simm.s32 @!p0 $0x2580  }
0x1c5: {  	[tilespmem:s17], [sflag:$0x1] =	stream.indirect.gather @!p0 [hbm4b:s4+s16], $0x20, s16, s16, $0xb8;
	[tilespmem:$0x1A080] =	vst v63  }
0x1c6: {  	s18 =	simm.s32 @!p0 $0x3E80;
	s17 =	simm.s32 @!p0 $0x190  }
0x1c7: {  	[tilespmem:s18], [sflag:$0x1] =	stream.indirect.gather @!p0 [hbm4b:s4+s16], $0x20, s17, s16, $0xb8;
	[tilespmem:$0x1A080] =	vst v63  }
0x1c8: {  	s17 =	simm.s32 @!p0 $0x258;
	s18 =	simm.s32 @!p0 $0x5780  }
0x1c9: {  	[tilespmem:s18], [sflag:$0x1] =	stream.indirect.gather @!p0 [hbm4b:s4+s16], $0x20, s17, s16, $0xb8;
	[tilespmem:$0x1A080] =	vst v63  }
0x1ca: {  	s17 =	simm.s32 @!p0 $0x320;
	s18 =	simm.s32 @!p0 $0x7080  }
0x1cb: {  	[tilespmem:s18], [sflag:$0x1] =	stream.indirect.gather @!p0 [hbm4b:s4+s16], $0x20, s17, s16, $0xb8;
	[tilespmem:$0x1A080] =	vst v63  }
0x1cc: {  	s17 =	simm.s32 @!p0 $0x3E8;
	s18 =	simm.s32 @!p0 $0x8980  }
0x1cd: {  	[tilespmem:s18], [sflag:$0x1] =	stream.indirect.gather @!p0 [hbm4b:s4+s16], $0x20, s17, s16, $0xb8;
	[tilespmem:$0x1A080] =	vst v63  }
0x1ce: {  	p1 =	seq.s32 @!p0 s1, $0x0;
	s17 =	simm.s32 @!p0 $0x4B0;
	s18 =	simm.s32 @!p0 $0xA280  }
0x1cf: {  	[tilespmem:s18], [sflag:$0x1] =	stream.indirect.gather @!p0 [hbm4b:s4+s16], $0x20, s17, s16, $0xb8;
	[tilespmem:$0x1A080] =	vst v63  }
0x1d0: {  	p1 =	por p0, !p1;
	s17 =	simm.s32 @!p0 $0x578;
	s18 =	simm.s32 @!p0 $0xBB80  }
0x1d1: {  	[tilespmem:s18], [sflag:$0x1] =	stream.indirect.gather @!p0 [hbm4b:s4+s16], $0x20, s17, s16, $0xb8;
	[tilespmem:$0x1A080] =	vst v63  }
0x1d2: {  	_ =	swait.ge @p1 [sflag:s13], $0x200  }
0x1d3: {  	[sflag:s13] =	ssyncset.done @p1 $0x0  }
0x1d4: {  	[sflag:s13] =	ssyncadd.s32 @p1 $0xFFFFFE00  }
0x1d5: {  	_ =	swait.ge [sflag:s12], $0x1900  }
0x1d6: {  	[sflag:s12] =	ssyncset.done $0x0  }
0x1d7: {  	s18 =	simm.s32 $0xD500;
	[sflag:s12] =	ssyncadd.s32 $0xFFFFE700  }
0x1d8: {  	v0 =	vld [tilespmem:s18+$0xFFFFFFB0]  }
0x1d9: {  	v1 =	vld [tilespmem:s18+$0xFFFFFFC0]  }
0x1da: {  	v2 =	vld [tilespmem:s18+$0xFFFFFFD0]  }
0x1db: {  	v3 =	vld [tilespmem:s18+$0xFFFFFFF0]  }
0x1dc: {  	v4 =	vld [tilespmem:s18+$0xFFFFFFE0]  }
0x1dd: {  	v6 =	vld [tilespmem:s18+$0xFFFFFFA0]  }
0x1de: {  	v7 =	vld [tilespmem:s18+$0xFFFFFF90]  }
0x1df: {  	v8 =	vld [tilespmem:s18+$0xFFFFFF80]  }
0x1e0: {  	v9 =	vld [tilespmem:s18+$0x70]  }
0x1e1: {  	v10 =	vld [tilespmem:s18+$0x50];
	_ =	sdelay $0x2  }
0x1e2: {  	v4 =	vadd.bf16 v4, v1;
	v1 =	vld [tilespmem:s18+$0x30]  }
0x1e3: {  	v5 =	vimm.f32 $0.0e+00;
	v12 =	vadd.bf16 v3, v2;
	v2 =	vld [tilespmem:s18+$0x10];
	v13 =	vadd.bf16 v0, v7  }
0x1e4: {  	v7 =	vld [tilespmem:s18+$0x20];
	v14 =	vadd.bf16 v6, v8;
	v0 =	vadd.bf16 v9, v10;
	v9 =	vimm.f32 $0.0e+00  }
0x1e5: {  	v8 =	vld [tilespmem:s18+$0x0];
	v3 =	vunpack.i.u.bf16.f32 v4;
	v4 =	vunpack.i.l.bf16.f32 v4;
	v11 =	vunpack.i.u.bf16.f32 v12  }
0x1e6: {  	v6 =	vld [tilespmem:s18+$0x60];
	v15 =	vunpack.i.u.bf16.f32 v13;
	v12 =	vunpack.i.l.bf16.f32 v12;
	v16 =	vunpack.i.u.bf16.f32 v14  }
0x1e7: {  	s16 =	simm.s32 $0x0;
	s17 =	simm.s32 $0xD600;
	v10 =	vld [tilespmem:s18+$0x40];
	v17 =	vunpack.i.l.bf16.f32 v13;
	v13 =	vimm.f32 $0.0e+00;
	v15 =	vadd.f32 v15, v5  }
.LBB2_19:
0x1e8: {  	v18 =	vld [tilespmem:s17+$0xFFFFFFB0];
	s16 =	sadd.s32 $0x4, s16;
	v14 =	vunpack.i.l.bf16.f32 v14;
	v5 =	vadd.f32 v16, v5;
	v13 =	vadd.f32 v17, v13  }
0x1e9: {  	v16 =	vld [tilespmem:s17+$0xFFFFFFC0];
	p1 =	slt.u32 s16, $0x60;
	v9 =	vadd.f32 v14, v9;
	v11 =	vadd.f32 v11, v15  }
0x1ea: {  	v14 =	vld [tilespmem:s17+$0xFFFFFFD0];
	v12 =	vadd.f32 v12, v13;
	v7 =	vadd.bf16 v7, v8  }
0x1eb: {  	v1 =	vadd.bf16 v1, v2;
	v8 =	vld [tilespmem:s17+$0xFFFFFFF0];
	v4 =	vadd.f32 v4, v9  }
0x1ec: {  	v3 =	vadd.f32 v3, v5;
	v2 =	vld [tilespmem:s17+$0xFFFFFFE0];
	v5 =	vunpack.i.l.bf16.f32 v7  }
0x1ed: {  	v7 =	vunpack.i.u.bf16.f32 v7;
	v15 =	vld [tilespmem:s17+$0xFFFFFFA0];
	v4 =	vadd.f32 v5, v4;
	v5 =	vadd.bf16 v6, v10  }
0x1ee: {  	v9 =	vunpack.i.u.bf16.f32 v1;
	v1 =	vunpack.i.l.bf16.f32 v1;
	v6 =	vld [tilespmem:s17+$0xFFFFFF90]  }
0x1ef: {  	v3 =	vadd.f32 v7, v3;
	v7 =	vadd.f32 v9, v11;
	v10 =	vld [tilespmem:s17+$0xFFFFFF80];
	v11 =	vunpack.i.u.bf16.f32 v5  }
0x1f0: {  	v13 =	vunpack.i.l.bf16.f32 v0;
	v12 =	vadd.f32 v1, v12;
	v1 =	vunpack.i.l.bf16.f32 v5;
	v17 =	vld [tilespmem:s17+$0x70]  }
0x1f1: {  	v0 =	vunpack.i.u.bf16.f32 v0;
	v9 =	vadd.f32 v1, v4;
	v5 =	vadd.f32 v11, v3;
	v19 =	vld [tilespmem:s17+$0x50]  }
0x1f2: {  	v13 =	vadd.f32 v13, v12;
	v4 =	vadd.bf16 v2, v16;
	v1 =	vld [tilespmem:s17+$0x30]  }
.Ltmp8:
0x1f3: {  	v20 =	vadd.f32 v0, v7;
	v12 =	vadd.bf16 v8, v14;
	v2 =	vld [tilespmem:s17+$0x10];
	(pc) =	sbr.rel @p1 .LBB2_19-.Ltmp8, $4  }
0x1f4: {  	v18 =	vadd.bf16 v18, v6;
	v3 =	vunpack.i.u.bf16.f32 v4;
	v4 =	vunpack.i.l.bf16.f32 v4;
	v7 =	vld [tilespmem:s17+$0x20]  }
0x1f5: {  	v11 =	vunpack.i.u.bf16.f32 v12;
	v14 =	vadd.bf16 v15, v10;
	v8 =	vld [tilespmem:s17+$0x0]  }
0x1f6: {  	v12 =	vunpack.i.l.bf16.f32 v12;
	v10 =	vunpack.i.u.bf16.f32 v18;
	v6 =	vld [tilespmem:s17+$0x60];
	v0 =	vadd.bf16 v17, v19  }
0x1f7: {  	v16 =	vunpack.i.u.bf16.f32 v14;
	v17 =	vunpack.i.l.bf16.f32 v18;
	v15 =	vadd.f32 v10, v20;
	v10 =	vld [tilespmem:s17+$0x40];
	s17 =	sadd.s32 $0x100, s17  }
0x1f8: {  	v14 =	vunpack.i.l.bf16.f32 v14;
	v5 =	vadd.f32 v16, v5;
	v13 =	vadd.f32 v17, v13  }
0x1f9: {  	v1 =	vadd.bf16 v1, v2;
	v9 =	vadd.f32 v14, v9  }
0x1fa: {  	v11 =	vadd.f32 v11, v15;
	v7 =	vadd.bf16 v7, v8  }
0x1fb: {  	v12 =	vadd.f32 v12, v13;
	v4 =	vadd.f32 v4, v9  }
0x1fc: {  	v2 =	vadd.f32 v3, v5;
	v3 =	vunpack.i.l.bf16.f32 v7;
	v5 =	vadd.bf16 v6, v10  }
0x1fd: {  	v6 =	vunpack.i.u.bf16.f32 v7;
	v3 =	vadd.f32 v3, v4;
	v4 =	vunpack.i.u.bf16.f32 v1  }
0x1fe: {  	v1 =	vunpack.i.l.bf16.f32 v1;
	v2 =	vadd.f32 v6, v2;
	v6 =	vunpack.i.l.bf16.f32 v5  }
0x1ff: {  	v5 =	vunpack.i.u.bf16.f32 v5;
	v1 =	vadd.f32 v1, v12;
	v3 =	vadd.f32 v6, v3  }
0x200: {  	v4 =	vadd.f32 v4, v11;
	v6 =	vunpack.i.l.bf16.f32 v0;
	v2 =	vadd.f32 v5, v2  }
0x201: {  	v0 =	vunpack.i.u.bf16.f32 v0;
	v1 =	vadd.f32 v6, v1;
	[tilespmem:$0x19E80] =	vst v3  }
0x202: {  	v0 =	vadd.f32 v0, v4;
	[tilespmem:$0x19E90] =	vst v2  }
0x203: {  	[tilespmem:$0x19EA0] =	vst v1  }
0x204: {  	[tilespmem:$0x19EB0] =	vst v0  }
0x205: {  	_ =	swait.ge [sflag:s12], $0x1900  }
0x206: {  	[sflag:s12] =	ssyncset.done $0x0  }
0x207: {  	s17 =	simm.s32 $0xEE70;
	[sflag:s12] =	ssyncadd.s32 $0xFFFFE700  }
0x208: {  	v0 =	vld [tilespmem:s17+$0xFFFFFF40]  }
0x209: {  	v1 =	vld [tilespmem:s17+$0xFFFFFF50]  }
0x20a: {  	v2 =	vld [tilespmem:s17+$0xFFFFFF60]  }
0x20b: {  	v3 =	vld [tilespmem:s17+$0xFFFFFF80]  }
0x20c: {  	v4 =	vld [tilespmem:s17+$0xFFFFFF70]  }
0x20d: {  	v6 =	vld [tilespmem:s17+$0xFFFFFF30]  }
0x20e: {  	v7 =	vld [tilespmem:s17+$0xFFFFFF20]  }
0x20f: {  	v8 =	vld [tilespmem:s17+$0xFFFFFF10]  }
0x210: {  	v9 =	vld [tilespmem:s17+$0x0]  }
0x211: {  	v10 =	vld [tilespmem:s17+$0xFFFFFFE0];
	_ =	sdelay $0x2  }
0x212: {  	v4 =	vadd.bf16 v4, v1;
	v1 =	vld [tilespmem:s17+$0xFFFFFFC0]  }
0x213: {  	v5 =	vimm.f32 $0.0e+00;
	v12 =	vadd.bf16 v3, v2;
	v2 =	vld [tilespmem:s17+$0xFFFFFFA0];
	v13 =	vadd.bf16 v0, v7  }
0x214: {  	v7 =	vld [tilespmem:s17+$0xFFFFFFB0];
	v14 =	vadd.bf16 v6, v8;
	v0 =	vadd.bf16 v9, v10;
	v9 =	vimm.f32 $0.0e+00  }
0x215: {  	v8 =	vld [tilespmem:s17+$0xFFFFFF90];
	v3 =	vunpack.i.u.bf16.f32 v4;
	v4 =	vunpack.i.l.bf16.f32 v4;
	v11 =	vunpack.i.u.bf16.f32 v12  }
0x216: {  	v6 =	vld [tilespmem:s17+$0xFFFFFFF0];
	v15 =	vunpack.i.u.bf16.f32 v13;
	v12 =	vunpack.i.l.bf16.f32 v12;
	v16 =	vunpack.i.u.bf16.f32 v14  }
0x217: {  	s16 =	simm.s32 $0x0;
	v10 =	vld [tilespmem:s17+$0xFFFFFFD0];
	s17 =	simm.s32 $0xEF70;
	v17 =	vunpack.i.l.bf16.f32 v13;
	v13 =	vimm.f32 $0.0e+00;
	v15 =	vadd.f32 v15, v5  }
.LBB2_21:
0x218: {  	v18 =	vld [tilespmem:s17+$0xFFFFFF40];
	s16 =	sadd.s32 $0x4, s16;
	v14 =	vunpack.i.l.bf16.f32 v14;
	v5 =	vadd.f32 v16, v5;
	v13 =	vadd.f32 v17, v13  }
0x219: {  	v16 =	vld [tilespmem:s17+$0xFFFFFF50];
	p1 =	slt.u32 s16, $0x60;
	v9 =	vadd.f32 v14, v9;
	v11 =	vadd.f32 v11, v15  }
0x21a: {  	v14 =	vld [tilespmem:s17+$0xFFFFFF60];
	v12 =	vadd.f32 v12, v13;
	v7 =	vadd.bf16 v7, v8  }
0x21b: {  	v1 =	vadd.bf16 v1, v2;
	v8 =	vld [tilespmem:s17+$0xFFFFFF80];
	v4 =	vadd.f32 v4, v9  }
0x21c: {  	v3 =	vadd.f32 v3, v5;
	v2 =	vld [tilespmem:s17+$0xFFFFFF70];
	v5 =	vunpack.i.l.bf16.f32 v7  }
0x21d: {  	v7 =	vunpack.i.u.bf16.f32 v7;
	v15 =	vld [tilespmem:s17+$0xFFFFFF30];
	v4 =	vadd.f32 v5, v4;
	v5 =	vadd.bf16 v6, v10  }
0x21e: {  	v9 =	vunpack.i.u.bf16.f32 v1;
	v1 =	vunpack.i.l.bf16.f32 v1;
	v6 =	vld [tilespmem:s17+$0xFFFFFF20]  }
0x21f: {  	v3 =	vadd.f32 v7, v3;
	v7 =	vadd.f32 v9, v11;
	v10 =	vld [tilespmem:s17+$0xFFFFFF10];
	v11 =	vunpack.i.u.bf16.f32 v5  }
0x220: {  	v13 =	vunpack.i.l.bf16.f32 v0;
	v12 =	vadd.f32 v1, v12;
	v1 =	vunpack.i.l.bf16.f32 v5;
	v17 =	vld [tilespmem:s17+$0x0]  }
0x221: {  	v0 =	vunpack.i.u.bf16.f32 v0;
	v9 =	vadd.f32 v1, v4;
	v5 =	vadd.f32 v11, v3;
	v19 =	vld [tilespmem:s17+$0xFFFFFFE0]  }
0x222: {  	v13 =	vadd.f32 v13, v12;
	v4 =	vadd.bf16 v2, v16;
	v1 =	vld [tilespmem:s17+$0xFFFFFFC0]  }
.Ltmp9:
0x223: {  	v20 =	vadd.f32 v0, v7;
	v12 =	vadd.bf16 v8, v14;
	v2 =	vld [tilespmem:s17+$0xFFFFFFA0];
	(pc) =	sbr.rel @p1 .LBB2_21-.Ltmp9, $4  }
0x224: {  	v18 =	vadd.bf16 v18, v6;
	v3 =	vunpack.i.u.bf16.f32 v4;
	v4 =	vunpack.i.l.bf16.f32 v4;
	v7 =	vld [tilespmem:s17+$0xFFFFFFB0]  }
0x225: {  	v11 =	vunpack.i.u.bf16.f32 v12;
	v14 =	vadd.bf16 v15, v10;
	v8 =	vld [tilespmem:s17+$0xFFFFFF90]  }
0x226: {  	v12 =	vunpack.i.l.bf16.f32 v12;
	v10 =	vunpack.i.u.bf16.f32 v18;
	v6 =	vld [tilespmem:s17+$0xFFFFFFF0];
	v0 =	vadd.bf16 v17, v19  }
0x227: {  	v16 =	vunpack.i.u.bf16.f32 v14;
	v17 =	vunpack.i.l.bf16.f32 v18;
	v15 =	vadd.f32 v10, v20;
	v10 =	vld [tilespmem:s17+$0xFFFFFFD0];
	s17 =	sadd.s32 $0x100, s17  }
0x228: {  	v14 =	vunpack.i.l.bf16.f32 v14;
	v5 =	vadd.f32 v16, v5;
	v13 =	vadd.f32 v17, v13  }
0x229: {  	v1 =	vadd.bf16 v1, v2;
	v9 =	vadd.f32 v14, v9  }
0x22a: {  	v11 =	vadd.f32 v11, v15;
	v7 =	vadd.bf16 v7, v8  }
0x22b: {  	v12 =	vadd.f32 v12, v13;
	v4 =	vadd.f32 v4, v9  }
0x22c: {  	v2 =	vadd.f32 v3, v5;
	v3 =	vunpack.i.l.bf16.f32 v7;
	v5 =	vadd.bf16 v6, v10  }
0x22d: {  	v6 =	vunpack.i.u.bf16.f32 v7;
	v3 =	vadd.f32 v3, v4;
	v4 =	vunpack.i.u.bf16.f32 v1  }
0x22e: {  	v1 =	vunpack.i.l.bf16.f32 v1;
	v2 =	vadd.f32 v6, v2;
	v6 =	vunpack.i.l.bf16.f32 v5  }
0x22f: {  	v5 =	vunpack.i.u.bf16.f32 v5;
	v1 =	vadd.f32 v1, v12;
	v3 =	vadd.f32 v6, v3  }
0x230: {  	v4 =	vadd.f32 v4, v11;
	v6 =	vunpack.i.l.bf16.f32 v0;
	v2 =	vadd.f32 v5, v2  }
0x231: {  	v0 =	vunpack.i.u.bf16.f32 v0;
	v1 =	vadd.f32 v6, v1;
	[tilespmem:$0x19EC0] =	vst v3  }
0x232: {  	v0 =	vadd.f32 v0, v4;
	[tilespmem:$0x19ED0] =	vst v2  }
0x233: {  	[tilespmem:$0x19EE0] =	vst v1  }
0x234: {  	[tilespmem:$0x19EF0] =	vst v0  }
0x235: {  	_ =	swait.ge [sflag:s12], $0x1900  }
0x236: {  	[sflag:s12] =	ssyncset.done $0x0  }
0x237: {  	s17 =	simm.s32 $0x10770;
	[sflag:s12] =	ssyncadd.s32 $0xFFFFE700  }
0x238: {  	v0 =	vld [tilespmem:s17+$0xFFFFFF40]  }
0x239: {  	v1 =	vld [tilespmem:s17+$0xFFFFFF50]  }
0x23a: {  	v2 =	vld [tilespmem:s17+$0xFFFFFF60]  }
0x23b: {  	v3 =	vld [tilespmem:s17+$0xFFFFFF80]  }
0x23c: {  	v4 =	vld [tilespmem:s17+$0xFFFFFF70]  }
0x23d: {  	v6 =	vld [tilespmem:s17+$0xFFFFFF30]  }
0x23e: {  	v7 =	vld [tilespmem:s17+$0xFFFFFF20]  }
0x23f: {  	v8 =	vld [tilespmem:s17+$0xFFFFFF10]  }
0x240: {  	v9 =	vld [tilespmem:s17+$0x0]  }
0x241: {  	v10 =	vld [tilespmem:s17+$0xFFFFFFE0];
	_ =	sdelay $0x2  }
0x242: {  	v4 =	vadd.bf16 v4, v1;
	v1 =	vld [tilespmem:s17+$0xFFFFFFC0]  }
0x243: {  	v5 =	vimm.f32 $0.0e+00;
	v12 =	vadd.bf16 v3, v2;
	v2 =	vld [tilespmem:s17+$0xFFFFFFA0];
	v13 =	vadd.bf16 v0, v7  }
0x244: {  	v7 =	vld [tilespmem:s17+$0xFFFFFFB0];
	v14 =	vadd.bf16 v6, v8;
	v0 =	vadd.bf16 v9, v10;
	v9 =	vimm.f32 $0.0e+00  }
0x245: {  	v8 =	vld [tilespmem:s17+$0xFFFFFF90];
	v3 =	vunpack.i.u.bf16.f32 v4;
	v4 =	vunpack.i.l.bf16.f32 v4;
	v11 =	vunpack.i.u.bf16.f32 v12  }
0x246: {  	v6 =	vld [tilespmem:s17+$0xFFFFFFF0];
	v15 =	vunpack.i.u.bf16.f32 v13;
	v12 =	vunpack.i.l.bf16.f32 v12;
	v16 =	vunpack.i.u.bf16.f32 v14  }
0x247: {  	s16 =	simm.s32 $0x0;
	v10 =	vld [tilespmem:s17+$0xFFFFFFD0];
	s17 =	simm.s32 $0x10870;
	v17 =	vunpack.i.l.bf16.f32 v13;
	v13 =	vimm.f32 $0.0e+00;
	v15 =	vadd.f32 v15, v5  }
.LBB2_23:
0x248: {  	v18 =	vld [tilespmem:s17+$0xFFFFFF40];
	s16 =	sadd.s32 $0x4, s16;
	v14 =	vunpack.i.l.bf16.f32 v14;
	v5 =	vadd.f32 v16, v5;
	v13 =	vadd.f32 v17, v13  }
0x249: {  	v16 =	vld [tilespmem:s17+$0xFFFFFF50];
	p1 =	slt.u32 s16, $0x60;
	v9 =	vadd.f32 v14, v9;
	v11 =	vadd.f32 v11, v15  }
0x24a: {  	v14 =	vld [tilespmem:s17+$0xFFFFFF60];
	v12 =	vadd.f32 v12, v13;
	v7 =	vadd.bf16 v7, v8  }
0x24b: {  	v1 =	vadd.bf16 v1, v2;
	v8 =	vld [tilespmem:s17+$0xFFFFFF80];
	v4 =	vadd.f32 v4, v9  }
0x24c: {  	v3 =	vadd.f32 v3, v5;
	v2 =	vld [tilespmem:s17+$0xFFFFFF70];
	v5 =	vunpack.i.l.bf16.f32 v7  }
0x24d: {  	v7 =	vunpack.i.u.bf16.f32 v7;
	v15 =	vld [tilespmem:s17+$0xFFFFFF30];
	v4 =	vadd.f32 v5, v4;
	v5 =	vadd.bf16 v6, v10  }
0x24e: {  	v9 =	vunpack.i.u.bf16.f32 v1;
	v1 =	vunpack.i.l.bf16.f32 v1;
	v6 =	vld [tilespmem:s17+$0xFFFFFF20]  }
0x24f: {  	v3 =	vadd.f32 v7, v3;
	v7 =	vadd.f32 v9, v11;
	v10 =	vld [tilespmem:s17+$0xFFFFFF10];
	v11 =	vunpack.i.u.bf16.f32 v5  }
0x250: {  	v13 =	vunpack.i.l.bf16.f32 v0;
	v12 =	vadd.f32 v1, v12;
	v1 =	vunpack.i.l.bf16.f32 v5;
	v17 =	vld [tilespmem:s17+$0x0]  }
0x251: {  	v0 =	vunpack.i.u.bf16.f32 v0;
	v9 =	vadd.f32 v1, v4;
	v5 =	vadd.f32 v11, v3;
	v19 =	vld [tilespmem:s17+$0xFFFFFFE0]  }
0x252: {  	v13 =	vadd.f32 v13, v12;
	v4 =	vadd.bf16 v2, v16;
	v1 =	vld [tilespmem:s17+$0xFFFFFFC0]  }
.Ltmp10:
0x253: {  	v20 =	vadd.f32 v0, v7;
	v12 =	vadd.bf16 v8, v14;
	v2 =	vld [tilespmem:s17+$0xFFFFFFA0];
	(pc) =	sbr.rel @p1 .LBB2_23-.Ltmp10, $4  }
0x254: {  	v18 =	vadd.bf16 v18, v6;
	v3 =	vunpack.i.u.bf16.f32 v4;
	v4 =	vunpack.i.l.bf16.f32 v4;
	v7 =	vld [tilespmem:s17+$0xFFFFFFB0]  }
0x255: {  	v11 =	vunpack.i.u.bf16.f32 v12;
	v14 =	vadd.bf16 v15, v10;
	v8 =	vld [tilespmem:s17+$0xFFFFFF90]  }
0x256: {  	v12 =	vunpack.i.l.bf16.f32 v12;
	v10 =	vunpack.i.u.bf16.f32 v18;
	v6 =	vld [tilespmem:s17+$0xFFFFFFF0];
	v0 =	vadd.bf16 v17, v19  }
0x257: {  	v16 =	vunpack.i.u.bf16.f32 v14;
	v17 =	vunpack.i.l.bf16.f32 v18;
	v15 =	vadd.f32 v10, v20;
	v10 =	vld [tilespmem:s17+$0xFFFFFFD0];
	s17 =	sadd.s32 $0x100, s17  }
0x258: {  	v14 =	vunpack.i.l.bf16.f32 v14;
	v5 =	vadd.f32 v16, v5;
	v13 =	vadd.f32 v17, v13  }
0x259: {  	v1 =	vadd.bf16 v1, v2;
	v9 =	vadd.f32 v14, v9  }
0x25a: {  	v11 =	vadd.f32 v11, v15;
	v7 =	vadd.bf16 v7, v8  }
0x25b: {  	v12 =	vadd.f32 v12, v13;
	v4 =	vadd.f32 v4, v9  }
0x25c: {  	v2 =	vadd.f32 v3, v5;
	v3 =	vunpack.i.l.bf16.f32 v7;
	v5 =	vadd.bf16 v6, v10  }
0x25d: {  	v6 =	vunpack.i.u.bf16.f32 v7;
	v3 =	vadd.f32 v3, v4;
	v4 =	vunpack.i.u.bf16.f32 v1  }
0x25e: {  	v1 =	vunpack.i.l.bf16.f32 v1;
	v2 =	vadd.f32 v6, v2;
	v6 =	vunpack.i.l.bf16.f32 v5  }
0x25f: {  	v5 =	vunpack.i.u.bf16.f32 v5;
	v1 =	vadd.f32 v1, v12;
	v3 =	vadd.f32 v6, v3  }
0x260: {  	v4 =	vadd.f32 v4, v11;
	v6 =	vunpack.i.l.bf16.f32 v0;
	v2 =	vadd.f32 v5, v2  }
0x261: {  	v0 =	vunpack.i.u.bf16.f32 v0;
	v1 =	vadd.f32 v6, v1;
	[tilespmem:$0x19F00] =	vst v3  }
0x262: {  	v0 =	vadd.f32 v0, v4;
	[tilespmem:$0x19F10] =	vst v2  }
0x263: {  	[tilespmem:$0x19F20] =	vst v1  }
0x264: {  	[tilespmem:$0x19F30] =	vst v0  }
0x265: {  	_ =	swait.ge [sflag:s12], $0x1900  }
0x266: {  	[sflag:s12] =	ssyncset.done $0x0  }
0x267: {  	s17 =	simm.s32 $0x11F80;
	[sflag:s12] =	ssyncadd.s32 $0xFFFFE700  }
0x268: {  	v0 =	vld [tilespmem:s17+$0x30]  }
0x269: {  	v1 =	vld [tilespmem:s17+$0x40]  }
0x26a: {  	v2 =	vld [tilespmem:s17+$0x50]  }
0x26b: {  	v3 =	vld [tilespmem:s17+$0x70]  }
0x26c: {  	v4 =	vld [tilespmem:s17+$0x60]  }
0x26d: {  	v6 =	vld [tilespmem:s17+$0x20]  }
0x26e: {  	v7 =	vld [tilespmem:s17+$0x10]  }
0x26f: {  	v8 =	vld [tilespmem:s17+$0x0]  }
0x270: {  	v9 =	vld [tilespmem:s17+$0xF0]  }
0x271: {  	v10 =	vld [tilespmem:s17+$0xD0];
	_ =	sdelay $0x2  }
0x272: {  	v4 =	vadd.bf16 v4, v1;
	v1 =	vld [tilespmem:s17+$0xB0]  }
0x273: {  	v5 =	vimm.f32 $0.0e+00;
	v12 =	vadd.bf16 v3, v2;
	v2 =	vld [tilespmem:s17+$0x90];
	v13 =	vadd.bf16 v0, v7  }
0x274: {  	v7 =	vld [tilespmem:s17+$0xA0];
	v14 =	vadd.bf16 v6, v8;
	v0 =	vadd.bf16 v9, v10;
	v9 =	vimm.f32 $0.0e+00  }
0x275: {  	v8 =	vld [tilespmem:s17+$0x80];
	v3 =	vunpack.i.u.bf16.f32 v4;
	v4 =	vunpack.i.l.bf16.f32 v4;
	v11 =	vunpack.i.u.bf16.f32 v12  }
0x276: {  	v6 =	vld [tilespmem:s17+$0xE0];
	v15 =	vunpack.i.u.bf16.f32 v13;
	v12 =	vunpack.i.l.bf16.f32 v12;
	v16 =	vunpack.i.u.bf16.f32 v14  }
0x277: {  	s16 =	simm.s32 $0x0;
	v10 =	vld [tilespmem:s17+$0xC0];
	s17 =	simm.s32 $0x12080;
	v17 =	vunpack.i.l.bf16.f32 v13;
	v13 =	vimm.f32 $0.0e+00;
	v15 =	vadd.f32 v15, v5  }
.LBB2_25:
0x278: {  	v18 =	vld [tilespmem:s17+$0x30];
	s16 =	sadd.s32 $0x4, s16;
	v14 =	vunpack.i.l.bf16.f32 v14;
	v5 =	vadd.f32 v16, v5;
	v13 =	vadd.f32 v17, v13  }
0x279: {  	v16 =	vld [tilespmem:s17+$0x40];
	p1 =	slt.u32 s16, $0x60;
	v9 =	vadd.f32 v14, v9;
	v11 =	vadd.f32 v11, v15  }
0x27a: {  	v14 =	vld [tilespmem:s17+$0x50];
	v12 =	vadd.f32 v12, v13;
	v7 =	vadd.bf16 v7, v8  }
0x27b: {  	v1 =	vadd.bf16 v1, v2;
	v8 =	vld [tilespmem:s17+$0x70];
	v4 =	vadd.f32 v4, v9  }
0x27c: {  	v3 =	vadd.f32 v3, v5;
	v2 =	vld [tilespmem:s17+$0x60];
	v5 =	vunpack.i.l.bf16.f32 v7  }
0x27d: {  	v7 =	vunpack.i.u.bf16.f32 v7;
	v15 =	vld [tilespmem:s17+$0x20];
	v4 =	vadd.f32 v5, v4;
	v5 =	vadd.bf16 v6, v10  }
0x27e: {  	v9 =	vunpack.i.u.bf16.f32 v1;
	v1 =	vunpack.i.l.bf16.f32 v1;
	v6 =	vld [tilespmem:s17+$0x10]  }
0x27f: {  	v3 =	vadd.f32 v7, v3;
	v7 =	vadd.f32 v9, v11;
	v10 =	vld [tilespmem:s17+$0x0];
	v11 =	vunpack.i.u.bf16.f32 v5  }
0x280: {  	v13 =	vunpack.i.l.bf16.f32 v0;
	v12 =	vadd.f32 v1, v12;
	v1 =	vunpack.i.l.bf16.f32 v5;
	v17 =	vld [tilespmem:s17+$0xF0]  }
0x281: {  	v0 =	vunpack.i.u.bf16.f32 v0;
	v9 =	vadd.f32 v1, v4;
	v5 =	vadd.f32 v11, v3;
	v19 =	vld [tilespmem:s17+$0xD0]  }
0x282: {  	v13 =	vadd.f32 v13, v12;
	v4 =	vadd.bf16 v2, v16;
	v1 =	vld [tilespmem:s17+$0xB0]  }
.Ltmp11:
0x283: {  	v20 =	vadd.f32 v0, v7;
	v12 =	vadd.bf16 v8, v14;
	v2 =	vld [tilespmem:s17+$0x90];
	(pc) =	sbr.rel @p1 .LBB2_25-.Ltmp11, $4  }
0x284: {  	v18 =	vadd.bf16 v18, v6;
	v3 =	vunpack.i.u.bf16.f32 v4;
	v4 =	vunpack.i.l.bf16.f32 v4;
	v7 =	vld [tilespmem:s17+$0xA0]  }
0x285: {  	v11 =	vunpack.i.u.bf16.f32 v12;
	v14 =	vadd.bf16 v15, v10;
	v8 =	vld [tilespmem:s17+$0x80]  }
0x286: {  	v12 =	vunpack.i.l.bf16.f32 v12;
	v10 =	vunpack.i.u.bf16.f32 v18;
	v6 =	vld [tilespmem:s17+$0xE0];
	v0 =	vadd.bf16 v17, v19  }
0x287: {  	v16 =	vunpack.i.u.bf16.f32 v14;
	v17 =	vunpack.i.l.bf16.f32 v18;
	v15 =	vadd.f32 v10, v20;
	v10 =	vld [tilespmem:s17+$0xC0];
	s17 =	sadd.s32 $0x100, s17  }
0x288: {  	v14 =	vunpack.i.l.bf16.f32 v14;
	v5 =	vadd.f32 v16, v5;
	v13 =	vadd.f32 v17, v13  }
0x289: {  	v1 =	vadd.bf16 v1, v2;
	v9 =	vadd.f32 v14, v9  }
0x28a: {  	v11 =	vadd.f32 v11, v15;
	v7 =	vadd.bf16 v7, v8  }
0x28b: {  	v12 =	vadd.f32 v12, v13;
	v4 =	vadd.f32 v4, v9  }
0x28c: {  	v2 =	vadd.f32 v3, v5;
	v3 =	vunpack.i.l.bf16.f32 v7;
	v5 =	vadd.bf16 v6, v10  }
0x28d: {  	v6 =	vunpack.i.u.bf16.f32 v7;
	v3 =	vadd.f32 v3, v4;
	v4 =	vunpack.i.u.bf16.f32 v1  }
0x28e: {  	v1 =	vunpack.i.l.bf16.f32 v1;
	v2 =	vadd.f32 v6, v2;
	v6 =	vunpack.i.l.bf16.f32 v5  }
0x28f: {  	v5 =	vunpack.i.u.bf16.f32 v5;
	v1 =	vadd.f32 v1, v12;
	v3 =	vadd.f32 v6, v3  }
0x290: {  	v4 =	vadd.f32 v4, v11;
	v6 =	vunpack.i.l.bf16.f32 v0;
	v2 =	vadd.f32 v5, v2  }
0x291: {  	v0 =	vunpack.i.u.bf16.f32 v0;
	v1 =	vadd.f32 v6, v1;
	[tilespmem:$0x19F40] =	vst v3  }
0x292: {  	v0 =	vadd.f32 v0, v4;
	[tilespmem:$0x19F50] =	vst v2  }
0x293: {  	[tilespmem:$0x19F60] =	vst v1  }
0x294: {  	[tilespmem:$0x19F70] =	vst v0  }
0x295: {  	_ =	swait.ge [sflag:s12], $0x1900  }
0x296: {  	[sflag:s12] =	ssyncset.done $0x0  }
0x297: {  	s17 =	simm.s32 $0x13880;
	[sflag:s12] =	ssyncadd.s32 $0xFFFFE700  }
0x298: {  	v0 =	vld [tilespmem:s17+$0x30]  }
0x299: {  	v1 =	vld [tilespmem:s17+$0x40]  }
0x29a: {  	v2 =	vld [tilespmem:s17+$0x50]  }
0x29b: {  	v3 =	vld [tilespmem:s17+$0x70]  }
0x29c: {  	v4 =	vld [tilespmem:s17+$0x60]  }
0x29d: {  	v6 =	vld [tilespmem:s17+$0x20]  }
0x29e: {  	v7 =	vld [tilespmem:s17+$0x10]  }
0x29f: {  	v8 =	vld [tilespmem:s17+$0x0]  }
0x2a0: {  	v9 =	vld [tilespmem:s17+$0xF0]  }
0x2a1: {  	v10 =	vld [tilespmem:s17+$0xD0];
	_ =	sdelay $0x2  }
0x2a2: {  	v4 =	vadd.bf16 v4, v1;
	v1 =	vld [tilespmem:s17+$0xB0]  }
0x2a3: {  	v5 =	vimm.f32 $0.0e+00;
	v12 =	vadd.bf16 v3, v2;
	v2 =	vld [tilespmem:s17+$0x90];
	v13 =	vadd.bf16 v0, v7  }
0x2a4: {  	v7 =	vld [tilespmem:s17+$0xA0];
	v14 =	vadd.bf16 v6, v8;
	v0 =	vadd.bf16 v9, v10;
	v9 =	vimm.f32 $0.0e+00  }
0x2a5: {  	v8 =	vld [tilespmem:s17+$0x80];
	v3 =	vunpack.i.u.bf16.f32 v4;
	v4 =	vunpack.i.l.bf16.f32 v4;
	v11 =	vunpack.i.u.bf16.f32 v12  }
0x2a6: {  	v6 =	vld [tilespmem:s17+$0xE0];
	v15 =	vunpack.i.u.bf16.f32 v13;
	v12 =	vunpack.i.l.bf16.f32 v12;
	v16 =	vunpack.i.u.bf16.f32 v14  }
0x2a7: {  	s16 =	simm.s32 $0x0;
	v10 =	vld [tilespmem:s17+$0xC0];
	s17 =	simm.s32 $0x13980;
	v17 =	vunpack.i.l.bf16.f32 v13;
	v13 =	vimm.f32 $0.0e+00;
	v15 =	vadd.f32 v15, v5  }
.LBB2_27:
0x2a8: {  	v18 =	vld [tilespmem:s17+$0x30];
	s16 =	sadd.s32 $0x4, s16;
	v14 =	vunpack.i.l.bf16.f32 v14;
	v5 =	vadd.f32 v16, v5;
	v13 =	vadd.f32 v17, v13  }
0x2a9: {  	v16 =	vld [tilespmem:s17+$0x40];
	p1 =	slt.u32 s16, $0x60;
	v9 =	vadd.f32 v14, v9;
	v11 =	vadd.f32 v11, v15  }
0x2aa: {  	v14 =	vld [tilespmem:s17+$0x50];
	v12 =	vadd.f32 v12, v13;
	v7 =	vadd.bf16 v7, v8  }
0x2ab: {  	v1 =	vadd.bf16 v1, v2;
	v8 =	vld [tilespmem:s17+$0x70];
	v4 =	vadd.f32 v4, v9  }
0x2ac: {  	v3 =	vadd.f32 v3, v5;
	v2 =	vld [tilespmem:s17+$0x60];
	v5 =	vunpack.i.l.bf16.f32 v7  }
0x2ad: {  	v7 =	vunpack.i.u.bf16.f32 v7;
	v15 =	vld [tilespmem:s17+$0x20];
	v4 =	vadd.f32 v5, v4;
	v5 =	vadd.bf16 v6, v10  }
0x2ae: {  	v9 =	vunpack.i.u.bf16.f32 v1;
	v1 =	vunpack.i.l.bf16.f32 v1;
	v6 =	vld [tilespmem:s17+$0x10]  }
0x2af: {  	v3 =	vadd.f32 v7, v3;
	v7 =	vadd.f32 v9, v11;
	v10 =	vld [tilespmem:s17+$0x0];
	v11 =	vunpack.i.u.bf16.f32 v5  }
0x2b0: {  	v13 =	vunpack.i.l.bf16.f32 v0;
	v12 =	vadd.f32 v1, v12;
	v1 =	vunpack.i.l.bf16.f32 v5;
	v17 =	vld [tilespmem:s17+$0xF0]  }
0x2b1: {  	v0 =	vunpack.i.u.bf16.f32 v0;
	v9 =	vadd.f32 v1, v4;
	v5 =	vadd.f32 v11, v3;
	v19 =	vld [tilespmem:s17+$0xD0]  }
0x2b2: {  	v13 =	vadd.f32 v13, v12;
	v4 =	vadd.bf16 v2, v16;
	v1 =	vld [tilespmem:s17+$0xB0]  }
.Ltmp12:
0x2b3: {  	v20 =	vadd.f32 v0, v7;
	v12 =	vadd.bf16 v8, v14;
	v2 =	vld [tilespmem:s17+$0x90];
	(pc) =	sbr.rel @p1 .LBB2_27-.Ltmp12, $4  }
0x2b4: {  	v18 =	vadd.bf16 v18, v6;
	v3 =	vunpack.i.u.bf16.f32 v4;
	v4 =	vunpack.i.l.bf16.f32 v4;
	v7 =	vld [tilespmem:s17+$0xA0]  }
0x2b5: {  	v11 =	vunpack.i.u.bf16.f32 v12;
	v14 =	vadd.bf16 v15, v10;
	v8 =	vld [tilespmem:s17+$0x80]  }
0x2b6: {  	v12 =	vunpack.i.l.bf16.f32 v12;
	v10 =	vunpack.i.u.bf16.f32 v18;
	v6 =	vld [tilespmem:s17+$0xE0];
	v0 =	vadd.bf16 v17, v19  }
0x2b7: {  	v16 =	vunpack.i.u.bf16.f32 v14;
	v17 =	vunpack.i.l.bf16.f32 v18;
	v15 =	vadd.f32 v10, v20;
	v10 =	vld [tilespmem:s17+$0xC0];
	s17 =	sadd.s32 $0x100, s17  }
0x2b8: {  	v14 =	vunpack.i.l.bf16.f32 v14;
	v5 =	vadd.f32 v16, v5;
	v13 =	vadd.f32 v17, v13  }
0x2b9: {  	v1 =	vadd.bf16 v1, v2;
	v9 =	vadd.f32 v14, v9  }
0x2ba: {  	v11 =	vadd.f32 v11, v15;
	v7 =	vadd.bf16 v7, v8  }
0x2bb: {  	v12 =	vadd.f32 v12, v13;
	v4 =	vadd.f32 v4, v9  }
0x2bc: {  	v2 =	vadd.f32 v3, v5;
	v3 =	vunpack.i.l.bf16.f32 v7;
	v5 =	vadd.bf16 v6, v10  }
0x2bd: {  	v6 =	vunpack.i.u.bf16.f32 v7;
	v3 =	vadd.f32 v3, v4;
	v4 =	vunpack.i.u.bf16.f32 v1  }
0x2be: {  	v1 =	vunpack.i.l.bf16.f32 v1;
	v2 =	vadd.f32 v6, v2;
	v6 =	vunpack.i.l.bf16.f32 v5  }
0x2bf: {  	v5 =	vunpack.i.u.bf16.f32 v5;
	v1 =	vadd.f32 v1, v12;
	v3 =	vadd.f32 v6, v3  }
0x2c0: {  	v4 =	vadd.f32 v4, v11;
	v6 =	vunpack.i.l.bf16.f32 v0;
	v2 =	vadd.f32 v5, v2  }
0x2c1: {  	v0 =	vunpack.i.u.bf16.f32 v0;
	v1 =	vadd.f32 v6, v1;
	[tilespmem:$0x19F80] =	vst v3  }
0x2c2: {  	v0 =	vadd.f32 v0, v4;
	[tilespmem:$0x19F90] =	vst v2  }
0x2c3: {  	[tilespmem:$0x19FA0] =	vst v1  }
0x2c4: {  	[tilespmem:$0x19FB0] =	vst v0  }
0x2c5: {  	_ =	swait.ge [sflag:s12], $0x1900  }
0x2c6: {  	[sflag:s12] =	ssyncset.done $0x0  }
0x2c7: {  	s17 =	simm.s32 $0x15180;
	[sflag:s12] =	ssyncadd.s32 $0xFFFFE700  }
0x2c8: {  	v0 =	vld [tilespmem:s17+$0x30]  }
0x2c9: {  	v1 =	vld [tilespmem:s17+$0x40]  }
0x2ca: {  	v2 =	vld [tilespmem:s17+$0x50]  }
0x2cb: {  	v3 =	vld [tilespmem:s17+$0x70]  }
0x2cc: {  	v4 =	vld [tilespmem:s17+$0x60]  }
0x2cd: {  	v6 =	vld [tilespmem:s17+$0x20]  }
0x2ce: {  	v7 =	vld [tilespmem:s17+$0x10]  }
0x2cf: {  	v8 =	vld [tilespmem:s17+$0x0]  }
0x2d0: {  	v9 =	vld [tilespmem:s17+$0xF0]  }
0x2d1: {  	v10 =	vld [tilespmem:s17+$0xD0];
	_ =	sdelay $0x2  }
0x2d2: {  	v4 =	vadd.bf16 v4, v1;
	v1 =	vld [tilespmem:s17+$0xB0]  }
0x2d3: {  	v5 =	vimm.f32 $0.0e+00;
	v12 =	vadd.bf16 v3, v2;
	v2 =	vld [tilespmem:s17+$0x90];
	v13 =	vadd.bf16 v0, v7  }
0x2d4: {  	v7 =	vld [tilespmem:s17+$0xA0];
	v14 =	vadd.bf16 v6, v8;
	v0 =	vadd.bf16 v9, v10;
	v9 =	vimm.f32 $0.0e+00  }
0x2d5: {  	v8 =	vld [tilespmem:s17+$0x80];
	v3 =	vunpack.i.u.bf16.f32 v4;
	v4 =	vunpack.i.l.bf16.f32 v4;
	v11 =	vunpack.i.u.bf16.f32 v12  }
0x2d6: {  	v6 =	vld [tilespmem:s17+$0xE0];
	v15 =	vunpack.i.u.bf16.f32 v13;
	v12 =	vunpack.i.l.bf16.f32 v12;
	v16 =	vunpack.i.u.bf16.f32 v14  }
0x2d7: {  	s16 =	simm.s32 $0x0;
	v10 =	vld [tilespmem:s17+$0xC0];
	s17 =	simm.s32 $0x15280;
	v17 =	vunpack.i.l.bf16.f32 v13;
	v13 =	vimm.f32 $0.0e+00;
	v15 =	vadd.f32 v15, v5  }
.LBB2_29:
0x2d8: {  	v18 =	vld [tilespmem:s17+$0x30];
	s16 =	sadd.s32 $0x4, s16;
	v14 =	vunpack.i.l.bf16.f32 v14;
	v5 =	vadd.f32 v16, v5;
	v13 =	vadd.f32 v17, v13  }
0x2d9: {  	v16 =	vld [tilespmem:s17+$0x40];
	p1 =	slt.u32 s16, $0x60;
	v9 =	vadd.f32 v14, v9;
	v11 =	vadd.f32 v11, v15  }
0x2da: {  	v14 =	vld [tilespmem:s17+$0x50];
	v12 =	vadd.f32 v12, v13;
	v7 =	vadd.bf16 v7, v8  }
0x2db: {  	v1 =	vadd.bf16 v1, v2;
	v8 =	vld [tilespmem:s17+$0x70];
	v4 =	vadd.f32 v4, v9  }
0x2dc: {  	v3 =	vadd.f32 v3, v5;
	v2 =	vld [tilespmem:s17+$0x60];
	v5 =	vunpack.i.l.bf16.f32 v7  }
0x2dd: {  	v7 =	vunpack.i.u.bf16.f32 v7;
	v15 =	vld [tilespmem:s17+$0x20];
	v4 =	vadd.f32 v5, v4;
	v5 =	vadd.bf16 v6, v10  }
0x2de: {  	v9 =	vunpack.i.u.bf16.f32 v1;
	v1 =	vunpack.i.l.bf16.f32 v1;
	v6 =	vld [tilespmem:s17+$0x10]  }
0x2df: {  	v3 =	vadd.f32 v7, v3;
	v7 =	vadd.f32 v9, v11;
	v10 =	vld [tilespmem:s17+$0x0];
	v11 =	vunpack.i.u.bf16.f32 v5  }
0x2e0: {  	v13 =	vunpack.i.l.bf16.f32 v0;
	v12 =	vadd.f32 v1, v12;
	v1 =	vunpack.i.l.bf16.f32 v5;
	v17 =	vld [tilespmem:s17+$0xF0]  }
0x2e1: {  	v0 =	vunpack.i.u.bf16.f32 v0;
	v9 =	vadd.f32 v1, v4;
	v5 =	vadd.f32 v11, v3;
	v19 =	vld [tilespmem:s17+$0xD0]  }
0x2e2: {  	v13 =	vadd.f32 v13, v12;
	v4 =	vadd.bf16 v2, v16;
	v1 =	vld [tilespmem:s17+$0xB0]  }
.Ltmp13:
0x2e3: {  	v20 =	vadd.f32 v0, v7;
	v12 =	vadd.bf16 v8, v14;
	v2 =	vld [tilespmem:s17+$0x90];
	(pc) =	sbr.rel @p1 .LBB2_29-.Ltmp13, $4  }
0x2e4: {  	v18 =	vadd.bf16 v18, v6;
	v3 =	vunpack.i.u.bf16.f32 v4;
	v4 =	vunpack.i.l.bf16.f32 v4;
	v7 =	vld [tilespmem:s17+$0xA0]  }
0x2e5: {  	v11 =	vunpack.i.u.bf16.f32 v12;
	v14 =	vadd.bf16 v15, v10;
	v8 =	vld [tilespmem:s17+$0x80]  }
0x2e6: {  	v12 =	vunpack.i.l.bf16.f32 v12;
	v10 =	vunpack.i.u.bf16.f32 v18;
	v6 =	vld [tilespmem:s17+$0xE0];
	v0 =	vadd.bf16 v17, v19  }
0x2e7: {  	v16 =	vunpack.i.u.bf16.f32 v14;
	v17 =	vunpack.i.l.bf16.f32 v18;
	v15 =	vadd.f32 v10, v20;
	v10 =	vld [tilespmem:s17+$0xC0];
	s17 =	sadd.s32 $0x100, s17  }
0x2e8: {  	v14 =	vunpack.i.l.bf16.f32 v14;
	v5 =	vadd.f32 v16, v5;
	v13 =	vadd.f32 v17, v13  }
0x2e9: {  	v1 =	vadd.bf16 v1, v2;
	v9 =	vadd.f32 v14, v9  }
0x2ea: {  	v11 =	vadd.f32 v11, v15;
	v7 =	vadd.bf16 v7, v8  }
0x2eb: {  	v12 =	vadd.f32 v12, v13;
	v4 =	vadd.f32 v4, v9  }
0x2ec: {  	v2 =	vadd.f32 v3, v5;
	v3 =	vunpack.i.l.bf16.f32 v7;
	v5 =	vadd.bf16 v6, v10  }
0x2ed: {  	v6 =	vunpack.i.u.bf16.f32 v7;
	v3 =	vadd.f32 v3, v4;
	v4 =	vunpack.i.u.bf16.f32 v1  }
0x2ee: {  	v1 =	vunpack.i.l.bf16.f32 v1;
	v2 =	vadd.f32 v6, v2;
	v6 =	vunpack.i.l.bf16.f32 v5  }
0x2ef: {  	v5 =	vunpack.i.u.bf16.f32 v5;
	v1 =	vadd.f32 v1, v12;
	v3 =	vadd.f32 v6, v3  }
0x2f0: {  	v4 =	vadd.f32 v4, v11;
	v6 =	vunpack.i.l.bf16.f32 v0;
	v2 =	vadd.f32 v5, v2  }
0x2f1: {  	v0 =	vunpack.i.u.bf16.f32 v0;
	v1 =	vadd.f32 v6, v1;
	[tilespmem:$0x19FC0] =	vst v3  }
0x2f2: {  	v0 =	vadd.f32 v0, v4;
	[tilespmem:$0x19FD0] =	vst v2  }
0x2f3: {  	[tilespmem:$0x19FE0] =	vst v1  }
0x2f4: {  	[tilespmem:$0x19FF0] =	vst v0  }
0x2f5: {  	_ =	swait.ge [sflag:s12], $0x1900  }
0x2f6: {  	[sflag:s12] =	ssyncset.done $0x0  }
0x2f7: {  	s17 =	simm.s32 $0x16A80;
	[sflag:s12] =	ssyncadd.s32 $0xFFFFE700  }
0x2f8: {  	v0 =	vld [tilespmem:s17+$0x30]  }
0x2f9: {  	v1 =	vld [tilespmem:s17+$0x40]  }
0x2fa: {  	v2 =	vld [tilespmem:s17+$0x50]  }
0x2fb: {  	v3 =	vld [tilespmem:s17+$0x70]  }
0x2fc: {  	v4 =	vld [tilespmem:s17+$0x60]  }
0x2fd: {  	v6 =	vld [tilespmem:s17+$0x20]  }
0x2fe: {  	v7 =	vld [tilespmem:s17+$0x10]  }
0x2ff: {  	v8 =	vld [tilespmem:s17+$0x0]  }
0x300: {  	v9 =	vld [tilespmem:s17+$0xF0]  }
0x301: {  	v10 =	vld [tilespmem:s17+$0xD0];
	_ =	sdelay $0x2  }
0x302: {  	v4 =	vadd.bf16 v4, v1;
	v1 =	vld [tilespmem:s17+$0xB0]  }
0x303: {  	v5 =	vimm.f32 $0.0e+00;
	v12 =	vadd.bf16 v3, v2;
	v2 =	vld [tilespmem:s17+$0x90];
	v13 =	vadd.bf16 v0, v7  }
0x304: {  	v7 =	vld [tilespmem:s17+$0xA0];
	v14 =	vadd.bf16 v6, v8;
	v0 =	vadd.bf16 v9, v10;
	v9 =	vimm.f32 $0.0e+00  }
0x305: {  	v8 =	vld [tilespmem:s17+$0x80];
	v3 =	vunpack.i.u.bf16.f32 v4;
	v4 =	vunpack.i.l.bf16.f32 v4;
	v11 =	vunpack.i.u.bf16.f32 v12  }
0x306: {  	v6 =	vld [tilespmem:s17+$0xE0];
	v15 =	vunpack.i.u.bf16.f32 v13;
	v12 =	vunpack.i.l.bf16.f32 v12;
	v16 =	vunpack.i.u.bf16.f32 v14  }
0x307: {  	s16 =	simm.s32 $0x0;
	v10 =	vld [tilespmem:s17+$0xC0];
	s17 =	simm.s32 $0x16B80;
	v17 =	vunpack.i.l.bf16.f32 v13;
	v13 =	vimm.f32 $0.0e+00;
	v15 =	vadd.f32 v15, v5  }
.LBB2_31:
0x308: {  	v18 =	vld [tilespmem:s17+$0x30];
	s16 =	sadd.s32 $0x4, s16;
	v14 =	vunpack.i.l.bf16.f32 v14;
	v5 =	vadd.f32 v16, v5;
	v13 =	vadd.f32 v17, v13  }
0x309: {  	v16 =	vld [tilespmem:s17+$0x40];
	p1 =	slt.u32 s16, $0x60;
	v9 =	vadd.f32 v14, v9;
	v11 =	vadd.f32 v11, v15  }
0x30a: {  	v14 =	vld [tilespmem:s17+$0x50];
	v12 =	vadd.f32 v12, v13;
	v7 =	vadd.bf16 v7, v8  }
0x30b: {  	v1 =	vadd.bf16 v1, v2;
	v8 =	vld [tilespmem:s17+$0x70];
	v4 =	vadd.f32 v4, v9  }
0x30c: {  	v3 =	vadd.f32 v3, v5;
	v2 =	vld [tilespmem:s17+$0x60];
	v5 =	vunpack.i.l.bf16.f32 v7  }
0x30d: {  	v7 =	vunpack.i.u.bf16.f32 v7;
	v15 =	vld [tilespmem:s17+$0x20];
	v4 =	vadd.f32 v5, v4;
	v5 =	vadd.bf16 v6, v10  }
0x30e: {  	v9 =	vunpack.i.u.bf16.f32 v1;
	v1 =	vunpack.i.l.bf16.f32 v1;
	v6 =	vld [tilespmem:s17+$0x10]  }
0x30f: {  	v3 =	vadd.f32 v7, v3;
	v7 =	vadd.f32 v9, v11;
	v10 =	vld [tilespmem:s17+$0x0];
	v11 =	vunpack.i.u.bf16.f32 v5  }
0x310: {  	v13 =	vunpack.i.l.bf16.f32 v0;
	v12 =	vadd.f32 v1, v12;
	v1 =	vunpack.i.l.bf16.f32 v5;
	v17 =	vld [tilespmem:s17+$0xF0]  }
0x311: {  	v0 =	vunpack.i.u.bf16.f32 v0;
	v9 =	vadd.f32 v1, v4;
	v5 =	vadd.f32 v11, v3;
	v19 =	vld [tilespmem:s17+$0xD0]  }
0x312: {  	v13 =	vadd.f32 v13, v12;
	v4 =	vadd.bf16 v2, v16;
	v1 =	vld [tilespmem:s17+$0xB0]  }
.Ltmp14:
0x313: {  	v20 =	vadd.f32 v0, v7;
	v12 =	vadd.bf16 v8, v14;
	v2 =	vld [tilespmem:s17+$0x90];
	(pc) =	sbr.rel @p1 .LBB2_31-.Ltmp14, $4  }
0x314: {  	v18 =	vadd.bf16 v18, v6;
	v3 =	vunpack.i.u.bf16.f32 v4;
	v4 =	vunpack.i.l.bf16.f32 v4;
	v7 =	vld [tilespmem:s17+$0xA0]  }
0x315: {  	v11 =	vunpack.i.u.bf16.f32 v12;
	v14 =	vadd.bf16 v15, v10;
	v8 =	vld [tilespmem:s17+$0x80]  }
0x316: {  	v12 =	vunpack.i.l.bf16.f32 v12;
	v10 =	vunpack.i.u.bf16.f32 v18;
	v6 =	vld [tilespmem:s17+$0xE0];
	v0 =	vadd.bf16 v17, v19  }
0x317: {  	v16 =	vunpack.i.u.bf16.f32 v14;
	v17 =	vunpack.i.l.bf16.f32 v18;
	v15 =	vadd.f32 v10, v20;
	v10 =	vld [tilespmem:s17+$0xC0];
	s17 =	sadd.s32 $0x100, s17  }
0x318: {  	v14 =	vunpack.i.l.bf16.f32 v14;
	v5 =	vadd.f32 v16, v5;
	v13 =	vadd.f32 v17, v13  }
0x319: {  	v1 =	vadd.bf16 v1, v2;
	v9 =	vadd.f32 v14, v9  }
0x31a: {  	v11 =	vadd.f32 v11, v15;
	v7 =	vadd.bf16 v7, v8  }
0x31b: {  	v12 =	vadd.f32 v12, v13;
	v4 =	vadd.f32 v4, v9  }
0x31c: {  	v2 =	vadd.f32 v3, v5;
	v3 =	vunpack.i.l.bf16.f32 v7;
	v5 =	vadd.bf16 v6, v10  }
0x31d: {  	v6 =	vunpack.i.u.bf16.f32 v7;
	v3 =	vadd.f32 v3, v4;
	v4 =	vunpack.i.u.bf16.f32 v1  }
0x31e: {  	v1 =	vunpack.i.l.bf16.f32 v1;
	v2 =	vadd.f32 v6, v2;
	v6 =	vunpack.i.l.bf16.f32 v5  }
0x31f: {  	v5 =	vunpack.i.u.bf16.f32 v5;
	v1 =	vadd.f32 v1, v12;
	v3 =	vadd.f32 v6, v3  }
0x320: {  	v4 =	vadd.f32 v4, v11;
	v6 =	vunpack.i.l.bf16.f32 v0;
	v2 =	vadd.f32 v5, v2  }
0x321: {  	v0 =	vunpack.i.u.bf16.f32 v0;
	v1 =	vadd.f32 v6, v1;
	[tilespmem:$0x1A000] =	vst v3  }
0x322: {  	v0 =	vadd.f32 v0, v4;
	[tilespmem:$0x1A010] =	vst v2  }
0x323: {  	[tilespmem:$0x1A020] =	vst v1  }
0x324: {  	[tilespmem:$0x1A030] =	vst v0  }
0x325: {  	_ =	swait.ge [sflag:s12], $0x1900  }
0x326: {  	[sflag:s12] =	ssyncset.done $0x0  }
0x327: {  	s17 =	simm.s32 $0x18380;
	[sflag:s12] =	ssyncadd.s32 $0xFFFFE700  }
0x328: {  	v0 =	vld [tilespmem:s17+$0x30]  }
0x329: {  	v1 =	vld [tilespmem:s17+$0x40]  }
0x32a: {  	v2 =	vld [tilespmem:s17+$0x50]  }
0x32b: {  	v3 =	vld [tilespmem:s17+$0x70]  }
0x32c: {  	v4 =	vld [tilespmem:s17+$0x60]  }
0x32d: {  	v6 =	vld [tilespmem:s17+$0x20]  }
0x32e: {  	v7 =	vld [tilespmem:s17+$0x10]  }
0x32f: {  	v8 =	vld [tilespmem:s17+$0x0]  }
0x330: {  	v9 =	vld [tilespmem:s17+$0xF0]  }
0x331: {  	v10 =	vld [tilespmem:s17+$0xD0];
	_ =	sdelay $0x2  }
0x332: {  	v4 =	vadd.bf16 v4, v1;
	v1 =	vld [tilespmem:s17+$0xB0]  }
0x333: {  	v5 =	vimm.f32 $0.0e+00;
	v12 =	vadd.bf16 v3, v2;
	v2 =	vld [tilespmem:s17+$0x90];
	v13 =	vadd.bf16 v0, v7  }
0x334: {  	v7 =	vld [tilespmem:s17+$0xA0];
	v14 =	vadd.bf16 v6, v8;
	v0 =	vadd.bf16 v9, v10;
	v9 =	vimm.f32 $0.0e+00  }
0x335: {  	v8 =	vld [tilespmem:s17+$0x80];
	v3 =	vunpack.i.u.bf16.f32 v4;
	v4 =	vunpack.i.l.bf16.f32 v4;
	v11 =	vunpack.i.u.bf16.f32 v12  }
0x336: {  	v6 =	vld [tilespmem:s17+$0xE0];
	v15 =	vunpack.i.u.bf16.f32 v13;
	v12 =	vunpack.i.l.bf16.f32 v12;
	v16 =	vunpack.i.u.bf16.f32 v14  }
0x337: {  	s16 =	simm.s32 $0x0;
	v10 =	vld [tilespmem:s17+$0xC0];
	s17 =	simm.s32 $0x18480;
	v17 =	vunpack.i.l.bf16.f32 v13;
	v13 =	vimm.f32 $0.0e+00;
	v15 =	vadd.f32 v15, v5  }
.LBB2_33:
0x338: {  	v18 =	vld [tilespmem:s17+$0x30];
	s16 =	sadd.s32 $0x4, s16;
	v14 =	vunpack.i.l.bf16.f32 v14;
	v5 =	vadd.f32 v16, v5;
	v13 =	vadd.f32 v17, v13  }
0x339: {  	v16 =	vld [tilespmem:s17+$0x40];
	p1 =	slt.u32 s16, $0x60;
	v9 =	vadd.f32 v14, v9;
	v11 =	vadd.f32 v11, v15  }
0x33a: {  	v14 =	vld [tilespmem:s17+$0x50];
	v12 =	vadd.f32 v12, v13;
	v7 =	vadd.bf16 v7, v8  }
0x33b: {  	v1 =	vadd.bf16 v1, v2;
	v8 =	vld [tilespmem:s17+$0x70];
	v4 =	vadd.f32 v4, v9  }
0x33c: {  	v3 =	vadd.f32 v3, v5;
	v2 =	vld [tilespmem:s17+$0x60];
	v5 =	vunpack.i.l.bf16.f32 v7  }
0x33d: {  	v7 =	vunpack.i.u.bf16.f32 v7;
	v15 =	vld [tilespmem:s17+$0x20];
	v4 =	vadd.f32 v5, v4;
	v5 =	vadd.bf16 v6, v10  }
0x33e: {  	v9 =	vunpack.i.u.bf16.f32 v1;
	v1 =	vunpack.i.l.bf16.f32 v1;
	v6 =	vld [tilespmem:s17+$0x10]  }
0x33f: {  	v3 =	vadd.f32 v7, v3;
	v7 =	vadd.f32 v9, v11;
	v10 =	vld [tilespmem:s17+$0x0];
	v11 =	vunpack.i.u.bf16.f32 v5  }
0x340: {  	v13 =	vunpack.i.l.bf16.f32 v0;
	v12 =	vadd.f32 v1, v12;
	v1 =	vunpack.i.l.bf16.f32 v5;
	v17 =	vld [tilespmem:s17+$0xF0]  }
0x341: {  	v0 =	vunpack.i.u.bf16.f32 v0;
	v9 =	vadd.f32 v1, v4;
	v5 =	vadd.f32 v11, v3;
	v19 =	vld [tilespmem:s17+$0xD0]  }
0x342: {  	v13 =	vadd.f32 v13, v12;
	v4 =	vadd.bf16 v2, v16;
	v1 =	vld [tilespmem:s17+$0xB0]  }
.Ltmp15:
0x343: {  	v20 =	vadd.f32 v0, v7;
	v12 =	vadd.bf16 v8, v14;
	v2 =	vld [tilespmem:s17+$0x90];
	(pc) =	sbr.rel @p1 .LBB2_33-.Ltmp15, $4  }
0x344: {  	v18 =	vadd.bf16 v18, v6;
	v3 =	vunpack.i.u.bf16.f32 v4;
	v4 =	vunpack.i.l.bf16.f32 v4;
	v7 =	vld [tilespmem:s17+$0xA0]  }
0x345: {  	v11 =	vunpack.i.u.bf16.f32 v12;
	v14 =	vadd.bf16 v15, v10;
	v8 =	vld [tilespmem:s17+$0x80]  }
0x346: {  	v12 =	vunpack.i.l.bf16.f32 v12;
	v10 =	vunpack.i.u.bf16.f32 v18;
	v6 =	vld [tilespmem:s17+$0xE0];
	v0 =	vadd.bf16 v17, v19  }
0x347: {  	v16 =	vunpack.i.u.bf16.f32 v14;
	v17 =	vunpack.i.l.bf16.f32 v18;
	v15 =	vadd.f32 v10, v20;
	v10 =	vld [tilespmem:s17+$0xC0];
	s17 =	sadd.s32 $0x100, s17  }
0x348: {  	v13 =	vadd.f32 v17, v13  }
0x349: {  	v14 =	vunpack.i.l.bf16.f32 v14;
	v5 =	vadd.f32 v16, v5;
	v1 =	vadd.bf16 v1, v2  }
0x34a: {  	v9 =	vadd.f32 v14, v9;
	v12 =	vadd.f32 v12, v13  }
0x34b: {  	v62 =	vunpack.i.l.bf16.f32 v0;
	v7 =	vadd.bf16 v7, v8;
	v56 =	vadd.f32 v3, v5  }
0x34c: {  	v60 =	vunpack.i.u.bf16.f32 v1;
	v1 =	vunpack.i.l.bf16.f32 v1;
	v4 =	vadd.f32 v4, v9  }
0x34d: {  	v57 =	vunpack.i.l.bf16.f32 v7;
	v58 =	vadd.bf16 v6, v10;
	v1 =	vadd.f32 v1, v12  }
0x34e: {  	v11 =	vadd.f32 v11, v15;
	v59 =	vunpack.i.u.bf16.f32 v7;
	v3 =	vadd.f32 v57, v4  }
0x34f: {  	v2 =	vadd.f32 v59, v56;
	v61 =	vunpack.i.l.bf16.f32 v58;
	v1 =	vadd.f32 v62, v1  }
0x350: {  	v4 =	vadd.f32 v60, v11;
	v5 =	vunpack.i.u.bf16.f32 v58;
	v3 =	vadd.f32 v61, v3  }
0x351: {  	v63 =	vunpack.i.u.bf16.f32 v0;
	s0 =	sadd.s32 @!p0 s0, s10;
	v2 =	vadd.f32 v5, v2;
	[tilespmem:$0x1A060] =	vst v1  }
0x352: {  	s0 =	smul.u32 @!p0 $0x19, s0;
	v0 =	vadd.f32 v63, v4;
	[tilespmem:$0x1A040] =	vst v3  }
0x353: {  	s16 =	simm.s32 @!p0 $0x0;
	[tilespmem:$0x1A050] =	vst v2  }
0x354: {  	s17 =	simm.s32 @!p0 $0x640;
	s1 =	sadd.s32 $0x1, s1;
	s0 =	sadd.s32 @!p0 s3, s0;
	[tilespmem:$0x1A070] =	vst v0  }
0x355: {  	[tilespmem:s17], [sflag:$0x4] =	stream.linear.gather @!p0 [hbm4b:s0+s16], $0x640, $0x38;
	[tilespmem:$0x1A080] =	vst v63  }
0x356: {  	p0 =	sne.s32 s1, $0x20  }
.Ltmp16:
0x357: {  	_ = 	snop;
	(pc) =	sbr.rel @p0 .LBB2_2-.Ltmp16, $3  }
0x358: {  	_ =	sdelay $0x1  }
0x359: {  	s18 =	sadd.s32 s15, s11  }
0x35a: {  	[hbm4b:s18+s2] =	stream.linear.scatter [tilespmem:s5], [sflag:$0x6], $0x200, $0x38;
	[tilespmem:$0x1A080] =	vst v63  }
0x35b: {  	s0 =	simm.s32 $0x5  }
0x35c: {  	_ =	swait.ge [sflag:s0], $0x200  }
0x35d: {  	[sflag:s0] =	ssyncset.done $0x0  }
0x35e: {  	[sflag:s0] =	ssyncadd.s32 $0xFFFFFE00  }
0x35f: {  	_ =	swait.ge [sflag:s13], $0x200  }
0x360: {  	s1 =	rddreg [dreg:$0x5]  }
0x361: {  	s18 =	rddreg [dreg:$0x4];
	s1 =	sadd.s32 $0x1, s1  }
0x362: {  	p0 =	sne.s32 s1, s18  }
.Ltmp17:
0x363: {  	_ = 	snop;
	(pc) =	sbr.rel @p0 .LBB2_1-.Ltmp17, $3  }
0x364: {  	_ =	sdelay $0x1  }
0x365: {  	[sflag:s13] =	ssyncset.done $0x0  }
0x366: {  	[sflag:s13] =	ssyncadd.s32 $0xFFFFFE00  }
0x367: {  	_ =	sfence.sel $0x180000  }
0x368: {  	[bflag:$0x0] =	sbarrier.arrive $0xFFFF  }
0x369: {  	_ =	strace $0x90000047  }
0x36a: {  	s0 =	stileid.u32;
	[bflag:$0x2] =	sbarrier.arrive $0xFFFF  }
0x36b: {  	p0 =	sne.s32 s0, $0x0;
	s0 =	rddreg [dreg:$0x1]  }
0x36c: {  	s0 =	sadd.s32 @!p0 $0x100000, s0  }
0x36d: {  	[sflag:s0] =	ssyncadd.tile.s32 @!p0 $0x1;
	_ =	shalt  }
.Lfunc_end2:
_tile_overlayer_lowered:
.L_overlay_start_2:
0x36e: {  	(tag) =	ssettag $0x2  }
0x36f: {  	s0 =	rddreg [dreg:$0x0];
	s2 =	stileid.u32  }
0x370: {  	s1 =	rddreg [dreg:$0x1];
	p0 =	sne.s32 s2, $0x0  }
0x371: {  	s3 =	rddreg [dreg:$0x2];
	[bflag:$0x3] =	sbarrier.arrive $0xFFFF;
	s2 =	simm.s32 @!p0 $0x1C07  }
0x372: {  	[timem:s3], [sflag:s2] =	dma.local @!p0 [hbm:s0], s1  }
0x373: {  	s0 =	simm.s32 @!p0 $0x7  }
0x374: {  	_ =	swait.ge @!p0 [sflag:s0], s1  }
0x375: {  	s1 =	ssub.s32 @!p0 $0x0, s1;
	[sflag:s0] =	ssyncset.done @!p0 $0x0  }
0x376: {  	[sflag:s0] =	ssyncadd.s32 @!p0 s1  }
0x377: {  	[bflag:$0x3] =	sbarrier.arrive $0xFFFF  }
0x378: {  	_ =	shalt  }

</sc_bundles>
